<compile_context>
chip_gen: v7x
topology: tpu7x:2x2x1
jax: 0.10.2.dev20260603
libtpu: 0.0.44.dev20260713+nightly
codegen_flags: <defaults>
</compile_context>

<pallas_src>
import functools

import jax
import jax.numpy as jnp
from jax import lax
from jax.experimental import pallas as pl
from jax.experimental.pallas import tpu as pltpu
from jax.experimental.pallas import tpu_sc as plsc

EMBED = 128
HALF = EMBED // 2
N_NODE = 10000
N_EDGE = 320000

NUM_CORES = 2
NUM_SUBCORES = 16
EDGES_PER_TILE = N_EDGE // NUM_SUBCORES
E_BLK = 80
N_BLKS = EDGES_PER_TILE // E_BLK

ROWS_MAIN = 624
ROWS_LAST = 640

_TC_ROWS = 2000
_TC_GRID = N_NODE // _TC_ROWS



def _split(x):
    return x[:, :HALF], x[:, HALF:]


def _tc_pre_body(f_ref, v_ref, w1_ref, w2_ref, bm_ref, a_ref, b_ref):
    a = jnp.dot(f_ref[...], w1_ref[...],
                preferred_element_type=jnp.float32) + bm_ref[...]
    b = jnp.dot(v_ref[...], w2_ref[...], preferred_element_type=jnp.float32)
    a_ref[0], a_ref[1] = _split(a)
    b_ref[0], b_ref[1] = _split(b)


def _tc_mid_body(f_ref, v_ref, p_ref, wc1_ref, wc2_ref, bc_ref,
                 w3_ref, w4_ref, bm2_ref, nf_ref, c_ref, d_ref):
    aggr = jnp.concatenate([p_ref[0], p_ref[1]], axis=-1)
    nf = jax.nn.relu(
        jnp.dot(f_ref[...], wc1_ref[...], preferred_element_type=jnp.float32)
        + jnp.dot(aggr, wc2_ref[...], preferred_element_type=jnp.float32)
        + bc_ref[...])
    nf_ref[...] = nf
    c = jnp.dot(v_ref[...], w3_ref[...], preferred_element_type=jnp.float32)
    d = jnp.dot(nf, w4_ref[...],
                preferred_element_type=jnp.float32) + bm2_ref[...]
    c_ref[0], c_ref[1] = _split(c)
    d_ref[0], d_ref[1] = _split(d)


def _tc_post_body(v_ref, q_ref, wc3_ref, wc4_ref, bc2_ref, nv_ref):
    aggr = jnp.concatenate([q_ref[0], q_ref[1]], axis=-1)
    nv_ref[...] = v_ref[...] + jax.nn.relu(
        jnp.dot(v_ref[...], wc3_ref[...], preferred_element_type=jnp.float32)
        + jnp.dot(aggr, wc4_ref[...], preferred_element_type=jnp.float32)
        + bc2_ref[...])


def _row_spec():
    return pl.BlockSpec((_TC_ROWS, EMBED), lambda i: (i, 0))


def _full_spec(shape):
    n = len(shape)
    return pl.BlockSpec(shape, lambda i: (0,) * n)


def _split_spec():
    return pl.BlockSpec((NUM_CORES, _TC_ROWS, HALF), lambda i: (0, i, 0))


_mat = functools.partial(jax.ShapeDtypeStruct, dtype=jnp.float32)
_SPLIT_SHAPE = (NUM_CORES, N_NODE, HALF)


def _tc_pre(factors, variables, w1, w2, bm):
    return pl.pallas_call(
        _tc_pre_body,
        grid=(_TC_GRID,),
        in_specs=[_row_spec(), _row_spec(), _full_spec((EMBED, EMBED)),
                  _full_spec((EMBED, EMBED)), _full_spec((1, EMBED))],
        out_specs=[_split_spec(), _split_spec()],
        out_shape=[_mat(_SPLIT_SHAPE), _mat(_SPLIT_SHAPE)],
    )(factors, variables, w1, w2, bm)


def _tc_mid(factors, variables, part, wc1, wc2, bc, w3, w4, bm2):
    return pl.pallas_call(
        _tc_mid_body,
        grid=(_TC_GRID,),
        in_specs=[_row_spec(), _row_spec(), _split_spec(),
                  _full_spec((EMBED, EMBED)), _full_spec((EMBED, EMBED)),
                  _full_spec((1, EMBED)), _full_spec((EMBED, EMBED)),
                  _full_spec((EMBED, EMBED)), _full_spec((1, EMBED))],
        out_specs=[_row_spec(), _split_spec(), _split_spec()],
        out_shape=[_mat((N_NODE, EMBED)), _mat(_SPLIT_SHAPE),
                   _mat(_SPLIT_SHAPE)],
    )(factors, variables, part, wc1, wc2, bc, w3, w4, bm2)


def _tc_post(variables, part, wc3, wc4, bc2):
    return pl.pallas_call(
        _tc_post_body,
        grid=(_TC_GRID,),
        in_specs=[_row_spec(), _split_spec(), _full_spec((EMBED, EMBED)),
                  _full_spec((EMBED, EMBED)), _full_spec((1, EMBED))],
        out_specs=_row_spec(),
        out_shape=_mat((N_NODE, EMBED)),
    )(variables, part, wc3, wc4, bc2)



def _sc_edge_body(swap, g1_hbm, g2_hbm, eidx_hbm, zero_hbm, out_hbm,
                  i1_all, i2_all, a0, a1, a2, a3, s0, s1, aggr_sh,
                  sga0, sga1, sga2, sga3, sgb0, sgb1, sgb2, sgb3,
                  ssc0, ssc1):
    row1 = 1 if swap else 0
    row2 = 1 - row1
    buf_a, buf_s = (a0, a1, a2, a3), (s0, s1)
    sem_ga, sem_gb = (sga0, sga1, sga2, sga3), (sgb0, sgb1, sgb2, sgb3)
    sem_sc = (ssc0, ssc1)
    c = lax.axis_index("c")
    s = lax.axis_index("s")
    row_off = pl.multiple_of(s * ROWS_MAIN, 8)

    @pl.when(s < NUM_SUBCORES - 1)
    def _zero_main():
        pltpu.sync_copy(zero_hbm.at[pl.ds(0, ROWS_MAIN)],
                        aggr_sh.at[pl.ds(row_off, ROWS_MAIN)])

    @pl.when(s == NUM_SUBCORES - 1)
    def _zero_last():
        pltpu.sync_copy(zero_hbm, aggr_sh.at[pl.ds(row_off, ROWS_LAST)])

    edge_base = s * EDGES_PER_TILE
    pltpu.sync_copy(eidx_hbm.at[row1, pl.ds(edge_base, EDGES_PER_TILE)],
                    i1_all)
    pltpu.sync_copy(eidx_hbm.at[row2, pl.ds(edge_base, EDGES_PER_TILE)],
                    i2_all)
    plsc.subcore_barrier()

    def idx1(blk):
        return i1_all.at[pl.ds(blk * E_BLK, E_BLK)]

    def idx2(blk):
        return i2_all.at[pl.ds(blk * E_BLK, E_BLK)]

    def issue_g1(blk, q):
        pltpu.async_copy(g1_hbm.at[c].at[idx1(blk)], buf_a[q], sem_ga[q])

    def wait_g1(blk, q):
        pltpu.make_async_copy(g1_hbm.at[c].at[idx1(blk)], buf_a[q],
                              sem_ga[q]).wait()

    def issue_g2add(blk, q):
        pltpu.async_copy(g2_hbm.at[c].at[idx2(blk)], buf_a[q],
                         sem_gb[q], add=True)

    def wait_g2add(blk, q):
        pltpu.make_async_copy(g2_hbm.at[c].at[idx2(blk)], buf_a[q],
                              sem_gb[q]).wait()

    def relu_block(q, p):
        a_buf, s_buf = buf_a[q], buf_s[p]

        @pl.loop(0, E_BLK)
        def _relu_row(r):
            for cb in range(HALF // 16):
                sl = pl.ds(cb * 16, 16)
                s_buf[r, sl] = jnp.maximum(a_buf[r, sl], 0.0)

    def issue_scatter(blk, p):
        pltpu.async_copy(buf_s[p], aggr_sh.at[idx2(blk)], sem_sc[p],
                         add=True)

    def wait_scatter(blk, p):
        pltpu.make_async_copy(buf_s[p], aggr_sh.at[idx2(blk)],
                              sem_sc[p]).wait()

    def visit(blk, q, p, scatter_wait=True, refill=True, chain=True):
        wait_g2add(blk, q)
        if scatter_wait:
            wait_scatter(blk, p)
        relu_block(q, p)
        if refill:
            issue_g1(blk + 4, q)
        issue_scatter(blk, p)
        if chain:
            cq = (q + 2) % 4
            wait_g1(blk + 2, cq)
            issue_g2add(blk + 2, cq)

    for q in range(4):
        issue_g1(q, q)
    for q in range(2):
        wait_g1(q, q)
        issue_g2add(q, q)
    visit(0, 0, 0, scatter_wait=False)
    visit(1, 1, 1, scatter_wait=False)
    visit(2, 2, 0)
    visit(3, 3, 1)

    @pl.loop(1, (N_BLKS - 8) // 4 + 1)
    def _steady(i):
        for b in range(4):
            visit(i * 4 + b, b, b % 2)

    for blk in range(N_BLKS - 6, N_BLKS):
        visit(blk, blk % 4, blk % 2,
              refill=blk + 4 < N_BLKS, chain=blk + 2 < N_BLKS)

    for p in range(2):
        wait_scatter(N_BLKS - 2 + p, p)

    plsc.subcore_barrier()

    @pl.when(s < NUM_SUBCORES - 1)
    def _out_main():
        rows = pl.ds(row_off, ROWS_MAIN)
        pltpu.sync_copy(aggr_sh.at[rows], out_hbm.at[c, rows])

    @pl.when(s == NUM_SUBCORES - 1)
    def _out_last():
        rows = pl.ds(row_off, ROWS_LAST)
        pltpu.sync_copy(aggr_sh.at[rows], out_hbm.at[c, rows])


@functools.lru_cache(maxsize=None)
def _make_sc_edge_pass(swap):
    return pl.kernel(
        functools.partial(_sc_edge_body, swap),
        out_type=jax.ShapeDtypeStruct(_SPLIT_SHAPE, jnp.float32),
        mesh=plsc.VectorSubcoreMesh(core_axis_name="c",
                                    subcore_axis_name="s"),
        compiler_params=pltpu.CompilerParams(use_tc_tiling_on_sc=False),
        scratch_types=(
            [pltpu.VMEM((EDGES_PER_TILE,), jnp.int32)] * 2
            + [pltpu.VMEM((E_BLK, HALF), jnp.float32)] * 6
            + [pltpu.VMEM_SHARED((N_NODE, HALF), jnp.float32)]
            + [pltpu.SemaphoreType.DMA] * 10
        ),
    )



def kernel(variables, factors, edge_index, edge_attr, batch_idx,
           Wm_vf, bm_vf, Wc_vf, bc_vf, Wm_fv, bm_fv, Wc_fv, bc_fv):
    del edge_attr, batch_idx
    eidx = edge_index.astype(jnp.int32)
    zeros = jnp.zeros((ROWS_LAST, HALF), jnp.float32)

    def half(w):
        return w[:EMBED], w[EMBED:]

    w1, w2 = half(Wm_vf)
    wc1, wc2 = half(Wc_vf)
    w3, w4 = half(Wm_fv)
    wc3, wc4 = half(Wc_fv)

    bm = bm_vf.reshape(1, EMBED)
    bc = bc_vf.reshape(1, EMBED)
    bm2 = bm_fv.reshape(1, EMBED)
    bc2 = bc_fv.reshape(1, EMBED)

    a_proj, b_proj = _tc_pre(factors, variables, w1, w2, bm)
    aggr1 = _make_sc_edge_pass(False)(b_proj, a_proj, eidx, zeros)
    new_factors, c_proj, d_proj = _tc_mid(
        factors, variables, aggr1, wc1, wc2, bc, w3, w4, bm2)

    aggr2 = _make_sc_edge_pass(True)(d_proj, c_proj, eidx, zeros)
    new_variables = _tc_post(variables, aggr2, wc3, wc4, bc2)

    return new_variables, new_factors

# --- scband reference (transcript-rebuilt; emitter-appended) ---
"""Pipeline reference for scband-factor-graph-layer-40235253629273 (READ-ONLY COPY).

The authoritative reference and input builder live on the scoring server;
editing this copy changes nothing except your own understanding.
"""

import jax, jax.numpy as jnp
import numpy as np

EMBED = 128
N_VAR = 10000
N_FAC = 10000
N_EDGE = 320000


def setup_inputs(seed: int = 0) -> dict:
    key = jax.random.key(seed)
    ks = jax.random.split(key, 12)
    variables = jax.random.normal(ks[0], (N_VAR, EMBED), dtype=jnp.float32)
    factors = jax.random.normal(ks[1], (N_FAC, EMBED), dtype=jnp.float32)
    edge_index = jax.random.randint(ks[2], (2, N_EDGE), 0, N_VAR, dtype=jnp.int64)
    edge_attr = jax.random.normal(ks[3], (N_EDGE,), dtype=jnp.float32)
    batch_idx = jnp.sort(jax.random.randint(ks[4], (N_VAR,), 0, 16, dtype=jnp.int64))
    s = 1.0 / np.sqrt(2 * EMBED)
    Wm_vf = jax.random.uniform(ks[5], (2 * EMBED, EMBED), dtype=jnp.float32, minval=-s, maxval=s)
    bm_vf = jnp.zeros((EMBED,), dtype=jnp.float32)
    Wc_vf = jax.random.uniform(ks[6], (2 * EMBED, EMBED), dtype=jnp.float32, minval=-s, maxval=s)
    bc_vf = jnp.zeros((EMBED,), dtype=jnp.float32)
    Wm_fv = jax.random.uniform(ks[7], (2 * EMBED, EMBED), dtype=jnp.float32, minval=-s, maxval=s)
    bm_fv = jnp.zeros((EMBED,), dtype=jnp.float32)
    Wc_fv = jax.random.uniform(ks[8], (2 * EMBED, EMBED), dtype=jnp.float32, minval=-s, maxval=s)
    bc_fv = jnp.zeros((EMBED,), dtype=jnp.float32)
    return {
        "variables": variables, "factors": factors, "edge_index": edge_index,
        "edge_attr": edge_attr, "batch_idx": batch_idx,
        "Wm_vf": Wm_vf, "bm_vf": bm_vf, "Wc_vf": Wc_vf, "bc_vf": bc_vf,
        "Wm_fv": Wm_fv, "bm_fv": bm_fv, "Wc_fv": Wc_fv, "bc_fv": bc_fv,
    }


def _mlp(x, W, b):
    return jax.nn.relu(x @ W + b)


def reference(variables, factors, edge_index, edge_attr, batch_idx,
              Wm_vf, bm_vf, Wc_vf, bc_vf, Wm_fv, bm_fv, Wc_fv, bc_fv):
    src_v = edge_index[0]  # variable (source) indices
    dst_f = edge_index[1]  # factor (target) indices
    # --- Variable -> Factor pass ---
    x_j = jnp.take(variables, src_v, axis=0)   # source features
    x_i = jnp.take(factors, dst_f, axis=0)     # target features
    msg = _mlp(jnp.concatenate([x_i, x_j], axis=-1), Wm_vf, bm_vf)
    aggr = jax.ops.segment_sum(msg, dst_f, num_segments=factors.shape[0])
    new_factors = _mlp(jnp.concatenate([factors, aggr], axis=-1), Wc_vf, bc_vf)
    # --- Factor -> Variable pass (edges flipped) ---
    x_j2 = jnp.take(new_factors, dst_f, axis=0)  # source = factors
    x_i2 = jnp.take(variables, src_v, axis=0)    # target = variables
    msg2 = _mlp(jnp.concatenate([x_i2, x_j2], axis=-1), Wm_fv, bm_fv)
    aggr2 = jax.ops.segment_sum(msg2, src_v, num_segments=variables.shape[0])
    new_variables = variables + _mlp(jnp.concatenate([variables, aggr2], axis=-1), Wc_fv, bc_fv)
    return new_variables, new_factors

if __name__ == "__main__":
    import jax
    _d = setup_inputs()
    print(jax.jit(kernel)(*tuple(_d.values())))

</pallas_src>

<mosaic_0001>
#map = affine_map<(d0, d1) -> (0, 0, 0)>
#map1 = affine_map<(d0, d1) -> (0, 0)>
module attributes {stable_mosaic.version = 14 : i64} {
  func.func @_sc_edge_body(%arg0: i32, %arg1: i32, %arg2: memref<2x10000x64xf32, #tpu.memory_space<hbm>>, %arg3: memref<2x10000x64xf32, #tpu.memory_space<hbm>>, %arg4: memref<2x320000xi32, #tpu.memory_space<hbm>>, %arg5: memref<640x64xf32, #tpu.memory_space<hbm>>, %arg6: memref<2x10000x64xf32, #tpu.memory_space<hbm>>, %arg7: memref<20000xi32, #tpu.memory_space<vmem>>, %arg8: memref<20000xi32, #tpu.memory_space<vmem>>, %arg9: memref<80x64xf32, #tpu.memory_space<vmem>>, %arg10: memref<80x64xf32, #tpu.memory_space<vmem>>, %arg11: memref<80x64xf32, #tpu.memory_space<vmem>>, %arg12: memref<80x64xf32, #tpu.memory_space<vmem>>, %arg13: memref<80x64xf32, #tpu.memory_space<vmem>>, %arg14: memref<80x64xf32, #tpu.memory_space<vmem>>, %arg15: memref<10000x64xf32, #tpu.memory_space<vmem_shared>>, %arg16: memref<!tpu.dma_semaphore, #tpu.memory_space<semaphore_mem>>, %arg17: memref<!tpu.dma_semaphore, #tpu.memory_space<semaphore_mem>>, %arg18: memref<!tpu.dma_semaphore, #tpu.memory_space<semaphore_mem>>, %arg19: memref<!tpu.dma_semaphore, #tpu.memory_space<semaphore_mem>>, %arg20: memref<!tpu.dma_semaphore, #tpu.memory_space<semaphore_mem>>, %arg21: memref<!tpu.dma_semaphore, #tpu.memory_space<semaphore_mem>>, %arg22: memref<!tpu.dma_semaphore, #tpu.memory_space<semaphore_mem>>, %arg23: memref<!tpu.dma_semaphore, #tpu.memory_space<semaphore_mem>>, %arg24: memref<!tpu.dma_semaphore, #tpu.memory_space<semaphore_mem>>, %arg25: memref<!tpu.dma_semaphore, #tpu.memory_space<semaphore_mem>>) attributes {dimension_semantics = [#tpu.dimension_semantics<core_parallel>, #tpu.dimension_semantics<subcore_parallel>], iteration_bounds = array<i64: 2, 16>, scalar_prefetch = 0 : i64, scratch_operands = 19 : i64, tpu.core_type = #tpu.core_type<sc_vector_subcore>, window_params = [{transform_indices = #map}, {transform_indices = #map}, {transform_indices = #map1}, {transform_indices = #map1}, {transform_indices = #map}]} {
    %mul3A = arith.constant 624 : i32
    %mul3A_0 = arith.muli %arg1, %mul3A : i32
    %multiple_of3A = tpu.assume_multiple %mul3A_0, 8 : i32
    %lt3A = arith.constant 15 : i32
    %lt3A_1 = arith.cmpi slt, %arg1, %lt3A : i32
    %convert_element_type3A = arith.extui %lt3A_1 : i1 to i32
    %cond3A = arith.constant 0 : i32
    %cond3A_2 = arith.cmpi ne, %convert_element_type3A, %cond3A : i32
    scf.if %cond3A_2 {
      "tpu.region"() ({
        %run_scoped3A_533 = tpu.sem_alloc : memref<!tpu.dma_semaphore, #tpu.memory_space<semaphore_mem>>
        %dma_start3A_534 = arith.constant 0 : i32
        %dma_start3A_535 = tpu.memref_slice %arg15[%multiple_of3A, %dma_start3A_534] : memref<10000x64xf32, #tpu.memory_space<vmem_shared>> -> memref<624x64xf32, #tpu.memory_space<vmem_shared>>
        %dma_start3A_536 = arith.constant 0 : i32
        %dma_start3A_537 = arith.constant 0 : i32
        %dma_start3A_538 = tpu.memref_slice %arg5[%dma_start3A_536, %dma_start3A_537] : memref<640x64xf32, #tpu.memory_space<hbm>> -> memref<624x64xf32, #tpu.memory_space<hbm>>
        tpu.enqueue_dma source(%dma_start3A_538 : memref<624x64xf32, #tpu.memory_space<hbm>>) target(%dma_start3A_535 : memref<624x64xf32, #tpu.memory_space<vmem_shared>>) target_semaphore(%run_scoped3A_533 : memref<!tpu.dma_semaphore, #tpu.memory_space<semaphore_mem>>)
        %dma_wait3A_539 = arith.constant 0 : i32
        %dma_wait3A_540 = tpu.memref_slice %arg15[%multiple_of3A, %dma_wait3A_539] : memref<10000x64xf32, #tpu.memory_space<vmem_shared>> -> memref<624x64xf32, #tpu.memory_space<vmem_shared>>
        %dma_wait3A_541 = arith.constant 0 : i32
        %dma_wait3A_542 = arith.constant 0 : i32
        %dma_wait3A_543 = tpu.memref_slice %arg5[%dma_wait3A_541, %dma_wait3A_542] : memref<640x64xf32, #tpu.memory_space<hbm>> -> memref<624x64xf32, #tpu.memory_space<hbm>>
        tpu.wait_dma2 semaphore(%run_scoped3A_533 : memref<!tpu.dma_semaphore, #tpu.memory_space<semaphore_mem>>) src(%dma_wait3A_543 : memref<624x64xf32, #tpu.memory_space<hbm>>) dst(%dma_wait3A_540 : memref<624x64xf32, #tpu.memory_space<vmem_shared>>)
        tpu.yield
      }) : () -> ()
    } else {
    }
    %eq3A = arith.constant 15 : i32
    %eq3A_3 = arith.cmpi eq, %arg1, %eq3A : i32
    %convert_element_type3A_4 = arith.extui %eq3A_3 : i1 to i32
    %cond3A_5 = arith.constant 0 : i32
    %cond3A_6 = arith.cmpi ne, %convert_element_type3A_4, %cond3A_5 : i32
    scf.if %cond3A_6 {
      "tpu.region"() ({
        %run_scoped3A_533 = tpu.sem_alloc : memref<!tpu.dma_semaphore, #tpu.memory_space<semaphore_mem>>
        %dma_start3A_534 = arith.constant 0 : i32
        %dma_start3A_535 = tpu.memref_slice %arg15[%multiple_of3A, %dma_start3A_534] : memref<10000x64xf32, #tpu.memory_space<vmem_shared>> -> memref<640x64xf32, #tpu.memory_space<vmem_shared>>
        tpu.enqueue_dma source(%arg5 : memref<640x64xf32, #tpu.memory_space<hbm>>) target(%dma_start3A_535 : memref<640x64xf32, #tpu.memory_space<vmem_shared>>) target_semaphore(%run_scoped3A_533 : memref<!tpu.dma_semaphore, #tpu.memory_space<semaphore_mem>>)
        %dma_wait3A_536 = arith.constant 0 : i32
        %dma_wait3A_537 = tpu.memref_slice %arg15[%multiple_of3A, %dma_wait3A_536] : memref<10000x64xf32, #tpu.memory_space<vmem_shared>> -> memref<640x64xf32, #tpu.memory_space<vmem_shared>>
        tpu.wait_dma2 semaphore(%run_scoped3A_533 : memref<!tpu.dma_semaphore, #tpu.memory_space<semaphore_mem>>) src(%arg5 : memref<640x64xf32, #tpu.memory_space<hbm>>) dst(%dma_wait3A_537 : memref<640x64xf32, #tpu.memory_space<vmem_shared>>)
        tpu.yield
      }) : () -> ()
    } else {
    }
    %mul3A_7 = arith.constant 20000 : i32
    %mul3A_8 = arith.muli %arg1, %mul3A_7 : i32
    %run_scoped3A = arith.constant 1 : i32
    "tpu.region"() ({
      %run_scoped3A_533 = tpu.sem_alloc : memref<!tpu.dma_semaphore, #tpu.memory_space<semaphore_mem>>
      %dma_start3A_534 = tpu.memref_slice %arg4[%run_scoped3A, %mul3A_8] : memref<2x320000xi32, #tpu.memory_space<hbm>> -> memref<1x20000xi32, #tpu.memory_space<hbm>>
      %dma_start3A_535 = tpu.memref_squeeze %dma_start3A_534 : memref<1x20000xi32, #tpu.memory_space<hbm>> -> memref<20000xi32, #tpu.memory_space<hbm>>
      %dma_start3A_536 = tpu.memref_slice %arg4[%run_scoped3A, %mul3A_8] : memref<2x320000xi32, #tpu.memory_space<hbm>> -> memref<1x20000xi32, #tpu.memory_space<hbm>>
      %dma_start3A_537 = tpu.memref_squeeze %dma_start3A_536 : memref<1x20000xi32, #tpu.memory_space<hbm>> -> memref<20000xi32, #tpu.memory_space<hbm>>
      tpu.enqueue_dma source(%dma_start3A_537 : memref<20000xi32, #tpu.memory_space<hbm>>) target(%arg7 : memref<20000xi32, #tpu.memory_space<vmem>>) target_semaphore(%run_scoped3A_533 : memref<!tpu.dma_semaphore, #tpu.memory_space<semaphore_mem>>)
      %dma_wait3A_538 = tpu.memref_slice %arg4[%run_scoped3A, %mul3A_8] : memref<2x320000xi32, #tpu.memory_space<hbm>> -> memref<1x20000xi32, #tpu.memory_space<hbm>>
      %dma_wait3A_539 = tpu.memref_squeeze %dma_wait3A_538 : memref<1x20000xi32, #tpu.memory_space<hbm>> -> memref<20000xi32, #tpu.memory_space<hbm>>
      %dma_wait3A_540 = tpu.memref_slice %arg4[%run_scoped3A, %mul3A_8] : memref<2x320000xi32, #tpu.memory_space<hbm>> -> memref<1x20000xi32, #tpu.memory_space<hbm>>
      %dma_wait3A_541 = tpu.memref_squeeze %dma_wait3A_540 : memref<1x20000xi32, #tpu.memory_space<hbm>> -> memref<20000xi32, #tpu.memory_space<hbm>>
      tpu.wait_dma2 semaphore(%run_scoped3A_533 : memref<!tpu.dma_semaphore, #tpu.memory_space<semaphore_mem>>) src(%dma_wait3A_541 : memref<20000xi32, #tpu.memory_space<hbm>>) dst(%arg7 : memref<20000xi32, #tpu.memory_space<vmem>>)
      tpu.yield
    }) : () -> ()
    %run_scoped3A_9 = arith.constant 0 : i32
    "tpu.region"() ({
      %run_scoped3A_533 = tpu.sem_alloc : memref<!tpu.dma_semaphore, #tpu.memory_space<semaphore_mem>>
      %dma_start3A_534 = tpu.memref_slice %arg4[%run_scoped3A_9, %mul3A_8] : memref<2x320000xi32, #tpu.memory_space<hbm>> -> memref<1x20000xi32, #tpu.memory_space<hbm>>
      %dma_start3A_535 = tpu.memref_squeeze %dma_start3A_534 : memref<1x20000xi32, #tpu.memory_space<hbm>> -> memref<20000xi32, #tpu.memory_space<hbm>>
      %dma_start3A_536 = tpu.memref_slice %arg4[%run_scoped3A_9, %mul3A_8] : memref<2x320000xi32, #tpu.memory_space<hbm>> -> memref<1x20000xi32, #tpu.memory_space<hbm>>
      %dma_start3A_537 = tpu.memref_squeeze %dma_start3A_536 : memref<1x20000xi32, #tpu.memory_space<hbm>> -> memref<20000xi32, #tpu.memory_space<hbm>>
      tpu.enqueue_dma source(%dma_start3A_537 : memref<20000xi32, #tpu.memory_space<hbm>>) target(%arg8 : memref<20000xi32, #tpu.memory_space<vmem>>) target_semaphore(%run_scoped3A_533 : memref<!tpu.dma_semaphore, #tpu.memory_space<semaphore_mem>>)
      %dma_wait3A_538 = tpu.memref_slice %arg4[%run_scoped3A_9, %mul3A_8] : memref<2x320000xi32, #tpu.memory_space<hbm>> -> memref<1x20000xi32, #tpu.memory_space<hbm>>
      %dma_wait3A_539 = tpu.memref_squeeze %dma_wait3A_538 : memref<1x20000xi32, #tpu.memory_space<hbm>> -> memref<20000xi32, #tpu.memory_space<hbm>>
      %dma_wait3A_540 = tpu.memref_slice %arg4[%run_scoped3A_9, %mul3A_8] : memref<2x320000xi32, #tpu.memory_space<hbm>> -> memref<1x20000xi32, #tpu.memory_space<hbm>>
      %dma_wait3A_541 = tpu.memref_squeeze %dma_wait3A_540 : memref<1x20000xi32, #tpu.memory_space<hbm>> -> memref<20000xi32, #tpu.memory_space<hbm>>
      tpu.wait_dma2 semaphore(%run_scoped3A_533 : memref<!tpu.dma_semaphore, #tpu.memory_space<semaphore_mem>>) src(%dma_wait3A_541 : memref<20000xi32, #tpu.memory_space<hbm>>) dst(%arg8 : memref<20000xi32, #tpu.memory_space<vmem>>)
      tpu.yield
    }) : () -> ()
    %barrier3A = arith.constant 0 : index
    tpu.barrier barrier_id(%barrier3A)
    %dma_start3A = arith.constant 0 : i32
    %dma_start3A_10 = tpu.memref_slice %arg7[%dma_start3A] : memref<20000xi32, #tpu.memory_space<vmem>> -> memref<80xi32, #tpu.memory_space<vmem>>
    %dma_start3A_11 = arith.constant 0 : i32
    %dma_start3A_12 = arith.constant 0 : i32
    %dma_start3A_13 = tpu.memref_slice %arg2[%arg0, %dma_start3A_11, %dma_start3A_12] : memref<2x10000x64xf32, #tpu.memory_space<hbm>> -> memref<1x10000x64xf32, #tpu.memory_space<hbm>>
    %dma_start3A_14 = tpu.memref_squeeze %dma_start3A_13 : memref<1x10000x64xf32, #tpu.memory_space<hbm>> -> memref<10000x64xf32, #tpu.memory_space<hbm>>
    %dma_start3A_15 = arith.constant 0 : i32
    %dma_start3A_16 = arith.constant 0 : i32
    %dma_start3A_17 = tpu.memref_slice %dma_start3A_14[%dma_start3A_15, %dma_start3A_16] : memref<10000x64xf32, #tpu.memory_space<hbm>> -> memref<10000x64xf32, #tpu.memory_space<hbm>>
    tpu.enqueue_indirect_dma source(%dma_start3A_17 : memref<10000x64xf32, #tpu.memory_space<hbm>>) target(%arg9 : memref<80x64xf32, #tpu.memory_space<vmem>>) offsets(%dma_start3A_10 : memref<80xi32, #tpu.memory_space<vmem>>) semaphore(%arg16 : memref<!tpu.dma_semaphore, #tpu.memory_space<semaphore_mem>>)
    %dma_start3A_18 = arith.constant 80 : i32
    %dma_start3A_19 = tpu.memref_slice %arg7[%dma_start3A_18] : memref<20000xi32, #tpu.memory_space<vmem>> -> memref<80xi32, #tpu.memory_space<vmem>>
    %dma_start3A_20 = arith.constant 0 : i32
    %dma_start3A_21 = arith.constant 0 : i32
    %dma_start3A_22 = tpu.memref_slice %arg2[%arg0, %dma_start3A_20, %dma_start3A_21] : memref<2x10000x64xf32, #tpu.memory_space<hbm>> -> memref<1x10000x64xf32, #tpu.memory_space<hbm>>
    %dma_start3A_23 = tpu.memref_squeeze %dma_start3A_22 : memref<1x10000x64xf32, #tpu.memory_space<hbm>> -> memref<10000x64xf32, #tpu.memory_space<hbm>>
    %dma_start3A_24 = arith.constant 0 : i32
    %dma_start3A_25 = arith.constant 0 : i32
    %dma_start3A_26 = tpu.memref_slice %dma_start3A_23[%dma_start3A_24, %dma_start3A_25] : memref<10000x64xf32, #tpu.memory_space<hbm>> -> memref<10000x64xf32, #tpu.memory_space<hbm>>
    tpu.enqueue_indirect_dma source(%dma_start3A_26 : memref<10000x64xf32, #tpu.memory_space<hbm>>) target(%arg10 : memref<80x64xf32, #tpu.memory_space<vmem>>) offsets(%dma_start3A_19 : memref<80xi32, #tpu.memory_space<vmem>>) semaphore(%arg17 : memref<!tpu.dma_semaphore, #tpu.memory_space<semaphore_mem>>)
    %dma_start3A_27 = arith.constant 160 : i32
    %dma_start3A_28 = tpu.memref_slice %arg7[%dma_start3A_27] : memref<20000xi32, #tpu.memory_space<vmem>> -> memref<80xi32, #tpu.memory_space<vmem>>
    %dma_start3A_29 = arith.constant 0 : i32
    %dma_start3A_30 = arith.constant 0 : i32
    %dma_start3A_31 = tpu.memref_slice %arg2[%arg0, %dma_start3A_29, %dma_start3A_30] : memref<2x10000x64xf32, #tpu.memory_space<hbm>> -> memref<1x10000x64xf32, #tpu.memory_space<hbm>>
    %dma_start3A_32 = tpu.memref_squeeze %dma_start3A_31 : memref<1x10000x64xf32, #tpu.memory_space<hbm>> -> memref<10000x64xf32, #tpu.memory_space<hbm>>
    %dma_start3A_33 = arith.constant 0 : i32
    %dma_start3A_34 = arith.constant 0 : i32
    %dma_start3A_35 = tpu.memref_slice %dma_start3A_32[%dma_start3A_33, %dma_start3A_34] : memref<10000x64xf32, #tpu.memory_space<hbm>> -> memref<10000x64xf32, #tpu.memory_space<hbm>>
    tpu.enqueue_indirect_dma source(%dma_start3A_35 : memref<10000x64xf32, #tpu.memory_space<hbm>>) target(%arg11 : memref<80x64xf32, #tpu.memory_space<vmem>>) offsets(%dma_start3A_28 : memref<80xi32, #tpu.memory_space<vmem>>) semaphore(%arg18 : memref<!tpu.dma_semaphore, #tpu.memory_space<semaphore_mem>>)
    %dma_start3A_36 = arith.constant 240 : i32
    %dma_start3A_37 = tpu.memref_slice %arg7[%dma_start3A_36] : memref<20000xi32, #tpu.memory_space<vmem>> -> memref<80xi32, #tpu.memory_space<vmem>>
    %dma_start3A_38 = arith.constant 0 : i32
    %dma_start3A_39 = arith.constant 0 : i32
    %dma_start3A_40 = tpu.memref_slice %arg2[%arg0, %dma_start3A_38, %dma_start3A_39] : memref<2x10000x64xf32, #tpu.memory_space<hbm>> -> memref<1x10000x64xf32, #tpu.memory_space<hbm>>
    %dma_start3A_41 = tpu.memref_squeeze %dma_start3A_40 : memref<1x10000x64xf32, #tpu.memory_space<hbm>> -> memref<10000x64xf32, #tpu.memory_space<hbm>>
    %dma_start3A_42 = arith.constant 0 : i32
    %dma_start3A_43 = arith.constant 0 : i32
    %dma_start3A_44 = tpu.memref_slice %dma_start3A_41[%dma_start3A_42, %dma_start3A_43] : memref<10000x64xf32, #tpu.memory_space<hbm>> -> memref<10000x64xf32, #tpu.memory_space<hbm>>
    tpu.enqueue_indirect_dma source(%dma_start3A_44 : memref<10000x64xf32, #tpu.memory_space<hbm>>) target(%arg12 : memref<80x64xf32, #tpu.memory_space<vmem>>) offsets(%dma_start3A_37 : memref<80xi32, #tpu.memory_space<vmem>>) semaphore(%arg19 : memref<!tpu.dma_semaphore, #tpu.memory_space<semaphore_mem>>)
    %dma_wait3A = arith.constant 0 : i32
    %dma_wait3A_45 = tpu.memref_slice %arg7[%dma_wait3A] : memref<20000xi32, #tpu.memory_space<vmem>> -> memref<80xi32, #tpu.memory_space<vmem>>
    %dma_wait3A_46 = arith.constant 0 : i32
    %dma_wait3A_47 = arith.constant 0 : i32
    %dma_wait3A_48 = tpu.memref_slice %arg2[%arg0, %dma_wait3A_46, %dma_wait3A_47] : memref<2x10000x64xf32, #tpu.memory_space<hbm>> -> memref<1x10000x64xf32, #tpu.memory_space<hbm>>
    %dma_wait3A_49 = tpu.memref_squeeze %dma_wait3A_48 : memref<1x10000x64xf32, #tpu.memory_space<hbm>> -> memref<10000x64xf32, #tpu.memory_space<hbm>>
    %dma_wait3A_50 = arith.constant 0 : i32
    %dma_wait3A_51 = arith.constant 0 : i32
    %dma_wait3A_52 = tpu.memref_slice %dma_wait3A_49[%dma_wait3A_50, %dma_wait3A_51] : memref<10000x64xf32, #tpu.memory_space<hbm>> -> memref<10000x64xf32, #tpu.memory_space<hbm>>
    tpu.wait_indirect_dma semaphore(%arg16 : memref<!tpu.dma_semaphore, #tpu.memory_space<semaphore_mem>>) src(%dma_wait3A_52 : memref<10000x64xf32, #tpu.memory_space<hbm>>) dst(%arg9 : memref<80x64xf32, #tpu.memory_space<vmem>>)
    %dma_start3A_53 = arith.constant 0 : i32
    %dma_start3A_54 = tpu.memref_slice %arg8[%dma_start3A_53] : memref<20000xi32, #tpu.memory_space<vmem>> -> memref<80xi32, #tpu.memory_space<vmem>>
    %dma_start3A_55 = arith.constant 0 : i32
    %dma_start3A_56 = arith.constant 0 : i32
    %dma_start3A_57 = tpu.memref_slice %arg3[%arg0, %dma_start3A_55, %dma_start3A_56] : memref<2x10000x64xf32, #tpu.memory_space<hbm>> -> memref<1x10000x64xf32, #tpu.memory_space<hbm>>
    %dma_start3A_58 = tpu.memref_squeeze %dma_start3A_57 : memref<1x10000x64xf32, #tpu.memory_space<hbm>> -> memref<10000x64xf32, #tpu.memory_space<hbm>>
    %dma_start3A_59 = arith.constant 0 : i32
    %dma_start3A_60 = arith.constant 0 : i32
    %dma_start3A_61 = tpu.memref_slice %dma_start3A_58[%dma_start3A_59, %dma_start3A_60] : memref<10000x64xf32, #tpu.memory_space<hbm>> -> memref<10000x64xf32, #tpu.memory_space<hbm>>
    tpu.enqueue_indirect_dma source(%dma_start3A_61 : memref<10000x64xf32, #tpu.memory_space<hbm>>) target(%arg9 : memref<80x64xf32, #tpu.memory_space<vmem>>) offsets(%dma_start3A_54 : memref<80xi32, #tpu.memory_space<vmem>>) semaphore(%arg20 : memref<!tpu.dma_semaphore, #tpu.memory_space<semaphore_mem>>) {add = true}
    %dma_wait3A_62 = arith.constant 80 : i32
    %dma_wait3A_63 = tpu.memref_slice %arg7[%dma_wait3A_62] : memref<20000xi32, #tpu.memory_space<vmem>> -> memref<80xi32, #tpu.memory_space<vmem>>
    %dma_wait3A_64 = arith.constant 0 : i32
    %dma_wait3A_65 = arith.constant 0 : i32
    %dma_wait3A_66 = tpu.memref_slice %arg2[%arg0, %dma_wait3A_64, %dma_wait3A_65] : memref<2x10000x64xf32, #tpu.memory_space<hbm>> -> memref<1x10000x64xf32, #tpu.memory_space<hbm>>
    %dma_wait3A_67 = tpu.memref_squeeze %dma_wait3A_66 : memref<1x10000x64xf32, #tpu.memory_space<hbm>> -> memref<10000x64xf32, #tpu.memory_space<hbm>>
    %dma_wait3A_68 = arith.constant 0 : i32
    %dma_wait3A_69 = arith.constant 0 : i32
    %dma_wait3A_70 = tpu.memref_slice %dma_wait3A_67[%dma_wait3A_68, %dma_wait3A_69] : memref<10000x64xf32, #tpu.memory_space<hbm>> -> memref<10000x64xf32, #tpu.memory_space<hbm>>
    tpu.wait_indirect_dma semaphore(%arg17 : memref<!tpu.dma_semaphore, #tpu.memory_space<semaphore_mem>>) src(%dma_wait3A_70 : memref<10000x64xf32, #tpu.memory_space<hbm>>) dst(%arg10 : memref<80x64xf32, #tpu.memory_space<vmem>>)
    %dma_start3A_71 = arith.constant 80 : i32
    %dma_start3A_72 = tpu.memref_slice %arg8[%dma_start3A_71] : memref<20000xi32, #tpu.memory_space<vmem>> -> memref<80xi32, #tpu.memory_space<vmem>>
    %dma_start3A_73 = arith.constant 0 : i32
    %dma_start3A_74 = arith.constant 0 : i32
    %dma_start3A_75 = tpu.memref_slice %arg3[%arg0, %dma_start3A_73, %dma_start3A_74] : memref<2x10000x64xf32, #tpu.memory_space<hbm>> -> memref<1x10000x64xf32, #tpu.memory_space<hbm>>
    %dma_start3A_76 = tpu.memref_squeeze %dma_start3A_75 : memref<1x10000x64xf32, #tpu.memory_space<hbm>> -> memref<10000x64xf32, #tpu.memory_space<hbm>>
    %dma_start3A_77 = arith.constant 0 : i32
    %dma_start3A_78 = arith.constant 0 : i32
    %dma_start3A_79 = tpu.memref_slice %dma_start3A_76[%dma_start3A_77, %dma_start3A_78] : memref<10000x64xf32, #tpu.memory_space<hbm>> -> memref<10000x64xf32, #tpu.memory_space<hbm>>
    tpu.enqueue_indirect_dma source(%dma_start3A_79 : memref<10000x64xf32, #tpu.memory_space<hbm>>) target(%arg10 : memref<80x64xf32, #tpu.memory_space<vmem>>) offsets(%dma_start3A_72 : memref<80xi32, #tpu.memory_space<vmem>>) semaphore(%arg21 : memref<!tpu.dma_semaphore, #tpu.memory_space<semaphore_mem>>) {add = true}
    %dma_wait3A_80 = arith.constant 0 : i32
    %dma_wait3A_81 = tpu.memref_slice %arg8[%dma_wait3A_80] : memref<20000xi32, #tpu.memory_space<vmem>> -> memref<80xi32, #tpu.memory_space<vmem>>
    %dma_wait3A_82 = arith.constant 0 : i32
    %dma_wait3A_83 = arith.constant 0 : i32
    %dma_wait3A_84 = tpu.memref_slice %arg3[%arg0, %dma_wait3A_82, %dma_wait3A_83] : memref<2x10000x64xf32, #tpu.memory_space<hbm>> -> memref<1x10000x64xf32, #tpu.memory_space<hbm>>
    %dma_wait3A_85 = tpu.memref_squeeze %dma_wait3A_84 : memref<1x10000x64xf32, #tpu.memory_space<hbm>> -> memref<10000x64xf32, #tpu.memory_space<hbm>>
    %dma_wait3A_86 = arith.constant 0 : i32
    %dma_wait3A_87 = arith.constant 0 : i32
    %dma_wait3A_88 = tpu.memref_slice %dma_wait3A_85[%dma_wait3A_86, %dma_wait3A_87] : memref<10000x64xf32, #tpu.memory_space<hbm>> -> memref<10000x64xf32, #tpu.memory_space<hbm>>
    tpu.wait_indirect_dma semaphore(%arg20 : memref<!tpu.dma_semaphore, #tpu.memory_space<semaphore_mem>>) src(%dma_wait3A_88 : memref<10000x64xf32, #tpu.memory_space<hbm>>) dst(%arg9 : memref<80x64xf32, #tpu.memory_space<vmem>>)
    %scan3A = arith.constant 0 : i32
    %scan3A_89 = arith.constant 80 : i32
    %scan3A_90 = arith.addi %scan3A, %scan3A_89 : i32
    %scan3A_91 = arith.constant 1 : i32
    scf.for %scan3A_533 = %scan3A to %scan3A_90 step %scan3A_91  : i32 {
      %mul3A_534 = arith.constant 1 : i32
      %mul3A_535 = arith.muli %scan3A_533, %mul3A_534 : i32
      %add3A = arith.constant 0 : i32
      %add3A_536 = arith.addi %add3A, %mul3A_535 : i32
      %get3A = arith.index_cast %add3A_536 : i32 to index
      %get3A_537 = arith.constant 0 : index
      %get3A_538 = tpu.vector_load %arg9[%get3A, %get3A_537] {strides = array<i32>} : memref<80x64xf32, #tpu.memory_space<vmem>>, vector<1x16xf32>,
      %get3A_539 = vector.shape_cast %get3A_538 : vector<1x16xf32> to vector<16xf32>
      %max3A = arith.constant 0.000000e+00 : f32
      %max3A_540 = vector.broadcast %max3A : f32 to vector<16xf32>
      %max3A_541 = arith.maximumf %get3A_539, %max3A_540 : vector<16xf32>
      %swap3A = arith.index_cast %add3A_536 : i32 to index
      %swap3A_542 = arith.constant 0 : index
      %swap3A_543 = tpu.vector_load %arg13[%swap3A, %swap3A_542] {strides = array<i32>} : memref<80x64xf32, #tpu.memory_space<vmem>>, vector<1x16xf32>,
      %swap3A_544 = vector.shape_cast %swap3A_543 : vector<1x16xf32> to vector<16xf32>
      %swap3A_545 = vector.shape_cast %max3A_541 : vector<16xf32> to vector<1x16xf32>
      tpu.vector_store %arg13[%swap3A, %swap3A_542], %swap3A_545 {strides = array<i32>} : memref<80x64xf32, #tpu.memory_space<vmem>>, vector<1x16xf32>,
      %get3A_546 = arith.index_cast %add3A_536 : i32 to index
      %get3A_547 = arith.constant 16 : index
      %get3A_548 = tpu.vector_load %arg9[%get3A_546, %get3A_547] {strides = array<i32>} : memref<80x64xf32, #tpu.memory_space<vmem>>, vector<1x16xf32>,
      %get3A_549 = vector.shape_cast %get3A_548 : vector<1x16xf32> to vector<16xf32>
      %max3A_550 = arith.constant 0.000000e+00 : f32
      %max3A_551 = vector.broadcast %max3A_550 : f32 to vector<16xf32>
      %max3A_552 = arith.maximumf %get3A_549, %max3A_551 : vector<16xf32>
      %swap3A_553 = arith.index_cast %add3A_536 : i32 to index
      %swap3A_554 = arith.constant 16 : index
      %swap3A_555 = tpu.vector_load %arg13[%swap3A_553, %swap3A_554] {strides = array<i32>} : memref<80x64xf32, #tpu.memory_space<vmem>>, vector<1x16xf32>,
      %swap3A_556 = vector.shape_cast %swap3A_555 : vector<1x16xf32> to vector<16xf32>
      %swap3A_557 = vector.shape_cast %max3A_552 : vector<16xf32> to vector<1x16xf32>
      tpu.vector_store %arg13[%swap3A_553, %swap3A_554], %swap3A_557 {strides = array<i32>} : memref<80x64xf32, #tpu.memory_space<vmem>>, vector<1x16xf32>,
      %get3A_558 = arith.index_cast %add3A_536 : i32 to index
      %get3A_559 = arith.constant 32 : index
      %get3A_560 = tpu.vector_load %arg9[%get3A_558, %get3A_559] {strides = array<i32>} : memref<80x64xf32, #tpu.memory_space<vmem>>, vector<1x16xf32>,
      %get3A_561 = vector.shape_cast %get3A_560 : vector<1x16xf32> to vector<16xf32>
      %max3A_562 = arith.constant 0.000000e+00 : f32
      %max3A_563 = vector.broadcast %max3A_562 : f32 to vector<16xf32>
      %max3A_564 = arith.maximumf %get3A_561, %max3A_563 : vector<16xf32>
      %swap3A_565 = arith.index_cast %add3A_536 : i32 to index
      %swap3A_566 = arith.constant 32 : index
      %swap3A_567 = tpu.vector_load %arg13[%swap3A_565, %swap3A_566] {strides = array<i32>} : memref<80x64xf32, #tpu.memory_space<vmem>>, vector<1x16xf32>,
      %swap3A_568 = vector.shape_cast %swap3A_567 : vector<1x16xf32> to vector<16xf32>
      %swap3A_569 = vector.shape_cast %max3A_564 : vector<16xf32> to vector<1x16xf32>
      tpu.vector_store %arg13[%swap3A_565, %swap3A_566], %swap3A_569 {strides = array<i32>} : memref<80x64xf32, #tpu.memory_space<vmem>>, vector<1x16xf32>,
      %get3A_570 = arith.index_cast %add3A_536 : i32 to index
      %get3A_571 = arith.constant 48 : index
      %get3A_572 = tpu.vector_load %arg9[%get3A_570, %get3A_571] {strides = array<i32>} : memref<80x64xf32, #tpu.memory_space<vmem>>, vector<1x16xf32>,
      %get3A_573 = vector.shape_cast %get3A_572 : vector<1x16xf32> to vector<16xf32>
      %max3A_574 = arith.constant 0.000000e+00 : f32
      %max3A_575 = vector.broadcast %max3A_574 : f32 to vector<16xf32>
      %max3A_576 = arith.maximumf %get3A_573, %max3A_575 : vector<16xf32>
      %swap3A_577 = arith.index_cast %add3A_536 : i32 to index
      %swap3A_578 = arith.constant 48 : index
      %swap3A_579 = tpu.vector_load %arg13[%swap3A_577, %swap3A_578] {strides = array<i32>} : memref<80x64xf32, #tpu.memory_space<vmem>>, vector<1x16xf32>,
      %swap3A_580 = vector.shape_cast %swap3A_579 : vector<1x16xf32> to vector<16xf32>
      %swap3A_581 = vector.shape_cast %max3A_576 : vector<16xf32> to vector<1x16xf32>
      tpu.vector_store %arg13[%swap3A_577, %swap3A_578], %swap3A_581 {strides = array<i32>} : memref<80x64xf32, #tpu.memory_space<vmem>>, vector<1x16xf32>,
    }
    %scan3A_92 = arith.constant 80 : i32
    %dma_start3A_93 = arith.constant 320 : i32
    %dma_start3A_94 = tpu.memref_slice %arg7[%dma_start3A_93] : memref<20000xi32, #tpu.memory_space<vmem>> -> memref<80xi32, #tpu.memory_space<vmem>>
    %dma_start3A_95 = arith.constant 0 : i32
    %dma_start3A_96 = arith.constant 0 : i32
    %dma_start3A_97 = tpu.memref_slice %arg2[%arg0, %dma_start3A_95, %dma_start3A_96] : memref<2x10000x64xf32, #tpu.memory_space<hbm>> -> memref<1x10000x64xf32, #tpu.memory_space<hbm>>
    %dma_start3A_98 = tpu.memref_squeeze %dma_start3A_97 : memref<1x10000x64xf32, #tpu.memory_space<hbm>> -> memref<10000x64xf32, #tpu.memory_space<hbm>>
    %dma_start3A_99 = arith.constant 0 : i32
    %dma_start3A_100 = arith.constant 0 : i32
    %dma_start3A_101 = tpu.memref_slice %dma_start3A_98[%dma_start3A_99, %dma_start3A_100] : memref<10000x64xf32, #tpu.memory_space<hbm>> -> memref<10000x64xf32, #tpu.memory_space<hbm>>
    tpu.enqueue_indirect_dma source(%dma_start3A_101 : memref<10000x64xf32, #tpu.memory_space<hbm>>) target(%arg9 : memref<80x64xf32, #tpu.memory_space<vmem>>) offsets(%dma_start3A_94 : memref<80xi32, #tpu.memory_space<vmem>>) semaphore(%arg16 : memref<!tpu.dma_semaphore, #tpu.memory_space<semaphore_mem>>)
    %dma_start3A_102 = arith.constant 0 : i32
    %dma_start3A_103 = tpu.memref_slice %arg8[%dma_start3A_102] : memref<20000xi32, #tpu.memory_space<vmem>> -> memref<80xi32, #tpu.memory_space<vmem>>
    %dma_start3A_104 = arith.constant 0 : i32
    %dma_start3A_105 = arith.constant 0 : i32
    %dma_start3A_106 = tpu.memref_slice %arg15[%dma_start3A_104, %dma_start3A_105] : memref<10000x64xf32, #tpu.memory_space<vmem_shared>> -> memref<10000x64xf32, #tpu.memory_space<vmem_shared>>
    tpu.enqueue_indirect_dma source(%arg13 : memref<80x64xf32, #tpu.memory_space<vmem>>) target(%dma_start3A_106 : memref<10000x64xf32, #tpu.memory_space<vmem_shared>>) offsets(%dma_start3A_103 : memref<80xi32, #tpu.memory_space<vmem>>) semaphore(%arg24 : memref<!tpu.dma_semaphore, #tpu.memory_space<semaphore_mem>>) {add = true}
    %dma_wait3A_107 = arith.constant 160 : i32
    %dma_wait3A_108 = tpu.memref_slice %arg7[%dma_wait3A_107] : memref<20000xi32, #tpu.memory_space<vmem>> -> memref<80xi32, #tpu.memory_space<vmem>>
    %dma_wait3A_109 = arith.constant 0 : i32
    %dma_wait3A_110 = arith.constant 0 : i32
    %dma_wait3A_111 = tpu.memref_slice %arg2[%arg0, %dma_wait3A_109, %dma_wait3A_110] : memref<2x10000x64xf32, #tpu.memory_space<hbm>> -> memref<1x10000x64xf32, #tpu.memory_space<hbm>>
    %dma_wait3A_112 = tpu.memref_squeeze %dma_wait3A_111 : memref<1x10000x64xf32, #tpu.memory_space<hbm>> -> memref<10000x64xf32, #tpu.memory_space<hbm>>
    %dma_wait3A_113 = arith.constant 0 : i32
    %dma_wait3A_114 = arith.constant 0 : i32
    %dma_wait3A_115 = tpu.memref_slice %dma_wait3A_112[%dma_wait3A_113, %dma_wait3A_114] : memref<10000x64xf32, #tpu.memory_space<hbm>> -> memref<10000x64xf32, #tpu.memory_space<hbm>>
    tpu.wait_indirect_dma semaphore(%arg18 : memref<!tpu.dma_semaphore, #tpu.memory_space<semaphore_mem>>) src(%dma_wait3A_115 : memref<10000x64xf32, #tpu.memory_space<hbm>>) dst(%arg11 : memref<80x64xf32, #tpu.memory_space<vmem>>)
    %dma_start3A_116 = arith.constant 160 : i32
    %dma_start3A_117 = tpu.memref_slice %arg8[%dma_start3A_116] : memref<20000xi32, #tpu.memory_space<vmem>> -> memref<80xi32, #tpu.memory_space<vmem>>
    %dma_start3A_118 = arith.constant 0 : i32
    %dma_start3A_119 = arith.constant 0 : i32
    %dma_start3A_120 = tpu.memref_slice %arg3[%arg0, %dma_start3A_118, %dma_start3A_119] : memref<2x10000x64xf32, #tpu.memory_space<hbm>> -> memref<1x10000x64xf32, #tpu.memory_space<hbm>>
    %dma_start3A_121 = tpu.memref_squeeze %dma_start3A_120 : memref<1x10000x64xf32, #tpu.memory_space<hbm>> -> memref<10000x64xf32, #tpu.memory_space<hbm>>
    %dma_start3A_122 = arith.constant 0 : i32
    %dma_start3A_123 = arith.constant 0 : i32
    %dma_start3A_124 = tpu.memref_slice %dma_start3A_121[%dma_start3A_122, %dma_start3A_123] : memref<10000x64xf32, #tpu.memory_space<hbm>> -> memref<10000x64xf32, #tpu.memory_space<hbm>>
    tpu.enqueue_indirect_dma source(%dma_start3A_124 : memref<10000x64xf32, #tpu.memory_space<hbm>>) target(%arg11 : memref<80x64xf32, #tpu.memory_space<vmem>>) offsets(%dma_start3A_117 : memref<80xi32, #tpu.memory_space<vmem>>) semaphore(%arg22 : memref<!tpu.dma_semaphore, #tpu.memory_space<semaphore_mem>>) {add = true}
    %dma_wait3A_125 = arith.constant 80 : i32
    %dma_wait3A_126 = tpu.memref_slice %arg8[%dma_wait3A_125] : memref<20000xi32, #tpu.memory_space<vmem>> -> memref<80xi32, #tpu.memory_space<vmem>>
    %dma_wait3A_127 = arith.constant 0 : i32
    %dma_wait3A_128 = arith.constant 0 : i32
    %dma_wait3A_129 = tpu.memref_slice %arg3[%arg0, %dma_wait3A_127, %dma_wait3A_128] : memref<2x10000x64xf32, #tpu.memory_space<hbm>> -> memref<1x10000x64xf32, #tpu.memory_space<hbm>>
    %dma_wait3A_130 = tpu.memref_squeeze %dma_wait3A_129 : memref<1x10000x64xf32, #tpu.memory_space<hbm>> -> memref<10000x64xf32, #tpu.memory_space<hbm>>
    %dma_wait3A_131 = arith.constant 0 : i32
    %dma_wait3A_132 = arith.constant 0 : i32
    %dma_wait3A_133 = tpu.memref_slice %dma_wait3A_130[%dma_wait3A_131, %dma_wait3A_132] : memref<10000x64xf32, #tpu.memory_space<hbm>> -> memref<10000x64xf32, #tpu.memory_space<hbm>>
    tpu.wait_indirect_dma semaphore(%arg21 : memref<!tpu.dma_semaphore, #tpu.memory_space<semaphore_mem>>) src(%dma_wait3A_133 : memref<10000x64xf32, #tpu.memory_space<hbm>>) dst(%arg10 : memref<80x64xf32, #tpu.memory_space<vmem>>)
    %scan3A_134 = arith.constant 0 : i32
    %scan3A_135 = arith.constant 80 : i32
    %scan3A_136 = arith.addi %scan3A_134, %scan3A_135 : i32
    %scan3A_137 = arith.constant 1 : i32
    scf.for %scan3A_533 = %scan3A_134 to %scan3A_136 step %scan3A_137  : i32 {
      %mul3A_534 = arith.constant 1 : i32
      %mul3A_535 = arith.muli %scan3A_533, %mul3A_534 : i32
      %add3A = arith.constant 0 : i32
      %add3A_536 = arith.addi %add3A, %mul3A_535 : i32
      %get3A = arith.index_cast %add3A_536 : i32 to index
      %get3A_537 = arith.constant 0 : index
      %get3A_538 = tpu.vector_load %arg10[%get3A, %get3A_537] {strides = array<i32>} : memref<80x64xf32, #tpu.memory_space<vmem>>, vector<1x16xf32>,
      %get3A_539 = vector.shape_cast %get3A_538 : vector<1x16xf32> to vector<16xf32>
      %max3A = arith.constant 0.000000e+00 : f32
      %max3A_540 = vector.broadcast %max3A : f32 to vector<16xf32>
      %max3A_541 = arith.maximumf %get3A_539, %max3A_540 : vector<16xf32>
      %swap3A = arith.index_cast %add3A_536 : i32 to index
      %swap3A_542 = arith.constant 0 : index
      %swap3A_543 = tpu.vector_load %arg14[%swap3A, %swap3A_542] {strides = array<i32>} : memref<80x64xf32, #tpu.memory_space<vmem>>, vector<1x16xf32>,
      %swap3A_544 = vector.shape_cast %swap3A_543 : vector<1x16xf32> to vector<16xf32>
      %swap3A_545 = vector.shape_cast %max3A_541 : vector<16xf32> to vector<1x16xf32>
      tpu.vector_store %arg14[%swap3A, %swap3A_542], %swap3A_545 {strides = array<i32>} : memref<80x64xf32, #tpu.memory_space<vmem>>, vector<1x16xf32>,
      %get3A_546 = arith.index_cast %add3A_536 : i32 to index
      %get3A_547 = arith.constant 16 : index
      %get3A_548 = tpu.vector_load %arg10[%get3A_546, %get3A_547] {strides = array<i32>} : memref<80x64xf32, #tpu.memory_space<vmem>>, vector<1x16xf32>,
      %get3A_549 = vector.shape_cast %get3A_548 : vector<1x16xf32> to vector<16xf32>
      %max3A_550 = arith.constant 0.000000e+00 : f32
      %max3A_551 = vector.broadcast %max3A_550 : f32 to vector<16xf32>
      %max3A_552 = arith.maximumf %get3A_549, %max3A_551 : vector<16xf32>
      %swap3A_553 = arith.index_cast %add3A_536 : i32 to index
      %swap3A_554 = arith.constant 16 : index
      %swap3A_555 = tpu.vector_load %arg14[%swap3A_553, %swap3A_554] {strides = array<i32>} : memref<80x64xf32, #tpu.memory_space<vmem>>, vector<1x16xf32>,
      %swap3A_556 = vector.shape_cast %swap3A_555 : vector<1x16xf32> to vector<16xf32>
      %swap3A_557 = vector.shape_cast %max3A_552 : vector<16xf32> to vector<1x16xf32>
      tpu.vector_store %arg14[%swap3A_553, %swap3A_554], %swap3A_557 {strides = array<i32>} : memref<80x64xf32, #tpu.memory_space<vmem>>, vector<1x16xf32>,
      %get3A_558 = arith.index_cast %add3A_536 : i32 to index
      %get3A_559 = arith.constant 32 : index
      %get3A_560 = tpu.vector_load %arg10[%get3A_558, %get3A_559] {strides = array<i32>} : memref<80x64xf32, #tpu.memory_space<vmem>>, vector<1x16xf32>,
      %get3A_561 = vector.shape_cast %get3A_560 : vector<1x16xf32> to vector<16xf32>
      %max3A_562 = arith.constant 0.000000e+00 : f32
      %max3A_563 = vector.broadcast %max3A_562 : f32 to vector<16xf32>
      %max3A_564 = arith.maximumf %get3A_561, %max3A_563 : vector<16xf32>
      %swap3A_565 = arith.index_cast %add3A_536 : i32 to index
      %swap3A_566 = arith.constant 32 : index
      %swap3A_567 = tpu.vector_load %arg14[%swap3A_565, %swap3A_566] {strides = array<i32>} : memref<80x64xf32, #tpu.memory_space<vmem>>, vector<1x16xf32>,
      %swap3A_568 = vector.shape_cast %swap3A_567 : vector<1x16xf32> to vector<16xf32>
      %swap3A_569 = vector.shape_cast %max3A_564 : vector<16xf32> to vector<1x16xf32>
      tpu.vector_store %arg14[%swap3A_565, %swap3A_566], %swap3A_569 {strides = array<i32>} : memref<80x64xf32, #tpu.memory_space<vmem>>, vector<1x16xf32>,
      %get3A_570 = arith.index_cast %add3A_536 : i32 to index
      %get3A_571 = arith.constant 48 : index
      %get3A_572 = tpu.vector_load %arg10[%get3A_570, %get3A_571] {strides = array<i32>} : memref<80x64xf32, #tpu.memory_space<vmem>>, vector<1x16xf32>,
      %get3A_573 = vector.shape_cast %get3A_572 : vector<1x16xf32> to vector<16xf32>
      %max3A_574 = arith.constant 0.000000e+00 : f32
      %max3A_575 = vector.broadcast %max3A_574 : f32 to vector<16xf32>
      %max3A_576 = arith.maximumf %get3A_573, %max3A_575 : vector<16xf32>
      %swap3A_577 = arith.index_cast %add3A_536 : i32 to index
      %swap3A_578 = arith.constant 48 : index
      %swap3A_579 = tpu.vector_load %arg14[%swap3A_577, %swap3A_578] {strides = array<i32>} : memref<80x64xf32, #tpu.memory_space<vmem>>, vector<1x16xf32>,
      %swap3A_580 = vector.shape_cast %swap3A_579 : vector<1x16xf32> to vector<16xf32>
      %swap3A_581 = vector.shape_cast %max3A_576 : vector<16xf32> to vector<1x16xf32>
      tpu.vector_store %arg14[%swap3A_577, %swap3A_578], %swap3A_581 {strides = array<i32>} : memref<80x64xf32, #tpu.memory_space<vmem>>, vector<1x16xf32>,
    }
    %scan3A_138 = arith.constant 80 : i32
    %dma_start3A_139 = arith.constant 400 : i32
    %dma_start3A_140 = tpu.memref_slice %arg7[%dma_start3A_139] : memref<20000xi32, #tpu.memory_space<vmem>> -> memref<80xi32, #tpu.memory_space<vmem>>
    %dma_start3A_141 = arith.constant 0 : i32
    %dma_start3A_142 = arith.constant 0 : i32
    %dma_start3A_143 = tpu.memref_slice %arg2[%arg0, %dma_start3A_141, %dma_start3A_142] : memref<2x10000x64xf32, #tpu.memory_space<hbm>> -> memref<1x10000x64xf32, #tpu.memory_space<hbm>>
    %dma_start3A_144 = tpu.memref_squeeze %dma_start3A_143 : memref<1x10000x64xf32, #tpu.memory_space<hbm>> -> memref<10000x64xf32, #tpu.memory_space<hbm>>
    %dma_start3A_145 = arith.constant 0 : i32
    %dma_start3A_146 = arith.constant 0 : i32
    %dma_start3A_147 = tpu.memref_slice %dma_start3A_144[%dma_start3A_145, %dma_start3A_146] : memref<10000x64xf32, #tpu.memory_space<hbm>> -> memref<10000x64xf32, #tpu.memory_space<hbm>>
    tpu.enqueue_indirect_dma source(%dma_start3A_147 : memref<10000x64xf32, #tpu.memory_space<hbm>>) target(%arg10 : memref<80x64xf32, #tpu.memory_space<vmem>>) offsets(%dma_start3A_140 : memref<80xi32, #tpu.memory_space<vmem>>) semaphore(%arg17 : memref<!tpu.dma_semaphore, #tpu.memory_space<semaphore_mem>>)
    %dma_start3A_148 = arith.constant 80 : i32
    %dma_start3A_149 = tpu.memref_slice %arg8[%dma_start3A_148] : memref<20000xi32, #tpu.memory_space<vmem>> -> memref<80xi32, #tpu.memory_space<vmem>>
    %dma_start3A_150 = arith.constant 0 : i32
    %dma_start3A_151 = arith.constant 0 : i32
    %dma_start3A_152 = tpu.memref_slice %arg15[%dma_start3A_150, %dma_start3A_151] : memref<10000x64xf32, #tpu.memory_space<vmem_shared>> -> memref<10000x64xf32, #tpu.memory_space<vmem_shared>>
    tpu.enqueue_indirect_dma source(%arg14 : memref<80x64xf32, #tpu.memory_space<vmem>>) target(%dma_start3A_152 : memref<10000x64xf32, #tpu.memory_space<vmem_shared>>) offsets(%dma_start3A_149 : memref<80xi32, #tpu.memory_space<vmem>>) semaphore(%arg25 : memref<!tpu.dma_semaphore, #tpu.memory_space<semaphore_mem>>) {add = true}
    %dma_wait3A_153 = arith.constant 240 : i32
    %dma_wait3A_154 = tpu.memref_slice %arg7[%dma_wait3A_153] : memref<20000xi32, #tpu.memory_space<vmem>> -> memref<80xi32, #tpu.memory_space<vmem>>
    %dma_wait3A_155 = arith.constant 0 : i32
    %dma_wait3A_156 = arith.constant 0 : i32
    %dma_wait3A_157 = tpu.memref_slice %arg2[%arg0, %dma_wait3A_155, %dma_wait3A_156] : memref<2x10000x64xf32, #tpu.memory_space<hbm>> -> memref<1x10000x64xf32, #tpu.memory_space<hbm>>
    %dma_wait3A_158 = tpu.memref_squeeze %dma_wait3A_157 : memref<1x10000x64xf32, #tpu.memory_space<hbm>> -> memref<10000x64xf32, #tpu.memory_space<hbm>>
    %dma_wait3A_159 = arith.constant 0 : i32
    %dma_wait3A_160 = arith.constant 0 : i32
    %dma_wait3A_161 = tpu.memref_slice %dma_wait3A_158[%dma_wait3A_159, %dma_wait3A_160] : memref<10000x64xf32, #tpu.memory_space<hbm>> -> memref<10000x64xf32, #tpu.memory_space<hbm>>
    tpu.wait_indirect_dma semaphore(%arg19 : memref<!tpu.dma_semaphore, #tpu.memory_space<semaphore_mem>>) src(%dma_wait3A_161 : memref<10000x64xf32, #tpu.memory_space<hbm>>) dst(%arg12 : memref<80x64xf32, #tpu.memory_space<vmem>>)
    %dma_start3A_162 = arith.constant 240 : i32
    %dma_start3A_163 = tpu.memref_slice %arg8[%dma_start3A_162] : memref<20000xi32, #tpu.memory_space<vmem>> -> memref<80xi32, #tpu.memory_space<vmem>>
    %dma_start3A_164 = arith.constant 0 : i32
    %dma_start3A_165 = arith.constant 0 : i32
    %dma_start3A_166 = tpu.memref_slice %arg3[%arg0, %dma_start3A_164, %dma_start3A_165] : memref<2x10000x64xf32, #tpu.memory_space<hbm>> -> memref<1x10000x64xf32, #tpu.memory_space<hbm>>
    %dma_start3A_167 = tpu.memref_squeeze %dma_start3A_166 : memref<1x10000x64xf32, #tpu.memory_space<hbm>> -> memref<10000x64xf32, #tpu.memory_space<hbm>>
    %dma_start3A_168 = arith.constant 0 : i32
    %dma_start3A_169 = arith.constant 0 : i32
    %dma_start3A_170 = tpu.memref_slice %dma_start3A_167[%dma_start3A_168, %dma_start3A_169] : memref<10000x64xf32, #tpu.memory_space<hbm>> -> memref<10000x64xf32, #tpu.memory_space<hbm>>
    tpu.enqueue_indirect_dma source(%dma_start3A_170 : memref<10000x64xf32, #tpu.memory_space<hbm>>) target(%arg12 : memref<80x64xf32, #tpu.memory_space<vmem>>) offsets(%dma_start3A_163 : memref<80xi32, #tpu.memory_space<vmem>>) semaphore(%arg23 : memref<!tpu.dma_semaphore, #tpu.memory_space<semaphore_mem>>) {add = true}
    %dma_wait3A_171 = arith.constant 160 : i32
    %dma_wait3A_172 = tpu.memref_slice %arg8[%dma_wait3A_171] : memref<20000xi32, #tpu.memory_space<vmem>> -> memref<80xi32, #tpu.memory_space<vmem>>
    %dma_wait3A_173 = arith.constant 0 : i32
    %dma_wait3A_174 = arith.constant 0 : i32
    %dma_wait3A_175 = tpu.memref_slice %arg3[%arg0, %dma_wait3A_173, %dma_wait3A_174] : memref<2x10000x64xf32, #tpu.memory_space<hbm>> -> memref<1x10000x64xf32, #tpu.memory_space<hbm>>
    %dma_wait3A_176 = tpu.memref_squeeze %dma_wait3A_175 : memref<1x10000x64xf32, #tpu.memory_space<hbm>> -> memref<10000x64xf32, #tpu.memory_space<hbm>>
    %dma_wait3A_177 = arith.constant 0 : i32
    %dma_wait3A_178 = arith.constant 0 : i32
    %dma_wait3A_179 = tpu.memref_slice %dma_wait3A_176[%dma_wait3A_177, %dma_wait3A_178] : memref<10000x64xf32, #tpu.memory_space<hbm>> -> memref<10000x64xf32, #tpu.memory_space<hbm>>
    tpu.wait_indirect_dma semaphore(%arg22 : memref<!tpu.dma_semaphore, #tpu.memory_space<semaphore_mem>>) src(%dma_wait3A_179 : memref<10000x64xf32, #tpu.memory_space<hbm>>) dst(%arg11 : memref<80x64xf32, #tpu.memory_space<vmem>>)
    %dma_wait3A_180 = arith.constant 160 : i32
    %dma_wait3A_181 = tpu.memref_slice %arg8[%dma_wait3A_180] : memref<20000xi32, #tpu.memory_space<vmem>> -> memref<80xi32, #tpu.memory_space<vmem>>
    %dma_wait3A_182 = arith.constant 0 : i32
    %dma_wait3A_183 = arith.constant 0 : i32
    %dma_wait3A_184 = tpu.memref_slice %arg15[%dma_wait3A_182, %dma_wait3A_183] : memref<10000x64xf32, #tpu.memory_space<vmem_shared>> -> memref<10000x64xf32, #tpu.memory_space<vmem_shared>>
    tpu.wait_indirect_dma semaphore(%arg24 : memref<!tpu.dma_semaphore, #tpu.memory_space<semaphore_mem>>) src(%arg13 : memref<80x64xf32, #tpu.memory_space<vmem>>) dst(%dma_wait3A_184 : memref<10000x64xf32, #tpu.memory_space<vmem_shared>>)
    %scan3A_185 = arith.constant 0 : i32
    %scan3A_186 = arith.constant 80 : i32
    %scan3A_187 = arith.addi %scan3A_185, %scan3A_186 : i32
    %scan3A_188 = arith.constant 1 : i32
    scf.for %scan3A_533 = %scan3A_185 to %scan3A_187 step %scan3A_188  : i32 {
      %mul3A_534 = arith.constant 1 : i32
      %mul3A_535 = arith.muli %scan3A_533, %mul3A_534 : i32
      %add3A = arith.constant 0 : i32
      %add3A_536 = arith.addi %add3A, %mul3A_535 : i32
      %get3A = arith.index_cast %add3A_536 : i32 to index
      %get3A_537 = arith.constant 0 : index
      %get3A_538 = tpu.vector_load %arg11[%get3A, %get3A_537] {strides = array<i32>} : memref<80x64xf32, #tpu.memory_space<vmem>>, vector<1x16xf32>,
      %get3A_539 = vector.shape_cast %get3A_538 : vector<1x16xf32> to vector<16xf32>
      %max3A = arith.constant 0.000000e+00 : f32
      %max3A_540 = vector.broadcast %max3A : f32 to vector<16xf32>
      %max3A_541 = arith.maximumf %get3A_539, %max3A_540 : vector<16xf32>
      %swap3A = arith.index_cast %add3A_536 : i32 to index
      %swap3A_542 = arith.constant 0 : index
      %swap3A_543 = tpu.vector_load %arg13[%swap3A, %swap3A_542] {strides = array<i32>} : memref<80x64xf32, #tpu.memory_space<vmem>>, vector<1x16xf32>,
      %swap3A_544 = vector.shape_cast %swap3A_543 : vector<1x16xf32> to vector<16xf32>
      %swap3A_545 = vector.shape_cast %max3A_541 : vector<16xf32> to vector<1x16xf32>
      tpu.vector_store %arg13[%swap3A, %swap3A_542], %swap3A_545 {strides = array<i32>} : memref<80x64xf32, #tpu.memory_space<vmem>>, vector<1x16xf32>,
      %get3A_546 = arith.index_cast %add3A_536 : i32 to index
      %get3A_547 = arith.constant 16 : index
      %get3A_548 = tpu.vector_load %arg11[%get3A_546, %get3A_547] {strides = array<i32>} : memref<80x64xf32, #tpu.memory_space<vmem>>, vector<1x16xf32>,
      %get3A_549 = vector.shape_cast %get3A_548 : vector<1x16xf32> to vector<16xf32>
      %max3A_550 = arith.constant 0.000000e+00 : f32
      %max3A_551 = vector.broadcast %max3A_550 : f32 to vector<16xf32>
      %max3A_552 = arith.maximumf %get3A_549, %max3A_551 : vector<16xf32>
      %swap3A_553 = arith.index_cast %add3A_536 : i32 to index
      %swap3A_554 = arith.constant 16 : index
      %swap3A_555 = tpu.vector_load %arg13[%swap3A_553, %swap3A_554] {strides = array<i32>} : memref<80x64xf32, #tpu.memory_space<vmem>>, vector<1x16xf32>,
      %swap3A_556 = vector.shape_cast %swap3A_555 : vector<1x16xf32> to vector<16xf32>
      %swap3A_557 = vector.shape_cast %max3A_552 : vector<16xf32> to vector<1x16xf32>
      tpu.vector_store %arg13[%swap3A_553, %swap3A_554], %swap3A_557 {strides = array<i32>} : memref<80x64xf32, #tpu.memory_space<vmem>>, vector<1x16xf32>,
      %get3A_558 = arith.index_cast %add3A_536 : i32 to index
      %get3A_559 = arith.constant 32 : index
      %get3A_560 = tpu.vector_load %arg11[%get3A_558, %get3A_559] {strides = array<i32>} : memref<80x64xf32, #tpu.memory_space<vmem>>, vector<1x16xf32>,
      %get3A_561 = vector.shape_cast %get3A_560 : vector<1x16xf32> to vector<16xf32>
      %max3A_562 = arith.constant 0.000000e+00 : f32
      %max3A_563 = vector.broadcast %max3A_562 : f32 to vector<16xf32>
      %max3A_564 = arith.maximumf %get3A_561, %max3A_563 : vector<16xf32>
      %swap3A_565 = arith.index_cast %add3A_536 : i32 to index
      %swap3A_566 = arith.constant 32 : index
      %swap3A_567 = tpu.vector_load %arg13[%swap3A_565, %swap3A_566] {strides = array<i32>} : memref<80x64xf32, #tpu.memory_space<vmem>>, vector<1x16xf32>,
      %swap3A_568 = vector.shape_cast %swap3A_567 : vector<1x16xf32> to vector<16xf32>
      %swap3A_569 = vector.shape_cast %max3A_564 : vector<16xf32> to vector<1x16xf32>
      tpu.vector_store %arg13[%swap3A_565, %swap3A_566], %swap3A_569 {strides = array<i32>} : memref<80x64xf32, #tpu.memory_space<vmem>>, vector<1x16xf32>,
      %get3A_570 = arith.index_cast %add3A_536 : i32 to index
      %get3A_571 = arith.constant 48 : index
      %get3A_572 = tpu.vector_load %arg11[%get3A_570, %get3A_571] {strides = array<i32>} : memref<80x64xf32, #tpu.memory_space<vmem>>, vector<1x16xf32>,
      %get3A_573 = vector.shape_cast %get3A_572 : vector<1x16xf32> to vector<16xf32>
      %max3A_574 = arith.constant 0.000000e+00 : f32
      %max3A_575 = vector.broadcast %max3A_574 : f32 to vector<16xf32>
      %max3A_576 = arith.maximumf %get3A_573, %max3A_575 : vector<16xf32>
      %swap3A_577 = arith.index_cast %add3A_536 : i32 to index
      %swap3A_578 = arith.constant 48 : index
      %swap3A_579 = tpu.vector_load %arg13[%swap3A_577, %swap3A_578] {strides = array<i32>} : memref<80x64xf32, #tpu.memory_space<vmem>>, vector<1x16xf32>,
      %swap3A_580 = vector.shape_cast %swap3A_579 : vector<1x16xf32> to vector<16xf32>
      %swap3A_581 = vector.shape_cast %max3A_576 : vector<16xf32> to vector<1x16xf32>
      tpu.vector_store %arg13[%swap3A_577, %swap3A_578], %swap3A_581 {strides = array<i32>} : memref<80x64xf32, #tpu.memory_space<vmem>>, vector<1x16xf32>,
    }
    %scan3A_189 = arith.constant 80 : i32
    %dma_start3A_190 = arith.constant 480 : i32
    %dma_start3A_191 = tpu.memref_slice %arg7[%dma_start3A_190] : memref<20000xi32, #tpu.memory_space<vmem>> -> memref<80xi32, #tpu.memory_space<vmem>>
    %dma_start3A_192 = arith.constant 0 : i32
    %dma_start3A_193 = arith.constant 0 : i32
    %dma_start3A_194 = tpu.memref_slice %arg2[%arg0, %dma_start3A_192, %dma_start3A_193] : memref<2x10000x64xf32, #tpu.memory_space<hbm>> -> memref<1x10000x64xf32, #tpu.memory_space<hbm>>
    %dma_start3A_195 = tpu.memref_squeeze %dma_start3A_194 : memref<1x10000x64xf32, #tpu.memory_space<hbm>> -> memref<10000x64xf32, #tpu.memory_space<hbm>>
    %dma_start3A_196 = arith.constant 0 : i32
    %dma_start3A_197 = arith.constant 0 : i32
    %dma_start3A_198 = tpu.memref_slice %dma_start3A_195[%dma_start3A_196, %dma_start3A_197] : memref<10000x64xf32, #tpu.memory_space<hbm>> -> memref<10000x64xf32, #tpu.memory_space<hbm>>
    tpu.enqueue_indirect_dma source(%dma_start3A_198 : memref<10000x64xf32, #tpu.memory_space<hbm>>) target(%arg11 : memref<80x64xf32, #tpu.memory_space<vmem>>) offsets(%dma_start3A_191 : memref<80xi32, #tpu.memory_space<vmem>>) semaphore(%arg18 : memref<!tpu.dma_semaphore, #tpu.memory_space<semaphore_mem>>)
    %dma_start3A_199 = arith.constant 160 : i32
    %dma_start3A_200 = tpu.memref_slice %arg8[%dma_start3A_199] : memref<20000xi32, #tpu.memory_space<vmem>> -> memref<80xi32, #tpu.memory_space<vmem>>
    %dma_start3A_201 = arith.constant 0 : i32
    %dma_start3A_202 = arith.constant 0 : i32
    %dma_start3A_203 = tpu.memref_slice %arg15[%dma_start3A_201, %dma_start3A_202] : memref<10000x64xf32, #tpu.memory_space<vmem_shared>> -> memref<10000x64xf32, #tpu.memory_space<vmem_shared>>
    tpu.enqueue_indirect_dma source(%arg13 : memref<80x64xf32, #tpu.memory_space<vmem>>) target(%dma_start3A_203 : memref<10000x64xf32, #tpu.memory_space<vmem_shared>>) offsets(%dma_start3A_200 : memref<80xi32, #tpu.memory_space<vmem>>) semaphore(%arg24 : memref<!tpu.dma_semaphore, #tpu.memory_space<semaphore_mem>>) {add = true}
    %dma_wait3A_204 = arith.constant 320 : i32
    %dma_wait3A_205 = tpu.memref_slice %arg7[%dma_wait3A_204] : memref<20000xi32, #tpu.memory_space<vmem>> -> memref<80xi32, #tpu.memory_space<vmem>>
    %dma_wait3A_206 = arith.constant 0 : i32
    %dma_wait3A_207 = arith.constant 0 : i32
    %dma_wait3A_208 = tpu.memref_slice %arg2[%arg0, %dma_wait3A_206, %dma_wait3A_207] : memref<2x10000x64xf32, #tpu.memory_space<hbm>> -> memref<1x10000x64xf32, #tpu.memory_space<hbm>>
    %dma_wait3A_209 = tpu.memref_squeeze %dma_wait3A_208 : memref<1x10000x64xf32, #tpu.memory_space<hbm>> -> memref<10000x64xf32, #tpu.memory_space<hbm>>
    %dma_wait3A_210 = arith.constant 0 : i32
    %dma_wait3A_211 = arith.constant 0 : i32
    %dma_wait3A_212 = tpu.memref_slice %dma_wait3A_209[%dma_wait3A_210, %dma_wait3A_211] : memref<10000x64xf32, #tpu.memory_space<hbm>> -> memref<10000x64xf32, #tpu.memory_space<hbm>>
    tpu.wait_indirect_dma semaphore(%arg16 : memref<!tpu.dma_semaphore, #tpu.memory_space<semaphore_mem>>) src(%dma_wait3A_212 : memref<10000x64xf32, #tpu.memory_space<hbm>>) dst(%arg9 : memref<80x64xf32, #tpu.memory_space<vmem>>)
    %dma_start3A_213 = arith.constant 320 : i32
    %dma_start3A_214 = tpu.memref_slice %arg8[%dma_start3A_213] : memref<20000xi32, #tpu.memory_space<vmem>> -> memref<80xi32, #tpu.memory_space<vmem>>
    %dma_start3A_215 = arith.constant 0 : i32
    %dma_start3A_216 = arith.constant 0 : i32
    %dma_start3A_217 = tpu.memref_slice %arg3[%arg0, %dma_start3A_215, %dma_start3A_216] : memref<2x10000x64xf32, #tpu.memory_space<hbm>> -> memref<1x10000x64xf32, #tpu.memory_space<hbm>>
    %dma_start3A_218 = tpu.memref_squeeze %dma_start3A_217 : memref<1x10000x64xf32, #tpu.memory_space<hbm>> -> memref<10000x64xf32, #tpu.memory_space<hbm>>
    %dma_start3A_219 = arith.constant 0 : i32
    %dma_start3A_220 = arith.constant 0 : i32
    %dma_start3A_221 = tpu.memref_slice %dma_start3A_218[%dma_start3A_219, %dma_start3A_220] : memref<10000x64xf32, #tpu.memory_space<hbm>> -> memref<10000x64xf32, #tpu.memory_space<hbm>>
    tpu.enqueue_indirect_dma source(%dma_start3A_221 : memref<10000x64xf32, #tpu.memory_space<hbm>>) target(%arg9 : memref<80x64xf32, #tpu.memory_space<vmem>>) offsets(%dma_start3A_214 : memref<80xi32, #tpu.memory_space<vmem>>) semaphore(%arg20 : memref<!tpu.dma_semaphore, #tpu.memory_space<semaphore_mem>>) {add = true}
    %dma_wait3A_222 = arith.constant 240 : i32
    %dma_wait3A_223 = tpu.memref_slice %arg8[%dma_wait3A_222] : memref<20000xi32, #tpu.memory_space<vmem>> -> memref<80xi32, #tpu.memory_space<vmem>>
    %dma_wait3A_224 = arith.constant 0 : i32
    %dma_wait3A_225 = arith.constant 0 : i32
    %dma_wait3A_226 = tpu.memref_slice %arg3[%arg0, %dma_wait3A_224, %dma_wait3A_225] : memref<2x10000x64xf32, #tpu.memory_space<hbm>> -> memref<1x10000x64xf32, #tpu.memory_space<hbm>>
    %dma_wait3A_227 = tpu.memref_squeeze %dma_wait3A_226 : memref<1x10000x64xf32, #tpu.memory_space<hbm>> -> memref<10000x64xf32, #tpu.memory_space<hbm>>
    %dma_wait3A_228 = arith.constant 0 : i32
    %dma_wait3A_229 = arith.constant 0 : i32
    %dma_wait3A_230 = tpu.memref_slice %dma_wait3A_227[%dma_wait3A_228, %dma_wait3A_229] : memref<10000x64xf32, #tpu.memory_space<hbm>> -> memref<10000x64xf32, #tpu.memory_space<hbm>>
    tpu.wait_indirect_dma semaphore(%arg23 : memref<!tpu.dma_semaphore, #tpu.memory_space<semaphore_mem>>) src(%dma_wait3A_230 : memref<10000x64xf32, #tpu.memory_space<hbm>>) dst(%arg12 : memref<80x64xf32, #tpu.memory_space<vmem>>)
    %dma_wait3A_231 = arith.constant 240 : i32
    %dma_wait3A_232 = tpu.memref_slice %arg8[%dma_wait3A_231] : memref<20000xi32, #tpu.memory_space<vmem>> -> memref<80xi32, #tpu.memory_space<vmem>>
    %dma_wait3A_233 = arith.constant 0 : i32
    %dma_wait3A_234 = arith.constant 0 : i32
    %dma_wait3A_235 = tpu.memref_slice %arg15[%dma_wait3A_233, %dma_wait3A_234] : memref<10000x64xf32, #tpu.memory_space<vmem_shared>> -> memref<10000x64xf32, #tpu.memory_space<vmem_shared>>
    tpu.wait_indirect_dma semaphore(%arg25 : memref<!tpu.dma_semaphore, #tpu.memory_space<semaphore_mem>>) src(%arg14 : memref<80x64xf32, #tpu.memory_space<vmem>>) dst(%dma_wait3A_235 : memref<10000x64xf32, #tpu.memory_space<vmem_shared>>)
    %scan3A_236 = arith.constant 0 : i32
    %scan3A_237 = arith.constant 80 : i32
    %scan3A_238 = arith.addi %scan3A_236, %scan3A_237 : i32
    %scan3A_239 = arith.constant 1 : i32
    scf.for %scan3A_533 = %scan3A_236 to %scan3A_238 step %scan3A_239  : i32 {
      %mul3A_534 = arith.constant 1 : i32
      %mul3A_535 = arith.muli %scan3A_533, %mul3A_534 : i32
      %add3A = arith.constant 0 : i32
      %add3A_536 = arith.addi %add3A, %mul3A_535 : i32
      %get3A = arith.index_cast %add3A_536 : i32 to index
      %get3A_537 = arith.constant 0 : index
      %get3A_538 = tpu.vector_load %arg12[%get3A, %get3A_537] {strides = array<i32>} : memref<80x64xf32, #tpu.memory_space<vmem>>, vector<1x16xf32>,
      %get3A_539 = vector.shape_cast %get3A_538 : vector<1x16xf32> to vector<16xf32>
      %max3A = arith.constant 0.000000e+00 : f32
      %max3A_540 = vector.broadcast %max3A : f32 to vector<16xf32>
      %max3A_541 = arith.maximumf %get3A_539, %max3A_540 : vector<16xf32>
      %swap3A = arith.index_cast %add3A_536 : i32 to index
      %swap3A_542 = arith.constant 0 : index
      %swap3A_543 = tpu.vector_load %arg14[%swap3A, %swap3A_542] {strides = array<i32>} : memref<80x64xf32, #tpu.memory_space<vmem>>, vector<1x16xf32>,
      %swap3A_544 = vector.shape_cast %swap3A_543 : vector<1x16xf32> to vector<16xf32>
      %swap3A_545 = vector.shape_cast %max3A_541 : vector<16xf32> to vector<1x16xf32>
      tpu.vector_store %arg14[%swap3A, %swap3A_542], %swap3A_545 {strides = array<i32>} : memref<80x64xf32, #tpu.memory_space<vmem>>, vector<1x16xf32>,
      %get3A_546 = arith.index_cast %add3A_536 : i32 to index
      %get3A_547 = arith.constant 16 : index
      %get3A_548 = tpu.vector_load %arg12[%get3A_546, %get3A_547] {strides = array<i32>} : memref<80x64xf32, #tpu.memory_space<vmem>>, vector<1x16xf32>,
      %get3A_549 = vector.shape_cast %get3A_548 : vector<1x16xf32> to vector<16xf32>
      %max3A_550 = arith.constant 0.000000e+00 : f32
      %max3A_551 = vector.broadcast %max3A_550 : f32 to vector<16xf32>
      %max3A_552 = arith.maximumf %get3A_549, %max3A_551 : vector<16xf32>
      %swap3A_553 = arith.index_cast %add3A_536 : i32 to index
      %swap3A_554 = arith.constant 16 : index
      %swap3A_555 = tpu.vector_load %arg14[%swap3A_553, %swap3A_554] {strides = array<i32>} : memref<80x64xf32, #tpu.memory_space<vmem>>, vector<1x16xf32>,
      %swap3A_556 = vector.shape_cast %swap3A_555 : vector<1x16xf32> to vector<16xf32>
      %swap3A_557 = vector.shape_cast %max3A_552 : vector<16xf32> to vector<1x16xf32>
      tpu.vector_store %arg14[%swap3A_553, %swap3A_554], %swap3A_557 {strides = array<i32>} : memref<80x64xf32, #tpu.memory_space<vmem>>, vector<1x16xf32>,
      %get3A_558 = arith.index_cast %add3A_536 : i32 to index
      %get3A_559 = arith.constant 32 : index
      %get3A_560 = tpu.vector_load %arg12[%get3A_558, %get3A_559] {strides = array<i32>} : memref<80x64xf32, #tpu.memory_space<vmem>>, vector<1x16xf32>,
      %get3A_561 = vector.shape_cast %get3A_560 : vector<1x16xf32> to vector<16xf32>
      %max3A_562 = arith.constant 0.000000e+00 : f32
      %max3A_563 = vector.broadcast %max3A_562 : f32 to vector<16xf32>
      %max3A_564 = arith.maximumf %get3A_561, %max3A_563 : vector<16xf32>
      %swap3A_565 = arith.index_cast %add3A_536 : i32 to index
      %swap3A_566 = arith.constant 32 : index
      %swap3A_567 = tpu.vector_load %arg14[%swap3A_565, %swap3A_566] {strides = array<i32>} : memref<80x64xf32, #tpu.memory_space<vmem>>, vector<1x16xf32>,
      %swap3A_568 = vector.shape_cast %swap3A_567 : vector<1x16xf32> to vector<16xf32>
      %swap3A_569 = vector.shape_cast %max3A_564 : vector<16xf32> to vector<1x16xf32>
      tpu.vector_store %arg14[%swap3A_565, %swap3A_566], %swap3A_569 {strides = array<i32>} : memref<80x64xf32, #tpu.memory_space<vmem>>, vector<1x16xf32>,
      %get3A_570 = arith.index_cast %add3A_536 : i32 to index
      %get3A_571 = arith.constant 48 : index
      %get3A_572 = tpu.vector_load %arg12[%get3A_570, %get3A_571] {strides = array<i32>} : memref<80x64xf32, #tpu.memory_space<vmem>>, vector<1x16xf32>,
      %get3A_573 = vector.shape_cast %get3A_572 : vector<1x16xf32> to vector<16xf32>
      %max3A_574 = arith.constant 0.000000e+00 : f32
      %max3A_575 = vector.broadcast %max3A_574 : f32 to vector<16xf32>
      %max3A_576 = arith.maximumf %get3A_573, %max3A_575 : vector<16xf32>
      %swap3A_577 = arith.index_cast %add3A_536 : i32 to index
      %swap3A_578 = arith.constant 48 : index
      %swap3A_579 = tpu.vector_load %arg14[%swap3A_577, %swap3A_578] {strides = array<i32>} : memref<80x64xf32, #tpu.memory_space<vmem>>, vector<1x16xf32>,
      %swap3A_580 = vector.shape_cast %swap3A_579 : vector<1x16xf32> to vector<16xf32>
      %swap3A_581 = vector.shape_cast %max3A_576 : vector<16xf32> to vector<1x16xf32>
      tpu.vector_store %arg14[%swap3A_577, %swap3A_578], %swap3A_581 {strides = array<i32>} : memref<80x64xf32, #tpu.memory_space<vmem>>, vector<1x16xf32>,
    }
    %scan3A_240 = arith.constant 80 : i32
    %dma_start3A_241 = arith.constant 560 : i32
    %dma_start3A_242 = tpu.memref_slice %arg7[%dma_start3A_241] : memref<20000xi32, #tpu.memory_space<vmem>> -> memref<80xi32, #tpu.memory_space<vmem>>
    %dma_start3A_243 = arith.constant 0 : i32
    %dma_start3A_244 = arith.constant 0 : i32
    %dma_start3A_245 = tpu.memref_slice %arg2[%arg0, %dma_start3A_243, %dma_start3A_244] : memref<2x10000x64xf32, #tpu.memory_space<hbm>> -> memref<1x10000x64xf32, #tpu.memory_space<hbm>>
    %dma_start3A_246 = tpu.memref_squeeze %dma_start3A_245 : memref<1x10000x64xf32, #tpu.memory_space<hbm>> -> memref<10000x64xf32, #tpu.memory_space<hbm>>
    %dma_start3A_247 = arith.constant 0 : i32
    %dma_start3A_248 = arith.constant 0 : i32
    %dma_start3A_249 = tpu.memref_slice %dma_start3A_246[%dma_start3A_247, %dma_start3A_248] : memref<10000x64xf32, #tpu.memory_space<hbm>> -> memref<10000x64xf32, #tpu.memory_space<hbm>>
    tpu.enqueue_indirect_dma source(%dma_start3A_249 : memref<10000x64xf32, #tpu.memory_space<hbm>>) target(%arg12 : memref<80x64xf32, #tpu.memory_space<vmem>>) offsets(%dma_start3A_242 : memref<80xi32, #tpu.memory_space<vmem>>) semaphore(%arg19 : memref<!tpu.dma_semaphore, #tpu.memory_space<semaphore_mem>>)
    %dma_start3A_250 = arith.constant 240 : i32
    %dma_start3A_251 = tpu.memref_slice %arg8[%dma_start3A_250] : memref<20000xi32, #tpu.memory_space<vmem>> -> memref<80xi32, #tpu.memory_space<vmem>>
    %dma_start3A_252 = arith.constant 0 : i32
    %dma_start3A_253 = arith.constant 0 : i32
    %dma_start3A_254 = tpu.memref_slice %arg15[%dma_start3A_252, %dma_start3A_253] : memref<10000x64xf32, #tpu.memory_space<vmem_shared>> -> memref<10000x64xf32, #tpu.memory_space<vmem_shared>>
    tpu.enqueue_indirect_dma source(%arg14 : memref<80x64xf32, #tpu.memory_space<vmem>>) target(%dma_start3A_254 : memref<10000x64xf32, #tpu.memory_space<vmem_shared>>) offsets(%dma_start3A_251 : memref<80xi32, #tpu.memory_space<vmem>>) semaphore(%arg25 : memref<!tpu.dma_semaphore, #tpu.memory_space<semaphore_mem>>) {add = true}
    %dma_wait3A_255 = arith.constant 400 : i32
    %dma_wait3A_256 = tpu.memref_slice %arg7[%dma_wait3A_255] : memref<20000xi32, #tpu.memory_space<vmem>> -> memref<80xi32, #tpu.memory_space<vmem>>
    %dma_wait3A_257 = arith.constant 0 : i32
    %dma_wait3A_258 = arith.constant 0 : i32
    %dma_wait3A_259 = tpu.memref_slice %arg2[%arg0, %dma_wait3A_257, %dma_wait3A_258] : memref<2x10000x64xf32, #tpu.memory_space<hbm>> -> memref<1x10000x64xf32, #tpu.memory_space<hbm>>
    %dma_wait3A_260 = tpu.memref_squeeze %dma_wait3A_259 : memref<1x10000x64xf32, #tpu.memory_space<hbm>> -> memref<10000x64xf32, #tpu.memory_space<hbm>>
    %dma_wait3A_261 = arith.constant 0 : i32
    %dma_wait3A_262 = arith.constant 0 : i32
    %dma_wait3A_263 = tpu.memref_slice %dma_wait3A_260[%dma_wait3A_261, %dma_wait3A_262] : memref<10000x64xf32, #tpu.memory_space<hbm>> -> memref<10000x64xf32, #tpu.memory_space<hbm>>
    tpu.wait_indirect_dma semaphore(%arg17 : memref<!tpu.dma_semaphore, #tpu.memory_space<semaphore_mem>>) src(%dma_wait3A_263 : memref<10000x64xf32, #tpu.memory_space<hbm>>) dst(%arg10 : memref<80x64xf32, #tpu.memory_space<vmem>>)
    %dma_start3A_264 = arith.constant 400 : i32
    %dma_start3A_265 = tpu.memref_slice %arg8[%dma_start3A_264] : memref<20000xi32, #tpu.memory_space<vmem>> -> memref<80xi32, #tpu.memory_space<vmem>>
    %dma_start3A_266 = arith.constant 0 : i32
    %dma_start3A_267 = arith.constant 0 : i32
    %dma_start3A_268 = tpu.memref_slice %arg3[%arg0, %dma_start3A_266, %dma_start3A_267] : memref<2x10000x64xf32, #tpu.memory_space<hbm>> -> memref<1x10000x64xf32, #tpu.memory_space<hbm>>
    %dma_start3A_269 = tpu.memref_squeeze %dma_start3A_268 : memref<1x10000x64xf32, #tpu.memory_space<hbm>> -> memref<10000x64xf32, #tpu.memory_space<hbm>>
    %dma_start3A_270 = arith.constant 0 : i32
    %dma_start3A_271 = arith.constant 0 : i32
    %dma_start3A_272 = tpu.memref_slice %dma_start3A_269[%dma_start3A_270, %dma_start3A_271] : memref<10000x64xf32, #tpu.memory_space<hbm>> -> memref<10000x64xf32, #tpu.memory_space<hbm>>
    tpu.enqueue_indirect_dma source(%dma_start3A_272 : memref<10000x64xf32, #tpu.memory_space<hbm>>) target(%arg10 : memref<80x64xf32, #tpu.memory_space<vmem>>) offsets(%dma_start3A_265 : memref<80xi32, #tpu.memory_space<vmem>>) semaphore(%arg21 : memref<!tpu.dma_semaphore, #tpu.memory_space<semaphore_mem>>) {add = true}
    %scan3A_273 = arith.constant 0 : i32
    %scan3A_274 = arith.constant 60 : i32
    %scan3A_275 = arith.addi %scan3A_273, %scan3A_274 : i32
    %scan3A_276 = arith.constant 1 : i32
    scf.for %scan3A_533 = %scan3A_273 to %scan3A_275 step %scan3A_276  : i32 {
      %mul3A_534 = arith.constant 1 : i32
      %mul3A_535 = arith.muli %scan3A_533, %mul3A_534 : i32
      %add3A = arith.constant 1 : i32
      %add3A_536 = arith.addi %add3A, %mul3A_535 : i32
      %mul3A_537 = arith.constant 4 : i32
      %mul3A_538 = arith.muli %add3A_536, %mul3A_537 : i32
      %add3A_539 = arith.constant 0 : i32
      %add3A_540 = arith.addi %mul3A_538, %add3A_539 : i32
      %mul3A_541 = arith.constant 80 : i32
      %mul3A_542 = arith.muli %add3A_540, %mul3A_541 : i32
      %dma_wait3A_543 = tpu.memref_slice %arg8[%mul3A_542] : memref<20000xi32, #tpu.memory_space<vmem>> -> memref<80xi32, #tpu.memory_space<vmem>>
      %dma_wait3A_544 = arith.constant 0 : i32
      %dma_wait3A_545 = arith.constant 0 : i32
      %dma_wait3A_546 = tpu.memref_slice %arg3[%arg0, %dma_wait3A_544, %dma_wait3A_545] : memref<2x10000x64xf32, #tpu.memory_space<hbm>> -> memref<1x10000x64xf32, #tpu.memory_space<hbm>>
      %dma_wait3A_547 = tpu.memref_squeeze %dma_wait3A_546 : memref<1x10000x64xf32, #tpu.memory_space<hbm>> -> memref<10000x64xf32, #tpu.memory_space<hbm>>
      %dma_wait3A_548 = arith.constant 0 : i32
      %dma_wait3A_549 = arith.constant 0 : i32
      %dma_wait3A_550 = tpu.memref_slice %dma_wait3A_547[%dma_wait3A_548, %dma_wait3A_549] : memref<10000x64xf32, #tpu.memory_space<hbm>> -> memref<10000x64xf32, #tpu.memory_space<hbm>>
      tpu.wait_indirect_dma semaphore(%arg20 : memref<!tpu.dma_semaphore, #tpu.memory_space<semaphore_mem>>) src(%dma_wait3A_550 : memref<10000x64xf32, #tpu.memory_space<hbm>>) dst(%arg9 : memref<80x64xf32, #tpu.memory_space<vmem>>)
      %mul3A_551 = arith.constant 80 : i32
      %mul3A_552 = arith.muli %add3A_540, %mul3A_551 : i32
      %dma_wait3A_553 = tpu.memref_slice %arg8[%mul3A_552] : memref<20000xi32, #tpu.memory_space<vmem>> -> memref<80xi32, #tpu.memory_space<vmem>>
      %dma_wait3A_554 = arith.constant 0 : i32
      %dma_wait3A_555 = arith.constant 0 : i32
      %dma_wait3A_556 = tpu.memref_slice %arg15[%dma_wait3A_554, %dma_wait3A_555] : memref<10000x64xf32, #tpu.memory_space<vmem_shared>> -> memref<10000x64xf32, #tpu.memory_space<vmem_shared>>
      tpu.wait_indirect_dma semaphore(%arg24 : memref<!tpu.dma_semaphore, #tpu.memory_space<semaphore_mem>>) src(%arg13 : memref<80x64xf32, #tpu.memory_space<vmem>>) dst(%dma_wait3A_556 : memref<10000x64xf32, #tpu.memory_space<vmem_shared>>)
      %scan3A_557 = arith.constant 0 : i32
      %scan3A_558 = arith.constant 80 : i32
      %scan3A_559 = arith.addi %scan3A_557, %scan3A_558 : i32
      %scan3A_560 = arith.constant 1 : i32
      scf.for %scan3A_805 = %scan3A_557 to %scan3A_559 step %scan3A_560  : i32 {
        %mul3A_806 = arith.constant 1 : i32
        %mul3A_807 = arith.muli %scan3A_805, %mul3A_806 : i32
        %add3A_808 = arith.constant 0 : i32
        %add3A_809 = arith.addi %add3A_808, %mul3A_807 : i32
        %get3A = arith.index_cast %add3A_809 : i32 to index
        %get3A_810 = arith.constant 0 : index
        %get3A_811 = tpu.vector_load %arg9[%get3A, %get3A_810] {strides = array<i32>} : memref<80x64xf32, #tpu.memory_space<vmem>>, vector<1x16xf32>,
        %get3A_812 = vector.shape_cast %get3A_811 : vector<1x16xf32> to vector<16xf32>
        %max3A = arith.constant 0.000000e+00 : f32
        %max3A_813 = vector.broadcast %max3A : f32 to vector<16xf32>
        %max3A_814 = arith.maximumf %get3A_812, %max3A_813 : vector<16xf32>
        %swap3A = arith.index_cast %add3A_809 : i32 to index
        %swap3A_815 = arith.constant 0 : index
        %swap3A_816 = tpu.vector_load %arg13[%swap3A, %swap3A_815] {strides = array<i32>} : memref<80x64xf32, #tpu.memory_space<vmem>>, vector<1x16xf32>,
        %swap3A_817 = vector.shape_cast %swap3A_816 : vector<1x16xf32> to vector<16xf32>
        %swap3A_818 = vector.shape_cast %max3A_814 : vector<16xf32> to vector<1x16xf32>
        tpu.vector_store %arg13[%swap3A, %swap3A_815], %swap3A_818 {strides = array<i32>} : memref<80x64xf32, #tpu.memory_space<vmem>>, vector<1x16xf32>,
        %get3A_819 = arith.index_cast %add3A_809 : i32 to index
        %get3A_820 = arith.constant 16 : index
        %get3A_821 = tpu.vector_load %arg9[%get3A_819, %get3A_820] {strides = array<i32>} : memref<80x64xf32, #tpu.memory_space<vmem>>, vector<1x16xf32>,
        %get3A_822 = vector.shape_cast %get3A_821 : vector<1x16xf32> to vector<16xf32>
        %max3A_823 = arith.constant 0.000000e+00 : f32
        %max3A_824 = vector.broadcast %max3A_823 : f32 to vector<16xf32>
        %max3A_825 = arith.maximumf %get3A_822, %max3A_824 : vector<16xf32>
        %swap3A_826 = arith.index_cast %add3A_809 : i32 to index
        %swap3A_827 = arith.constant 16 : index
        %swap3A_828 = tpu.vector_load %arg13[%swap3A_826, %swap3A_827] {strides = array<i32>} : memref<80x64xf32, #tpu.memory_space<vmem>>, vector<1x16xf32>,
        %swap3A_829 = vector.shape_cast %swap3A_828 : vector<1x16xf32> to vector<16xf32>
        %swap3A_830 = vector.shape_cast %max3A_825 : vector<16xf32> to vector<1x16xf32>
        tpu.vector_store %arg13[%swap3A_826, %swap3A_827], %swap3A_830 {strides = array<i32>} : memref<80x64xf32, #tpu.memory_space<vmem>>, vector<1x16xf32>,
        %get3A_831 = arith.index_cast %add3A_809 : i32 to index
        %get3A_832 = arith.constant 32 : index
        %get3A_833 = tpu.vector_load %arg9[%get3A_831, %get3A_832] {strides = array<i32>} : memref<80x64xf32, #tpu.memory_space<vmem>>, vector<1x16xf32>,
        %get3A_834 = vector.shape_cast %get3A_833 : vector<1x16xf32> to vector<16xf32>
        %max3A_835 = arith.constant 0.000000e+00 : f32
        %max3A_836 = vector.broadcast %max3A_835 : f32 to vector<16xf32>
        %max3A_837 = arith.maximumf %get3A_834, %max3A_836 : vector<16xf32>
        %swap3A_838 = arith.index_cast %add3A_809 : i32 to index
        %swap3A_839 = arith.constant 32 : index
        %swap3A_840 = tpu.vector_load %arg13[%swap3A_838, %swap3A_839] {strides = array<i32>} : memref<80x64xf32, #tpu.memory_space<vmem>>, vector<1x16xf32>,
        %swap3A_841 = vector.shape_cast %swap3A_840 : vector<1x16xf32> to vector<16xf32>
        %swap3A_842 = vector.shape_cast %max3A_837 : vector<16xf32> to vector<1x16xf32>
        tpu.vector_store %arg13[%swap3A_838, %swap3A_839], %swap3A_842 {strides = array<i32>} : memref<80x64xf32, #tpu.memory_space<vmem>>, vector<1x16xf32>,
        %get3A_843 = arith.index_cast %add3A_809 : i32 to index
        %get3A_844 = arith.constant 48 : index
        %get3A_845 = tpu.vector_load %arg9[%get3A_843, %get3A_844] {strides = array<i32>} : memref<80x64xf32, #tpu.memory_space<vmem>>, vector<1x16xf32>,
        %get3A_846 = vector.shape_cast %get3A_845 : vector<1x16xf32> to vector<16xf32>
        %max3A_847 = arith.constant 0.000000e+00 : f32
        %max3A_848 = vector.broadcast %max3A_847 : f32 to vector<16xf32>
        %max3A_849 = arith.maximumf %get3A_846, %max3A_848 : vector<16xf32>
        %swap3A_850 = arith.index_cast %add3A_809 : i32 to index
        %swap3A_851 = arith.constant 48 : index
        %swap3A_852 = tpu.vector_load %arg13[%swap3A_850, %swap3A_851] {strides = array<i32>} : memref<80x64xf32, #tpu.memory_space<vmem>>, vector<1x16xf32>,
        %swap3A_853 = vector.shape_cast %swap3A_852 : vector<1x16xf32> to vector<16xf32>
        %swap3A_854 = vector.shape_cast %max3A_849 : vector<16xf32> to vector<1x16xf32>
        tpu.vector_store %arg13[%swap3A_850, %swap3A_851], %swap3A_854 {strides = array<i32>} : memref<80x64xf32, #tpu.memory_space<vmem>>, vector<1x16xf32>,
      }
      %scan3A_561 = arith.constant 80 : i32
      %add3A_562 = arith.constant 4 : i32
      %add3A_563 = arith.addi %add3A_540, %add3A_562 : i32
      %mul3A_564 = arith.constant 80 : i32
      %mul3A_565 = arith.muli %add3A_563, %mul3A_564 : i32
      %dma_start3A_566 = tpu.memref_slice %arg7[%mul3A_565] : memref<20000xi32, #tpu.memory_space<vmem>> -> memref<80xi32, #tpu.memory_space<vmem>>
      %dma_start3A_567 = arith.constant 0 : i32
      %dma_start3A_568 = arith.constant 0 : i32
      %dma_start3A_569 = tpu.memref_slice %arg2[%arg0, %dma_start3A_567, %dma_start3A_568] : memref<2x10000x64xf32, #tpu.memory_space<hbm>> -> memref<1x10000x64xf32, #tpu.memory_space<hbm>>
      %dma_start3A_570 = tpu.memref_squeeze %dma_start3A_569 : memref<1x10000x64xf32, #tpu.memory_space<hbm>> -> memref<10000x64xf32, #tpu.memory_space<hbm>>
      %dma_start3A_571 = arith.constant 0 : i32
      %dma_start3A_572 = arith.constant 0 : i32
      %dma_start3A_573 = tpu.memref_slice %dma_start3A_570[%dma_start3A_571, %dma_start3A_572] : memref<10000x64xf32, #tpu.memory_space<hbm>> -> memref<10000x64xf32, #tpu.memory_space<hbm>>
      tpu.enqueue_indirect_dma source(%dma_start3A_573 : memref<10000x64xf32, #tpu.memory_space<hbm>>) target(%arg9 : memref<80x64xf32, #tpu.memory_space<vmem>>) offsets(%dma_start3A_566 : memref<80xi32, #tpu.memory_space<vmem>>) semaphore(%arg16 : memref<!tpu.dma_semaphore, #tpu.memory_space<semaphore_mem>>)
      %mul3A_574 = arith.constant 80 : i32
      %mul3A_575 = arith.muli %add3A_540, %mul3A_574 : i32
      %dma_start3A_576 = tpu.memref_slice %arg8[%mul3A_575] : memref<20000xi32, #tpu.memory_space<vmem>> -> memref<80xi32, #tpu.memory_space<vmem>>
      %dma_start3A_577 = arith.constant 0 : i32
      %dma_start3A_578 = arith.constant 0 : i32
      %dma_start3A_579 = tpu.memref_slice %arg15[%dma_start3A_577, %dma_start3A_578] : memref<10000x64xf32, #tpu.memory_space<vmem_shared>> -> memref<10000x64xf32, #tpu.memory_space<vmem_shared>>
      tpu.enqueue_indirect_dma source(%arg13 : memref<80x64xf32, #tpu.memory_space<vmem>>) target(%dma_start3A_579 : memref<10000x64xf32, #tpu.memory_space<vmem_shared>>) offsets(%dma_start3A_576 : memref<80xi32, #tpu.memory_space<vmem>>) semaphore(%arg24 : memref<!tpu.dma_semaphore, #tpu.memory_space<semaphore_mem>>) {add = true}
      %add3A_580 = arith.constant 2 : i32
      %add3A_581 = arith.addi %add3A_540, %add3A_580 : i32
      %mul3A_582 = arith.constant 80 : i32
      %mul3A_583 = arith.muli %add3A_581, %mul3A_582 : i32
      %dma_wait3A_584 = tpu.memref_slice %arg7[%mul3A_583] : memref<20000xi32, #tpu.memory_space<vmem>> -> memref<80xi32, #tpu.memory_space<vmem>>
      %dma_wait3A_585 = arith.constant 0 : i32
      %dma_wait3A_586 = arith.constant 0 : i32
      %dma_wait3A_587 = tpu.memref_slice %arg2[%arg0, %dma_wait3A_585, %dma_wait3A_586] : memref<2x10000x64xf32, #tpu.memory_space<hbm>> -> memref<1x10000x64xf32, #tpu.memory_space<hbm>>
      %dma_wait3A_588 = tpu.memref_squeeze %dma_wait3A_587 : memref<1x10000x64xf32, #tpu.memory_space<hbm>> -> memref<10000x64xf32, #tpu.memory_space<hbm>>
      %dma_wait3A_589 = arith.constant 0 : i32
      %dma_wait3A_590 = arith.constant 0 : i32
      %dma_wait3A_591 = tpu.memref_slice %dma_wait3A_588[%dma_wait3A_589, %dma_wait3A_590] : memref<10000x64xf32, #tpu.memory_space<hbm>> -> memref<10000x64xf32, #tpu.memory_space<hbm>>
      tpu.wait_indirect_dma semaphore(%arg18 : memref<!tpu.dma_semaphore, #tpu.memory_space<semaphore_mem>>) src(%dma_wait3A_591 : memref<10000x64xf32, #tpu.memory_space<hbm>>) dst(%arg11 : memref<80x64xf32, #tpu.memory_space<vmem>>)
      %add3A_592 = arith.constant 2 : i32
      %add3A_593 = arith.addi %add3A_540, %add3A_592 : i32
      %mul3A_594 = arith.constant 80 : i32
      %mul3A_595 = arith.muli %add3A_593, %mul3A_594 : i32
      %dma_start3A_596 = tpu.memref_slice %arg8[%mul3A_595] : memref<20000xi32, #tpu.memory_space<vmem>> -> memref<80xi32, #tpu.memory_space<vmem>>
      %dma_start3A_597 = arith.constant 0 : i32
      %dma_start3A_598 = arith.constant 0 : i32
      %dma_start3A_599 = tpu.memref_slice %arg3[%arg0, %dma_start3A_597, %dma_start3A_598] : memref<2x10000x64xf32, #tpu.memory_space<hbm>> -> memref<1x10000x64xf32, #tpu.memory_space<hbm>>
      %dma_start3A_600 = tpu.memref_squeeze %dma_start3A_599 : memref<1x10000x64xf32, #tpu.memory_space<hbm>> -> memref<10000x64xf32, #tpu.memory_space<hbm>>
      %dma_start3A_601 = arith.constant 0 : i32
      %dma_start3A_602 = arith.constant 0 : i32
      %dma_start3A_603 = tpu.memref_slice %dma_start3A_600[%dma_start3A_601, %dma_start3A_602] : memref<10000x64xf32, #tpu.memory_space<hbm>> -> memref<10000x64xf32, #tpu.memory_space<hbm>>
      tpu.enqueue_indirect_dma source(%dma_start3A_603 : memref<10000x64xf32, #tpu.memory_space<hbm>>) target(%arg11 : memref<80x64xf32, #tpu.memory_space<vmem>>) offsets(%dma_start3A_596 : memref<80xi32, #tpu.memory_space<vmem>>) semaphore(%arg22 : memref<!tpu.dma_semaphore, #tpu.memory_space<semaphore_mem>>) {add = true}
      %mul3A_604 = arith.constant 4 : i32
      %mul3A_605 = arith.muli %add3A_536, %mul3A_604 : i32
      %add3A_606 = arith.constant 1 : i32
      %add3A_607 = arith.addi %mul3A_605, %add3A_606 : i32
      %mul3A_608 = arith.constant 80 : i32
      %mul3A_609 = arith.muli %add3A_607, %mul3A_608 : i32
      %dma_wait3A_610 = tpu.memref_slice %arg8[%mul3A_609] : memref<20000xi32, #tpu.memory_space<vmem>> -> memref<80xi32, #tpu.memory_space<vmem>>
      %dma_wait3A_611 = arith.constant 0 : i32
      %dma_wait3A_612 = arith.constant 0 : i32
      %dma_wait3A_613 = tpu.memref_slice %arg3[%arg0, %dma_wait3A_611, %dma_wait3A_612] : memref<2x10000x64xf32, #tpu.memory_space<hbm>> -> memref<1x10000x64xf32, #tpu.memory_space<hbm>>
      %dma_wait3A_614 = tpu.memref_squeeze %dma_wait3A_613 : memref<1x10000x64xf32, #tpu.memory_space<hbm>> -> memref<10000x64xf32, #tpu.memory_space<hbm>>
      %dma_wait3A_615 = arith.constant 0 : i32
      %dma_wait3A_616 = arith.constant 0 : i32
      %dma_wait3A_617 = tpu.memref_slice %dma_wait3A_614[%dma_wait3A_615, %dma_wait3A_616] : memref<10000x64xf32, #tpu.memory_space<hbm>> -> memref<10000x64xf32, #tpu.memory_space<hbm>>
      tpu.wait_indirect_dma semaphore(%arg21 : memref<!tpu.dma_semaphore, #tpu.memory_space<semaphore_mem>>) src(%dma_wait3A_617 : memref<10000x64xf32, #tpu.memory_space<hbm>>) dst(%arg10 : memref<80x64xf32, #tpu.memory_space<vmem>>)
      %mul3A_618 = arith.constant 80 : i32
      %mul3A_619 = arith.muli %add3A_607, %mul3A_618 : i32
      %dma_wait3A_620 = tpu.memref_slice %arg8[%mul3A_619] : memref<20000xi32, #tpu.memory_space<vmem>> -> memref<80xi32, #tpu.memory_space<vmem>>
      %dma_wait3A_621 = arith.constant 0 : i32
      %dma_wait3A_622 = arith.constant 0 : i32
      %dma_wait3A_623 = tpu.memref_slice %arg15[%dma_wait3A_621, %dma_wait3A_622] : memref<10000x64xf32, #tpu.memory_space<vmem_shared>> -> memref<10000x64xf32, #tpu.memory_space<vmem_shared>>
      tpu.wait_indirect_dma semaphore(%arg25 : memref<!tpu.dma_semaphore, #tpu.memory_space<semaphore_mem>>) src(%arg14 : memref<80x64xf32, #tpu.memory_space<vmem>>) dst(%dma_wait3A_623 : memref<10000x64xf32, #tpu.memory_space<vmem_shared>>)
      %scan3A_624 = arith.constant 0 : i32
      %scan3A_625 = arith.constant 80 : i32
      %scan3A_626 = arith.addi %scan3A_624, %scan3A_625 : i32
      %scan3A_627 = arith.constant 1 : i32
      scf.for %scan3A_805 = %scan3A_624 to %scan3A_626 step %scan3A_627  : i32 {
        %mul3A_806 = arith.constant 1 : i32
        %mul3A_807 = arith.muli %scan3A_805, %mul3A_806 : i32
        %add3A_808 = arith.constant 0 : i32
        %add3A_809 = arith.addi %add3A_808, %mul3A_807 : i32
        %get3A = arith.index_cast %add3A_809 : i32 to index
        %get3A_810 = arith.constant 0 : index
        %get3A_811 = tpu.vector_load %arg10[%get3A, %get3A_810] {strides = array<i32>} : memref<80x64xf32, #tpu.memory_space<vmem>>, vector<1x16xf32>,
        %get3A_812 = vector.shape_cast %get3A_811 : vector<1x16xf32> to vector<16xf32>
        %max3A = arith.constant 0.000000e+00 : f32
        %max3A_813 = vector.broadcast %max3A : f32 to vector<16xf32>
        %max3A_814 = arith.maximumf %get3A_812, %max3A_813 : vector<16xf32>
        %swap3A = arith.index_cast %add3A_809 : i32 to index
        %swap3A_815 = arith.constant 0 : index
        %swap3A_816 = tpu.vector_load %arg14[%swap3A, %swap3A_815] {strides = array<i32>} : memref<80x64xf32, #tpu.memory_space<vmem>>, vector<1x16xf32>,
        %swap3A_817 = vector.shape_cast %swap3A_816 : vector<1x16xf32> to vector<16xf32>
        %swap3A_818 = vector.shape_cast %max3A_814 : vector<16xf32> to vector<1x16xf32>
        tpu.vector_store %arg14[%swap3A, %swap3A_815], %swap3A_818 {strides = array<i32>} : memref<80x64xf32, #tpu.memory_space<vmem>>, vector<1x16xf32>,
        %get3A_819 = arith.index_cast %add3A_809 : i32 to index
        %get3A_820 = arith.constant 16 : index
        %get3A_821 = tpu.vector_load %arg10[%get3A_819, %get3A_820] {strides = array<i32>} : memref<80x64xf32, #tpu.memory_space<vmem>>, vector<1x16xf32>,
        %get3A_822 = vector.shape_cast %get3A_821 : vector<1x16xf32> to vector<16xf32>
        %max3A_823 = arith.constant 0.000000e+00 : f32
        %max3A_824 = vector.broadcast %max3A_823 : f32 to vector<16xf32>
        %max3A_825 = arith.maximumf %get3A_822, %max3A_824 : vector<16xf32>
        %swap3A_826 = arith.index_cast %add3A_809 : i32 to index
        %swap3A_827 = arith.constant 16 : index
        %swap3A_828 = tpu.vector_load %arg14[%swap3A_826, %swap3A_827] {strides = array<i32>} : memref<80x64xf32, #tpu.memory_space<vmem>>, vector<1x16xf32>,
        %swap3A_829 = vector.shape_cast %swap3A_828 : vector<1x16xf32> to vector<16xf32>
        %swap3A_830 = vector.shape_cast %max3A_825 : vector<16xf32> to vector<1x16xf32>
        tpu.vector_store %arg14[%swap3A_826, %swap3A_827], %swap3A_830 {strides = array<i32>} : memref<80x64xf32, #tpu.memory_space<vmem>>, vector<1x16xf32>,
        %get3A_831 = arith.index_cast %add3A_809 : i32 to index
        %get3A_832 = arith.constant 32 : index
        %get3A_833 = tpu.vector_load %arg10[%get3A_831, %get3A_832] {strides = array<i32>} : memref<80x64xf32, #tpu.memory_space<vmem>>, vector<1x16xf32>,
        %get3A_834 = vector.shape_cast %get3A_833 : vector<1x16xf32> to vector<16xf32>
        %max3A_835 = arith.constant 0.000000e+00 : f32
        %max3A_836 = vector.broadcast %max3A_835 : f32 to vector<16xf32>
        %max3A_837 = arith.maximumf %get3A_834, %max3A_836 : vector<16xf32>
        %swap3A_838 = arith.index_cast %add3A_809 : i32 to index
        %swap3A_839 = arith.constant 32 : index
        %swap3A_840 = tpu.vector_load %arg14[%swap3A_838, %swap3A_839] {strides = array<i32>} : memref<80x64xf32, #tpu.memory_space<vmem>>, vector<1x16xf32>,
        %swap3A_841 = vector.shape_cast %swap3A_840 : vector<1x16xf32> to vector<16xf32>
        %swap3A_842 = vector.shape_cast %max3A_837 : vector<16xf32> to vector<1x16xf32>
        tpu.vector_store %arg14[%swap3A_838, %swap3A_839], %swap3A_842 {strides = array<i32>} : memref<80x64xf32, #tpu.memory_space<vmem>>, vector<1x16xf32>,
        %get3A_843 = arith.index_cast %add3A_809 : i32 to index
        %get3A_844 = arith.constant 48 : index
        %get3A_845 = tpu.vector_load %arg10[%get3A_843, %get3A_844] {strides = array<i32>} : memref<80x64xf32, #tpu.memory_space<vmem>>, vector<1x16xf32>,
        %get3A_846 = vector.shape_cast %get3A_845 : vector<1x16xf32> to vector<16xf32>
        %max3A_847 = arith.constant 0.000000e+00 : f32
        %max3A_848 = vector.broadcast %max3A_847 : f32 to vector<16xf32>
        %max3A_849 = arith.maximumf %get3A_846, %max3A_848 : vector<16xf32>
        %swap3A_850 = arith.index_cast %add3A_809 : i32 to index
        %swap3A_851 = arith.constant 48 : index
        %swap3A_852 = tpu.vector_load %arg14[%swap3A_850, %swap3A_851] {strides = array<i32>} : memref<80x64xf32, #tpu.memory_space<vmem>>, vector<1x16xf32>,
        %swap3A_853 = vector.shape_cast %swap3A_852 : vector<1x16xf32> to vector<16xf32>
        %swap3A_854 = vector.shape_cast %max3A_849 : vector<16xf32> to vector<1x16xf32>
        tpu.vector_store %arg14[%swap3A_850, %swap3A_851], %swap3A_854 {strides = array<i32>} : memref<80x64xf32, #tpu.memory_space<vmem>>, vector<1x16xf32>,
      }
      %scan3A_628 = arith.constant 80 : i32
      %add3A_629 = arith.constant 4 : i32
      %add3A_630 = arith.addi %add3A_607, %add3A_629 : i32
      %mul3A_631 = arith.constant 80 : i32
      %mul3A_632 = arith.muli %add3A_630, %mul3A_631 : i32
      %dma_start3A_633 = tpu.memref_slice %arg7[%mul3A_632] : memref<20000xi32, #tpu.memory_space<vmem>> -> memref<80xi32, #tpu.memory_space<vmem>>
      %dma_start3A_634 = arith.constant 0 : i32
      %dma_start3A_635 = arith.constant 0 : i32
      %dma_start3A_636 = tpu.memref_slice %arg2[%arg0, %dma_start3A_634, %dma_start3A_635] : memref<2x10000x64xf32, #tpu.memory_space<hbm>> -> memref<1x10000x64xf32, #tpu.memory_space<hbm>>
      %dma_start3A_637 = tpu.memref_squeeze %dma_start3A_636 : memref<1x10000x64xf32, #tpu.memory_space<hbm>> -> memref<10000x64xf32, #tpu.memory_space<hbm>>
      %dma_start3A_638 = arith.constant 0 : i32
      %dma_start3A_639 = arith.constant 0 : i32
      %dma_start3A_640 = tpu.memref_slice %dma_start3A_637[%dma_start3A_638, %dma_start3A_639] : memref<10000x64xf32, #tpu.memory_space<hbm>> -> memref<10000x64xf32, #tpu.memory_space<hbm>>
      tpu.enqueue_indirect_dma source(%dma_start3A_640 : memref<10000x64xf32, #tpu.memory_space<hbm>>) target(%arg10 : memref<80x64xf32, #tpu.memory_space<vmem>>) offsets(%dma_start3A_633 : memref<80xi32, #tpu.memory_space<vmem>>) semaphore(%arg17 : memref<!tpu.dma_semaphore, #tpu.memory_space<semaphore_mem>>)
      %mul3A_641 = arith.constant 80 : i32
      %mul3A_642 = arith.muli %add3A_607, %mul3A_641 : i32
      %dma_start3A_643 = tpu.memref_slice %arg8[%mul3A_642] : memref<20000xi32, #tpu.memory_space<vmem>> -> memref<80xi32, #tpu.memory_space<vmem>>
      %dma_start3A_644 = arith.constant 0 : i32
      %dma_start3A_645 = arith.constant 0 : i32
      %dma_start3A_646 = tpu.memref_slice %arg15[%dma_start3A_644, %dma_start3A_645] : memref<10000x64xf32, #tpu.memory_space<vmem_shared>> -> memref<10000x64xf32, #tpu.memory_space<vmem_shared>>
      tpu.enqueue_indirect_dma source(%arg14 : memref<80x64xf32, #tpu.memory_space<vmem>>) target(%dma_start3A_646 : memref<10000x64xf32, #tpu.memory_space<vmem_shared>>) offsets(%dma_start3A_643 : memref<80xi32, #tpu.memory_space<vmem>>) semaphore(%arg25 : memref<!tpu.dma_semaphore, #tpu.memory_space<semaphore_mem>>) {add = true}
      %add3A_647 = arith.constant 2 : i32
      %add3A_648 = arith.addi %add3A_607, %add3A_647 : i32
      %mul3A_649 = arith.constant 80 : i32
      %mul3A_650 = arith.muli %add3A_648, %mul3A_649 : i32
      %dma_wait3A_651 = tpu.memref_slice %arg7[%mul3A_650] : memref<20000xi32, #tpu.memory_space<vmem>> -> memref<80xi32, #tpu.memory_space<vmem>>
      %dma_wait3A_652 = arith.constant 0 : i32
      %dma_wait3A_653 = arith.constant 0 : i32
      %dma_wait3A_654 = tpu.memref_slice %arg2[%arg0, %dma_wait3A_652, %dma_wait3A_653] : memref<2x10000x64xf32, #tpu.memory_space<hbm>> -> memref<1x10000x64xf32, #tpu.memory_space<hbm>>
      %dma_wait3A_655 = tpu.memref_squeeze %dma_wait3A_654 : memref<1x10000x64xf32, #tpu.memory_space<hbm>> -> memref<10000x64xf32, #tpu.memory_space<hbm>>
      %dma_wait3A_656 = arith.constant 0 : i32
      %dma_wait3A_657 = arith.constant 0 : i32
      %dma_wait3A_658 = tpu.memref_slice %dma_wait3A_655[%dma_wait3A_656, %dma_wait3A_657] : memref<10000x64xf32, #tpu.memory_space<hbm>> -> memref<10000x64xf32, #tpu.memory_space<hbm>>
      tpu.wait_indirect_dma semaphore(%arg19 : memref<!tpu.dma_semaphore, #tpu.memory_space<semaphore_mem>>) src(%dma_wait3A_658 : memref<10000x64xf32, #tpu.memory_space<hbm>>) dst(%arg12 : memref<80x64xf32, #tpu.memory_space<vmem>>)
      %add3A_659 = arith.constant 2 : i32
      %add3A_660 = arith.addi %add3A_607, %add3A_659 : i32
      %mul3A_661 = arith.constant 80 : i32
      %mul3A_662 = arith.muli %add3A_660, %mul3A_661 : i32
      %dma_start3A_663 = tpu.memref_slice %arg8[%mul3A_662] : memref<20000xi32, #tpu.memory_space<vmem>> -> memref<80xi32, #tpu.memory_space<vmem>>
      %dma_start3A_664 = arith.constant 0 : i32
      %dma_start3A_665 = arith.constant 0 : i32
      %dma_start3A_666 = tpu.memref_slice %arg3[%arg0, %dma_start3A_664, %dma_start3A_665] : memref<2x10000x64xf32, #tpu.memory_space<hbm>> -> memref<1x10000x64xf32, #tpu.memory_space<hbm>>
      %dma_start3A_667 = tpu.memref_squeeze %dma_start3A_666 : memref<1x10000x64xf32, #tpu.memory_space<hbm>> -> memref<10000x64xf32, #tpu.memory_space<hbm>>
      %dma_start3A_668 = arith.constant 0 : i32
      %dma_start3A_669 = arith.constant 0 : i32
      %dma_start3A_670 = tpu.memref_slice %dma_start3A_667[%dma_start3A_668, %dma_start3A_669] : memref<10000x64xf32, #tpu.memory_space<hbm>> -> memref<10000x64xf32, #tpu.memory_space<hbm>>
      tpu.enqueue_indirect_dma source(%dma_start3A_670 : memref<10000x64xf32, #tpu.memory_space<hbm>>) target(%arg12 : memref<80x64xf32, #tpu.memory_space<vmem>>) offsets(%dma_start3A_663 : memref<80xi32, #tpu.memory_space<vmem>>) semaphore(%arg23 : memref<!tpu.dma_semaphore, #tpu.memory_space<semaphore_mem>>) {add = true}
      %mul3A_671 = arith.constant 4 : i32
      %mul3A_672 = arith.muli %add3A_536, %mul3A_671 : i32
      %add3A_673 = arith.constant 2 : i32
      %add3A_674 = arith.addi %mul3A_672, %add3A_673 : i32
      %mul3A_675 = arith.constant 80 : i32
      %mul3A_676 = arith.muli %add3A_674, %mul3A_675 : i32
      %dma_wait3A_677 = tpu.memref_slice %arg8[%mul3A_676] : memref<20000xi32, #tpu.memory_space<vmem>> -> memref<80xi32, #tpu.memory_space<vmem>>
      %dma_wait3A_678 = arith.constant 0 : i32
      %dma_wait3A_679 = arith.constant 0 : i32
      %dma_wait3A_680 = tpu.memref_slice %arg3[%arg0, %dma_wait3A_678, %dma_wait3A_679] : memref<2x10000x64xf32, #tpu.memory_space<hbm>> -> memref<1x10000x64xf32, #tpu.memory_space<hbm>>
      %dma_wait3A_681 = tpu.memref_squeeze %dma_wait3A_680 : memref<1x10000x64xf32, #tpu.memory_space<hbm>> -> memref<10000x64xf32, #tpu.memory_space<hbm>>
      %dma_wait3A_682 = arith.constant 0 : i32
      %dma_wait3A_683 = arith.constant 0 : i32
      %dma_wait3A_684 = tpu.memref_slice %dma_wait3A_681[%dma_wait3A_682, %dma_wait3A_683] : memref<10000x64xf32, #tpu.memory_space<hbm>> -> memref<10000x64xf32, #tpu.memory_space<hbm>>
      tpu.wait_indirect_dma semaphore(%arg22 : memref<!tpu.dma_semaphore, #tpu.memory_space<semaphore_mem>>) src(%dma_wait3A_684 : memref<10000x64xf32, #tpu.memory_space<hbm>>) dst(%arg11 : memref<80x64xf32, #tpu.memory_space<vmem>>)
      %mul3A_685 = arith.constant 80 : i32
      %mul3A_686 = arith.muli %add3A_674, %mul3A_685 : i32
      %dma_wait3A_687 = tpu.memref_slice %arg8[%mul3A_686] : memref<20000xi32, #tpu.memory_space<vmem>> -> memref<80xi32, #tpu.memory_space<vmem>>
      %dma_wait3A_688 = arith.constant 0 : i32
      %dma_wait3A_689 = arith.constant 0 : i32
      %dma_wait3A_690 = tpu.memref_slice %arg15[%dma_wait3A_688, %dma_wait3A_689] : memref<10000x64xf32, #tpu.memory_space<vmem_shared>> -> memref<10000x64xf32, #tpu.memory_space<vmem_shared>>
      tpu.wait_indirect_dma semaphore(%arg24 : memref<!tpu.dma_semaphore, #tpu.memory_space<semaphore_mem>>) src(%arg13 : memref<80x64xf32, #tpu.memory_space<vmem>>) dst(%dma_wait3A_690 : memref<10000x64xf32, #tpu.memory_space<vmem_shared>>)
      %scan3A_691 = arith.constant 0 : i32
      %scan3A_692 = arith.constant 80 : i32
      %scan3A_693 = arith.addi %scan3A_691, %scan3A_692 : i32
      %scan3A_694 = arith.constant 1 : i32
      scf.for %scan3A_805 = %scan3A_691 to %scan3A_693 step %scan3A_694  : i32 {
        %mul3A_806 = arith.constant 1 : i32
        %mul3A_807 = arith.muli %scan3A_805, %mul3A_806 : i32
        %add3A_808 = arith.constant 0 : i32
        %add3A_809 = arith.addi %add3A_808, %mul3A_807 : i32
        %get3A = arith.index_cast %add3A_809 : i32 to index
        %get3A_810 = arith.constant 0 : index
        %get3A_811 = tpu.vector_load %arg11[%get3A, %get3A_810] {strides = array<i32>} : memref<80x64xf32, #tpu.memory_space<vmem>>, vector<1x16xf32>,
        %get3A_812 = vector.shape_cast %get3A_811 : vector<1x16xf32> to vector<16xf32>
        %max3A = arith.constant 0.000000e+00 : f32
        %max3A_813 = vector.broadcast %max3A : f32 to vector<16xf32>
        %max3A_814 = arith.maximumf %get3A_812, %max3A_813 : vector<16xf32>
        %swap3A = arith.index_cast %add3A_809 : i32 to index
        %swap3A_815 = arith.constant 0 : index
        %swap3A_816 = tpu.vector_load %arg13[%swap3A, %swap3A_815] {strides = array<i32>} : memref<80x64xf32, #tpu.memory_space<vmem>>, vector<1x16xf32>,
        %swap3A_817 = vector.shape_cast %swap3A_816 : vector<1x16xf32> to vector<16xf32>
        %swap3A_818 = vector.shape_cast %max3A_814 : vector<16xf32> to vector<1x16xf32>
        tpu.vector_store %arg13[%swap3A, %swap3A_815], %swap3A_818 {strides = array<i32>} : memref<80x64xf32, #tpu.memory_space<vmem>>, vector<1x16xf32>,
        %get3A_819 = arith.index_cast %add3A_809 : i32 to index
        %get3A_820 = arith.constant 16 : index
        %get3A_821 = tpu.vector_load %arg11[%get3A_819, %get3A_820] {strides = array<i32>} : memref<80x64xf32, #tpu.memory_space<vmem>>, vector<1x16xf32>,
        %get3A_822 = vector.shape_cast %get3A_821 : vector<1x16xf32> to vector<16xf32>
        %max3A_823 = arith.constant 0.000000e+00 : f32
        %max3A_824 = vector.broadcast %max3A_823 : f32 to vector<16xf32>
        %max3A_825 = arith.maximumf %get3A_822, %max3A_824 : vector<16xf32>
        %swap3A_826 = arith.index_cast %add3A_809 : i32 to index
        %swap3A_827 = arith.constant 16 : index
        %swap3A_828 = tpu.vector_load %arg13[%swap3A_826, %swap3A_827] {strides = array<i32>} : memref<80x64xf32, #tpu.memory_space<vmem>>, vector<1x16xf32>,
        %swap3A_829 = vector.shape_cast %swap3A_828 : vector<1x16xf32> to vector<16xf32>
        %swap3A_830 = vector.shape_cast %max3A_825 : vector<16xf32> to vector<1x16xf32>
        tpu.vector_store %arg13[%swap3A_826, %swap3A_827], %swap3A_830 {strides = array<i32>} : memref<80x64xf32, #tpu.memory_space<vmem>>, vector<1x16xf32>,
        %get3A_831 = arith.index_cast %add3A_809 : i32 to index
        %get3A_832 = arith.constant 32 : index
        %get3A_833 = tpu.vector_load %arg11[%get3A_831, %get3A_832] {strides = array<i32>} : memref<80x64xf32, #tpu.memory_space<vmem>>, vector<1x16xf32>,
        %get3A_834 = vector.shape_cast %get3A_833 : vector<1x16xf32> to vector<16xf32>
        %max3A_835 = arith.constant 0.000000e+00 : f32
        %max3A_836 = vector.broadcast %max3A_835 : f32 to vector<16xf32>
        %max3A_837 = arith.maximumf %get3A_834, %max3A_836 : vector<16xf32>
        %swap3A_838 = arith.index_cast %add3A_809 : i32 to index
        %swap3A_839 = arith.constant 32 : index
        %swap3A_840 = tpu.vector_load %arg13[%swap3A_838, %swap3A_839] {strides = array<i32>} : memref<80x64xf32, #tpu.memory_space<vmem>>, vector<1x16xf32>,
        %swap3A_841 = vector.shape_cast %swap3A_840 : vector<1x16xf32> to vector<16xf32>
        %swap3A_842 = vector.shape_cast %max3A_837 : vector<16xf32> to vector<1x16xf32>
        tpu.vector_store %arg13[%swap3A_838, %swap3A_839], %swap3A_842 {strides = array<i32>} : memref<80x64xf32, #tpu.memory_space<vmem>>, vector<1x16xf32>,
        %get3A_843 = arith.index_cast %add3A_809 : i32 to index
        %get3A_844 = arith.constant 48 : index
        %get3A_845 = tpu.vector_load %arg11[%get3A_843, %get3A_844] {strides = array<i32>} : memref<80x64xf32, #tpu.memory_space<vmem>>, vector<1x16xf32>,
        %get3A_846 = vector.shape_cast %get3A_845 : vector<1x16xf32> to vector<16xf32>
        %max3A_847 = arith.constant 0.000000e+00 : f32
        %max3A_848 = vector.broadcast %max3A_847 : f32 to vector<16xf32>
        %max3A_849 = arith.maximumf %get3A_846, %max3A_848 : vector<16xf32>
        %swap3A_850 = arith.index_cast %add3A_809 : i32 to index
        %swap3A_851 = arith.constant 48 : index
        %swap3A_852 = tpu.vector_load %arg13[%swap3A_850, %swap3A_851] {strides = array<i32>} : memref<80x64xf32, #tpu.memory_space<vmem>>, vector<1x16xf32>,
        %swap3A_853 = vector.shape_cast %swap3A_852 : vector<1x16xf32> to vector<16xf32>
        %swap3A_854 = vector.shape_cast %max3A_849 : vector<16xf32> to vector<1x16xf32>
        tpu.vector_store %arg13[%swap3A_850, %swap3A_851], %swap3A_854 {strides = array<i32>} : memref<80x64xf32, #tpu.memory_space<vmem>>, vector<1x16xf32>,
      }
      %scan3A_695 = arith.constant 80 : i32
      %add3A_696 = arith.constant 4 : i32
      %add3A_697 = arith.addi %add3A_674, %add3A_696 : i32
      %mul3A_698 = arith.constant 80 : i32
      %mul3A_699 = arith.muli %add3A_697, %mul3A_698 : i32
      %dma_start3A_700 = tpu.memref_slice %arg7[%mul3A_699] : memref<20000xi32, #tpu.memory_space<vmem>> -> memref<80xi32, #tpu.memory_space<vmem>>
      %dma_start3A_701 = arith.constant 0 : i32
      %dma_start3A_702 = arith.constant 0 : i32
      %dma_start3A_703 = tpu.memref_slice %arg2[%arg0, %dma_start3A_701, %dma_start3A_702] : memref<2x10000x64xf32, #tpu.memory_space<hbm>> -> memref<1x10000x64xf32, #tpu.memory_space<hbm>>
      %dma_start3A_704 = tpu.memref_squeeze %dma_start3A_703 : memref<1x10000x64xf32, #tpu.memory_space<hbm>> -> memref<10000x64xf32, #tpu.memory_space<hbm>>
      %dma_start3A_705 = arith.constant 0 : i32
      %dma_start3A_706 = arith.constant 0 : i32
      %dma_start3A_707 = tpu.memref_slice %dma_start3A_704[%dma_start3A_705, %dma_start3A_706] : memref<10000x64xf32, #tpu.memory_space<hbm>> -> memref<10000x64xf32, #tpu.memory_space<hbm>>
      tpu.enqueue_indirect_dma source(%dma_start3A_707 : memref<10000x64xf32, #tpu.memory_space<hbm>>) target(%arg11 : memref<80x64xf32, #tpu.memory_space<vmem>>) offsets(%dma_start3A_700 : memref<80xi32, #tpu.memory_space<vmem>>) semaphore(%arg18 : memref<!tpu.dma_semaphore, #tpu.memory_space<semaphore_mem>>)
      %mul3A_708 = arith.constant 80 : i32
      %mul3A_709 = arith.muli %add3A_674, %mul3A_708 : i32
      %dma_start3A_710 = tpu.memref_slice %arg8[%mul3A_709] : memref<20000xi32, #tpu.memory_space<vmem>> -> memref<80xi32, #tpu.memory_space<vmem>>
      %dma_start3A_711 = arith.constant 0 : i32
      %dma_start3A_712 = arith.constant 0 : i32
      %dma_start3A_713 = tpu.memref_slice %arg15[%dma_start3A_711, %dma_start3A_712] : memref<10000x64xf32, #tpu.memory_space<vmem_shared>> -> memref<10000x64xf32, #tpu.memory_space<vmem_shared>>
      tpu.enqueue_indirect_dma source(%arg13 : memref<80x64xf32, #tpu.memory_space<vmem>>) target(%dma_start3A_713 : memref<10000x64xf32, #tpu.memory_space<vmem_shared>>) offsets(%dma_start3A_710 : memref<80xi32, #tpu.memory_space<vmem>>) semaphore(%arg24 : memref<!tpu.dma_semaphore, #tpu.memory_space<semaphore_mem>>) {add = true}
      %add3A_714 = arith.constant 2 : i32
      %add3A_715 = arith.addi %add3A_674, %add3A_714 : i32
      %mul3A_716 = arith.constant 80 : i32
      %mul3A_717 = arith.muli %add3A_715, %mul3A_716 : i32
      %dma_wait3A_718 = tpu.memref_slice %arg7[%mul3A_717] : memref<20000xi32, #tpu.memory_space<vmem>> -> memref<80xi32, #tpu.memory_space<vmem>>
      %dma_wait3A_719 = arith.constant 0 : i32
      %dma_wait3A_720 = arith.constant 0 : i32
      %dma_wait3A_721 = tpu.memref_slice %arg2[%arg0, %dma_wait3A_719, %dma_wait3A_720] : memref<2x10000x64xf32, #tpu.memory_space<hbm>> -> memref<1x10000x64xf32, #tpu.memory_space<hbm>>
      %dma_wait3A_722 = tpu.memref_squeeze %dma_wait3A_721 : memref<1x10000x64xf32, #tpu.memory_space<hbm>> -> memref<10000x64xf32, #tpu.memory_space<hbm>>
      %dma_wait3A_723 = arith.constant 0 : i32
      %dma_wait3A_724 = arith.constant 0 : i32
      %dma_wait3A_725 = tpu.memref_slice %dma_wait3A_722[%dma_wait3A_723, %dma_wait3A_724] : memref<10000x64xf32, #tpu.memory_space<hbm>> -> memref<10000x64xf32, #tpu.memory_space<hbm>>
      tpu.wait_indirect_dma semaphore(%arg16 : memref<!tpu.dma_semaphore, #tpu.memory_space<semaphore_mem>>) src(%dma_wait3A_725 : memref<10000x64xf32, #tpu.memory_space<hbm>>) dst(%arg9 : memref<80x64xf32, #tpu.memory_space<vmem>>)
      %add3A_726 = arith.constant 2 : i32
      %add3A_727 = arith.addi %add3A_674, %add3A_726 : i32
      %mul3A_728 = arith.constant 80 : i32
      %mul3A_729 = arith.muli %add3A_727, %mul3A_728 : i32
      %dma_start3A_730 = tpu.memref_slice %arg8[%mul3A_729] : memref<20000xi32, #tpu.memory_space<vmem>> -> memref<80xi32, #tpu.memory_space<vmem>>
      %dma_start3A_731 = arith.constant 0 : i32
      %dma_start3A_732 = arith.constant 0 : i32
      %dma_start3A_733 = tpu.memref_slice %arg3[%arg0, %dma_start3A_731, %dma_start3A_732] : memref<2x10000x64xf32, #tpu.memory_space<hbm>> -> memref<1x10000x64xf32, #tpu.memory_space<hbm>>
      %dma_start3A_734 = tpu.memref_squeeze %dma_start3A_733 : memref<1x10000x64xf32, #tpu.memory_space<hbm>> -> memref<10000x64xf32, #tpu.memory_space<hbm>>
      %dma_start3A_735 = arith.constant 0 : i32
      %dma_start3A_736 = arith.constant 0 : i32
      %dma_start3A_737 = tpu.memref_slice %dma_start3A_734[%dma_start3A_735, %dma_start3A_736] : memref<10000x64xf32, #tpu.memory_space<hbm>> -> memref<10000x64xf32, #tpu.memory_space<hbm>>
      tpu.enqueue_indirect_dma source(%dma_start3A_737 : memref<10000x64xf32, #tpu.memory_space<hbm>>) target(%arg9 : memref<80x64xf32, #tpu.memory_space<vmem>>) offsets(%dma_start3A_730 : memref<80xi32, #tpu.memory_space<vmem>>) semaphore(%arg20 : memref<!tpu.dma_semaphore, #tpu.memory_space<semaphore_mem>>) {add = true}
      %mul3A_738 = arith.constant 4 : i32
      %mul3A_739 = arith.muli %add3A_536, %mul3A_738 : i32
      %add3A_740 = arith.constant 3 : i32
      %add3A_741 = arith.addi %mul3A_739, %add3A_740 : i32
      %mul3A_742 = arith.constant 80 : i32
      %mul3A_743 = arith.muli %add3A_741, %mul3A_742 : i32
      %dma_wait3A_744 = tpu.memref_slice %arg8[%mul3A_743] : memref<20000xi32, #tpu.memory_space<vmem>> -> memref<80xi32, #tpu.memory_space<vmem>>
      %dma_wait3A_745 = arith.constant 0 : i32
      %dma_wait3A_746 = arith.constant 0 : i32
      %dma_wait3A_747 = tpu.memref_slice %arg3[%arg0, %dma_wait3A_745, %dma_wait3A_746] : memref<2x10000x64xf32, #tpu.memory_space<hbm>> -> memref<1x10000x64xf32, #tpu.memory_space<hbm>>
      %dma_wait3A_748 = tpu.memref_squeeze %dma_wait3A_747 : memref<1x10000x64xf32, #tpu.memory_space<hbm>> -> memref<10000x64xf32, #tpu.memory_space<hbm>>
      %dma_wait3A_749 = arith.constant 0 : i32
      %dma_wait3A_750 = arith.constant 0 : i32
      %dma_wait3A_751 = tpu.memref_slice %dma_wait3A_748[%dma_wait3A_749, %dma_wait3A_750] : memref<10000x64xf32, #tpu.memory_space<hbm>> -> memref<10000x64xf32, #tpu.memory_space<hbm>>
      tpu.wait_indirect_dma semaphore(%arg23 : memref<!tpu.dma_semaphore, #tpu.memory_space<semaphore_mem>>) src(%dma_wait3A_751 : memref<10000x64xf32, #tpu.memory_space<hbm>>) dst(%arg12 : memref<80x64xf32, #tpu.memory_space<vmem>>)
      %mul3A_752 = arith.constant 80 : i32
      %mul3A_753 = arith.muli %add3A_741, %mul3A_752 : i32
      %dma_wait3A_754 = tpu.memref_slice %arg8[%mul3A_753] : memref<20000xi32, #tpu.memory_space<vmem>> -> memref<80xi32, #tpu.memory_space<vmem>>
      %dma_wait3A_755 = arith.constant 0 : i32
      %dma_wait3A_756 = arith.constant 0 : i32
      %dma_wait3A_757 = tpu.memref_slice %arg15[%dma_wait3A_755, %dma_wait3A_756] : memref<10000x64xf32, #tpu.memory_space<vmem_shared>> -> memref<10000x64xf32, #tpu.memory_space<vmem_shared>>
      tpu.wait_indirect_dma semaphore(%arg25 : memref<!tpu.dma_semaphore, #tpu.memory_space<semaphore_mem>>) src(%arg14 : memref<80x64xf32, #tpu.memory_space<vmem>>) dst(%dma_wait3A_757 : memref<10000x64xf32, #tpu.memory_space<vmem_shared>>)
      %scan3A_758 = arith.constant 0 : i32
      %scan3A_759 = arith.constant 80 : i32
      %scan3A_760 = arith.addi %scan3A_758, %scan3A_759 : i32
      %scan3A_761 = arith.constant 1 : i32
      scf.for %scan3A_805 = %scan3A_758 to %scan3A_760 step %scan3A_761  : i32 {
        %mul3A_806 = arith.constant 1 : i32
        %mul3A_807 = arith.muli %scan3A_805, %mul3A_806 : i32
        %add3A_808 = arith.constant 0 : i32
        %add3A_809 = arith.addi %add3A_808, %mul3A_807 : i32
        %get3A = arith.index_cast %add3A_809 : i32 to index
        %get3A_810 = arith.constant 0 : index
        %get3A_811 = tpu.vector_load %arg12[%get3A, %get3A_810] {strides = array<i32>} : memref<80x64xf32, #tpu.memory_space<vmem>>, vector<1x16xf32>,
        %get3A_812 = vector.shape_cast %get3A_811 : vector<1x16xf32> to vector<16xf32>
        %max3A = arith.constant 0.000000e+00 : f32
        %max3A_813 = vector.broadcast %max3A : f32 to vector<16xf32>
        %max3A_814 = arith.maximumf %get3A_812, %max3A_813 : vector<16xf32>
        %swap3A = arith.index_cast %add3A_809 : i32 to index
        %swap3A_815 = arith.constant 0 : index
        %swap3A_816 = tpu.vector_load %arg14[%swap3A, %swap3A_815] {strides = array<i32>} : memref<80x64xf32, #tpu.memory_space<vmem>>, vector<1x16xf32>,
        %swap3A_817 = vector.shape_cast %swap3A_816 : vector<1x16xf32> to vector<16xf32>
        %swap3A_818 = vector.shape_cast %max3A_814 : vector<16xf32> to vector<1x16xf32>
        tpu.vector_store %arg14[%swap3A, %swap3A_815], %swap3A_818 {strides = array<i32>} : memref<80x64xf32, #tpu.memory_space<vmem>>, vector<1x16xf32>,
        %get3A_819 = arith.index_cast %add3A_809 : i32 to index
        %get3A_820 = arith.constant 16 : index
        %get3A_821 = tpu.vector_load %arg12[%get3A_819, %get3A_820] {strides = array<i32>} : memref<80x64xf32, #tpu.memory_space<vmem>>, vector<1x16xf32>,
        %get3A_822 = vector.shape_cast %get3A_821 : vector<1x16xf32> to vector<16xf32>
        %max3A_823 = arith.constant 0.000000e+00 : f32
        %max3A_824 = vector.broadcast %max3A_823 : f32 to vector<16xf32>
        %max3A_825 = arith.maximumf %get3A_822, %max3A_824 : vector<16xf32>
        %swap3A_826 = arith.index_cast %add3A_809 : i32 to index
        %swap3A_827 = arith.constant 16 : index
        %swap3A_828 = tpu.vector_load %arg14[%swap3A_826, %swap3A_827] {strides = array<i32>} : memref<80x64xf32, #tpu.memory_space<vmem>>, vector<1x16xf32>,
        %swap3A_829 = vector.shape_cast %swap3A_828 : vector<1x16xf32> to vector<16xf32>
        %swap3A_830 = vector.shape_cast %max3A_825 : vector<16xf32> to vector<1x16xf32>
        tpu.vector_store %arg14[%swap3A_826, %swap3A_827], %swap3A_830 {strides = array<i32>} : memref<80x64xf32, #tpu.memory_space<vmem>>, vector<1x16xf32>,
        %get3A_831 = arith.index_cast %add3A_809 : i32 to index
        %get3A_832 = arith.constant 32 : index
        %get3A_833 = tpu.vector_load %arg12[%get3A_831, %get3A_832] {strides = array<i32>} : memref<80x64xf32, #tpu.memory_space<vmem>>, vector<1x16xf32>,
        %get3A_834 = vector.shape_cast %get3A_833 : vector<1x16xf32> to vector<16xf32>
        %max3A_835 = arith.constant 0.000000e+00 : f32
        %max3A_836 = vector.broadcast %max3A_835 : f32 to vector<16xf32>
        %max3A_837 = arith.maximumf %get3A_834, %max3A_836 : vector<16xf32>
        %swap3A_838 = arith.index_cast %add3A_809 : i32 to index
        %swap3A_839 = arith.constant 32 : index
        %swap3A_840 = tpu.vector_load %arg14[%swap3A_838, %swap3A_839] {strides = array<i32>} : memref<80x64xf32, #tpu.memory_space<vmem>>, vector<1x16xf32>,
        %swap3A_841 = vector.shape_cast %swap3A_840 : vector<1x16xf32> to vector<16xf32>
        %swap3A_842 = vector.shape_cast %max3A_837 : vector<16xf32> to vector<1x16xf32>
        tpu.vector_store %arg14[%swap3A_838, %swap3A_839], %swap3A_842 {strides = array<i32>} : memref<80x64xf32, #tpu.memory_space<vmem>>, vector<1x16xf32>,
        %get3A_843 = arith.index_cast %add3A_809 : i32 to index
        %get3A_844 = arith.constant 48 : index
        %get3A_845 = tpu.vector_load %arg12[%get3A_843, %get3A_844] {strides = array<i32>} : memref<80x64xf32, #tpu.memory_space<vmem>>, vector<1x16xf32>,
        %get3A_846 = vector.shape_cast %get3A_845 : vector<1x16xf32> to vector<16xf32>
        %max3A_847 = arith.constant 0.000000e+00 : f32
        %max3A_848 = vector.broadcast %max3A_847 : f32 to vector<16xf32>
        %max3A_849 = arith.maximumf %get3A_846, %max3A_848 : vector<16xf32>
        %swap3A_850 = arith.index_cast %add3A_809 : i32 to index
        %swap3A_851 = arith.constant 48 : index
        %swap3A_852 = tpu.vector_load %arg14[%swap3A_850, %swap3A_851] {strides = array<i32>} : memref<80x64xf32, #tpu.memory_space<vmem>>, vector<1x16xf32>,
        %swap3A_853 = vector.shape_cast %swap3A_852 : vector<1x16xf32> to vector<16xf32>
        %swap3A_854 = vector.shape_cast %max3A_849 : vector<16xf32> to vector<1x16xf32>
        tpu.vector_store %arg14[%swap3A_850, %swap3A_851], %swap3A_854 {strides = array<i32>} : memref<80x64xf32, #tpu.memory_space<vmem>>, vector<1x16xf32>,
      }
      %scan3A_762 = arith.constant 80 : i32
      %add3A_763 = arith.constant 4 : i32
      %add3A_764 = arith.addi %add3A_741, %add3A_763 : i32
      %mul3A_765 = arith.constant 80 : i32
      %mul3A_766 = arith.muli %add3A_764, %mul3A_765 : i32
      %dma_start3A_767 = tpu.memref_slice %arg7[%mul3A_766] : memref<20000xi32, #tpu.memory_space<vmem>> -> memref<80xi32, #tpu.memory_space<vmem>>
      %dma_start3A_768 = arith.constant 0 : i32
      %dma_start3A_769 = arith.constant 0 : i32
      %dma_start3A_770 = tpu.memref_slice %arg2[%arg0, %dma_start3A_768, %dma_start3A_769] : memref<2x10000x64xf32, #tpu.memory_space<hbm>> -> memref<1x10000x64xf32, #tpu.memory_space<hbm>>
      %dma_start3A_771 = tpu.memref_squeeze %dma_start3A_770 : memref<1x10000x64xf32, #tpu.memory_space<hbm>> -> memref<10000x64xf32, #tpu.memory_space<hbm>>
      %dma_start3A_772 = arith.constant 0 : i32
      %dma_start3A_773 = arith.constant 0 : i32
      %dma_start3A_774 = tpu.memref_slice %dma_start3A_771[%dma_start3A_772, %dma_start3A_773] : memref<10000x64xf32, #tpu.memory_space<hbm>> -> memref<10000x64xf32, #tpu.memory_space<hbm>>
      tpu.enqueue_indirect_dma source(%dma_start3A_774 : memref<10000x64xf32, #tpu.memory_space<hbm>>) target(%arg12 : memref<80x64xf32, #tpu.memory_space<vmem>>) offsets(%dma_start3A_767 : memref<80xi32, #tpu.memory_space<vmem>>) semaphore(%arg19 : memref<!tpu.dma_semaphore, #tpu.memory_space<semaphore_mem>>)
      %mul3A_775 = arith.constant 80 : i32
      %mul3A_776 = arith.muli %add3A_741, %mul3A_775 : i32
      %dma_start3A_777 = tpu.memref_slice %arg8[%mul3A_776] : memref<20000xi32, #tpu.memory_space<vmem>> -> memref<80xi32, #tpu.memory_space<vmem>>
      %dma_start3A_778 = arith.constant 0 : i32
      %dma_start3A_779 = arith.constant 0 : i32
      %dma_start3A_780 = tpu.memref_slice %arg15[%dma_start3A_778, %dma_start3A_779] : memref<10000x64xf32, #tpu.memory_space<vmem_shared>> -> memref<10000x64xf32, #tpu.memory_space<vmem_shared>>
      tpu.enqueue_indirect_dma source(%arg14 : memref<80x64xf32, #tpu.memory_space<vmem>>) target(%dma_start3A_780 : memref<10000x64xf32, #tpu.memory_space<vmem_shared>>) offsets(%dma_start3A_777 : memref<80xi32, #tpu.memory_space<vmem>>) semaphore(%arg25 : memref<!tpu.dma_semaphore, #tpu.memory_space<semaphore_mem>>) {add = true}
      %add3A_781 = arith.constant 2 : i32
      %add3A_782 = arith.addi %add3A_741, %add3A_781 : i32
      %mul3A_783 = arith.constant 80 : i32
      %mul3A_784 = arith.muli %add3A_782, %mul3A_783 : i32
      %dma_wait3A_785 = tpu.memref_slice %arg7[%mul3A_784] : memref<20000xi32, #tpu.memory_space<vmem>> -> memref<80xi32, #tpu.memory_space<vmem>>
      %dma_wait3A_786 = arith.constant 0 : i32
      %dma_wait3A_787 = arith.constant 0 : i32
      %dma_wait3A_788 = tpu.memref_slice %arg2[%arg0, %dma_wait3A_786, %dma_wait3A_787] : memref<2x10000x64xf32, #tpu.memory_space<hbm>> -> memref<1x10000x64xf32, #tpu.memory_space<hbm>>
      %dma_wait3A_789 = tpu.memref_squeeze %dma_wait3A_788 : memref<1x10000x64xf32, #tpu.memory_space<hbm>> -> memref<10000x64xf32, #tpu.memory_space<hbm>>
      %dma_wait3A_790 = arith.constant 0 : i32
      %dma_wait3A_791 = arith.constant 0 : i32
      %dma_wait3A_792 = tpu.memref_slice %dma_wait3A_789[%dma_wait3A_790, %dma_wait3A_791] : memref<10000x64xf32, #tpu.memory_space<hbm>> -> memref<10000x64xf32, #tpu.memory_space<hbm>>
      tpu.wait_indirect_dma semaphore(%arg17 : memref<!tpu.dma_semaphore, #tpu.memory_space<semaphore_mem>>) src(%dma_wait3A_792 : memref<10000x64xf32, #tpu.memory_space<hbm>>) dst(%arg10 : memref<80x64xf32, #tpu.memory_space<vmem>>)
      %add3A_793 = arith.constant 2 : i32
      %add3A_794 = arith.addi %add3A_741, %add3A_793 : i32
      %mul3A_795 = arith.constant 80 : i32
      %mul3A_796 = arith.muli %add3A_794, %mul3A_795 : i32
      %dma_start3A_797 = tpu.memref_slice %arg8[%mul3A_796] : memref<20000xi32, #tpu.memory_space<vmem>> -> memref<80xi32, #tpu.memory_space<vmem>>
      %dma_start3A_798 = arith.constant 0 : i32
      %dma_start3A_799 = arith.constant 0 : i32
      %dma_start3A_800 = tpu.memref_slice %arg3[%arg0, %dma_start3A_798, %dma_start3A_799] : memref<2x10000x64xf32, #tpu.memory_space<hbm>> -> memref<1x10000x64xf32, #tpu.memory_space<hbm>>
      %dma_start3A_801 = tpu.memref_squeeze %dma_start3A_800 : memref<1x10000x64xf32, #tpu.memory_space<hbm>> -> memref<10000x64xf32, #tpu.memory_space<hbm>>
      %dma_start3A_802 = arith.constant 0 : i32
      %dma_start3A_803 = arith.constant 0 : i32
      %dma_start3A_804 = tpu.memref_slice %dma_start3A_801[%dma_start3A_802, %dma_start3A_803] : memref<10000x64xf32, #tpu.memory_space<hbm>> -> memref<10000x64xf32, #tpu.memory_space<hbm>>
      tpu.enqueue_indirect_dma source(%dma_start3A_804 : memref<10000x64xf32, #tpu.memory_space<hbm>>) target(%arg10 : memref<80x64xf32, #tpu.memory_space<vmem>>) offsets(%dma_start3A_797 : memref<80xi32, #tpu.memory_space<vmem>>) semaphore(%arg21 : memref<!tpu.dma_semaphore, #tpu.memory_space<semaphore_mem>>) {add = true}
    }
    %scan3A_277 = arith.constant 60 : i32
    %dma_wait3A_278 = arith.constant 19520 : i32
    %dma_wait3A_279 = tpu.memref_slice %arg8[%dma_wait3A_278] : memref<20000xi32, #tpu.memory_space<vmem>> -> memref<80xi32, #tpu.memory_space<vmem>>
    %dma_wait3A_280 = arith.constant 0 : i32
    %dma_wait3A_281 = arith.constant 0 : i32
    %dma_wait3A_282 = tpu.memref_slice %arg3[%arg0, %dma_wait3A_280, %dma_wait3A_281] : memref<2x10000x64xf32, #tpu.memory_space<hbm>> -> memref<1x10000x64xf32, #tpu.memory_space<hbm>>
    %dma_wait3A_283 = tpu.memref_squeeze %dma_wait3A_282 : memref<1x10000x64xf32, #tpu.memory_space<hbm>> -> memref<10000x64xf32, #tpu.memory_space<hbm>>
    %dma_wait3A_284 = arith.constant 0 : i32
    %dma_wait3A_285 = arith.constant 0 : i32
    %dma_wait3A_286 = tpu.memref_slice %dma_wait3A_283[%dma_wait3A_284, %dma_wait3A_285] : memref<10000x64xf32, #tpu.memory_space<hbm>> -> memref<10000x64xf32, #tpu.memory_space<hbm>>
    tpu.wait_indirect_dma semaphore(%arg20 : memref<!tpu.dma_semaphore, #tpu.memory_space<semaphore_mem>>) src(%dma_wait3A_286 : memref<10000x64xf32, #tpu.memory_space<hbm>>) dst(%arg9 : memref<80x64xf32, #tpu.memory_space<vmem>>)
    %dma_wait3A_287 = arith.constant 19520 : i32
    %dma_wait3A_288 = tpu.memref_slice %arg8[%dma_wait3A_287] : memref<20000xi32, #tpu.memory_space<vmem>> -> memref<80xi32, #tpu.memory_space<vmem>>
    %dma_wait3A_289 = arith.constant 0 : i32
    %dma_wait3A_290 = arith.constant 0 : i32
    %dma_wait3A_291 = tpu.memref_slice %arg15[%dma_wait3A_289, %dma_wait3A_290] : memref<10000x64xf32, #tpu.memory_space<vmem_shared>> -> memref<10000x64xf32, #tpu.memory_space<vmem_shared>>
    tpu.wait_indirect_dma semaphore(%arg24 : memref<!tpu.dma_semaphore, #tpu.memory_space<semaphore_mem>>) src(%arg13 : memref<80x64xf32, #tpu.memory_space<vmem>>) dst(%dma_wait3A_291 : memref<10000x64xf32, #tpu.memory_space<vmem_shared>>)
    %scan3A_292 = arith.constant 0 : i32
    %scan3A_293 = arith.constant 80 : i32
    %scan3A_294 = arith.addi %scan3A_292, %scan3A_293 : i32
    %scan3A_295 = arith.constant 1 : i32
    scf.for %scan3A_533 = %scan3A_292 to %scan3A_294 step %scan3A_295  : i32 {
      %mul3A_534 = arith.constant 1 : i32
      %mul3A_535 = arith.muli %scan3A_533, %mul3A_534 : i32
      %add3A = arith.constant 0 : i32
      %add3A_536 = arith.addi %add3A, %mul3A_535 : i32
      %get3A = arith.index_cast %add3A_536 : i32 to index
      %get3A_537 = arith.constant 0 : index
      %get3A_538 = tpu.vector_load %arg9[%get3A, %get3A_537] {strides = array<i32>} : memref<80x64xf32, #tpu.memory_space<vmem>>, vector<1x16xf32>,
      %get3A_539 = vector.shape_cast %get3A_538 : vector<1x16xf32> to vector<16xf32>
      %max3A = arith.constant 0.000000e+00 : f32
      %max3A_540 = vector.broadcast %max3A : f32 to vector<16xf32>
      %max3A_541 = arith.maximumf %get3A_539, %max3A_540 : vector<16xf32>
      %swap3A = arith.index_cast %add3A_536 : i32 to index
      %swap3A_542 = arith.constant 0 : index
      %swap3A_543 = tpu.vector_load %arg13[%swap3A, %swap3A_542] {strides = array<i32>} : memref<80x64xf32, #tpu.memory_space<vmem>>, vector<1x16xf32>,
      %swap3A_544 = vector.shape_cast %swap3A_543 : vector<1x16xf32> to vector<16xf32>
      %swap3A_545 = vector.shape_cast %max3A_541 : vector<16xf32> to vector<1x16xf32>
      tpu.vector_store %arg13[%swap3A, %swap3A_542], %swap3A_545 {strides = array<i32>} : memref<80x64xf32, #tpu.memory_space<vmem>>, vector<1x16xf32>,
      %get3A_546 = arith.index_cast %add3A_536 : i32 to index
      %get3A_547 = arith.constant 16 : index
      %get3A_548 = tpu.vector_load %arg9[%get3A_546, %get3A_547] {strides = array<i32>} : memref<80x64xf32, #tpu.memory_space<vmem>>, vector<1x16xf32>,
      %get3A_549 = vector.shape_cast %get3A_548 : vector<1x16xf32> to vector<16xf32>
      %max3A_550 = arith.constant 0.000000e+00 : f32
      %max3A_551 = vector.broadcast %max3A_550 : f32 to vector<16xf32>
      %max3A_552 = arith.maximumf %get3A_549, %max3A_551 : vector<16xf32>
      %swap3A_553 = arith.index_cast %add3A_536 : i32 to index
      %swap3A_554 = arith.constant 16 : index
      %swap3A_555 = tpu.vector_load %arg13[%swap3A_553, %swap3A_554] {strides = array<i32>} : memref<80x64xf32, #tpu.memory_space<vmem>>, vector<1x16xf32>,
      %swap3A_556 = vector.shape_cast %swap3A_555 : vector<1x16xf32> to vector<16xf32>
      %swap3A_557 = vector.shape_cast %max3A_552 : vector<16xf32> to vector<1x16xf32>
      tpu.vector_store %arg13[%swap3A_553, %swap3A_554], %swap3A_557 {strides = array<i32>} : memref<80x64xf32, #tpu.memory_space<vmem>>, vector<1x16xf32>,
      %get3A_558 = arith.index_cast %add3A_536 : i32 to index
      %get3A_559 = arith.constant 32 : index
      %get3A_560 = tpu.vector_load %arg9[%get3A_558, %get3A_559] {strides = array<i32>} : memref<80x64xf32, #tpu.memory_space<vmem>>, vector<1x16xf32>,
      %get3A_561 = vector.shape_cast %get3A_560 : vector<1x16xf32> to vector<16xf32>
      %max3A_562 = arith.constant 0.000000e+00 : f32
      %max3A_563 = vector.broadcast %max3A_562 : f32 to vector<16xf32>
      %max3A_564 = arith.maximumf %get3A_561, %max3A_563 : vector<16xf32>
      %swap3A_565 = arith.index_cast %add3A_536 : i32 to index
      %swap3A_566 = arith.constant 32 : index
      %swap3A_567 = tpu.vector_load %arg13[%swap3A_565, %swap3A_566] {strides = array<i32>} : memref<80x64xf32, #tpu.memory_space<vmem>>, vector<1x16xf32>,
      %swap3A_568 = vector.shape_cast %swap3A_567 : vector<1x16xf32> to vector<16xf32>
      %swap3A_569 = vector.shape_cast %max3A_564 : vector<16xf32> to vector<1x16xf32>
      tpu.vector_store %arg13[%swap3A_565, %swap3A_566], %swap3A_569 {strides = array<i32>} : memref<80x64xf32, #tpu.memory_space<vmem>>, vector<1x16xf32>,
      %get3A_570 = arith.index_cast %add3A_536 : i32 to index
      %get3A_571 = arith.constant 48 : index
      %get3A_572 = tpu.vector_load %arg9[%get3A_570, %get3A_571] {strides = array<i32>} : memref<80x64xf32, #tpu.memory_space<vmem>>, vector<1x16xf32>,
      %get3A_573 = vector.shape_cast %get3A_572 : vector<1x16xf32> to vector<16xf32>
      %max3A_574 = arith.constant 0.000000e+00 : f32
      %max3A_575 = vector.broadcast %max3A_574 : f32 to vector<16xf32>
      %max3A_576 = arith.maximumf %get3A_573, %max3A_575 : vector<16xf32>
      %swap3A_577 = arith.index_cast %add3A_536 : i32 to index
      %swap3A_578 = arith.constant 48 : index
      %swap3A_579 = tpu.vector_load %arg13[%swap3A_577, %swap3A_578] {strides = array<i32>} : memref<80x64xf32, #tpu.memory_space<vmem>>, vector<1x16xf32>,
      %swap3A_580 = vector.shape_cast %swap3A_579 : vector<1x16xf32> to vector<16xf32>
      %swap3A_581 = vector.shape_cast %max3A_576 : vector<16xf32> to vector<1x16xf32>
      tpu.vector_store %arg13[%swap3A_577, %swap3A_578], %swap3A_581 {strides = array<i32>} : memref<80x64xf32, #tpu.memory_space<vmem>>, vector<1x16xf32>,
    }
    %scan3A_296 = arith.constant 80 : i32
    %dma_start3A_297 = arith.constant 19840 : i32
    %dma_start3A_298 = tpu.memref_slice %arg7[%dma_start3A_297] : memref<20000xi32, #tpu.memory_space<vmem>> -> memref<80xi32, #tpu.memory_space<vmem>>
    %dma_start3A_299 = arith.constant 0 : i32
    %dma_start3A_300 = arith.constant 0 : i32
    %dma_start3A_301 = tpu.memref_slice %arg2[%arg0, %dma_start3A_299, %dma_start3A_300] : memref<2x10000x64xf32, #tpu.memory_space<hbm>> -> memref<1x10000x64xf32, #tpu.memory_space<hbm>>
    %dma_start3A_302 = tpu.memref_squeeze %dma_start3A_301 : memref<1x10000x64xf32, #tpu.memory_space<hbm>> -> memref<10000x64xf32, #tpu.memory_space<hbm>>
    %dma_start3A_303 = arith.constant 0 : i32
    %dma_start3A_304 = arith.constant 0 : i32
    %dma_start3A_305 = tpu.memref_slice %dma_start3A_302[%dma_start3A_303, %dma_start3A_304] : memref<10000x64xf32, #tpu.memory_space<hbm>> -> memref<10000x64xf32, #tpu.memory_space<hbm>>
    tpu.enqueue_indirect_dma source(%dma_start3A_305 : memref<10000x64xf32, #tpu.memory_space<hbm>>) target(%arg9 : memref<80x64xf32, #tpu.memory_space<vmem>>) offsets(%dma_start3A_298 : memref<80xi32, #tpu.memory_space<vmem>>) semaphore(%arg16 : memref<!tpu.dma_semaphore, #tpu.memory_space<semaphore_mem>>)
    %dma_start3A_306 = arith.constant 19520 : i32
    %dma_start3A_307 = tpu.memref_slice %arg8[%dma_start3A_306] : memref<20000xi32, #tpu.memory_space<vmem>> -> memref<80xi32, #tpu.memory_space<vmem>>
    %dma_start3A_308 = arith.constant 0 : i32
    %dma_start3A_309 = arith.constant 0 : i32
    %dma_start3A_310 = tpu.memref_slice %arg15[%dma_start3A_308, %dma_start3A_309] : memref<10000x64xf32, #tpu.memory_space<vmem_shared>> -> memref<10000x64xf32, #tpu.memory_space<vmem_shared>>
    tpu.enqueue_indirect_dma source(%arg13 : memref<80x64xf32, #tpu.memory_space<vmem>>) target(%dma_start3A_310 : memref<10000x64xf32, #tpu.memory_space<vmem_shared>>) offsets(%dma_start3A_307 : memref<80xi32, #tpu.memory_space<vmem>>) semaphore(%arg24 : memref<!tpu.dma_semaphore, #tpu.memory_space<semaphore_mem>>) {add = true}
    %dma_wait3A_311 = arith.constant 19680 : i32
    %dma_wait3A_312 = tpu.memref_slice %arg7[%dma_wait3A_311] : memref<20000xi32, #tpu.memory_space<vmem>> -> memref<80xi32, #tpu.memory_space<vmem>>
    %dma_wait3A_313 = arith.constant 0 : i32
    %dma_wait3A_314 = arith.constant 0 : i32
    %dma_wait3A_315 = tpu.memref_slice %arg2[%arg0, %dma_wait3A_313, %dma_wait3A_314] : memref<2x10000x64xf32, #tpu.memory_space<hbm>> -> memref<1x10000x64xf32, #tpu.memory_space<hbm>>
    %dma_wait3A_316 = tpu.memref_squeeze %dma_wait3A_315 : memref<1x10000x64xf32, #tpu.memory_space<hbm>> -> memref<10000x64xf32, #tpu.memory_space<hbm>>
    %dma_wait3A_317 = arith.constant 0 : i32
    %dma_wait3A_318 = arith.constant 0 : i32
    %dma_wait3A_319 = tpu.memref_slice %dma_wait3A_316[%dma_wait3A_317, %dma_wait3A_318] : memref<10000x64xf32, #tpu.memory_space<hbm>> -> memref<10000x64xf32, #tpu.memory_space<hbm>>
    tpu.wait_indirect_dma semaphore(%arg18 : memref<!tpu.dma_semaphore, #tpu.memory_space<semaphore_mem>>) src(%dma_wait3A_319 : memref<10000x64xf32, #tpu.memory_space<hbm>>) dst(%arg11 : memref<80x64xf32, #tpu.memory_space<vmem>>)
    %dma_start3A_320 = arith.constant 19680 : i32
    %dma_start3A_321 = tpu.memref_slice %arg8[%dma_start3A_320] : memref<20000xi32, #tpu.memory_space<vmem>> -> memref<80xi32, #tpu.memory_space<vmem>>
    %dma_start3A_322 = arith.constant 0 : i32
    %dma_start3A_323 = arith.constant 0 : i32
    %dma_start3A_324 = tpu.memref_slice %arg3[%arg0, %dma_start3A_322, %dma_start3A_323] : memref<2x10000x64xf32, #tpu.memory_space<hbm>> -> memref<1x10000x64xf32, #tpu.memory_space<hbm>>
    %dma_start3A_325 = tpu.memref_squeeze %dma_start3A_324 : memref<1x10000x64xf32, #tpu.memory_space<hbm>> -> memref<10000x64xf32, #tpu.memory_space<hbm>>
    %dma_start3A_326 = arith.constant 0 : i32
    %dma_start3A_327 = arith.constant 0 : i32
    %dma_start3A_328 = tpu.memref_slice %dma_start3A_325[%dma_start3A_326, %dma_start3A_327] : memref<10000x64xf32, #tpu.memory_space<hbm>> -> memref<10000x64xf32, #tpu.memory_space<hbm>>
    tpu.enqueue_indirect_dma source(%dma_start3A_328 : memref<10000x64xf32, #tpu.memory_space<hbm>>) target(%arg11 : memref<80x64xf32, #tpu.memory_space<vmem>>) offsets(%dma_start3A_321 : memref<80xi32, #tpu.memory_space<vmem>>) semaphore(%arg22 : memref<!tpu.dma_semaphore, #tpu.memory_space<semaphore_mem>>) {add = true}
    %dma_wait3A_329 = arith.constant 19600 : i32
    %dma_wait3A_330 = tpu.memref_slice %arg8[%dma_wait3A_329] : memref<20000xi32, #tpu.memory_space<vmem>> -> memref<80xi32, #tpu.memory_space<vmem>>
    %dma_wait3A_331 = arith.constant 0 : i32
    %dma_wait3A_332 = arith.constant 0 : i32
    %dma_wait3A_333 = tpu.memref_slice %arg3[%arg0, %dma_wait3A_331, %dma_wait3A_332] : memref<2x10000x64xf32, #tpu.memory_space<hbm>> -> memref<1x10000x64xf32, #tpu.memory_space<hbm>>
    %dma_wait3A_334 = tpu.memref_squeeze %dma_wait3A_333 : memref<1x10000x64xf32, #tpu.memory_space<hbm>> -> memref<10000x64xf32, #tpu.memory_space<hbm>>
    %dma_wait3A_335 = arith.constant 0 : i32
    %dma_wait3A_336 = arith.constant 0 : i32
    %dma_wait3A_337 = tpu.memref_slice %dma_wait3A_334[%dma_wait3A_335, %dma_wait3A_336] : memref<10000x64xf32, #tpu.memory_space<hbm>> -> memref<10000x64xf32, #tpu.memory_space<hbm>>
    tpu.wait_indirect_dma semaphore(%arg21 : memref<!tpu.dma_semaphore, #tpu.memory_space<semaphore_mem>>) src(%dma_wait3A_337 : memref<10000x64xf32, #tpu.memory_space<hbm>>) dst(%arg10 : memref<80x64xf32, #tpu.memory_space<vmem>>)
    %dma_wait3A_338 = arith.constant 19600 : i32
    %dma_wait3A_339 = tpu.memref_slice %arg8[%dma_wait3A_338] : memref<20000xi32, #tpu.memory_space<vmem>> -> memref<80xi32, #tpu.memory_space<vmem>>
    %dma_wait3A_340 = arith.constant 0 : i32
    %dma_wait3A_341 = arith.constant 0 : i32
    %dma_wait3A_342 = tpu.memref_slice %arg15[%dma_wait3A_340, %dma_wait3A_341] : memref<10000x64xf32, #tpu.memory_space<vmem_shared>> -> memref<10000x64xf32, #tpu.memory_space<vmem_shared>>
    tpu.wait_indirect_dma semaphore(%arg25 : memref<!tpu.dma_semaphore, #tpu.memory_space<semaphore_mem>>) src(%arg14 : memref<80x64xf32, #tpu.memory_space<vmem>>) dst(%dma_wait3A_342 : memref<10000x64xf32, #tpu.memory_space<vmem_shared>>)
    %scan3A_343 = arith.constant 0 : i32
    %scan3A_344 = arith.constant 80 : i32
    %scan3A_345 = arith.addi %scan3A_343, %scan3A_344 : i32
    %scan3A_346 = arith.constant 1 : i32
    scf.for %scan3A_533 = %scan3A_343 to %scan3A_345 step %scan3A_346  : i32 {
      %mul3A_534 = arith.constant 1 : i32
      %mul3A_535 = arith.muli %scan3A_533, %mul3A_534 : i32
      %add3A = arith.constant 0 : i32
      %add3A_536 = arith.addi %add3A, %mul3A_535 : i32
      %get3A = arith.index_cast %add3A_536 : i32 to index
      %get3A_537 = arith.constant 0 : index
      %get3A_538 = tpu.vector_load %arg10[%get3A, %get3A_537] {strides = array<i32>} : memref<80x64xf32, #tpu.memory_space<vmem>>, vector<1x16xf32>,
      %get3A_539 = vector.shape_cast %get3A_538 : vector<1x16xf32> to vector<16xf32>
      %max3A = arith.constant 0.000000e+00 : f32
      %max3A_540 = vector.broadcast %max3A : f32 to vector<16xf32>
      %max3A_541 = arith.maximumf %get3A_539, %max3A_540 : vector<16xf32>
      %swap3A = arith.index_cast %add3A_536 : i32 to index
      %swap3A_542 = arith.constant 0 : index
      %swap3A_543 = tpu.vector_load %arg14[%swap3A, %swap3A_542] {strides = array<i32>} : memref<80x64xf32, #tpu.memory_space<vmem>>, vector<1x16xf32>,
      %swap3A_544 = vector.shape_cast %swap3A_543 : vector<1x16xf32> to vector<16xf32>
      %swap3A_545 = vector.shape_cast %max3A_541 : vector<16xf32> to vector<1x16xf32>
      tpu.vector_store %arg14[%swap3A, %swap3A_542], %swap3A_545 {strides = array<i32>} : memref<80x64xf32, #tpu.memory_space<vmem>>, vector<1x16xf32>,
      %get3A_546 = arith.index_cast %add3A_536 : i32 to index
      %get3A_547 = arith.constant 16 : index
      %get3A_548 = tpu.vector_load %arg10[%get3A_546, %get3A_547] {strides = array<i32>} : memref<80x64xf32, #tpu.memory_space<vmem>>, vector<1x16xf32>,
      %get3A_549 = vector.shape_cast %get3A_548 : vector<1x16xf32> to vector<16xf32>
      %max3A_550 = arith.constant 0.000000e+00 : f32
      %max3A_551 = vector.broadcast %max3A_550 : f32 to vector<16xf32>
      %max3A_552 = arith.maximumf %get3A_549, %max3A_551 : vector<16xf32>
      %swap3A_553 = arith.index_cast %add3A_536 : i32 to index
      %swap3A_554 = arith.constant 16 : index
      %swap3A_555 = tpu.vector_load %arg14[%swap3A_553, %swap3A_554] {strides = array<i32>} : memref<80x64xf32, #tpu.memory_space<vmem>>, vector<1x16xf32>,
      %swap3A_556 = vector.shape_cast %swap3A_555 : vector<1x16xf32> to vector<16xf32>
      %swap3A_557 = vector.shape_cast %max3A_552 : vector<16xf32> to vector<1x16xf32>
      tpu.vector_store %arg14[%swap3A_553, %swap3A_554], %swap3A_557 {strides = array<i32>} : memref<80x64xf32, #tpu.memory_space<vmem>>, vector<1x16xf32>,
      %get3A_558 = arith.index_cast %add3A_536 : i32 to index
      %get3A_559 = arith.constant 32 : index
      %get3A_560 = tpu.vector_load %arg10[%get3A_558, %get3A_559] {strides = array<i32>} : memref<80x64xf32, #tpu.memory_space<vmem>>, vector<1x16xf32>,
      %get3A_561 = vector.shape_cast %get3A_560 : vector<1x16xf32> to vector<16xf32>
      %max3A_562 = arith.constant 0.000000e+00 : f32
      %max3A_563 = vector.broadcast %max3A_562 : f32 to vector<16xf32>
      %max3A_564 = arith.maximumf %get3A_561, %max3A_563 : vector<16xf32>
      %swap3A_565 = arith.index_cast %add3A_536 : i32 to index
      %swap3A_566 = arith.constant 32 : index
      %swap3A_567 = tpu.vector_load %arg14[%swap3A_565, %swap3A_566] {strides = array<i32>} : memref<80x64xf32, #tpu.memory_space<vmem>>, vector<1x16xf32>,
      %swap3A_568 = vector.shape_cast %swap3A_567 : vector<1x16xf32> to vector<16xf32>
      %swap3A_569 = vector.shape_cast %max3A_564 : vector<16xf32> to vector<1x16xf32>
      tpu.vector_store %arg14[%swap3A_565, %swap3A_566], %swap3A_569 {strides = array<i32>} : memref<80x64xf32, #tpu.memory_space<vmem>>, vector<1x16xf32>,
      %get3A_570 = arith.index_cast %add3A_536 : i32 to index
      %get3A_571 = arith.constant 48 : index
      %get3A_572 = tpu.vector_load %arg10[%get3A_570, %get3A_571] {strides = array<i32>} : memref<80x64xf32, #tpu.memory_space<vmem>>, vector<1x16xf32>,
      %get3A_573 = vector.shape_cast %get3A_572 : vector<1x16xf32> to vector<16xf32>
      %max3A_574 = arith.constant 0.000000e+00 : f32
      %max3A_575 = vector.broadcast %max3A_574 : f32 to vector<16xf32>
      %max3A_576 = arith.maximumf %get3A_573, %max3A_575 : vector<16xf32>
      %swap3A_577 = arith.index_cast %add3A_536 : i32 to index
      %swap3A_578 = arith.constant 48 : index
      %swap3A_579 = tpu.vector_load %arg14[%swap3A_577, %swap3A_578] {strides = array<i32>} : memref<80x64xf32, #tpu.memory_space<vmem>>, vector<1x16xf32>,
      %swap3A_580 = vector.shape_cast %swap3A_579 : vector<1x16xf32> to vector<16xf32>
      %swap3A_581 = vector.shape_cast %max3A_576 : vector<16xf32> to vector<1x16xf32>
      tpu.vector_store %arg14[%swap3A_577, %swap3A_578], %swap3A_581 {strides = array<i32>} : memref<80x64xf32, #tpu.memory_space<vmem>>, vector<1x16xf32>,
    }
    %scan3A_347 = arith.constant 80 : i32
    %dma_start3A_348 = arith.constant 19920 : i32
    %dma_start3A_349 = tpu.memref_slice %arg7[%dma_start3A_348] : memref<20000xi32, #tpu.memory_space<vmem>> -> memref<80xi32, #tpu.memory_space<vmem>>
    %dma_start3A_350 = arith.constant 0 : i32
    %dma_start3A_351 = arith.constant 0 : i32
    %dma_start3A_352 = tpu.memref_slice %arg2[%arg0, %dma_start3A_350, %dma_start3A_351] : memref<2x10000x64xf32, #tpu.memory_space<hbm>> -> memref<1x10000x64xf32, #tpu.memory_space<hbm>>
    %dma_start3A_353 = tpu.memref_squeeze %dma_start3A_352 : memref<1x10000x64xf32, #tpu.memory_space<hbm>> -> memref<10000x64xf32, #tpu.memory_space<hbm>>
    %dma_start3A_354 = arith.constant 0 : i32
    %dma_start3A_355 = arith.constant 0 : i32
    %dma_start3A_356 = tpu.memref_slice %dma_start3A_353[%dma_start3A_354, %dma_start3A_355] : memref<10000x64xf32, #tpu.memory_space<hbm>> -> memref<10000x64xf32, #tpu.memory_space<hbm>>
    tpu.enqueue_indirect_dma source(%dma_start3A_356 : memref<10000x64xf32, #tpu.memory_space<hbm>>) target(%arg10 : memref<80x64xf32, #tpu.memory_space<vmem>>) offsets(%dma_start3A_349 : memref<80xi32, #tpu.memory_space<vmem>>) semaphore(%arg17 : memref<!tpu.dma_semaphore, #tpu.memory_space<semaphore_mem>>)
    %dma_start3A_357 = arith.constant 19600 : i32
    %dma_start3A_358 = tpu.memref_slice %arg8[%dma_start3A_357] : memref<20000xi32, #tpu.memory_space<vmem>> -> memref<80xi32, #tpu.memory_space<vmem>>
    %dma_start3A_359 = arith.constant 0 : i32
    %dma_start3A_360 = arith.constant 0 : i32
    %dma_start3A_361 = tpu.memref_slice %arg15[%dma_start3A_359, %dma_start3A_360] : memref<10000x64xf32, #tpu.memory_space<vmem_shared>> -> memref<10000x64xf32, #tpu.memory_space<vmem_shared>>
    tpu.enqueue_indirect_dma source(%arg14 : memref<80x64xf32, #tpu.memory_space<vmem>>) target(%dma_start3A_361 : memref<10000x64xf32, #tpu.memory_space<vmem_shared>>) offsets(%dma_start3A_358 : memref<80xi32, #tpu.memory_space<vmem>>) semaphore(%arg25 : memref<!tpu.dma_semaphore, #tpu.memory_space<semaphore_mem>>) {add = true}
    %dma_wait3A_362 = arith.constant 19760 : i32
    %dma_wait3A_363 = tpu.memref_slice %arg7[%dma_wait3A_362] : memref<20000xi32, #tpu.memory_space<vmem>> -> memref<80xi32, #tpu.memory_space<vmem>>
    %dma_wait3A_364 = arith.constant 0 : i32
    %dma_wait3A_365 = arith.constant 0 : i32
    %dma_wait3A_366 = tpu.memref_slice %arg2[%arg0, %dma_wait3A_364, %dma_wait3A_365] : memref<2x10000x64xf32, #tpu.memory_space<hbm>> -> memref<1x10000x64xf32, #tpu.memory_space<hbm>>
    %dma_wait3A_367 = tpu.memref_squeeze %dma_wait3A_366 : memref<1x10000x64xf32, #tpu.memory_space<hbm>> -> memref<10000x64xf32, #tpu.memory_space<hbm>>
    %dma_wait3A_368 = arith.constant 0 : i32
    %dma_wait3A_369 = arith.constant 0 : i32
    %dma_wait3A_370 = tpu.memref_slice %dma_wait3A_367[%dma_wait3A_368, %dma_wait3A_369] : memref<10000x64xf32, #tpu.memory_space<hbm>> -> memref<10000x64xf32, #tpu.memory_space<hbm>>
    tpu.wait_indirect_dma semaphore(%arg19 : memref<!tpu.dma_semaphore, #tpu.memory_space<semaphore_mem>>) src(%dma_wait3A_370 : memref<10000x64xf32, #tpu.memory_space<hbm>>) dst(%arg12 : memref<80x64xf32, #tpu.memory_space<vmem>>)
    %dma_start3A_371 = arith.constant 19760 : i32
    %dma_start3A_372 = tpu.memref_slice %arg8[%dma_start3A_371] : memref<20000xi32, #tpu.memory_space<vmem>> -> memref<80xi32, #tpu.memory_space<vmem>>
    %dma_start3A_373 = arith.constant 0 : i32
    %dma_start3A_374 = arith.constant 0 : i32
    %dma_start3A_375 = tpu.memref_slice %arg3[%arg0, %dma_start3A_373, %dma_start3A_374] : memref<2x10000x64xf32, #tpu.memory_space<hbm>> -> memref<1x10000x64xf32, #tpu.memory_space<hbm>>
    %dma_start3A_376 = tpu.memref_squeeze %dma_start3A_375 : memref<1x10000x64xf32, #tpu.memory_space<hbm>> -> memref<10000x64xf32, #tpu.memory_space<hbm>>
    %dma_start3A_377 = arith.constant 0 : i32
    %dma_start3A_378 = arith.constant 0 : i32
    %dma_start3A_379 = tpu.memref_slice %dma_start3A_376[%dma_start3A_377, %dma_start3A_378] : memref<10000x64xf32, #tpu.memory_space<hbm>> -> memref<10000x64xf32, #tpu.memory_space<hbm>>
    tpu.enqueue_indirect_dma source(%dma_start3A_379 : memref<10000x64xf32, #tpu.memory_space<hbm>>) target(%arg12 : memref<80x64xf32, #tpu.memory_space<vmem>>) offsets(%dma_start3A_372 : memref<80xi32, #tpu.memory_space<vmem>>) semaphore(%arg23 : memref<!tpu.dma_semaphore, #tpu.memory_space<semaphore_mem>>) {add = true}
    %dma_wait3A_380 = arith.constant 19680 : i32
    %dma_wait3A_381 = tpu.memref_slice %arg8[%dma_wait3A_380] : memref<20000xi32, #tpu.memory_space<vmem>> -> memref<80xi32, #tpu.memory_space<vmem>>
    %dma_wait3A_382 = arith.constant 0 : i32
    %dma_wait3A_383 = arith.constant 0 : i32
    %dma_wait3A_384 = tpu.memref_slice %arg3[%arg0, %dma_wait3A_382, %dma_wait3A_383] : memref<2x10000x64xf32, #tpu.memory_space<hbm>> -> memref<1x10000x64xf32, #tpu.memory_space<hbm>>
    %dma_wait3A_385 = tpu.memref_squeeze %dma_wait3A_384 : memref<1x10000x64xf32, #tpu.memory_space<hbm>> -> memref<10000x64xf32, #tpu.memory_space<hbm>>
    %dma_wait3A_386 = arith.constant 0 : i32
    %dma_wait3A_387 = arith.constant 0 : i32
    %dma_wait3A_388 = tpu.memref_slice %dma_wait3A_385[%dma_wait3A_386, %dma_wait3A_387] : memref<10000x64xf32, #tpu.memory_space<hbm>> -> memref<10000x64xf32, #tpu.memory_space<hbm>>
    tpu.wait_indirect_dma semaphore(%arg22 : memref<!tpu.dma_semaphore, #tpu.memory_space<semaphore_mem>>) src(%dma_wait3A_388 : memref<10000x64xf32, #tpu.memory_space<hbm>>) dst(%arg11 : memref<80x64xf32, #tpu.memory_space<vmem>>)
    %dma_wait3A_389 = arith.constant 19680 : i32
    %dma_wait3A_390 = tpu.memref_slice %arg8[%dma_wait3A_389] : memref<20000xi32, #tpu.memory_space<vmem>> -> memref<80xi32, #tpu.memory_space<vmem>>
    %dma_wait3A_391 = arith.constant 0 : i32
    %dma_wait3A_392 = arith.constant 0 : i32
    %dma_wait3A_393 = tpu.memref_slice %arg15[%dma_wait3A_391, %dma_wait3A_392] : memref<10000x64xf32, #tpu.memory_space<vmem_shared>> -> memref<10000x64xf32, #tpu.memory_space<vmem_shared>>
    tpu.wait_indirect_dma semaphore(%arg24 : memref<!tpu.dma_semaphore, #tpu.memory_space<semaphore_mem>>) src(%arg13 : memref<80x64xf32, #tpu.memory_space<vmem>>) dst(%dma_wait3A_393 : memref<10000x64xf32, #tpu.memory_space<vmem_shared>>)
    %scan3A_394 = arith.constant 0 : i32
    %scan3A_395 = arith.constant 80 : i32
    %scan3A_396 = arith.addi %scan3A_394, %scan3A_395 : i32
    %scan3A_397 = arith.constant 1 : i32
    scf.for %scan3A_533 = %scan3A_394 to %scan3A_396 step %scan3A_397  : i32 {
      %mul3A_534 = arith.constant 1 : i32
      %mul3A_535 = arith.muli %scan3A_533, %mul3A_534 : i32
      %add3A = arith.constant 0 : i32
      %add3A_536 = arith.addi %add3A, %mul3A_535 : i32
      %get3A = arith.index_cast %add3A_536 : i32 to index
      %get3A_537 = arith.constant 0 : index
      %get3A_538 = tpu.vector_load %arg11[%get3A, %get3A_537] {strides = array<i32>} : memref<80x64xf32, #tpu.memory_space<vmem>>, vector<1x16xf32>,
      %get3A_539 = vector.shape_cast %get3A_538 : vector<1x16xf32> to vector<16xf32>
      %max3A = arith.constant 0.000000e+00 : f32
      %max3A_540 = vector.broadcast %max3A : f32 to vector<16xf32>
      %max3A_541 = arith.maximumf %get3A_539, %max3A_540 : vector<16xf32>
      %swap3A = arith.index_cast %add3A_536 : i32 to index
      %swap3A_542 = arith.constant 0 : index
      %swap3A_543 = tpu.vector_load %arg13[%swap3A, %swap3A_542] {strides = array<i32>} : memref<80x64xf32, #tpu.memory_space<vmem>>, vector<1x16xf32>,
      %swap3A_544 = vector.shape_cast %swap3A_543 : vector<1x16xf32> to vector<16xf32>
      %swap3A_545 = vector.shape_cast %max3A_541 : vector<16xf32> to vector<1x16xf32>
      tpu.vector_store %arg13[%swap3A, %swap3A_542], %swap3A_545 {strides = array<i32>} : memref<80x64xf32, #tpu.memory_space<vmem>>, vector<1x16xf32>,
      %get3A_546 = arith.index_cast %add3A_536 : i32 to index
      %get3A_547 = arith.constant 16 : index
      %get3A_548 = tpu.vector_load %arg11[%get3A_546, %get3A_547] {strides = array<i32>} : memref<80x64xf32, #tpu.memory_space<vmem>>, vector<1x16xf32>,
      %get3A_549 = vector.shape_cast %get3A_548 : vector<1x16xf32> to vector<16xf32>
      %max3A_550 = arith.constant 0.000000e+00 : f32
      %max3A_551 = vector.broadcast %max3A_550 : f32 to vector<16xf32>
      %max3A_552 = arith.maximumf %get3A_549, %max3A_551 : vector<16xf32>
      %swap3A_553 = arith.index_cast %add3A_536 : i32 to index
      %swap3A_554 = arith.constant 16 : index
      %swap3A_555 = tpu.vector_load %arg13[%swap3A_553, %swap3A_554] {strides = array<i32>} : memref<80x64xf32, #tpu.memory_space<vmem>>, vector<1x16xf32>,
      %swap3A_556 = vector.shape_cast %swap3A_555 : vector<1x16xf32> to vector<16xf32>
      %swap3A_557 = vector.shape_cast %max3A_552 : vector<16xf32> to vector<1x16xf32>
      tpu.vector_store %arg13[%swap3A_553, %swap3A_554], %swap3A_557 {strides = array<i32>} : memref<80x64xf32, #tpu.memory_space<vmem>>, vector<1x16xf32>,
      %get3A_558 = arith.index_cast %add3A_536 : i32 to index
      %get3A_559 = arith.constant 32 : index
      %get3A_560 = tpu.vector_load %arg11[%get3A_558, %get3A_559] {strides = array<i32>} : memref<80x64xf32, #tpu.memory_space<vmem>>, vector<1x16xf32>,
      %get3A_561 = vector.shape_cast %get3A_560 : vector<1x16xf32> to vector<16xf32>
      %max3A_562 = arith.constant 0.000000e+00 : f32
      %max3A_563 = vector.broadcast %max3A_562 : f32 to vector<16xf32>
      %max3A_564 = arith.maximumf %get3A_561, %max3A_563 : vector<16xf32>
      %swap3A_565 = arith.index_cast %add3A_536 : i32 to index
      %swap3A_566 = arith.constant 32 : index
      %swap3A_567 = tpu.vector_load %arg13[%swap3A_565, %swap3A_566] {strides = array<i32>} : memref<80x64xf32, #tpu.memory_space<vmem>>, vector<1x16xf32>,
      %swap3A_568 = vector.shape_cast %swap3A_567 : vector<1x16xf32> to vector<16xf32>
      %swap3A_569 = vector.shape_cast %max3A_564 : vector<16xf32> to vector<1x16xf32>
      tpu.vector_store %arg13[%swap3A_565, %swap3A_566], %swap3A_569 {strides = array<i32>} : memref<80x64xf32, #tpu.memory_space<vmem>>, vector<1x16xf32>,
      %get3A_570 = arith.index_cast %add3A_536 : i32 to index
      %get3A_571 = arith.constant 48 : index
      %get3A_572 = tpu.vector_load %arg11[%get3A_570, %get3A_571] {strides = array<i32>} : memref<80x64xf32, #tpu.memory_space<vmem>>, vector<1x16xf32>,
      %get3A_573 = vector.shape_cast %get3A_572 : vector<1x16xf32> to vector<16xf32>
      %max3A_574 = arith.constant 0.000000e+00 : f32
      %max3A_575 = vector.broadcast %max3A_574 : f32 to vector<16xf32>
      %max3A_576 = arith.maximumf %get3A_573, %max3A_575 : vector<16xf32>
      %swap3A_577 = arith.index_cast %add3A_536 : i32 to index
      %swap3A_578 = arith.constant 48 : index
      %swap3A_579 = tpu.vector_load %arg13[%swap3A_577, %swap3A_578] {strides = array<i32>} : memref<80x64xf32, #tpu.memory_space<vmem>>, vector<1x16xf32>,
      %swap3A_580 = vector.shape_cast %swap3A_579 : vector<1x16xf32> to vector<16xf32>
      %swap3A_581 = vector.shape_cast %max3A_576 : vector<16xf32> to vector<1x16xf32>
      tpu.vector_store %arg13[%swap3A_577, %swap3A_578], %swap3A_581 {strides = array<i32>} : memref<80x64xf32, #tpu.memory_space<vmem>>, vector<1x16xf32>,
    }
    %scan3A_398 = arith.constant 80 : i32
    %dma_start3A_399 = arith.constant 19680 : i32
    %dma_start3A_400 = tpu.memref_slice %arg8[%dma_start3A_399] : memref<20000xi32, #tpu.memory_space<vmem>> -> memref<80xi32, #tpu.memory_space<vmem>>
    %dma_start3A_401 = arith.constant 0 : i32
    %dma_start3A_402 = arith.constant 0 : i32
    %dma_start3A_403 = tpu.memref_slice %arg15[%dma_start3A_401, %dma_start3A_402] : memref<10000x64xf32, #tpu.memory_space<vmem_shared>> -> memref<10000x64xf32, #tpu.memory_space<vmem_shared>>
    tpu.enqueue_indirect_dma source(%arg13 : memref<80x64xf32, #tpu.memory_space<vmem>>) target(%dma_start3A_403 : memref<10000x64xf32, #tpu.memory_space<vmem_shared>>) offsets(%dma_start3A_400 : memref<80xi32, #tpu.memory_space<vmem>>) semaphore(%arg24 : memref<!tpu.dma_semaphore, #tpu.memory_space<semaphore_mem>>) {add = true}
    %dma_wait3A_404 = arith.constant 19840 : i32
    %dma_wait3A_405 = tpu.memref_slice %arg7[%dma_wait3A_404] : memref<20000xi32, #tpu.memory_space<vmem>> -> memref<80xi32, #tpu.memory_space<vmem>>
    %dma_wait3A_406 = arith.constant 0 : i32
    %dma_wait3A_407 = arith.constant 0 : i32
    %dma_wait3A_408 = tpu.memref_slice %arg2[%arg0, %dma_wait3A_406, %dma_wait3A_407] : memref<2x10000x64xf32, #tpu.memory_space<hbm>> -> memref<1x10000x64xf32, #tpu.memory_space<hbm>>
    %dma_wait3A_409 = tpu.memref_squeeze %dma_wait3A_408 : memref<1x10000x64xf32, #tpu.memory_space<hbm>> -> memref<10000x64xf32, #tpu.memory_space<hbm>>
    %dma_wait3A_410 = arith.constant 0 : i32
    %dma_wait3A_411 = arith.constant 0 : i32
    %dma_wait3A_412 = tpu.memref_slice %dma_wait3A_409[%dma_wait3A_410, %dma_wait3A_411] : memref<10000x64xf32, #tpu.memory_space<hbm>> -> memref<10000x64xf32, #tpu.memory_space<hbm>>
    tpu.wait_indirect_dma semaphore(%arg16 : memref<!tpu.dma_semaphore, #tpu.memory_space<semaphore_mem>>) src(%dma_wait3A_412 : memref<10000x64xf32, #tpu.memory_space<hbm>>) dst(%arg9 : memref<80x64xf32, #tpu.memory_space<vmem>>)
    %dma_start3A_413 = arith.constant 19840 : i32
    %dma_start3A_414 = tpu.memref_slice %arg8[%dma_start3A_413] : memref<20000xi32, #tpu.memory_space<vmem>> -> memref<80xi32, #tpu.memory_space<vmem>>
    %dma_start3A_415 = arith.constant 0 : i32
    %dma_start3A_416 = arith.constant 0 : i32
    %dma_start3A_417 = tpu.memref_slice %arg3[%arg0, %dma_start3A_415, %dma_start3A_416] : memref<2x10000x64xf32, #tpu.memory_space<hbm>> -> memref<1x10000x64xf32, #tpu.memory_space<hbm>>
    %dma_start3A_418 = tpu.memref_squeeze %dma_start3A_417 : memref<1x10000x64xf32, #tpu.memory_space<hbm>> -> memref<10000x64xf32, #tpu.memory_space<hbm>>
    %dma_start3A_419 = arith.constant 0 : i32
    %dma_start3A_420 = arith.constant 0 : i32
    %dma_start3A_421 = tpu.memref_slice %dma_start3A_418[%dma_start3A_419, %dma_start3A_420] : memref<10000x64xf32, #tpu.memory_space<hbm>> -> memref<10000x64xf32, #tpu.memory_space<hbm>>
    tpu.enqueue_indirect_dma source(%dma_start3A_421 : memref<10000x64xf32, #tpu.memory_space<hbm>>) target(%arg9 : memref<80x64xf32, #tpu.memory_space<vmem>>) offsets(%dma_start3A_414 : memref<80xi32, #tpu.memory_space<vmem>>) semaphore(%arg20 : memref<!tpu.dma_semaphore, #tpu.memory_space<semaphore_mem>>) {add = true}
    %dma_wait3A_422 = arith.constant 19760 : i32
    %dma_wait3A_423 = tpu.memref_slice %arg8[%dma_wait3A_422] : memref<20000xi32, #tpu.memory_space<vmem>> -> memref<80xi32, #tpu.memory_space<vmem>>
    %dma_wait3A_424 = arith.constant 0 : i32
    %dma_wait3A_425 = arith.constant 0 : i32
    %dma_wait3A_426 = tpu.memref_slice %arg3[%arg0, %dma_wait3A_424, %dma_wait3A_425] : memref<2x10000x64xf32, #tpu.memory_space<hbm>> -> memref<1x10000x64xf32, #tpu.memory_space<hbm>>
    %dma_wait3A_427 = tpu.memref_squeeze %dma_wait3A_426 : memref<1x10000x64xf32, #tpu.memory_space<hbm>> -> memref<10000x64xf32, #tpu.memory_space<hbm>>
    %dma_wait3A_428 = arith.constant 0 : i32
    %dma_wait3A_429 = arith.constant 0 : i32
    %dma_wait3A_430 = tpu.memref_slice %dma_wait3A_427[%dma_wait3A_428, %dma_wait3A_429] : memref<10000x64xf32, #tpu.memory_space<hbm>> -> memref<10000x64xf32, #tpu.memory_space<hbm>>
    tpu.wait_indirect_dma semaphore(%arg23 : memref<!tpu.dma_semaphore, #tpu.memory_space<semaphore_mem>>) src(%dma_wait3A_430 : memref<10000x64xf32, #tpu.memory_space<hbm>>) dst(%arg12 : memref<80x64xf32, #tpu.memory_space<vmem>>)
    %dma_wait3A_431 = arith.constant 19760 : i32
    %dma_wait3A_432 = tpu.memref_slice %arg8[%dma_wait3A_431] : memref<20000xi32, #tpu.memory_space<vmem>> -> memref<80xi32, #tpu.memory_space<vmem>>
    %dma_wait3A_433 = arith.constant 0 : i32
    %dma_wait3A_434 = arith.constant 0 : i32
    %dma_wait3A_435 = tpu.memref_slice %arg15[%dma_wait3A_433, %dma_wait3A_434] : memref<10000x64xf32, #tpu.memory_space<vmem_shared>> -> memref<10000x64xf32, #tpu.memory_space<vmem_shared>>
    tpu.wait_indirect_dma semaphore(%arg25 : memref<!tpu.dma_semaphore, #tpu.memory_space<semaphore_mem>>) src(%arg14 : memref<80x64xf32, #tpu.memory_space<vmem>>) dst(%dma_wait3A_435 : memref<10000x64xf32, #tpu.memory_space<vmem_shared>>)
    %scan3A_436 = arith.constant 0 : i32
    %scan3A_437 = arith.constant 80 : i32
    %scan3A_438 = arith.addi %scan3A_436, %scan3A_437 : i32
    %scan3A_439 = arith.constant 1 : i32
    scf.for %scan3A_533 = %scan3A_436 to %scan3A_438 step %scan3A_439  : i32 {
      %mul3A_534 = arith.constant 1 : i32
      %mul3A_535 = arith.muli %scan3A_533, %mul3A_534 : i32
      %add3A = arith.constant 0 : i32
      %add3A_536 = arith.addi %add3A, %mul3A_535 : i32
      %get3A = arith.index_cast %add3A_536 : i32 to index
      %get3A_537 = arith.constant 0 : index
      %get3A_538 = tpu.vector_load %arg12[%get3A, %get3A_537] {strides = array<i32>} : memref<80x64xf32, #tpu.memory_space<vmem>>, vector<1x16xf32>,
      %get3A_539 = vector.shape_cast %get3A_538 : vector<1x16xf32> to vector<16xf32>
      %max3A = arith.constant 0.000000e+00 : f32
      %max3A_540 = vector.broadcast %max3A : f32 to vector<16xf32>
      %max3A_541 = arith.maximumf %get3A_539, %max3A_540 : vector<16xf32>
      %swap3A = arith.index_cast %add3A_536 : i32 to index
      %swap3A_542 = arith.constant 0 : index
      %swap3A_543 = tpu.vector_load %arg14[%swap3A, %swap3A_542] {strides = array<i32>} : memref<80x64xf32, #tpu.memory_space<vmem>>, vector<1x16xf32>,
      %swap3A_544 = vector.shape_cast %swap3A_543 : vector<1x16xf32> to vector<16xf32>
      %swap3A_545 = vector.shape_cast %max3A_541 : vector<16xf32> to vector<1x16xf32>
      tpu.vector_store %arg14[%swap3A, %swap3A_542], %swap3A_545 {strides = array<i32>} : memref<80x64xf32, #tpu.memory_space<vmem>>, vector<1x16xf32>,
      %get3A_546 = arith.index_cast %add3A_536 : i32 to index
      %get3A_547 = arith.constant 16 : index
      %get3A_548 = tpu.vector_load %arg12[%get3A_546, %get3A_547] {strides = array<i32>} : memref<80x64xf32, #tpu.memory_space<vmem>>, vector<1x16xf32>,
      %get3A_549 = vector.shape_cast %get3A_548 : vector<1x16xf32> to vector<16xf32>
      %max3A_550 = arith.constant 0.000000e+00 : f32
      %max3A_551 = vector.broadcast %max3A_550 : f32 to vector<16xf32>
      %max3A_552 = arith.maximumf %get3A_549, %max3A_551 : vector<16xf32>
      %swap3A_553 = arith.index_cast %add3A_536 : i32 to index
      %swap3A_554 = arith.constant 16 : index
      %swap3A_555 = tpu.vector_load %arg14[%swap3A_553, %swap3A_554] {strides = array<i32>} : memref<80x64xf32, #tpu.memory_space<vmem>>, vector<1x16xf32>,
      %swap3A_556 = vector.shape_cast %swap3A_555 : vector<1x16xf32> to vector<16xf32>
      %swap3A_557 = vector.shape_cast %max3A_552 : vector<16xf32> to vector<1x16xf32>
      tpu.vector_store %arg14[%swap3A_553, %swap3A_554], %swap3A_557 {strides = array<i32>} : memref<80x64xf32, #tpu.memory_space<vmem>>, vector<1x16xf32>,
      %get3A_558 = arith.index_cast %add3A_536 : i32 to index
      %get3A_559 = arith.constant 32 : index
      %get3A_560 = tpu.vector_load %arg12[%get3A_558, %get3A_559] {strides = array<i32>} : memref<80x64xf32, #tpu.memory_space<vmem>>, vector<1x16xf32>,
      %get3A_561 = vector.shape_cast %get3A_560 : vector<1x16xf32> to vector<16xf32>
      %max3A_562 = arith.constant 0.000000e+00 : f32
      %max3A_563 = vector.broadcast %max3A_562 : f32 to vector<16xf32>
      %max3A_564 = arith.maximumf %get3A_561, %max3A_563 : vector<16xf32>
      %swap3A_565 = arith.index_cast %add3A_536 : i32 to index
      %swap3A_566 = arith.constant 32 : index
      %swap3A_567 = tpu.vector_load %arg14[%swap3A_565, %swap3A_566] {strides = array<i32>} : memref<80x64xf32, #tpu.memory_space<vmem>>, vector<1x16xf32>,
      %swap3A_568 = vector.shape_cast %swap3A_567 : vector<1x16xf32> to vector<16xf32>
      %swap3A_569 = vector.shape_cast %max3A_564 : vector<16xf32> to vector<1x16xf32>
      tpu.vector_store %arg14[%swap3A_565, %swap3A_566], %swap3A_569 {strides = array<i32>} : memref<80x64xf32, #tpu.memory_space<vmem>>, vector<1x16xf32>,
      %get3A_570 = arith.index_cast %add3A_536 : i32 to index
      %get3A_571 = arith.constant 48 : index
      %get3A_572 = tpu.vector_load %arg12[%get3A_570, %get3A_571] {strides = array<i32>} : memref<80x64xf32, #tpu.memory_space<vmem>>, vector<1x16xf32>,
      %get3A_573 = vector.shape_cast %get3A_572 : vector<1x16xf32> to vector<16xf32>
      %max3A_574 = arith.constant 0.000000e+00 : f32
      %max3A_575 = vector.broadcast %max3A_574 : f32 to vector<16xf32>
      %max3A_576 = arith.maximumf %get3A_573, %max3A_575 : vector<16xf32>
      %swap3A_577 = arith.index_cast %add3A_536 : i32 to index
      %swap3A_578 = arith.constant 48 : index
      %swap3A_579 = tpu.vector_load %arg14[%swap3A_577, %swap3A_578] {strides = array<i32>} : memref<80x64xf32, #tpu.memory_space<vmem>>, vector<1x16xf32>,
      %swap3A_580 = vector.shape_cast %swap3A_579 : vector<1x16xf32> to vector<16xf32>
      %swap3A_581 = vector.shape_cast %max3A_576 : vector<16xf32> to vector<1x16xf32>
      tpu.vector_store %arg14[%swap3A_577, %swap3A_578], %swap3A_581 {strides = array<i32>} : memref<80x64xf32, #tpu.memory_space<vmem>>, vector<1x16xf32>,
    }
    %scan3A_440 = arith.constant 80 : i32
    %dma_start3A_441 = arith.constant 19760 : i32
    %dma_start3A_442 = tpu.memref_slice %arg8[%dma_start3A_441] : memref<20000xi32, #tpu.memory_space<vmem>> -> memref<80xi32, #tpu.memory_space<vmem>>
    %dma_start3A_443 = arith.constant 0 : i32
    %dma_start3A_444 = arith.constant 0 : i32
    %dma_start3A_445 = tpu.memref_slice %arg15[%dma_start3A_443, %dma_start3A_444] : memref<10000x64xf32, #tpu.memory_space<vmem_shared>> -> memref<10000x64xf32, #tpu.memory_space<vmem_shared>>
    tpu.enqueue_indirect_dma source(%arg14 : memref<80x64xf32, #tpu.memory_space<vmem>>) target(%dma_start3A_445 : memref<10000x64xf32, #tpu.memory_space<vmem_shared>>) offsets(%dma_start3A_442 : memref<80xi32, #tpu.memory_space<vmem>>) semaphore(%arg25 : memref<!tpu.dma_semaphore, #tpu.memory_space<semaphore_mem>>) {add = true}
    %dma_wait3A_446 = arith.constant 19920 : i32
    %dma_wait3A_447 = tpu.memref_slice %arg7[%dma_wait3A_446] : memref<20000xi32, #tpu.memory_space<vmem>> -> memref<80xi32, #tpu.memory_space<vmem>>
    %dma_wait3A_448 = arith.constant 0 : i32
    %dma_wait3A_449 = arith.constant 0 : i32
    %dma_wait3A_450 = tpu.memref_slice %arg2[%arg0, %dma_wait3A_448, %dma_wait3A_449] : memref<2x10000x64xf32, #tpu.memory_space<hbm>> -> memref<1x10000x64xf32, #tpu.memory_space<hbm>>
    %dma_wait3A_451 = tpu.memref_squeeze %dma_wait3A_450 : memref<1x10000x64xf32, #tpu.memory_space<hbm>> -> memref<10000x64xf32, #tpu.memory_space<hbm>>
    %dma_wait3A_452 = arith.constant 0 : i32
    %dma_wait3A_453 = arith.constant 0 : i32
    %dma_wait3A_454 = tpu.memref_slice %dma_wait3A_451[%dma_wait3A_452, %dma_wait3A_453] : memref<10000x64xf32, #tpu.memory_space<hbm>> -> memref<10000x64xf32, #tpu.memory_space<hbm>>
    tpu.wait_indirect_dma semaphore(%arg17 : memref<!tpu.dma_semaphore, #tpu.memory_space<semaphore_mem>>) src(%dma_wait3A_454 : memref<10000x64xf32, #tpu.memory_space<hbm>>) dst(%arg10 : memref<80x64xf32, #tpu.memory_space<vmem>>)
    %dma_start3A_455 = arith.constant 19920 : i32
    %dma_start3A_456 = tpu.memref_slice %arg8[%dma_start3A_455] : memref<20000xi32, #tpu.memory_space<vmem>> -> memref<80xi32, #tpu.memory_space<vmem>>
    %dma_start3A_457 = arith.constant 0 : i32
    %dma_start3A_458 = arith.constant 0 : i32
    %dma_start3A_459 = tpu.memref_slice %arg3[%arg0, %dma_start3A_457, %dma_start3A_458] : memref<2x10000x64xf32, #tpu.memory_space<hbm>> -> memref<1x10000x64xf32, #tpu.memory_space<hbm>>
    %dma_start3A_460 = tpu.memref_squeeze %dma_start3A_459 : memref<1x10000x64xf32, #tpu.memory_space<hbm>> -> memref<10000x64xf32, #tpu.memory_space<hbm>>
    %dma_start3A_461 = arith.constant 0 : i32
    %dma_start3A_462 = arith.constant 0 : i32
    %dma_start3A_463 = tpu.memref_slice %dma_start3A_460[%dma_start3A_461, %dma_start3A_462] : memref<10000x64xf32, #tpu.memory_space<hbm>> -> memref<10000x64xf32, #tpu.memory_space<hbm>>
    tpu.enqueue_indirect_dma source(%dma_start3A_463 : memref<10000x64xf32, #tpu.memory_space<hbm>>) target(%arg10 : memref<80x64xf32, #tpu.memory_space<vmem>>) offsets(%dma_start3A_456 : memref<80xi32, #tpu.memory_space<vmem>>) semaphore(%arg21 : memref<!tpu.dma_semaphore, #tpu.memory_space<semaphore_mem>>) {add = true}
    %dma_wait3A_464 = arith.constant 19840 : i32
    %dma_wait3A_465 = tpu.memref_slice %arg8[%dma_wait3A_464] : memref<20000xi32, #tpu.memory_space<vmem>> -> memref<80xi32, #tpu.memory_space<vmem>>
    %dma_wait3A_466 = arith.constant 0 : i32
    %dma_wait3A_467 = arith.constant 0 : i32
    %dma_wait3A_468 = tpu.memref_slice %arg3[%arg0, %dma_wait3A_466, %dma_wait3A_467] : memref<2x10000x64xf32, #tpu.memory_space<hbm>> -> memref<1x10000x64xf32, #tpu.memory_space<hbm>>
    %dma_wait3A_469 = tpu.memref_squeeze %dma_wait3A_468 : memref<1x10000x64xf32, #tpu.memory_space<hbm>> -> memref<10000x64xf32, #tpu.memory_space<hbm>>
    %dma_wait3A_470 = arith.constant 0 : i32
    %dma_wait3A_471 = arith.constant 0 : i32
    %dma_wait3A_472 = tpu.memref_slice %dma_wait3A_469[%dma_wait3A_470, %dma_wait3A_471] : memref<10000x64xf32, #tpu.memory_space<hbm>> -> memref<10000x64xf32, #tpu.memory_space<hbm>>
    tpu.wait_indirect_dma semaphore(%arg20 : memref<!tpu.dma_semaphore, #tpu.memory_space<semaphore_mem>>) src(%dma_wait3A_472 : memref<10000x64xf32, #tpu.memory_space<hbm>>) dst(%arg9 : memref<80x64xf32, #tpu.memory_space<vmem>>)
    %dma_wait3A_473 = arith.constant 19840 : i32
    %dma_wait3A_474 = tpu.memref_slice %arg8[%dma_wait3A_473] : memref<20000xi32, #tpu.memory_space<vmem>> -> memref<80xi32, #tpu.memory_space<vmem>>
    %dma_wait3A_475 = arith.constant 0 : i32
    %dma_wait3A_476 = arith.constant 0 : i32
    %dma_wait3A_477 = tpu.memref_slice %arg15[%dma_wait3A_475, %dma_wait3A_476] : memref<10000x64xf32, #tpu.memory_space<vmem_shared>> -> memref<10000x64xf32, #tpu.memory_space<vmem_shared>>
    tpu.wait_indirect_dma semaphore(%arg24 : memref<!tpu.dma_semaphore, #tpu.memory_space<semaphore_mem>>) src(%arg13 : memref<80x64xf32, #tpu.memory_space<vmem>>) dst(%dma_wait3A_477 : memref<10000x64xf32, #tpu.memory_space<vmem_shared>>)
    %scan3A_478 = arith.constant 0 : i32
    %scan3A_479 = arith.constant 80 : i32
    %scan3A_480 = arith.addi %scan3A_478, %scan3A_479 : i32
    %scan3A_481 = arith.constant 1 : i32
    scf.for %scan3A_533 = %scan3A_478 to %scan3A_480 step %scan3A_481  : i32 {
      %mul3A_534 = arith.constant 1 : i32
      %mul3A_535 = arith.muli %scan3A_533, %mul3A_534 : i32
      %add3A = arith.constant 0 : i32
      %add3A_536 = arith.addi %add3A, %mul3A_535 : i32
      %get3A = arith.index_cast %add3A_536 : i32 to index
      %get3A_537 = arith.constant 0 : index
      %get3A_538 = tpu.vector_load %arg9[%get3A, %get3A_537] {strides = array<i32>} : memref<80x64xf32, #tpu.memory_space<vmem>>, vector<1x16xf32>,
      %get3A_539 = vector.shape_cast %get3A_538 : vector<1x16xf32> to vector<16xf32>
      %max3A = arith.constant 0.000000e+00 : f32
      %max3A_540 = vector.broadcast %max3A : f32 to vector<16xf32>
      %max3A_541 = arith.maximumf %get3A_539, %max3A_540 : vector<16xf32>
      %swap3A = arith.index_cast %add3A_536 : i32 to index
      %swap3A_542 = arith.constant 0 : index
      %swap3A_543 = tpu.vector_load %arg13[%swap3A, %swap3A_542] {strides = array<i32>} : memref<80x64xf32, #tpu.memory_space<vmem>>, vector<1x16xf32>,
      %swap3A_544 = vector.shape_cast %swap3A_543 : vector<1x16xf32> to vector<16xf32>
      %swap3A_545 = vector.shape_cast %max3A_541 : vector<16xf32> to vector<1x16xf32>
      tpu.vector_store %arg13[%swap3A, %swap3A_542], %swap3A_545 {strides = array<i32>} : memref<80x64xf32, #tpu.memory_space<vmem>>, vector<1x16xf32>,
      %get3A_546 = arith.index_cast %add3A_536 : i32 to index
      %get3A_547 = arith.constant 16 : index
      %get3A_548 = tpu.vector_load %arg9[%get3A_546, %get3A_547] {strides = array<i32>} : memref<80x64xf32, #tpu.memory_space<vmem>>, vector<1x16xf32>,
      %get3A_549 = vector.shape_cast %get3A_548 : vector<1x16xf32> to vector<16xf32>
      %max3A_550 = arith.constant 0.000000e+00 : f32
      %max3A_551 = vector.broadcast %max3A_550 : f32 to vector<16xf32>
      %max3A_552 = arith.maximumf %get3A_549, %max3A_551 : vector<16xf32>
      %swap3A_553 = arith.index_cast %add3A_536 : i32 to index
      %swap3A_554 = arith.constant 16 : index
      %swap3A_555 = tpu.vector_load %arg13[%swap3A_553, %swap3A_554] {strides = array<i32>} : memref<80x64xf32, #tpu.memory_space<vmem>>, vector<1x16xf32>,
      %swap3A_556 = vector.shape_cast %swap3A_555 : vector<1x16xf32> to vector<16xf32>
      %swap3A_557 = vector.shape_cast %max3A_552 : vector<16xf32> to vector<1x16xf32>
      tpu.vector_store %arg13[%swap3A_553, %swap3A_554], %swap3A_557 {strides = array<i32>} : memref<80x64xf32, #tpu.memory_space<vmem>>, vector<1x16xf32>,
      %get3A_558 = arith.index_cast %add3A_536 : i32 to index
      %get3A_559 = arith.constant 32 : index
      %get3A_560 = tpu.vector_load %arg9[%get3A_558, %get3A_559] {strides = array<i32>} : memref<80x64xf32, #tpu.memory_space<vmem>>, vector<1x16xf32>,
      %get3A_561 = vector.shape_cast %get3A_560 : vector<1x16xf32> to vector<16xf32>
      %max3A_562 = arith.constant 0.000000e+00 : f32
      %max3A_563 = vector.broadcast %max3A_562 : f32 to vector<16xf32>
      %max3A_564 = arith.maximumf %get3A_561, %max3A_563 : vector<16xf32>
      %swap3A_565 = arith.index_cast %add3A_536 : i32 to index
      %swap3A_566 = arith.constant 32 : index
      %swap3A_567 = tpu.vector_load %arg13[%swap3A_565, %swap3A_566] {strides = array<i32>} : memref<80x64xf32, #tpu.memory_space<vmem>>, vector<1x16xf32>,
      %swap3A_568 = vector.shape_cast %swap3A_567 : vector<1x16xf32> to vector<16xf32>
      %swap3A_569 = vector.shape_cast %max3A_564 : vector<16xf32> to vector<1x16xf32>
      tpu.vector_store %arg13[%swap3A_565, %swap3A_566], %swap3A_569 {strides = array<i32>} : memref<80x64xf32, #tpu.memory_space<vmem>>, vector<1x16xf32>,
      %get3A_570 = arith.index_cast %add3A_536 : i32 to index
      %get3A_571 = arith.constant 48 : index
      %get3A_572 = tpu.vector_load %arg9[%get3A_570, %get3A_571] {strides = array<i32>} : memref<80x64xf32, #tpu.memory_space<vmem>>, vector<1x16xf32>,
      %get3A_573 = vector.shape_cast %get3A_572 : vector<1x16xf32> to vector<16xf32>
      %max3A_574 = arith.constant 0.000000e+00 : f32
      %max3A_575 = vector.broadcast %max3A_574 : f32 to vector<16xf32>
      %max3A_576 = arith.maximumf %get3A_573, %max3A_575 : vector<16xf32>
      %swap3A_577 = arith.index_cast %add3A_536 : i32 to index
      %swap3A_578 = arith.constant 48 : index
      %swap3A_579 = tpu.vector_load %arg13[%swap3A_577, %swap3A_578] {strides = array<i32>} : memref<80x64xf32, #tpu.memory_space<vmem>>, vector<1x16xf32>,
      %swap3A_580 = vector.shape_cast %swap3A_579 : vector<1x16xf32> to vector<16xf32>
      %swap3A_581 = vector.shape_cast %max3A_576 : vector<16xf32> to vector<1x16xf32>
      tpu.vector_store %arg13[%swap3A_577, %swap3A_578], %swap3A_581 {strides = array<i32>} : memref<80x64xf32, #tpu.memory_space<vmem>>, vector<1x16xf32>,
    }
    %scan3A_482 = arith.constant 80 : i32
    %dma_start3A_483 = arith.constant 19840 : i32
    %dma_start3A_484 = tpu.memref_slice %arg8[%dma_start3A_483] : memref<20000xi32, #tpu.memory_space<vmem>> -> memref<80xi32, #tpu.memory_space<vmem>>
    %dma_start3A_485 = arith.constant 0 : i32
    %dma_start3A_486 = arith.constant 0 : i32
    %dma_start3A_487 = tpu.memref_slice %arg15[%dma_start3A_485, %dma_start3A_486] : memref<10000x64xf32, #tpu.memory_space<vmem_shared>> -> memref<10000x64xf32, #tpu.memory_space<vmem_shared>>
    tpu.enqueue_indirect_dma source(%arg13 : memref<80x64xf32, #tpu.memory_space<vmem>>) target(%dma_start3A_487 : memref<10000x64xf32, #tpu.memory_space<vmem_shared>>) offsets(%dma_start3A_484 : memref<80xi32, #tpu.memory_space<vmem>>) semaphore(%arg24 : memref<!tpu.dma_semaphore, #tpu.memory_space<semaphore_mem>>) {add = true}
    %dma_wait3A_488 = arith.constant 19920 : i32
    %dma_wait3A_489 = tpu.memref_slice %arg8[%dma_wait3A_488] : memref<20000xi32, #tpu.memory_space<vmem>> -> memref<80xi32, #tpu.memory_space<vmem>>
    %dma_wait3A_490 = arith.constant 0 : i32
    %dma_wait3A_491 = arith.constant 0 : i32
    %dma_wait3A_492 = tpu.memref_slice %arg3[%arg0, %dma_wait3A_490, %dma_wait3A_491] : memref<2x10000x64xf32, #tpu.memory_space<hbm>> -> memref<1x10000x64xf32, #tpu.memory_space<hbm>>
    %dma_wait3A_493 = tpu.memref_squeeze %dma_wait3A_492 : memref<1x10000x64xf32, #tpu.memory_space<hbm>> -> memref<10000x64xf32, #tpu.memory_space<hbm>>
    %dma_wait3A_494 = arith.constant 0 : i32
    %dma_wait3A_495 = arith.constant 0 : i32
    %dma_wait3A_496 = tpu.memref_slice %dma_wait3A_493[%dma_wait3A_494, %dma_wait3A_495] : memref<10000x64xf32, #tpu.memory_space<hbm>> -> memref<10000x64xf32, #tpu.memory_space<hbm>>
    tpu.wait_indirect_dma semaphore(%arg21 : memref<!tpu.dma_semaphore, #tpu.memory_space<semaphore_mem>>) src(%dma_wait3A_496 : memref<10000x64xf32, #tpu.memory_space<hbm>>) dst(%arg10 : memref<80x64xf32, #tpu.memory_space<vmem>>)
    %dma_wait3A_497 = arith.constant 19920 : i32
    %dma_wait3A_498 = tpu.memref_slice %arg8[%dma_wait3A_497] : memref<20000xi32, #tpu.memory_space<vmem>> -> memref<80xi32, #tpu.memory_space<vmem>>
    %dma_wait3A_499 = arith.constant 0 : i32
    %dma_wait3A_500 = arith.constant 0 : i32
    %dma_wait3A_501 = tpu.memref_slice %arg15[%dma_wait3A_499, %dma_wait3A_500] : memref<10000x64xf32, #tpu.memory_space<vmem_shared>> -> memref<10000x64xf32, #tpu.memory_space<vmem_shared>>
    tpu.wait_indirect_dma semaphore(%arg25 : memref<!tpu.dma_semaphore, #tpu.memory_space<semaphore_mem>>) src(%arg14 : memref<80x64xf32, #tpu.memory_space<vmem>>) dst(%dma_wait3A_501 : memref<10000x64xf32, #tpu.memory_space<vmem_shared>>)
    %scan3A_502 = arith.constant 0 : i32
    %scan3A_503 = arith.constant 80 : i32
    %scan3A_504 = arith.addi %scan3A_502, %scan3A_503 : i32
    %scan3A_505 = arith.constant 1 : i32
    scf.for %scan3A_533 = %scan3A_502 to %scan3A_504 step %scan3A_505  : i32 {
      %mul3A_534 = arith.constant 1 : i32
      %mul3A_535 = arith.muli %scan3A_533, %mul3A_534 : i32
      %add3A = arith.constant 0 : i32
      %add3A_536 = arith.addi %add3A, %mul3A_535 : i32
      %get3A = arith.index_cast %add3A_536 : i32 to index
      %get3A_537 = arith.constant 0 : index
      %get3A_538 = tpu.vector_load %arg10[%get3A, %get3A_537] {strides = array<i32>} : memref<80x64xf32, #tpu.memory_space<vmem>>, vector<1x16xf32>,
      %get3A_539 = vector.shape_cast %get3A_538 : vector<1x16xf32> to vector<16xf32>
      %max3A = arith.constant 0.000000e+00 : f32
      %max3A_540 = vector.broadcast %max3A : f32 to vector<16xf32>
      %max3A_541 = arith.maximumf %get3A_539, %max3A_540 : vector<16xf32>
      %swap3A = arith.index_cast %add3A_536 : i32 to index
      %swap3A_542 = arith.constant 0 : index
      %swap3A_543 = tpu.vector_load %arg14[%swap3A, %swap3A_542] {strides = array<i32>} : memref<80x64xf32, #tpu.memory_space<vmem>>, vector<1x16xf32>,
      %swap3A_544 = vector.shape_cast %swap3A_543 : vector<1x16xf32> to vector<16xf32>
      %swap3A_545 = vector.shape_cast %max3A_541 : vector<16xf32> to vector<1x16xf32>
      tpu.vector_store %arg14[%swap3A, %swap3A_542], %swap3A_545 {strides = array<i32>} : memref<80x64xf32, #tpu.memory_space<vmem>>, vector<1x16xf32>,
      %get3A_546 = arith.index_cast %add3A_536 : i32 to index
      %get3A_547 = arith.constant 16 : index
      %get3A_548 = tpu.vector_load %arg10[%get3A_546, %get3A_547] {strides = array<i32>} : memref<80x64xf32, #tpu.memory_space<vmem>>, vector<1x16xf32>,
      %get3A_549 = vector.shape_cast %get3A_548 : vector<1x16xf32> to vector<16xf32>
      %max3A_550 = arith.constant 0.000000e+00 : f32
      %max3A_551 = vector.broadcast %max3A_550 : f32 to vector<16xf32>
      %max3A_552 = arith.maximumf %get3A_549, %max3A_551 : vector<16xf32>
      %swap3A_553 = arith.index_cast %add3A_536 : i32 to index
      %swap3A_554 = arith.constant 16 : index
      %swap3A_555 = tpu.vector_load %arg14[%swap3A_553, %swap3A_554] {strides = array<i32>} : memref<80x64xf32, #tpu.memory_space<vmem>>, vector<1x16xf32>,
      %swap3A_556 = vector.shape_cast %swap3A_555 : vector<1x16xf32> to vector<16xf32>
      %swap3A_557 = vector.shape_cast %max3A_552 : vector<16xf32> to vector<1x16xf32>
      tpu.vector_store %arg14[%swap3A_553, %swap3A_554], %swap3A_557 {strides = array<i32>} : memref<80x64xf32, #tpu.memory_space<vmem>>, vector<1x16xf32>,
      %get3A_558 = arith.index_cast %add3A_536 : i32 to index
      %get3A_559 = arith.constant 32 : index
      %get3A_560 = tpu.vector_load %arg10[%get3A_558, %get3A_559] {strides = array<i32>} : memref<80x64xf32, #tpu.memory_space<vmem>>, vector<1x16xf32>,
      %get3A_561 = vector.shape_cast %get3A_560 : vector<1x16xf32> to vector<16xf32>
      %max3A_562 = arith.constant 0.000000e+00 : f32
      %max3A_563 = vector.broadcast %max3A_562 : f32 to vector<16xf32>
      %max3A_564 = arith.maximumf %get3A_561, %max3A_563 : vector<16xf32>
      %swap3A_565 = arith.index_cast %add3A_536 : i32 to index
      %swap3A_566 = arith.constant 32 : index
      %swap3A_567 = tpu.vector_load %arg14[%swap3A_565, %swap3A_566] {strides = array<i32>} : memref<80x64xf32, #tpu.memory_space<vmem>>, vector<1x16xf32>,
      %swap3A_568 = vector.shape_cast %swap3A_567 : vector<1x16xf32> to vector<16xf32>
      %swap3A_569 = vector.shape_cast %max3A_564 : vector<16xf32> to vector<1x16xf32>
      tpu.vector_store %arg14[%swap3A_565, %swap3A_566], %swap3A_569 {strides = array<i32>} : memref<80x64xf32, #tpu.memory_space<vmem>>, vector<1x16xf32>,
      %get3A_570 = arith.index_cast %add3A_536 : i32 to index
      %get3A_571 = arith.constant 48 : index
      %get3A_572 = tpu.vector_load %arg10[%get3A_570, %get3A_571] {strides = array<i32>} : memref<80x64xf32, #tpu.memory_space<vmem>>, vector<1x16xf32>,
      %get3A_573 = vector.shape_cast %get3A_572 : vector<1x16xf32> to vector<16xf32>
      %max3A_574 = arith.constant 0.000000e+00 : f32
      %max3A_575 = vector.broadcast %max3A_574 : f32 to vector<16xf32>
      %max3A_576 = arith.maximumf %get3A_573, %max3A_575 : vector<16xf32>
      %swap3A_577 = arith.index_cast %add3A_536 : i32 to index
      %swap3A_578 = arith.constant 48 : index
      %swap3A_579 = tpu.vector_load %arg14[%swap3A_577, %swap3A_578] {strides = array<i32>} : memref<80x64xf32, #tpu.memory_space<vmem>>, vector<1x16xf32>,
      %swap3A_580 = vector.shape_cast %swap3A_579 : vector<1x16xf32> to vector<16xf32>
      %swap3A_581 = vector.shape_cast %max3A_576 : vector<16xf32> to vector<1x16xf32>
      tpu.vector_store %arg14[%swap3A_577, %swap3A_578], %swap3A_581 {strides = array<i32>} : memref<80x64xf32, #tpu.memory_space<vmem>>, vector<1x16xf32>,
    }
    %scan3A_506 = arith.constant 80 : i32
    %dma_start3A_507 = arith.constant 19920 : i32
    %dma_start3A_508 = tpu.memref_slice %arg8[%dma_start3A_507] : memref<20000xi32, #tpu.memory_space<vmem>> -> memref<80xi32, #tpu.memory_space<vmem>>
    %dma_start3A_509 = arith.constant 0 : i32
    %dma_start3A_510 = arith.constant 0 : i32
    %dma_start3A_511 = tpu.memref_slice %arg15[%dma_start3A_509, %dma_start3A_510] : memref<10000x64xf32, #tpu.memory_space<vmem_shared>> -> memref<10000x64xf32, #tpu.memory_space<vmem_shared>>
    tpu.enqueue_indirect_dma source(%arg14 : memref<80x64xf32, #tpu.memory_space<vmem>>) target(%dma_start3A_511 : memref<10000x64xf32, #tpu.memory_space<vmem_shared>>) offsets(%dma_start3A_508 : memref<80xi32, #tpu.memory_space<vmem>>) semaphore(%arg25 : memref<!tpu.dma_semaphore, #tpu.memory_space<semaphore_mem>>) {add = true}
    %dma_wait3A_512 = arith.constant 19840 : i32
    %dma_wait3A_513 = tpu.memref_slice %arg8[%dma_wait3A_512] : memref<20000xi32, #tpu.memory_space<vmem>> -> memref<80xi32, #tpu.memory_space<vmem>>
    %dma_wait3A_514 = arith.constant 0 : i32
    %dma_wait3A_515 = arith.constant 0 : i32
    %dma_wait3A_516 = tpu.memref_slice %arg15[%dma_wait3A_514, %dma_wait3A_515] : memref<10000x64xf32, #tpu.memory_space<vmem_shared>> -> memref<10000x64xf32, #tpu.memory_space<vmem_shared>>
    tpu.wait_indirect_dma semaphore(%arg24 : memref<!tpu.dma_semaphore, #tpu.memory_space<semaphore_mem>>) src(%arg13 : memref<80x64xf32, #tpu.memory_space<vmem>>) dst(%dma_wait3A_516 : memref<10000x64xf32, #tpu.memory_space<vmem_shared>>)
    %dma_wait3A_517 = arith.constant 19920 : i32
    %dma_wait3A_518 = tpu.memref_slice %arg8[%dma_wait3A_517] : memref<20000xi32, #tpu.memory_space<vmem>> -> memref<80xi32, #tpu.memory_space<vmem>>
    %dma_wait3A_519 = arith.constant 0 : i32
    %dma_wait3A_520 = arith.constant 0 : i32
    %dma_wait3A_521 = tpu.memref_slice %arg15[%dma_wait3A_519, %dma_wait3A_520] : memref<10000x64xf32, #tpu.memory_space<vmem_shared>> -> memref<10000x64xf32, #tpu.memory_space<vmem_shared>>
    tpu.wait_indirect_dma semaphore(%arg25 : memref<!tpu.dma_semaphore, #tpu.memory_space<semaphore_mem>>) src(%arg14 : memref<80x64xf32, #tpu.memory_space<vmem>>) dst(%dma_wait3A_521 : memref<10000x64xf32, #tpu.memory_space<vmem_shared>>)
    %barrier3A_522 = arith.constant 0 : index
    tpu.barrier barrier_id(%barrier3A_522)
    %lt3A_523 = arith.constant 15 : i32
    %lt3A_524 = arith.cmpi slt, %arg1, %lt3A_523 : i32
    %convert_element_type3A_525 = arith.extui %lt3A_524 : i1 to i32
    %cond3A_526 = arith.constant 0 : i32
    %cond3A_527 = arith.cmpi ne, %convert_element_type3A_525, %cond3A_526 : i32
    scf.if %cond3A_527 {
      "tpu.region"() ({
        %run_scoped3A_533 = tpu.sem_alloc : memref<!tpu.dma_semaphore, #tpu.memory_space<semaphore_mem>>
        %dma_start3A_534 = arith.constant 0 : i32
        %dma_start3A_535 = tpu.memref_slice %arg6[%arg0, %multiple_of3A, %dma_start3A_534] : memref<2x10000x64xf32, #tpu.memory_space<hbm>> -> memref<1x624x64xf32, #tpu.memory_space<hbm>>
        %dma_start3A_536 = tpu.memref_squeeze %dma_start3A_535 : memref<1x624x64xf32, #tpu.memory_space<hbm>> -> memref<624x64xf32, #tpu.memory_space<hbm>>
        %dma_start3A_537 = arith.constant 0 : i32
        %dma_start3A_538 = tpu.memref_slice %arg15[%multiple_of3A, %dma_start3A_537] : memref<10000x64xf32, #tpu.memory_space<vmem_shared>> -> memref<624x64xf32, #tpu.memory_space<vmem_shared>>
        tpu.enqueue_dma source(%dma_start3A_538 : memref<624x64xf32, #tpu.memory_space<vmem_shared>>) target(%dma_start3A_536 : memref<624x64xf32, #tpu.memory_space<hbm>>) target_semaphore(%run_scoped3A_533 : memref<!tpu.dma_semaphore, #tpu.memory_space<semaphore_mem>>)
        %dma_wait3A_539 = arith.constant 0 : i32
        %dma_wait3A_540 = tpu.memref_slice %arg6[%arg0, %multiple_of3A, %dma_wait3A_539] : memref<2x10000x64xf32, #tpu.memory_space<hbm>> -> memref<1x624x64xf32, #tpu.memory_space<hbm>>
        %dma_wait3A_541 = tpu.memref_squeeze %dma_wait3A_540 : memref<1x624x64xf32, #tpu.memory_space<hbm>> -> memref<624x64xf32, #tpu.memory_space<hbm>>
        %dma_wait3A_542 = arith.constant 0 : i32
        %dma_wait3A_543 = tpu.memref_slice %arg15[%multiple_of3A, %dma_wait3A_542] : memref<10000x64xf32, #tpu.memory_space<vmem_shared>> -> memref<624x64xf32, #tpu.memory_space<vmem_shared>>
        tpu.wait_dma2 semaphore(%run_scoped3A_533 : memref<!tpu.dma_semaphore, #tpu.memory_space<semaphore_mem>>) src(%dma_wait3A_543 : memref<624x64xf32, #tpu.memory_space<vmem_shared>>) dst(%dma_wait3A_541 : memref<624x64xf32, #tpu.memory_space<hbm>>)
        tpu.yield
      }) : () -> ()
    } else {
    }
    %eq3A_528 = arith.constant 15 : i32
    %eq3A_529 = arith.cmpi eq, %arg1, %eq3A_528 : i32
    %convert_element_type3A_530 = arith.extui %eq3A_529 : i1 to i32
    %cond3A_531 = arith.constant 0 : i32
    %cond3A_532 = arith.cmpi ne, %convert_element_type3A_530, %cond3A_531 : i32
    scf.if %cond3A_532 {
      "tpu.region"() ({
        %run_scoped3A_533 = tpu.sem_alloc : memref<!tpu.dma_semaphore, #tpu.memory_space<semaphore_mem>>
        %dma_start3A_534 = arith.constant 0 : i32
        %dma_start3A_535 = tpu.memref_slice %arg6[%arg0, %multiple_of3A, %dma_start3A_534] : memref<2x10000x64xf32, #tpu.memory_space<hbm>> -> memref<1x640x64xf32, #tpu.memory_space<hbm>>
        %dma_start3A_536 = tpu.memref_squeeze %dma_start3A_535 : memref<1x640x64xf32, #tpu.memory_space<hbm>> -> memref<640x64xf32, #tpu.memory_space<hbm>>
        %dma_start3A_537 = arith.constant 0 : i32
        %dma_start3A_538 = tpu.memref_slice %arg15[%multiple_of3A, %dma_start3A_537] : memref<10000x64xf32, #tpu.memory_space<vmem_shared>> -> memref<640x64xf32, #tpu.memory_space<vmem_shared>>
        tpu.enqueue_dma source(%dma_start3A_538 : memref<640x64xf32, #tpu.memory_space<vmem_shared>>) target(%dma_start3A_536 : memref<640x64xf32, #tpu.memory_space<hbm>>) target_semaphore(%run_scoped3A_533 : memref<!tpu.dma_semaphore, #tpu.memory_space<semaphore_mem>>)
        %dma_wait3A_539 = arith.constant 0 : i32
        %dma_wait3A_540 = tpu.memref_slice %arg6[%arg0, %multiple_of3A, %dma_wait3A_539] : memref<2x10000x64xf32, #tpu.memory_space<hbm>> -> memref<1x640x64xf32, #tpu.memory_space<hbm>>
        %dma_wait3A_541 = tpu.memref_squeeze %dma_wait3A_540 : memref<1x640x64xf32, #tpu.memory_space<hbm>> -> memref<640x64xf32, #tpu.memory_space<hbm>>
        %dma_wait3A_542 = arith.constant 0 : i32
        %dma_wait3A_543 = tpu.memref_slice %arg15[%multiple_of3A, %dma_wait3A_542] : memref<10000x64xf32, #tpu.memory_space<vmem_shared>> -> memref<640x64xf32, #tpu.memory_space<vmem_shared>>
        tpu.wait_dma2 semaphore(%run_scoped3A_533 : memref<!tpu.dma_semaphore, #tpu.memory_space<semaphore_mem>>) src(%dma_wait3A_543 : memref<640x64xf32, #tpu.memory_space<vmem_shared>>) dst(%dma_wait3A_541 : memref<640x64xf32, #tpu.memory_space<hbm>>)
        tpu.yield
      }) : () -> ()
    } else {
    }
    return
  }
}

#map = affine_map<(d0, d1) -> (0, 0, 0)>
#map1 = affine_map<(d0, d1) -> (0, 0)>
module attributes {stable_mosaic.version = 14 : i64} {
  func.func @_sc_edge_body(%arg0: i32, %arg1: i32, %arg2: memref<2x10000x64xf32, #tpu.memory_space<hbm>>, %arg3: memref<2x10000x64xf32, #tpu.memory_space<hbm>>, %arg4: memref<2x320000xi32, #tpu.memory_space<hbm>>, %arg5: memref<640x64xf32, #tpu.memory_space<hbm>>, %arg6: memref<2x10000x64xf32, #tpu.memory_space<hbm>>, %arg7: memref<20000xi32, #tpu.memory_space<vmem>>, %arg8: memref<20000xi32, #tpu.memory_space<vmem>>, %arg9: memref<80x64xf32, #tpu.memory_space<vmem>>, %arg10: memref<80x64xf32, #tpu.memory_space<vmem>>, %arg11: memref<80x64xf32, #tpu.memory_space<vmem>>, %arg12: memref<80x64xf32, #tpu.memory_space<vmem>>, %arg13: memref<80x64xf32, #tpu.memory_space<vmem>>, %arg14: memref<80x64xf32, #tpu.memory_space<vmem>>, %arg15: memref<10000x64xf32, #tpu.memory_space<vmem_shared>>, %arg16: memref<!tpu.dma_semaphore, #tpu.memory_space<semaphore_mem>>, %arg17: memref<!tpu.dma_semaphore, #tpu.memory_space<semaphore_mem>>, %arg18: memref<!tpu.dma_semaphore, #tpu.memory_space<semaphore_mem>>, %arg19: memref<!tpu.dma_semaphore, #tpu.memory_space<semaphore_mem>>, %arg20: memref<!tpu.dma_semaphore, #tpu.memory_space<semaphore_mem>>, %arg21: memref<!tpu.dma_semaphore, #tpu.memory_space<semaphore_mem>>, %arg22: memref<!tpu.dma_semaphore, #tpu.memory_space<semaphore_mem>>, %arg23: memref<!tpu.dma_semaphore, #tpu.memory_space<semaphore_mem>>, %arg24: memref<!tpu.dma_semaphore, #tpu.memory_space<semaphore_mem>>, %arg25: memref<!tpu.dma_semaphore, #tpu.memory_space<semaphore_mem>>) attributes {dimension_semantics = [#tpu.dimension_semantics<core_parallel>, #tpu.dimension_semantics<subcore_parallel>], iteration_bounds = array<i64: 2, 16>, scalar_prefetch = 0 : i64, scratch_operands = 19 : i64, tpu.core_type = #tpu.core_type<sc_vector_subcore>, window_params = [{transform_indices = #map}, {transform_indices = #map}, {transform_indices = #map1}, {transform_indices = #map1}, {transform_indices = #map}]} {
    %mul3A = arith.constant 624 : i32
    %mul3A_0 = arith.muli %arg1, %mul3A : i32
    %multiple_of3A = tpu.assume_multiple %mul3A_0, 8 : i32
    %lt3A = arith.constant 15 : i32
    %lt3A_1 = arith.cmpi slt, %arg1, %lt3A : i32
    %convert_element_type3A = arith.extui %lt3A_1 : i1 to i32
    %cond3A = arith.constant 0 : i32
    %cond3A_2 = arith.cmpi ne, %convert_element_type3A, %cond3A : i32
    scf.if %cond3A_2 {
      "tpu.region"() ({
        %run_scoped3A_533 = tpu.sem_alloc : memref<!tpu.dma_semaphore, #tpu.memory_space<semaphore_mem>>
        %dma_start3A_534 = arith.constant 0 : i32
        %dma_start3A_535 = tpu.memref_slice %arg15[%multiple_of3A, %dma_start3A_534] : memref<10000x64xf32, #tpu.memory_space<vmem_shared>> -> memref<624x64xf32, #tpu.memory_space<vmem_shared>>
        %dma_start3A_536 = arith.constant 0 : i32
        %dma_start3A_537 = arith.constant 0 : i32
        %dma_start3A_538 = tpu.memref_slice %arg5[%dma_start3A_536, %dma_start3A_537] : memref<640x64xf32, #tpu.memory_space<hbm>> -> memref<624x64xf32, #tpu.memory_space<hbm>>
        tpu.enqueue_dma source(%dma_start3A_538 : memref<624x64xf32, #tpu.memory_space<hbm>>) target(%dma_start3A_535 : memref<624x64xf32, #tpu.memory_space<vmem_shared>>) target_semaphore(%run_scoped3A_533 : memref<!tpu.dma_semaphore, #tpu.memory_space<semaphore_mem>>)
        %dma_wait3A_539 = arith.constant 0 : i32
        %dma_wait3A_540 = tpu.memref_slice %arg15[%multiple_of3A, %dma_wait3A_539] : memref<10000x64xf32, #tpu.memory_space<vmem_shared>> -> memref<624x64xf32, #tpu.memory_space<vmem_shared>>
        %dma_wait3A_541 = arith.constant 0 : i32
        %dma_wait3A_542 = arith.constant 0 : i32
        %dma_wait3A_543 = tpu.memref_slice %arg5[%dma_wait3A_541, %dma_wait3A_542] : memref<640x64xf32, #tpu.memory_space<hbm>> -> memref<624x64xf32, #tpu.memory_space<hbm>>
        tpu.wait_dma2 semaphore(%run_scoped3A_533 : memref<!tpu.dma_semaphore, #tpu.memory_space<semaphore_mem>>) src(%dma_wait3A_543 : memref<624x64xf32, #tpu.memory_space<hbm>>) dst(%dma_wait3A_540 : memref<624x64xf32, #tpu.memory_space<vmem_shared>>)
        tpu.yield
      }) : () -> ()
    } else {
    }
    %eq3A = arith.constant 15 : i32
    %eq3A_3 = arith.cmpi eq, %arg1, %eq3A : i32
    %convert_element_type3A_4 = arith.extui %eq3A_3 : i1 to i32
    %cond3A_5 = arith.constant 0 : i32
    %cond3A_6 = arith.cmpi ne, %convert_element_type3A_4, %cond3A_5 : i32
    scf.if %cond3A_6 {
      "tpu.region"() ({
        %run_scoped3A_533 = tpu.sem_alloc : memref<!tpu.dma_semaphore, #tpu.memory_space<semaphore_mem>>
        %dma_start3A_534 = arith.constant 0 : i32
        %dma_start3A_535 = tpu.memref_slice %arg15[%multiple_of3A, %dma_start3A_534] : memref<10000x64xf32, #tpu.memory_space<vmem_shared>> -> memref<640x64xf32, #tpu.memory_space<vmem_shared>>
        tpu.enqueue_dma source(%arg5 : memref<640x64xf32, #tpu.memory_space<hbm>>) target(%dma_start3A_535 : memref<640x64xf32, #tpu.memory_space<vmem_shared>>) target_semaphore(%run_scoped3A_533 : memref<!tpu.dma_semaphore, #tpu.memory_space<semaphore_mem>>)
        %dma_wait3A_536 = arith.constant 0 : i32
        %dma_wait3A_537 = tpu.memref_slice %arg15[%multiple_of3A, %dma_wait3A_536] : memref<10000x64xf32, #tpu.memory_space<vmem_shared>> -> memref<640x64xf32, #tpu.memory_space<vmem_shared>>
        tpu.wait_dma2 semaphore(%run_scoped3A_533 : memref<!tpu.dma_semaphore, #tpu.memory_space<semaphore_mem>>) src(%arg5 : memref<640x64xf32, #tpu.memory_space<hbm>>) dst(%dma_wait3A_537 : memref<640x64xf32, #tpu.memory_space<vmem_shared>>)
        tpu.yield
      }) : () -> ()
    } else {
    }
    %mul3A_7 = arith.constant 20000 : i32
    %mul3A_8 = arith.muli %arg1, %mul3A_7 : i32
    %run_scoped3A = arith.constant 0 : i32
    "tpu.region"() ({
      %run_scoped3A_533 = tpu.sem_alloc : memref<!tpu.dma_semaphore, #tpu.memory_space<semaphore_mem>>
      %dma_start3A_534 = tpu.memref_slice %arg4[%run_scoped3A, %mul3A_8] : memref<2x320000xi32, #tpu.memory_space<hbm>> -> memref<1x20000xi32, #tpu.memory_space<hbm>>
      %dma_start3A_535 = tpu.memref_squeeze %dma_start3A_534 : memref<1x20000xi32, #tpu.memory_space<hbm>> -> memref<20000xi32, #tpu.memory_space<hbm>>
      %dma_start3A_536 = tpu.memref_slice %arg4[%run_scoped3A, %mul3A_8] : memref<2x320000xi32, #tpu.memory_space<hbm>> -> memref<1x20000xi32, #tpu.memory_space<hbm>>
      %dma_start3A_537 = tpu.memref_squeeze %dma_start3A_536 : memref<1x20000xi32, #tpu.memory_space<hbm>> -> memref<20000xi32, #tpu.memory_space<hbm>>
      tpu.enqueue_dma source(%dma_start3A_537 : memref<20000xi32, #tpu.memory_space<hbm>>) target(%arg7 : memref<20000xi32, #tpu.memory_space<vmem>>) target_semaphore(%run_scoped3A_533 : memref<!tpu.dma_semaphore, #tpu.memory_space<semaphore_mem>>)
      %dma_wait3A_538 = tpu.memref_slice %arg4[%run_scoped3A, %mul3A_8] : memref<2x320000xi32, #tpu.memory_space<hbm>> -> memref<1x20000xi32, #tpu.memory_space<hbm>>
      %dma_wait3A_539 = tpu.memref_squeeze %dma_wait3A_538 : memref<1x20000xi32, #tpu.memory_space<hbm>> -> memref<20000xi32, #tpu.memory_space<hbm>>
      %dma_wait3A_540 = tpu.memref_slice %arg4[%run_scoped3A, %mul3A_8] : memref<2x320000xi32, #tpu.memory_space<hbm>> -> memref<1x20000xi32, #tpu.memory_space<hbm>>
      %dma_wait3A_541 = tpu.memref_squeeze %dma_wait3A_540 : memref<1x20000xi32, #tpu.memory_space<hbm>> -> memref<20000xi32, #tpu.memory_space<hbm>>
      tpu.wait_dma2 semaphore(%run_scoped3A_533 : memref<!tpu.dma_semaphore, #tpu.memory_space<semaphore_mem>>) src(%dma_wait3A_541 : memref<20000xi32, #tpu.memory_space<hbm>>) dst(%arg7 : memref<20000xi32, #tpu.memory_space<vmem>>)
      tpu.yield
    }) : () -> ()
    %run_scoped3A_9 = arith.constant 1 : i32
    "tpu.region"() ({
      %run_scoped3A_533 = tpu.sem_alloc : memref<!tpu.dma_semaphore, #tpu.memory_space<semaphore_mem>>
      %dma_start3A_534 = tpu.memref_slice %arg4[%run_scoped3A_9, %mul3A_8] : memref<2x320000xi32, #tpu.memory_space<hbm>> -> memref<1x20000xi32, #tpu.memory_space<hbm>>
      %dma_start3A_535 = tpu.memref_squeeze %dma_start3A_534 : memref<1x20000xi32, #tpu.memory_space<hbm>> -> memref<20000xi32, #tpu.memory_space<hbm>>
      %dma_start3A_536 = tpu.memref_slice %arg4[%run_scoped3A_9, %mul3A_8] : memref<2x320000xi32, #tpu.memory_space<hbm>> -> memref<1x20000xi32, #tpu.memory_space<hbm>>
      %dma_start3A_537 = tpu.memref_squeeze %dma_start3A_536 : memref<1x20000xi32, #tpu.memory_space<hbm>> -> memref<20000xi32, #tpu.memory_space<hbm>>
      tpu.enqueue_dma source(%dma_start3A_537 : memref<20000xi32, #tpu.memory_space<hbm>>) target(%arg8 : memref<20000xi32, #tpu.memory_space<vmem>>) target_semaphore(%run_scoped3A_533 : memref<!tpu.dma_semaphore, #tpu.memory_space<semaphore_mem>>)
      %dma_wait3A_538 = tpu.memref_slice %arg4[%run_scoped3A_9, %mul3A_8] : memref<2x320000xi32, #tpu.memory_space<hbm>> -> memref<1x20000xi32, #tpu.memory_space<hbm>>
      %dma_wait3A_539 = tpu.memref_squeeze %dma_wait3A_538 : memref<1x20000xi32, #tpu.memory_space<hbm>> -> memref<20000xi32, #tpu.memory_space<hbm>>
      %dma_wait3A_540 = tpu.memref_slice %arg4[%run_scoped3A_9, %mul3A_8] : memref<2x320000xi32, #tpu.memory_space<hbm>> -> memref<1x20000xi32, #tpu.memory_space<hbm>>
      %dma_wait3A_541 = tpu.memref_squeeze %dma_wait3A_540 : memref<1x20000xi32, #tpu.memory_space<hbm>> -> memref<20000xi32, #tpu.memory_space<hbm>>
      tpu.wait_dma2 semaphore(%run_scoped3A_533 : memref<!tpu.dma_semaphore, #tpu.memory_space<semaphore_mem>>) src(%dma_wait3A_541 : memref<20000xi32, #tpu.memory_space<hbm>>) dst(%arg8 : memref<20000xi32, #tpu.memory_space<vmem>>)
      tpu.yield
    }) : () -> ()
    %barrier3A = arith.constant 0 : index
    tpu.barrier barrier_id(%barrier3A)
    %dma_start3A = arith.constant 0 : i32
    %dma_start3A_10 = tpu.memref_slice %arg7[%dma_start3A] : memref<20000xi32, #tpu.memory_space<vmem>> -> memref<80xi32, #tpu.memory_space<vmem>>
    %dma_start3A_11 = arith.constant 0 : i32
    %dma_start3A_12 = arith.constant 0 : i32
    %dma_start3A_13 = tpu.memref_slice %arg2[%arg0, %dma_start3A_11, %dma_start3A_12] : memref<2x10000x64xf32, #tpu.memory_space<hbm>> -> memref<1x10000x64xf32, #tpu.memory_space<hbm>>
    %dma_start3A_14 = tpu.memref_squeeze %dma_start3A_13 : memref<1x10000x64xf32, #tpu.memory_space<hbm>> -> memref<10000x64xf32, #tpu.memory_space<hbm>>
    %dma_start3A_15 = arith.constant 0 : i32
    %dma_start3A_16 = arith.constant 0 : i32
    %dma_start3A_17 = tpu.memref_slice %dma_start3A_14[%dma_start3A_15, %dma_start3A_16] : memref<10000x64xf32, #tpu.memory_space<hbm>> -> memref<10000x64xf32, #tpu.memory_space<hbm>>
    tpu.enqueue_indirect_dma source(%dma_start3A_17 : memref<10000x64xf32, #tpu.memory_space<hbm>>) target(%arg9 : memref<80x64xf32, #tpu.memory_space<vmem>>) offsets(%dma_start3A_10 : memref<80xi32, #tpu.memory_space<vmem>>) semaphore(%arg16 : memref<!tpu.dma_semaphore, #tpu.memory_space<semaphore_mem>>)
    %dma_start3A_18 = arith.constant 80 : i32
    %dma_start3A_19 = tpu.memref_slice %arg7[%dma_start3A_18] : memref<20000xi32, #tpu.memory_space<vmem>> -> memref<80xi32, #tpu.memory_space<vmem>>
    %dma_start3A_20 = arith.constant 0 : i32
    %dma_start3A_21 = arith.constant 0 : i32
    %dma_start3A_22 = tpu.memref_slice %arg2[%arg0, %dma_start3A_20, %dma_start3A_21] : memref<2x10000x64xf32, #tpu.memory_space<hbm>> -> memref<1x10000x64xf32, #tpu.memory_space<hbm>>
    %dma_start3A_23 = tpu.memref_squeeze %dma_start3A_22 : memref<1x10000x64xf32, #tpu.memory_space<hbm>> -> memref<10000x64xf32, #tpu.memory_space<hbm>>
    %dma_start3A_24 = arith.constant 0 : i32
    %dma_start3A_25 = arith.constant 0 : i32
    %dma_start3A_26 = tpu.memref_slice %dma_start3A_23[%dma_start3A_24, %dma_start3A_25] : memref<10000x64xf32, #tpu.memory_space<hbm>> -> memref<10000x64xf32, #tpu.memory_space<hbm>>
    tpu.enqueue_indirect_dma source(%dma_start3A_26 : memref<10000x64xf32, #tpu.memory_space<hbm>>) target(%arg10 : memref<80x64xf32, #tpu.memory_space<vmem>>) offsets(%dma_start3A_19 : memref<80xi32, #tpu.memory_space<vmem>>) semaphore(%arg17 : memref<!tpu.dma_semaphore, #tpu.memory_space<semaphore_mem>>)
    %dma_start3A_27 = arith.constant 160 : i32
    %dma_start3A_28 = tpu.memref_slice %arg7[%dma_start3A_27] : memref<20000xi32, #tpu.memory_space<vmem>> -> memref<80xi32, #tpu.memory_space<vmem>>
    %dma_start3A_29 = arith.constant 0 : i32
    %dma_start3A_30 = arith.constant 0 : i32
    %dma_start3A_31 = tpu.memref_slice %arg2[%arg0, %dma_start3A_29, %dma_start3A_30] : memref<2x10000x64xf32, #tpu.memory_space<hbm>> -> memref<1x10000x64xf32, #tpu.memory_space<hbm>>
    %dma_start3A_32 = tpu.memref_squeeze %dma_start3A_31 : memref<1x10000x64xf32, #tpu.memory_space<hbm>> -> memref<10000x64xf32, #tpu.memory_space<hbm>>
    %dma_start3A_33 = arith.constant 0 : i32
    %dma_start3A_34 = arith.constant 0 : i32
    %dma_start3A_35 = tpu.memref_slice %dma_start3A_32[%dma_start3A_33, %dma_start3A_34] : memref<10000x64xf32, #tpu.memory_space<hbm>> -> memref<10000x64xf32, #tpu.memory_space<hbm>>
    tpu.enqueue_indirect_dma source(%dma_start3A_35 : memref<10000x64xf32, #tpu.memory_space<hbm>>) target(%arg11 : memref<80x64xf32, #tpu.memory_space<vmem>>) offsets(%dma_start3A_28 : memref<80xi32, #tpu.memory_space<vmem>>) semaphore(%arg18 : memref<!tpu.dma_semaphore, #tpu.memory_space<semaphore_mem>>)
    %dma_start3A_36 = arith.constant 240 : i32
    %dma_start3A_37 = tpu.memref_slice %arg7[%dma_start3A_36] : memref<20000xi32, #tpu.memory_space<vmem>> -> memref<80xi32, #tpu.memory_space<vmem>>
    %dma_start3A_38 = arith.constant 0 : i32
    %dma_start3A_39 = arith.constant 0 : i32
    %dma_start3A_40 = tpu.memref_slice %arg2[%arg0, %dma_start3A_38, %dma_start3A_39] : memref<2x10000x64xf32, #tpu.memory_space<hbm>> -> memref<1x10000x64xf32, #tpu.memory_space<hbm>>
    %dma_start3A_41 = tpu.memref_squeeze %dma_start3A_40 : memref<1x10000x64xf32, #tpu.memory_space<hbm>> -> memref<10000x64xf32, #tpu.memory_space<hbm>>
    %dma_start3A_42 = arith.constant 0 : i32
    %dma_start3A_43 = arith.constant 0 : i32
    %dma_start3A_44 = tpu.memref_slice %dma_start3A_41[%dma_start3A_42, %dma_start3A_43] : memref<10000x64xf32, #tpu.memory_space<hbm>> -> memref<10000x64xf32, #tpu.memory_space<hbm>>
    tpu.enqueue_indirect_dma source(%dma_start3A_44 : memref<10000x64xf32, #tpu.memory_space<hbm>>) target(%arg12 : memref<80x64xf32, #tpu.memory_space<vmem>>) offsets(%dma_start3A_37 : memref<80xi32, #tpu.memory_space<vmem>>) semaphore(%arg19 : memref<!tpu.dma_semaphore, #tpu.memory_space<semaphore_mem>>)
    %dma_wait3A = arith.constant 0 : i32
    %dma_wait3A_45 = tpu.memref_slice %arg7[%dma_wait3A] : memref<20000xi32, #tpu.memory_space<vmem>> -> memref<80xi32, #tpu.memory_space<vmem>>
    %dma_wait3A_46 = arith.constant 0 : i32
    %dma_wait3A_47 = arith.constant 0 : i32
    %dma_wait3A_48 = tpu.memref_slice %arg2[%arg0, %dma_wait3A_46, %dma_wait3A_47] : memref<2x10000x64xf32, #tpu.memory_space<hbm>> -> memref<1x10000x64xf32, #tpu.memory_space<hbm>>
    %dma_wait3A_49 = tpu.memref_squeeze %dma_wait3A_48 : memref<1x10000x64xf32, #tpu.memory_space<hbm>> -> memref<10000x64xf32, #tpu.memory_space<hbm>>
    %dma_wait3A_50 = arith.constant 0 : i32
    %dma_wait3A_51 = arith.constant 0 : i32
    %dma_wait3A_52 = tpu.memref_slice %dma_wait3A_49[%dma_wait3A_50, %dma_wait3A_51] : memref<10000x64xf32, #tpu.memory_space<hbm>> -> memref<10000x64xf32, #tpu.memory_space<hbm>>
    tpu.wait_indirect_dma semaphore(%arg16 : memref<!tpu.dma_semaphore, #tpu.memory_space<semaphore_mem>>) src(%dma_wait3A_52 : memref<10000x64xf32, #tpu.memory_space<hbm>>) dst(%arg9 : memref<80x64xf32, #tpu.memory_space<vmem>>)
    %dma_start3A_53 = arith.constant 0 : i32
    %dma_start3A_54 = tpu.memref_slice %arg8[%dma_start3A_53] : memref<20000xi32, #tpu.memory_space<vmem>> -> memref<80xi32, #tpu.memory_space<vmem>>
    %dma_start3A_55 = arith.constant 0 : i32
    %dma_start3A_56 = arith.constant 0 : i32
    %dma_start3A_57 = tpu.memref_slice %arg3[%arg0, %dma_start3A_55, %dma_start3A_56] : memref<2x10000x64xf32, #tpu.memory_space<hbm>> -> memref<1x10000x64xf32, #tpu.memory_space<hbm>>
    %dma_start3A_58 = tpu.memref_squeeze %dma_start3A_57 : memref<1x10000x64xf32, #tpu.memory_space<hbm>> -> memref<10000x64xf32, #tpu.memory_space<hbm>>
    %dma_start3A_59 = arith.constant 0 : i32
    %dma_start3A_60 = arith.constant 0 : i32
    %dma_start3A_61 = tpu.memref_slice %dma_start3A_58[%dma_start3A_59, %dma_start3A_60] : memref<10000x64xf32, #tpu.memory_space<hbm>> -> memref<10000x64xf32, #tpu.memory_space<hbm>>
    tpu.enqueue_indirect_dma source(%dma_start3A_61 : memref<10000x64xf32, #tpu.memory_space<hbm>>) target(%arg9 : memref<80x64xf32, #tpu.memory_space<vmem>>) offsets(%dma_start3A_54 : memref<80xi32, #tpu.memory_space<vmem>>) semaphore(%arg20 : memref<!tpu.dma_semaphore, #tpu.memory_space<semaphore_mem>>) {add = true}
    %dma_wait3A_62 = arith.constant 80 : i32
    %dma_wait3A_63 = tpu.memref_slice %arg7[%dma_wait3A_62] : memref<20000xi32, #tpu.memory_space<vmem>> -> memref<80xi32, #tpu.memory_space<vmem>>
    %dma_wait3A_64 = arith.constant 0 : i32
    %dma_wait3A_65 = arith.constant 0 : i32
    %dma_wait3A_66 = tpu.memref_slice %arg2[%arg0, %dma_wait3A_64, %dma_wait3A_65] : memref<2x10000x64xf32, #tpu.memory_space<hbm>> -> memref<1x10000x64xf32, #tpu.memory_space<hbm>>
    %dma_wait3A_67 = tpu.memref_squeeze %dma_wait3A_66 : memref<1x10000x64xf32, #tpu.memory_space<hbm>> -> memref<10000x64xf32, #tpu.memory_space<hbm>>
    %dma_wait3A_68 = arith.constant 0 : i32
    %dma_wait3A_69 = arith.constant 0 : i32
    %dma_wait3A_70 = tpu.memref_slice %dma_wait3A_67[%dma_wait3A_68, %dma_wait3A_69] : memref<10000x64xf32, #tpu.memory_space<hbm>> -> memref<10000x64xf32, #tpu.memory_space<hbm>>
    tpu.wait_indirect_dma semaphore(%arg17 : memref<!tpu.dma_semaphore, #tpu.memory_space<semaphore_mem>>) src(%dma_wait3A_70 : memref<10000x64xf32, #tpu.memory_space<hbm>>) dst(%arg10 : memref<80x64xf32, #tpu.memory_space<vmem>>)
    %dma_start3A_71 = arith.constant 80 : i32
    %dma_start3A_72 = tpu.memref_slice %arg8[%dma_start3A_71] : memref<20000xi32, #tpu.memory_space<vmem>> -> memref<80xi32, #tpu.memory_space<vmem>>
    %dma_start3A_73 = arith.constant 0 : i32
    %dma_start3A_74 = arith.constant 0 : i32
    %dma_start3A_75 = tpu.memref_slice %arg3[%arg0, %dma_start3A_73, %dma_start3A_74] : memref<2x10000x64xf32, #tpu.memory_space<hbm>> -> memref<1x10000x64xf32, #tpu.memory_space<hbm>>
    %dma_start3A_76 = tpu.memref_squeeze %dma_start3A_75 : memref<1x10000x64xf32, #tpu.memory_space<hbm>> -> memref<10000x64xf32, #tpu.memory_space<hbm>>
    %dma_start3A_77 = arith.constant 0 : i32
    %dma_start3A_78 = arith.constant 0 : i32
    %dma_start3A_79 = tpu.memref_slice %dma_start3A_76[%dma_start3A_77, %dma_start3A_78] : memref<10000x64xf32, #tpu.memory_space<hbm>> -> memref<10000x64xf32, #tpu.memory_space<hbm>>
    tpu.enqueue_indirect_dma source(%dma_start3A_79 : memref<10000x64xf32, #tpu.memory_space<hbm>>) target(%arg10 : memref<80x64xf32, #tpu.memory_space<vmem>>) offsets(%dma_start3A_72 : memref<80xi32, #tpu.memory_space<vmem>>) semaphore(%arg21 : memref<!tpu.dma_semaphore, #tpu.memory_space<semaphore_mem>>) {add = true}
    %dma_wait3A_80 = arith.constant 0 : i32
    %dma_wait3A_81 = tpu.memref_slice %arg8[%dma_wait3A_80] : memref<20000xi32, #tpu.memory_space<vmem>> -> memref<80xi32, #tpu.memory_space<vmem>>
    %dma_wait3A_82 = arith.constant 0 : i32
    %dma_wait3A_83 = arith.constant 0 : i32
    %dma_wait3A_84 = tpu.memref_slice %arg3[%arg0, %dma_wait3A_82, %dma_wait3A_83] : memref<2x10000x64xf32, #tpu.memory_space<hbm>> -> memref<1x10000x64xf32, #tpu.memory_space<hbm>>
    %dma_wait3A_85 = tpu.memref_squeeze %dma_wait3A_84 : memref<1x10000x64xf32, #tpu.memory_space<hbm>> -> memref<10000x64xf32, #tpu.memory_space<hbm>>
    %dma_wait3A_86 = arith.constant 0 : i32
    %dma_wait3A_87 = arith.constant 0 : i32
    %dma_wait3A_88 = tpu.memref_slice %dma_wait3A_85[%dma_wait3A_86, %dma_wait3A_87] : memref<10000x64xf32, #tpu.memory_space<hbm>> -> memref<10000x64xf32, #tpu.memory_space<hbm>>
    tpu.wait_indirect_dma semaphore(%arg20 : memref<!tpu.dma_semaphore, #tpu.memory_space<semaphore_mem>>) src(%dma_wait3A_88 : memref<10000x64xf32, #tpu.memory_space<hbm>>) dst(%arg9 : memref<80x64xf32, #tpu.memory_space<vmem>>)
    %scan3A = arith.constant 0 : i32
    %scan3A_89 = arith.constant 80 : i32
    %scan3A_90 = arith.addi %scan3A, %scan3A_89 : i32
    %scan3A_91 = arith.constant 1 : i32
    scf.for %scan3A_533 = %scan3A to %scan3A_90 step %scan3A_91  : i32 {
      %mul3A_534 = arith.constant 1 : i32
      %mul3A_535 = arith.muli %scan3A_533, %mul3A_534 : i32
      %add3A = arith.constant 0 : i32
      %add3A_536 = arith.addi %add3A, %mul3A_535 : i32
      %get3A = arith.index_cast %add3A_536 : i32 to index
      %get3A_537 = arith.constant 0 : index
      %get3A_538 = tpu.vector_load %arg9[%get3A, %get3A_537] {strides = array<i32>} : memref<80x64xf32, #tpu.memory_space<vmem>>, vector<1x16xf32>,
      %get3A_539 = vector.shape_cast %get3A_538 : vector<1x16xf32> to vector<16xf32>
      %max3A = arith.constant 0.000000e+00 : f32
      %max3A_540 = vector.broadcast %max3A : f32 to vector<16xf32>
      %max3A_541 = arith.maximumf %get3A_539, %max3A_540 : vector<16xf32>
      %swap3A = arith.index_cast %add3A_536 : i32 to index
      %swap3A_542 = arith.constant 0 : index
      %swap3A_543 = tpu.vector_load %arg13[%swap3A, %swap3A_542] {strides = array<i32>} : memref<80x64xf32, #tpu.memory_space<vmem>>, vector<1x16xf32>,
      %swap3A_544 = vector.shape_cast %swap3A_543 : vector<1x16xf32> to vector<16xf32>
      %swap3A_545 = vector.shape_cast %max3A_541 : vector<16xf32> to vector<1x16xf32>
      tpu.vector_store %arg13[%swap3A, %swap3A_542], %swap3A_545 {strides = array<i32>} : memref<80x64xf32, #tpu.memory_space<vmem>>, vector<1x16xf32>,
      %get3A_546 = arith.index_cast %add3A_536 : i32 to index
      %get3A_547 = arith.constant 16 : index
      %get3A_548 = tpu.vector_load %arg9[%get3A_546, %get3A_547] {strides = array<i32>} : memref<80x64xf32, #tpu.memory_space<vmem>>, vector<1x16xf32>,
      %get3A_549 = vector.shape_cast %get3A_548 : vector<1x16xf32> to vector<16xf32>
      %max3A_550 = arith.constant 0.000000e+00 : f32
      %max3A_551 = vector.broadcast %max3A_550 : f32 to vector<16xf32>
      %max3A_552 = arith.maximumf %get3A_549, %max3A_551 : vector<16xf32>
      %swap3A_553 = arith.index_cast %add3A_536 : i32 to index
      %swap3A_554 = arith.constant 16 : index
      %swap3A_555 = tpu.vector_load %arg13[%swap3A_553, %swap3A_554] {strides = array<i32>} : memref<80x64xf32, #tpu.memory_space<vmem>>, vector<1x16xf32>,
      %swap3A_556 = vector.shape_cast %swap3A_555 : vector<1x16xf32> to vector<16xf32>
      %swap3A_557 = vector.shape_cast %max3A_552 : vector<16xf32> to vector<1x16xf32>
      tpu.vector_store %arg13[%swap3A_553, %swap3A_554], %swap3A_557 {strides = array<i32>} : memref<80x64xf32, #tpu.memory_space<vmem>>, vector<1x16xf32>,
      %get3A_558 = arith.index_cast %add3A_536 : i32 to index
      %get3A_559 = arith.constant 32 : index
      %get3A_560 = tpu.vector_load %arg9[%get3A_558, %get3A_559] {strides = array<i32>} : memref<80x64xf32, #tpu.memory_space<vmem>>, vector<1x16xf32>,
      %get3A_561 = vector.shape_cast %get3A_560 : vector<1x16xf32> to vector<16xf32>
      %max3A_562 = arith.constant 0.000000e+00 : f32
      %max3A_563 = vector.broadcast %max3A_562 : f32 to vector<16xf32>
      %max3A_564 = arith.maximumf %get3A_561, %max3A_563 : vector<16xf32>
      %swap3A_565 = arith.index_cast %add3A_536 : i32 to index
      %swap3A_566 = arith.constant 32 : index
      %swap3A_567 = tpu.vector_load %arg13[%swap3A_565, %swap3A_566] {strides = array<i32>} : memref<80x64xf32, #tpu.memory_space<vmem>>, vector<1x16xf32>,
      %swap3A_568 = vector.shape_cast %swap3A_567 : vector<1x16xf32> to vector<16xf32>
      %swap3A_569 = vector.shape_cast %max3A_564 : vector<16xf32> to vector<1x16xf32>
      tpu.vector_store %arg13[%swap3A_565, %swap3A_566], %swap3A_569 {strides = array<i32>} : memref<80x64xf32, #tpu.memory_space<vmem>>, vector<1x16xf32>,
      %get3A_570 = arith.index_cast %add3A_536 : i32 to index
      %get3A_571 = arith.constant 48 : index
      %get3A_572 = tpu.vector_load %arg9[%get3A_570, %get3A_571] {strides = array<i32>} : memref<80x64xf32, #tpu.memory_space<vmem>>, vector<1x16xf32>,
      %get3A_573 = vector.shape_cast %get3A_572 : vector<1x16xf32> to vector<16xf32>
      %max3A_574 = arith.constant 0.000000e+00 : f32
      %max3A_575 = vector.broadcast %max3A_574 : f32 to vector<16xf32>
      %max3A_576 = arith.maximumf %get3A_573, %max3A_575 : vector<16xf32>
      %swap3A_577 = arith.index_cast %add3A_536 : i32 to index
      %swap3A_578 = arith.constant 48 : index
      %swap3A_579 = tpu.vector_load %arg13[%swap3A_577, %swap3A_578] {strides = array<i32>} : memref<80x64xf32, #tpu.memory_space<vmem>>, vector<1x16xf32>,
      %swap3A_580 = vector.shape_cast %swap3A_579 : vector<1x16xf32> to vector<16xf32>
      %swap3A_581 = vector.shape_cast %max3A_576 : vector<16xf32> to vector<1x16xf32>
      tpu.vector_store %arg13[%swap3A_577, %swap3A_578], %swap3A_581 {strides = array<i32>} : memref<80x64xf32, #tpu.memory_space<vmem>>, vector<1x16xf32>,
    }
    %scan3A_92 = arith.constant 80 : i32
    %dma_start3A_93 = arith.constant 320 : i32
    %dma_start3A_94 = tpu.memref_slice %arg7[%dma_start3A_93] : memref<20000xi32, #tpu.memory_space<vmem>> -> memref<80xi32, #tpu.memory_space<vmem>>
    %dma_start3A_95 = arith.constant 0 : i32
    %dma_start3A_96 = arith.constant 0 : i32
    %dma_start3A_97 = tpu.memref_slice %arg2[%arg0, %dma_start3A_95, %dma_start3A_96] : memref<2x10000x64xf32, #tpu.memory_space<hbm>> -> memref<1x10000x64xf32, #tpu.memory_space<hbm>>
    %dma_start3A_98 = tpu.memref_squeeze %dma_start3A_97 : memref<1x10000x64xf32, #tpu.memory_space<hbm>> -> memref<10000x64xf32, #tpu.memory_space<hbm>>
    %dma_start3A_99 = arith.constant 0 : i32
    %dma_start3A_100 = arith.constant 0 : i32
    %dma_start3A_101 = tpu.memref_slice %dma_start3A_98[%dma_start3A_99, %dma_start3A_100] : memref<10000x64xf32, #tpu.memory_space<hbm>> -> memref<10000x64xf32, #tpu.memory_space<hbm>>
    tpu.enqueue_indirect_dma source(%dma_start3A_101 : memref<10000x64xf32, #tpu.memory_space<hbm>>) target(%arg9 : memref<80x64xf32, #tpu.memory_space<vmem>>) offsets(%dma_start3A_94 : memref<80xi32, #tpu.memory_space<vmem>>) semaphore(%arg16 : memref<!tpu.dma_semaphore, #tpu.memory_space<semaphore_mem>>)
    %dma_start3A_102 = arith.constant 0 : i32
    %dma_start3A_103 = tpu.memref_slice %arg8[%dma_start3A_102] : memref<20000xi32, #tpu.memory_space<vmem>> -> memref<80xi32, #tpu.memory_space<vmem>>
    %dma_start3A_104 = arith.constant 0 : i32
    %dma_start3A_105 = arith.constant 0 : i32
    %dma_start3A_106 = tpu.memref_slice %arg15[%dma_start3A_104, %dma_start3A_105] : memref<10000x64xf32, #tpu.memory_space<vmem_shared>> -> memref<10000x64xf32, #tpu.memory_space<vmem_shared>>
    tpu.enqueue_indirect_dma source(%arg13 : memref<80x64xf32, #tpu.memory_space<vmem>>) target(%dma_start3A_106 : memref<10000x64xf32, #tpu.memory_space<vmem_shared>>) offsets(%dma_start3A_103 : memref<80xi32, #tpu.memory_space<vmem>>) semaphore(%arg24 : memref<!tpu.dma_semaphore, #tpu.memory_space<semaphore_mem>>) {add = true}
    %dma_wait3A_107 = arith.constant 160 : i32
    %dma_wait3A_108 = tpu.memref_slice %arg7[%dma_wait3A_107] : memref<20000xi32, #tpu.memory_space<vmem>> -> memref<80xi32, #tpu.memory_space<vmem>>
    %dma_wait3A_109 = arith.constant 0 : i32
    %dma_wait3A_110 = arith.constant 0 : i32
    %dma_wait3A_111 = tpu.memref_slice %arg2[%arg0, %dma_wait3A_109, %dma_wait3A_110] : memref<2x10000x64xf32, #tpu.memory_space<hbm>> -> memref<1x10000x64xf32, #tpu.memory_space<hbm>>
    %dma_wait3A_112 = tpu.memref_squeeze %dma_wait3A_111 : memref<1x10000x64xf32, #tpu.memory_space<hbm>> -> memref<10000x64xf32, #tpu.memory_space<hbm>>
    %dma_wait3A_113 = arith.constant 0 : i32
    %dma_wait3A_114 = arith.constant 0 : i32
    %dma_wait3A_115 = tpu.memref_slice %dma_wait3A_112[%dma_wait3A_113, %dma_wait3A_114] : memref<10000x64xf32, #tpu.memory_space<hbm>> -> memref<10000x64xf32, #tpu.memory_space<hbm>>
    tpu.wait_indirect_dma semaphore(%arg18 : memref<!tpu.dma_semaphore, #tpu.memory_space<semaphore_mem>>) src(%dma_wait3A_115 : memref<10000x64xf32, #tpu.memory_space<hbm>>) dst(%arg11 : memref<80x64xf32, #tpu.memory_space<vmem>>)
    %dma_start3A_116 = arith.constant 160 : i32
    %dma_start3A_117 = tpu.memref_slice %arg8[%dma_start3A_116] : memref<20000xi32, #tpu.memory_space<vmem>> -> memref<80xi32, #tpu.memory_space<vmem>>
    %dma_start3A_118 = arith.constant 0 : i32
    %dma_start3A_119 = arith.constant 0 : i32
    %dma_start3A_120 = tpu.memref_slice %arg3[%arg0, %dma_start3A_118, %dma_start3A_119] : memref<2x10000x64xf32, #tpu.memory_space<hbm>> -> memref<1x10000x64xf32, #tpu.memory_space<hbm>>
    %dma_start3A_121 = tpu.memref_squeeze %dma_start3A_120 : memref<1x10000x64xf32, #tpu.memory_space<hbm>> -> memref<10000x64xf32, #tpu.memory_space<hbm>>
    %dma_start3A_122 = arith.constant 0 : i32
    %dma_start3A_123 = arith.constant 0 : i32
    %dma_start3A_124 = tpu.memref_slice %dma_start3A_121[%dma_start3A_122, %dma_start3A_123] : memref<10000x64xf32, #tpu.memory_space<hbm>> -> memref<10000x64xf32, #tpu.memory_space<hbm>>
    tpu.enqueue_indirect_dma source(%dma_start3A_124 : memref<10000x64xf32, #tpu.memory_space<hbm>>) target(%arg11 : memref<80x64xf32, #tpu.memory_space<vmem>>) offsets(%dma_start3A_117 : memref<80xi32, #tpu.memory_space<vmem>>) semaphore(%arg22 : memref<!tpu.dma_semaphore, #tpu.memory_space<semaphore_mem>>) {add = true}
    %dma_wait3A_125 = arith.constant 80 : i32
    %dma_wait3A_126 = tpu.memref_slice %arg8[%dma_wait3A_125] : memref<20000xi32, #tpu.memory_space<vmem>> -> memref<80xi32, #tpu.memory_space<vmem>>
    %dma_wait3A_127 = arith.constant 0 : i32
    %dma_wait3A_128 = arith.constant 0 : i32
    %dma_wait3A_129 = tpu.memref_slice %arg3[%arg0, %dma_wait3A_127, %dma_wait3A_128] : memref<2x10000x64xf32, #tpu.memory_space<hbm>> -> memref<1x10000x64xf32, #tpu.memory_space<hbm>>
    %dma_wait3A_130 = tpu.memref_squeeze %dma_wait3A_129 : memref<1x10000x64xf32, #tpu.memory_space<hbm>> -> memref<10000x64xf32, #tpu.memory_space<hbm>>
    %dma_wait3A_131 = arith.constant 0 : i32
    %dma_wait3A_132 = arith.constant 0 : i32
    %dma_wait3A_133 = tpu.memref_slice %dma_wait3A_130[%dma_wait3A_131, %dma_wait3A_132] : memref<10000x64xf32, #tpu.memory_space<hbm>> -> memref<10000x64xf32, #tpu.memory_space<hbm>>
    tpu.wait_indirect_dma semaphore(%arg21 : memref<!tpu.dma_semaphore, #tpu.memory_space<semaphore_mem>>) src(%dma_wait3A_133 : memref<10000x64xf32, #tpu.memory_space<hbm>>) dst(%arg10 : memref<80x64xf32, #tpu.memory_space<vmem>>)
    %scan3A_134 = arith.constant 0 : i32
    %scan3A_135 = arith.constant 80 : i32
    %scan3A_136 = arith.addi %scan3A_134, %scan3A_135 : i32
    %scan3A_137 = arith.constant 1 : i32
    scf.for %scan3A_533 = %scan3A_134 to %scan3A_136 step %scan3A_137  : i32 {
      %mul3A_534 = arith.constant 1 : i32
      %mul3A_535 = arith.muli %scan3A_533, %mul3A_534 : i32
      %add3A = arith.constant 0 : i32
      %add3A_536 = arith.addi %add3A, %mul3A_535 : i32
      %get3A = arith.index_cast %add3A_536 : i32 to index
      %get3A_537 = arith.constant 0 : index
      %get3A_538 = tpu.vector_load %arg10[%get3A, %get3A_537] {strides = array<i32>} : memref<80x64xf32, #tpu.memory_space<vmem>>, vector<1x16xf32>,
      %get3A_539 = vector.shape_cast %get3A_538 : vector<1x16xf32> to vector<16xf32>
      %max3A = arith.constant 0.000000e+00 : f32
      %max3A_540 = vector.broadcast %max3A : f32 to vector<16xf32>
      %max3A_541 = arith.maximumf %get3A_539, %max3A_540 : vector<16xf32>
      %swap3A = arith.index_cast %add3A_536 : i32 to index
      %swap3A_542 = arith.constant 0 : index
      %swap3A_543 = tpu.vector_load %arg14[%swap3A, %swap3A_542] {strides = array<i32>} : memref<80x64xf32, #tpu.memory_space<vmem>>, vector<1x16xf32>,
      %swap3A_544 = vector.shape_cast %swap3A_543 : vector<1x16xf32> to vector<16xf32>
      %swap3A_545 = vector.shape_cast %max3A_541 : vector<16xf32> to vector<1x16xf32>
      tpu.vector_store %arg14[%swap3A, %swap3A_542], %swap3A_545 {strides = array<i32>} : memref<80x64xf32, #tpu.memory_space<vmem>>, vector<1x16xf32>,
      %get3A_546 = arith.index_cast %add3A_536 : i32 to index
      %get3A_547 = arith.constant 16 : index
      %get3A_548 = tpu.vector_load %arg10[%get3A_546, %get3A_547] {strides = array<i32>} : memref<80x64xf32, #tpu.memory_space<vmem>>, vector<1x16xf32>,
      %get3A_549 = vector.shape_cast %get3A_548 : vector<1x16xf32> to vector<16xf32>
      %max3A_550 = arith.constant 0.000000e+00 : f32
      %max3A_551 = vector.broadcast %max3A_550 : f32 to vector<16xf32>
      %max3A_552 = arith.maximumf %get3A_549, %max3A_551 : vector<16xf32>
      %swap3A_553 = arith.index_cast %add3A_536 : i32 to index
      %swap3A_554 = arith.constant 16 : index
      %swap3A_555 = tpu.vector_load %arg14[%swap3A_553, %swap3A_554] {strides = array<i32>} : memref<80x64xf32, #tpu.memory_space<vmem>>, vector<1x16xf32>,
      %swap3A_556 = vector.shape_cast %swap3A_555 : vector<1x16xf32> to vector<16xf32>
      %swap3A_557 = vector.shape_cast %max3A_552 : vector<16xf32> to vector<1x16xf32>
      tpu.vector_store %arg14[%swap3A_553, %swap3A_554], %swap3A_557 {strides = array<i32>} : memref<80x64xf32, #tpu.memory_space<vmem>>, vector<1x16xf32>,
      %get3A_558 = arith.index_cast %add3A_536 : i32 to index
      %get3A_559 = arith.constant 32 : index
      %get3A_560 = tpu.vector_load %arg10[%get3A_558, %get3A_559] {strides = array<i32>} : memref<80x64xf32, #tpu.memory_space<vmem>>, vector<1x16xf32>,
      %get3A_561 = vector.shape_cast %get3A_560 : vector<1x16xf32> to vector<16xf32>
      %max3A_562 = arith.constant 0.000000e+00 : f32
      %max3A_563 = vector.broadcast %max3A_562 : f32 to vector<16xf32>
      %max3A_564 = arith.maximumf %get3A_561, %max3A_563 : vector<16xf32>
      %swap3A_565 = arith.index_cast %add3A_536 : i32 to index
      %swap3A_566 = arith.constant 32 : index
      %swap3A_567 = tpu.vector_load %arg14[%swap3A_565, %swap3A_566] {strides = array<i32>} : memref<80x64xf32, #tpu.memory_space<vmem>>, vector<1x16xf32>,
      %swap3A_568 = vector.shape_cast %swap3A_567 : vector<1x16xf32> to vector<16xf32>
      %swap3A_569 = vector.shape_cast %max3A_564 : vector<16xf32> to vector<1x16xf32>
      tpu.vector_store %arg14[%swap3A_565, %swap3A_566], %swap3A_569 {strides = array<i32>} : memref<80x64xf32, #tpu.memory_space<vmem>>, vector<1x16xf32>,
      %get3A_570 = arith.index_cast %add3A_536 : i32 to index
      %get3A_571 = arith.constant 48 : index
      %get3A_572 = tpu.vector_load %arg10[%get3A_570, %get3A_571] {strides = array<i32>} : memref<80x64xf32, #tpu.memory_space<vmem>>, vector<1x16xf32>,
      %get3A_573 = vector.shape_cast %get3A_572 : vector<1x16xf32> to vector<16xf32>
      %max3A_574 = arith.constant 0.000000e+00 : f32
      %max3A_575 = vector.broadcast %max3A_574 : f32 to vector<16xf32>
      %max3A_576 = arith.maximumf %get3A_573, %max3A_575 : vector<16xf32>
      %swap3A_577 = arith.index_cast %add3A_536 : i32 to index
      %swap3A_578 = arith.constant 48 : index
      %swap3A_579 = tpu.vector_load %arg14[%swap3A_577, %swap3A_578] {strides = array<i32>} : memref<80x64xf32, #tpu.memory_space<vmem>>, vector<1x16xf32>,
      %swap3A_580 = vector.shape_cast %swap3A_579 : vector<1x16xf32> to vector<16xf32>
      %swap3A_581 = vector.shape_cast %max3A_576 : vector<16xf32> to vector<1x16xf32>
      tpu.vector_store %arg14[%swap3A_577, %swap3A_578], %swap3A_581 {strides = array<i32>} : memref<80x64xf32, #tpu.memory_space<vmem>>, vector<1x16xf32>,
    }
    %scan3A_138 = arith.constant 80 : i32
    %dma_start3A_139 = arith.constant 400 : i32
    %dma_start3A_140 = tpu.memref_slice %arg7[%dma_start3A_139] : memref<20000xi32, #tpu.memory_space<vmem>> -> memref<80xi32, #tpu.memory_space<vmem>>
    %dma_start3A_141 = arith.constant 0 : i32
    %dma_start3A_142 = arith.constant 0 : i32
    %dma_start3A_143 = tpu.memref_slice %arg2[%arg0, %dma_start3A_141, %dma_start3A_142] : memref<2x10000x64xf32, #tpu.memory_space<hbm>> -> memref<1x10000x64xf32, #tpu.memory_space<hbm>>
    %dma_start3A_144 = tpu.memref_squeeze %dma_start3A_143 : memref<1x10000x64xf32, #tpu.memory_space<hbm>> -> memref<10000x64xf32, #tpu.memory_space<hbm>>
    %dma_start3A_145 = arith.constant 0 : i32
    %dma_start3A_146 = arith.constant 0 : i32
    %dma_start3A_147 = tpu.memref_slice %dma_start3A_144[%dma_start3A_145, %dma_start3A_146] : memref<10000x64xf32, #tpu.memory_space<hbm>> -> memref<10000x64xf32, #tpu.memory_space<hbm>>
    tpu.enqueue_indirect_dma source(%dma_start3A_147 : memref<10000x64xf32, #tpu.memory_space<hbm>>) target(%arg10 : memref<80x64xf32, #tpu.memory_space<vmem>>) offsets(%dma_start3A_140 : memref<80xi32, #tpu.memory_space<vmem>>) semaphore(%arg17 : memref<!tpu.dma_semaphore, #tpu.memory_space<semaphore_mem>>)
    %dma_start3A_148 = arith.constant 80 : i32
    %dma_start3A_149 = tpu.memref_slice %arg8[%dma_start3A_148] : memref<20000xi32, #tpu.memory_space<vmem>> -> memref<80xi32, #tpu.memory_space<vmem>>
    %dma_start3A_150 = arith.constant 0 : i32
    %dma_start3A_151 = arith.constant 0 : i32
    %dma_start3A_152 = tpu.memref_slice %arg15[%dma_start3A_150, %dma_start3A_151] : memref<10000x64xf32, #tpu.memory_space<vmem_shared>> -> memref<10000x64xf32, #tpu.memory_space<vmem_shared>>
    tpu.enqueue_indirect_dma source(%arg14 : memref<80x64xf32, #tpu.memory_space<vmem>>) target(%dma_start3A_152 : memref<10000x64xf32, #tpu.memory_space<vmem_shared>>) offsets(%dma_start3A_149 : memref<80xi32, #tpu.memory_space<vmem>>) semaphore(%arg25 : memref<!tpu.dma_semaphore, #tpu.memory_space<semaphore_mem>>) {add = true}
    %dma_wait3A_153 = arith.constant 240 : i32
    %dma_wait3A_154 = tpu.memref_slice %arg7[%dma_wait3A_153] : memref<20000xi32, #tpu.memory_space<vmem>> -> memref<80xi32, #tpu.memory_space<vmem>>
    %dma_wait3A_155 = arith.constant 0 : i32
    %dma_wait3A_156 = arith.constant 0 : i32
    %dma_wait3A_157 = tpu.memref_slice %arg2[%arg0, %dma_wait3A_155, %dma_wait3A_156] : memref<2x10000x64xf32, #tpu.memory_space<hbm>> -> memref<1x10000x64xf32, #tpu.memory_space<hbm>>
    %dma_wait3A_158 = tpu.memref_squeeze %dma_wait3A_157 : memref<1x10000x64xf32, #tpu.memory_space<hbm>> -> memref<10000x64xf32, #tpu.memory_space<hbm>>
    %dma_wait3A_159 = arith.constant 0 : i32
    %dma_wait3A_160 = arith.constant 0 : i32
    %dma_wait3A_161 = tpu.memref_slice %dma_wait3A_158[%dma_wait3A_159, %dma_wait3A_160] : memref<10000x64xf32, #tpu.memory_space<hbm>> -> memref<10000x64xf32, #tpu.memory_space<hbm>>
    tpu.wait_indirect_dma semaphore(%arg19 : memref<!tpu.dma_semaphore, #tpu.memory_space<semaphore_mem>>) src(%dma_wait3A_161 : memref<10000x64xf32, #tpu.memory_space<hbm>>) dst(%arg12 : memref<80x64xf32, #tpu.memory_space<vmem>>)
    %dma_start3A_162 = arith.constant 240 : i32
    %dma_start3A_163 = tpu.memref_slice %arg8[%dma_start3A_162] : memref<20000xi32, #tpu.memory_space<vmem>> -> memref<80xi32, #tpu.memory_space<vmem>>
    %dma_start3A_164 = arith.constant 0 : i32
    %dma_start3A_165 = arith.constant 0 : i32
    %dma_start3A_166 = tpu.memref_slice %arg3[%arg0, %dma_start3A_164, %dma_start3A_165] : memref<2x10000x64xf32, #tpu.memory_space<hbm>> -> memref<1x10000x64xf32, #tpu.memory_space<hbm>>
    %dma_start3A_167 = tpu.memref_squeeze %dma_start3A_166 : memref<1x10000x64xf32, #tpu.memory_space<hbm>> -> memref<10000x64xf32, #tpu.memory_space<hbm>>
    %dma_start3A_168 = arith.constant 0 : i32
    %dma_start3A_169 = arith.constant 0 : i32
    %dma_start3A_170 = tpu.memref_slice %dma_start3A_167[%dma_start3A_168, %dma_start3A_169] : memref<10000x64xf32, #tpu.memory_space<hbm>> -> memref<10000x64xf32, #tpu.memory_space<hbm>>
    tpu.enqueue_indirect_dma source(%dma_start3A_170 : memref<10000x64xf32, #tpu.memory_space<hbm>>) target(%arg12 : memref<80x64xf32, #tpu.memory_space<vmem>>) offsets(%dma_start3A_163 : memref<80xi32, #tpu.memory_space<vmem>>) semaphore(%arg23 : memref<!tpu.dma_semaphore, #tpu.memory_space<semaphore_mem>>) {add = true}
    %dma_wait3A_171 = arith.constant 160 : i32
    %dma_wait3A_172 = tpu.memref_slice %arg8[%dma_wait3A_171] : memref<20000xi32, #tpu.memory_space<vmem>> -> memref<80xi32, #tpu.memory_space<vmem>>
    %dma_wait3A_173 = arith.constant 0 : i32
    %dma_wait3A_174 = arith.constant 0 : i32
    %dma_wait3A_175 = tpu.memref_slice %arg3[%arg0, %dma_wait3A_173, %dma_wait3A_174] : memref<2x10000x64xf32, #tpu.memory_space<hbm>> -> memref<1x10000x64xf32, #tpu.memory_space<hbm>>
    %dma_wait3A_176 = tpu.memref_squeeze %dma_wait3A_175 : memref<1x10000x64xf32, #tpu.memory_space<hbm>> -> memref<10000x64xf32, #tpu.memory_space<hbm>>
    %dma_wait3A_177 = arith.constant 0 : i32
    %dma_wait3A_178 = arith.constant 0 : i32
    %dma_wait3A_179 = tpu.memref_slice %dma_wait3A_176[%dma_wait3A_177, %dma_wait3A_178] : memref<10000x64xf32, #tpu.memory_space<hbm>> -> memref<10000x64xf32, #tpu.memory_space<hbm>>
    tpu.wait_indirect_dma semaphore(%arg22 : memref<!tpu.dma_semaphore, #tpu.memory_space<semaphore_mem>>) src(%dma_wait3A_179 : memref<10000x64xf32, #tpu.memory_space<hbm>>) dst(%arg11 : memref<80x64xf32, #tpu.memory_space<vmem>>)
    %dma_wait3A_180 = arith.constant 160 : i32
    %dma_wait3A_181 = tpu.memref_slice %arg8[%dma_wait3A_180] : memref<20000xi32, #tpu.memory_space<vmem>> -> memref<80xi32, #tpu.memory_space<vmem>>
    %dma_wait3A_182 = arith.constant 0 : i32
    %dma_wait3A_183 = arith.constant 0 : i32
    %dma_wait3A_184 = tpu.memref_slice %arg15[%dma_wait3A_182, %dma_wait3A_183] : memref<10000x64xf32, #tpu.memory_space<vmem_shared>> -> memref<10000x64xf32, #tpu.memory_space<vmem_shared>>
    tpu.wait_indirect_dma semaphore(%arg24 : memref<!tpu.dma_semaphore, #tpu.memory_space<semaphore_mem>>) src(%arg13 : memref<80x64xf32, #tpu.memory_space<vmem>>) dst(%dma_wait3A_184 : memref<10000x64xf32, #tpu.memory_space<vmem_shared>>)
    %scan3A_185 = arith.constant 0 : i32
    %scan3A_186 = arith.constant 80 : i32
    %scan3A_187 = arith.addi %scan3A_185, %scan3A_186 : i32
    %scan3A_188 = arith.constant 1 : i32
    scf.for %scan3A_533 = %scan3A_185 to %scan3A_187 step %scan3A_188  : i32 {
      %mul3A_534 = arith.constant 1 : i32
      %mul3A_535 = arith.muli %scan3A_533, %mul3A_534 : i32
      %add3A = arith.constant 0 : i32
      %add3A_536 = arith.addi %add3A, %mul3A_535 : i32
      %get3A = arith.index_cast %add3A_536 : i32 to index
      %get3A_537 = arith.constant 0 : index
      %get3A_538 = tpu.vector_load %arg11[%get3A, %get3A_537] {strides = array<i32>} : memref<80x64xf32, #tpu.memory_space<vmem>>, vector<1x16xf32>,
      %get3A_539 = vector.shape_cast %get3A_538 : vector<1x16xf32> to vector<16xf32>
      %max3A = arith.constant 0.000000e+00 : f32
      %max3A_540 = vector.broadcast %max3A : f32 to vector<16xf32>
      %max3A_541 = arith.maximumf %get3A_539, %max3A_540 : vector<16xf32>
      %swap3A = arith.index_cast %add3A_536 : i32 to index
      %swap3A_542 = arith.constant 0 : index
      %swap3A_543 = tpu.vector_load %arg13[%swap3A, %swap3A_542] {strides = array<i32>} : memref<80x64xf32, #tpu.memory_space<vmem>>, vector<1x16xf32>,
      %swap3A_544 = vector.shape_cast %swap3A_543 : vector<1x16xf32> to vector<16xf32>
      %swap3A_545 = vector.shape_cast %max3A_541 : vector<16xf32> to vector<1x16xf32>
      tpu.vector_store %arg13[%swap3A, %swap3A_542], %swap3A_545 {strides = array<i32>} : memref<80x64xf32, #tpu.memory_space<vmem>>, vector<1x16xf32>,
      %get3A_546 = arith.index_cast %add3A_536 : i32 to index
      %get3A_547 = arith.constant 16 : index
      %get3A_548 = tpu.vector_load %arg11[%get3A_546, %get3A_547] {strides = array<i32>} : memref<80x64xf32, #tpu.memory_space<vmem>>, vector<1x16xf32>,
      %get3A_549 = vector.shape_cast %get3A_548 : vector<1x16xf32> to vector<16xf32>
      %max3A_550 = arith.constant 0.000000e+00 : f32
      %max3A_551 = vector.broadcast %max3A_550 : f32 to vector<16xf32>
      %max3A_552 = arith.maximumf %get3A_549, %max3A_551 : vector<16xf32>
      %swap3A_553 = arith.index_cast %add3A_536 : i32 to index
      %swap3A_554 = arith.constant 16 : index
      %swap3A_555 = tpu.vector_load %arg13[%swap3A_553, %swap3A_554] {strides = array<i32>} : memref<80x64xf32, #tpu.memory_space<vmem>>, vector<1x16xf32>,
      %swap3A_556 = vector.shape_cast %swap3A_555 : vector<1x16xf32> to vector<16xf32>
      %swap3A_557 = vector.shape_cast %max3A_552 : vector<16xf32> to vector<1x16xf32>
      tpu.vector_store %arg13[%swap3A_553, %swap3A_554], %swap3A_557 {strides = array<i32>} : memref<80x64xf32, #tpu.memory_space<vmem>>, vector<1x16xf32>,
      %get3A_558 = arith.index_cast %add3A_536 : i32 to index
      %get3A_559 = arith.constant 32 : index
      %get3A_560 = tpu.vector_load %arg11[%get3A_558, %get3A_559] {strides = array<i32>} : memref<80x64xf32, #tpu.memory_space<vmem>>, vector<1x16xf32>,
      %get3A_561 = vector.shape_cast %get3A_560 : vector<1x16xf32> to vector<16xf32>
      %max3A_562 = arith.constant 0.000000e+00 : f32
      %max3A_563 = vector.broadcast %max3A_562 : f32 to vector<16xf32>
      %max3A_564 = arith.maximumf %get3A_561, %max3A_563 : vector<16xf32>
      %swap3A_565 = arith.index_cast %add3A_536 : i32 to index
      %swap3A_566 = arith.constant 32 : index
      %swap3A_567 = tpu.vector_load %arg13[%swap3A_565, %swap3A_566] {strides = array<i32>} : memref<80x64xf32, #tpu.memory_space<vmem>>, vector<1x16xf32>,
      %swap3A_568 = vector.shape_cast %swap3A_567 : vector<1x16xf32> to vector<16xf32>
      %swap3A_569 = vector.shape_cast %max3A_564 : vector<16xf32> to vector<1x16xf32>
      tpu.vector_store %arg13[%swap3A_565, %swap3A_566], %swap3A_569 {strides = array<i32>} : memref<80x64xf32, #tpu.memory_space<vmem>>, vector<1x16xf32>,
      %get3A_570 = arith.index_cast %add3A_536 : i32 to index
      %get3A_571 = arith.constant 48 : index
      %get3A_572 = tpu.vector_load %arg11[%get3A_570, %get3A_571] {strides = array<i32>} : memref<80x64xf32, #tpu.memory_space<vmem>>, vector<1x16xf32>,
      %get3A_573 = vector.shape_cast %get3A_572 : vector<1x16xf32> to vector<16xf32>
      %max3A_574 = arith.constant 0.000000e+00 : f32
      %max3A_575 = vector.broadcast %max3A_574 : f32 to vector<16xf32>
      %max3A_576 = arith.maximumf %get3A_573, %max3A_575 : vector<16xf32>
      %swap3A_577 = arith.index_cast %add3A_536 : i32 to index
      %swap3A_578 = arith.constant 48 : index
      %swap3A_579 = tpu.vector_load %arg13[%swap3A_577, %swap3A_578] {strides = array<i32>} : memref<80x64xf32, #tpu.memory_space<vmem>>, vector<1x16xf32>,
      %swap3A_580 = vector.shape_cast %swap3A_579 : vector<1x16xf32> to vector<16xf32>
      %swap3A_581 = vector.shape_cast %max3A_576 : vector<16xf32> to vector<1x16xf32>
      tpu.vector_store %arg13[%swap3A_577, %swap3A_578], %swap3A_581 {strides = array<i32>} : memref<80x64xf32, #tpu.memory_space<vmem>>, vector<1x16xf32>,
    }
    %scan3A_189 = arith.constant 80 : i32
    %dma_start3A_190 = arith.constant 480 : i32
    %dma_start3A_191 = tpu.memref_slice %arg7[%dma_start3A_190] : memref<20000xi32, #tpu.memory_space<vmem>> -> memref<80xi32, #tpu.memory_space<vmem>>
    %dma_start3A_192 = arith.constant 0 : i32
    %dma_start3A_193 = arith.constant 0 : i32
    %dma_start3A_194 = tpu.memref_slice %arg2[%arg0, %dma_start3A_192, %dma_start3A_193] : memref<2x10000x64xf32, #tpu.memory_space<hbm>> -> memref<1x10000x64xf32, #tpu.memory_space<hbm>>
    %dma_start3A_195 = tpu.memref_squeeze %dma_start3A_194 : memref<1x10000x64xf32, #tpu.memory_space<hbm>> -> memref<10000x64xf32, #tpu.memory_space<hbm>>
    %dma_start3A_196 = arith.constant 0 : i32
    %dma_start3A_197 = arith.constant 0 : i32
    %dma_start3A_198 = tpu.memref_slice %dma_start3A_195[%dma_start3A_196, %dma_start3A_197] : memref<10000x64xf32, #tpu.memory_space<hbm>> -> memref<10000x64xf32, #tpu.memory_space<hbm>>
    tpu.enqueue_indirect_dma source(%dma_start3A_198 : memref<10000x64xf32, #tpu.memory_space<hbm>>) target(%arg11 : memref<80x64xf32, #tpu.memory_space<vmem>>) offsets(%dma_start3A_191 : memref<80xi32, #tpu.memory_space<vmem>>) semaphore(%arg18 : memref<!tpu.dma_semaphore, #tpu.memory_space<semaphore_mem>>)
    %dma_start3A_199 = arith.constant 160 : i32
    %dma_start3A_200 = tpu.memref_slice %arg8[%dma_start3A_199] : memref<20000xi32, #tpu.memory_space<vmem>> -> memref<80xi32, #tpu.memory_space<vmem>>
    %dma_start3A_201 = arith.constant 0 : i32
    %dma_start3A_202 = arith.constant 0 : i32
    %dma_start3A_203 = tpu.memref_slice %arg15[%dma_start3A_201, %dma_start3A_202] : memref<10000x64xf32, #tpu.memory_space<vmem_shared>> -> memref<10000x64xf32, #tpu.memory_space<vmem_shared>>
    tpu.enqueue_indirect_dma source(%arg13 : memref<80x64xf32, #tpu.memory_space<vmem>>) target(%dma_start3A_203 : memref<10000x64xf32, #tpu.memory_space<vmem_shared>>) offsets(%dma_start3A_200 : memref<80xi32, #tpu.memory_space<vmem>>) semaphore(%arg24 : memref<!tpu.dma_semaphore, #tpu.memory_space<semaphore_mem>>) {add = true}
    %dma_wait3A_204 = arith.constant 320 : i32
    %dma_wait3A_205 = tpu.memref_slice %arg7[%dma_wait3A_204] : memref<20000xi32, #tpu.memory_space<vmem>> -> memref<80xi32, #tpu.memory_space<vmem>>
    %dma_wait3A_206 = arith.constant 0 : i32
    %dma_wait3A_207 = arith.constant 0 : i32
    %dma_wait3A_208 = tpu.memref_slice %arg2[%arg0, %dma_wait3A_206, %dma_wait3A_207] : memref<2x10000x64xf32, #tpu.memory_space<hbm>> -> memref<1x10000x64xf32, #tpu.memory_space<hbm>>
    %dma_wait3A_209 = tpu.memref_squeeze %dma_wait3A_208 : memref<1x10000x64xf32, #tpu.memory_space<hbm>> -> memref<10000x64xf32, #tpu.memory_space<hbm>>
    %dma_wait3A_210 = arith.constant 0 : i32
    %dma_wait3A_211 = arith.constant 0 : i32
    %dma_wait3A_212 = tpu.memref_slice %dma_wait3A_209[%dma_wait3A_210, %dma_wait3A_211] : memref<10000x64xf32, #tpu.memory_space<hbm>> -> memref<10000x64xf32, #tpu.memory_space<hbm>>
    tpu.wait_indirect_dma semaphore(%arg16 : memref<!tpu.dma_semaphore, #tpu.memory_space<semaphore_mem>>) src(%dma_wait3A_212 : memref<10000x64xf32, #tpu.memory_space<hbm>>) dst(%arg9 : memref<80x64xf32, #tpu.memory_space<vmem>>)
    %dma_start3A_213 = arith.constant 320 : i32
    %dma_start3A_214 = tpu.memref_slice %arg8[%dma_start3A_213] : memref<20000xi32, #tpu.memory_space<vmem>> -> memref<80xi32, #tpu.memory_space<vmem>>
    %dma_start3A_215 = arith.constant 0 : i32
    %dma_start3A_216 = arith.constant 0 : i32
    %dma_start3A_217 = tpu.memref_slice %arg3[%arg0, %dma_start3A_215, %dma_start3A_216] : memref<2x10000x64xf32, #tpu.memory_space<hbm>> -> memref<1x10000x64xf32, #tpu.memory_space<hbm>>
    %dma_start3A_218 = tpu.memref_squeeze %dma_start3A_217 : memref<1x10000x64xf32, #tpu.memory_space<hbm>> -> memref<10000x64xf32, #tpu.memory_space<hbm>>
    %dma_start3A_219 = arith.constant 0 : i32
    %dma_start3A_220 = arith.constant 0 : i32
    %dma_start3A_221 = tpu.memref_slice %dma_start3A_218[%dma_start3A_219, %dma_start3A_220] : memref<10000x64xf32, #tpu.memory_space<hbm>> -> memref<10000x64xf32, #tpu.memory_space<hbm>>
    tpu.enqueue_indirect_dma source(%dma_start3A_221 : memref<10000x64xf32, #tpu.memory_space<hbm>>) target(%arg9 : memref<80x64xf32, #tpu.memory_space<vmem>>) offsets(%dma_start3A_214 : memref<80xi32, #tpu.memory_space<vmem>>) semaphore(%arg20 : memref<!tpu.dma_semaphore, #tpu.memory_space<semaphore_mem>>) {add = true}
    %dma_wait3A_222 = arith.constant 240 : i32
    %dma_wait3A_223 = tpu.memref_slice %arg8[%dma_wait3A_222] : memref<20000xi32, #tpu.memory_space<vmem>> -> memref<80xi32, #tpu.memory_space<vmem>>
    %dma_wait3A_224 = arith.constant 0 : i32
    %dma_wait3A_225 = arith.constant 0 : i32
    %dma_wait3A_226 = tpu.memref_slice %arg3[%arg0, %dma_wait3A_224, %dma_wait3A_225] : memref<2x10000x64xf32, #tpu.memory_space<hbm>> -> memref<1x10000x64xf32, #tpu.memory_space<hbm>>
    %dma_wait3A_227 = tpu.memref_squeeze %dma_wait3A_226 : memref<1x10000x64xf32, #tpu.memory_space<hbm>> -> memref<10000x64xf32, #tpu.memory_space<hbm>>
    %dma_wait3A_228 = arith.constant 0 : i32
    %dma_wait3A_229 = arith.constant 0 : i32
    %dma_wait3A_230 = tpu.memref_slice %dma_wait3A_227[%dma_wait3A_228, %dma_wait3A_229] : memref<10000x64xf32, #tpu.memory_space<hbm>> -> memref<10000x64xf32, #tpu.memory_space<hbm>>
    tpu.wait_indirect_dma semaphore(%arg23 : memref<!tpu.dma_semaphore, #tpu.memory_space<semaphore_mem>>) src(%dma_wait3A_230 : memref<10000x64xf32, #tpu.memory_space<hbm>>) dst(%arg12 : memref<80x64xf32, #tpu.memory_space<vmem>>)
    %dma_wait3A_231 = arith.constant 240 : i32
    %dma_wait3A_232 = tpu.memref_slice %arg8[%dma_wait3A_231] : memref<20000xi32, #tpu.memory_space<vmem>> -> memref<80xi32, #tpu.memory_space<vmem>>
    %dma_wait3A_233 = arith.constant 0 : i32
    %dma_wait3A_234 = arith.constant 0 : i32
    %dma_wait3A_235 = tpu.memref_slice %arg15[%dma_wait3A_233, %dma_wait3A_234] : memref<10000x64xf32, #tpu.memory_space<vmem_shared>> -> memref<10000x64xf32, #tpu.memory_space<vmem_shared>>
    tpu.wait_indirect_dma semaphore(%arg25 : memref<!tpu.dma_semaphore, #tpu.memory_space<semaphore_mem>>) src(%arg14 : memref<80x64xf32, #tpu.memory_space<vmem>>) dst(%dma_wait3A_235 : memref<10000x64xf32, #tpu.memory_space<vmem_shared>>)
    %scan3A_236 = arith.constant 0 : i32
    %scan3A_237 = arith.constant 80 : i32
    %scan3A_238 = arith.addi %scan3A_236, %scan3A_237 : i32
    %scan3A_239 = arith.constant 1 : i32
    scf.for %scan3A_533 = %scan3A_236 to %scan3A_238 step %scan3A_239  : i32 {
      %mul3A_534 = arith.constant 1 : i32
      %mul3A_535 = arith.muli %scan3A_533, %mul3A_534 : i32
      %add3A = arith.constant 0 : i32
      %add3A_536 = arith.addi %add3A, %mul3A_535 : i32
      %get3A = arith.index_cast %add3A_536 : i32 to index
      %get3A_537 = arith.constant 0 : index
      %get3A_538 = tpu.vector_load %arg12[%get3A, %get3A_537] {strides = array<i32>} : memref<80x64xf32, #tpu.memory_space<vmem>>, vector<1x16xf32>,
      %get3A_539 = vector.shape_cast %get3A_538 : vector<1x16xf32> to vector<16xf32>
      %max3A = arith.constant 0.000000e+00 : f32
      %max3A_540 = vector.broadcast %max3A : f32 to vector<16xf32>
      %max3A_541 = arith.maximumf %get3A_539, %max3A_540 : vector<16xf32>
      %swap3A = arith.index_cast %add3A_536 : i32 to index
      %swap3A_542 = arith.constant 0 : index
      %swap3A_543 = tpu.vector_load %arg14[%swap3A, %swap3A_542] {strides = array<i32>} : memref<80x64xf32, #tpu.memory_space<vmem>>, vector<1x16xf32>,
      %swap3A_544 = vector.shape_cast %swap3A_543 : vector<1x16xf32> to vector<16xf32>
      %swap3A_545 = vector.shape_cast %max3A_541 : vector<16xf32> to vector<1x16xf32>
      tpu.vector_store %arg14[%swap3A, %swap3A_542], %swap3A_545 {strides = array<i32>} : memref<80x64xf32, #tpu.memory_space<vmem>>, vector<1x16xf32>,
      %get3A_546 = arith.index_cast %add3A_536 : i32 to index
      %get3A_547 = arith.constant 16 : index
      %get3A_548 = tpu.vector_load %arg12[%get3A_546, %get3A_547] {strides = array<i32>} : memref<80x64xf32, #tpu.memory_space<vmem>>, vector<1x16xf32>,
      %get3A_549 = vector.shape_cast %get3A_548 : vector<1x16xf32> to vector<16xf32>
      %max3A_550 = arith.constant 0.000000e+00 : f32
      %max3A_551 = vector.broadcast %max3A_550 : f32 to vector<16xf32>
      %max3A_552 = arith.maximumf %get3A_549, %max3A_551 : vector<16xf32>
      %swap3A_553 = arith.index_cast %add3A_536 : i32 to index
      %swap3A_554 = arith.constant 16 : index
      %swap3A_555 = tpu.vector_load %arg14[%swap3A_553, %swap3A_554] {strides = array<i32>} : memref<80x64xf32, #tpu.memory_space<vmem>>, vector<1x16xf32>,
      %swap3A_556 = vector.shape_cast %swap3A_555 : vector<1x16xf32> to vector<16xf32>
      %swap3A_557 = vector.shape_cast %max3A_552 : vector<16xf32> to vector<1x16xf32>
      tpu.vector_store %arg14[%swap3A_553, %swap3A_554], %swap3A_557 {strides = array<i32>} : memref<80x64xf32, #tpu.memory_space<vmem>>, vector<1x16xf32>,
      %get3A_558 = arith.index_cast %add3A_536 : i32 to index
      %get3A_559 = arith.constant 32 : index
      %get3A_560 = tpu.vector_load %arg12[%get3A_558, %get3A_559] {strides = array<i32>} : memref<80x64xf32, #tpu.memory_space<vmem>>, vector<1x16xf32>,
      %get3A_561 = vector.shape_cast %get3A_560 : vector<1x16xf32> to vector<16xf32>
      %max3A_562 = arith.constant 0.000000e+00 : f32
      %max3A_563 = vector.broadcast %max3A_562 : f32 to vector<16xf32>
      %max3A_564 = arith.maximumf %get3A_561, %max3A_563 : vector<16xf32>
      %swap3A_565 = arith.index_cast %add3A_536 : i32 to index
      %swap3A_566 = arith.constant 32 : index
      %swap3A_567 = tpu.vector_load %arg14[%swap3A_565, %swap3A_566] {strides = array<i32>} : memref<80x64xf32, #tpu.memory_space<vmem>>, vector<1x16xf32>,
      %swap3A_568 = vector.shape_cast %swap3A_567 : vector<1x16xf32> to vector<16xf32>
      %swap3A_569 = vector.shape_cast %max3A_564 : vector<16xf32> to vector<1x16xf32>
      tpu.vector_store %arg14[%swap3A_565, %swap3A_566], %swap3A_569 {strides = array<i32>} : memref<80x64xf32, #tpu.memory_space<vmem>>, vector<1x16xf32>,
      %get3A_570 = arith.index_cast %add3A_536 : i32 to index
      %get3A_571 = arith.constant 48 : index
      %get3A_572 = tpu.vector_load %arg12[%get3A_570, %get3A_571] {strides = array<i32>} : memref<80x64xf32, #tpu.memory_space<vmem>>, vector<1x16xf32>,
      %get3A_573 = vector.shape_cast %get3A_572 : vector<1x16xf32> to vector<16xf32>
      %max3A_574 = arith.constant 0.000000e+00 : f32
      %max3A_575 = vector.broadcast %max3A_574 : f32 to vector<16xf32>
      %max3A_576 = arith.maximumf %get3A_573, %max3A_575 : vector<16xf32>
      %swap3A_577 = arith.index_cast %add3A_536 : i32 to index
      %swap3A_578 = arith.constant 48 : index
      %swap3A_579 = tpu.vector_load %arg14[%swap3A_577, %swap3A_578] {strides = array<i32>} : memref<80x64xf32, #tpu.memory_space<vmem>>, vector<1x16xf32>,
      %swap3A_580 = vector.shape_cast %swap3A_579 : vector<1x16xf32> to vector<16xf32>
      %swap3A_581 = vector.shape_cast %max3A_576 : vector<16xf32> to vector<1x16xf32>
      tpu.vector_store %arg14[%swap3A_577, %swap3A_578], %swap3A_581 {strides = array<i32>} : memref<80x64xf32, #tpu.memory_space<vmem>>, vector<1x16xf32>,
    }
    %scan3A_240 = arith.constant 80 : i32
    %dma_start3A_241 = arith.constant 560 : i32
    %dma_start3A_242 = tpu.memref_slice %arg7[%dma_start3A_241] : memref<20000xi32, #tpu.memory_space<vmem>> -> memref<80xi32, #tpu.memory_space<vmem>>
    %dma_start3A_243 = arith.constant 0 : i32
    %dma_start3A_244 = arith.constant 0 : i32
    %dma_start3A_245 = tpu.memref_slice %arg2[%arg0, %dma_start3A_243, %dma_start3A_244] : memref<2x10000x64xf32, #tpu.memory_space<hbm>> -> memref<1x10000x64xf32, #tpu.memory_space<hbm>>
    %dma_start3A_246 = tpu.memref_squeeze %dma_start3A_245 : memref<1x10000x64xf32, #tpu.memory_space<hbm>> -> memref<10000x64xf32, #tpu.memory_space<hbm>>
    %dma_start3A_247 = arith.constant 0 : i32
    %dma_start3A_248 = arith.constant 0 : i32
    %dma_start3A_249 = tpu.memref_slice %dma_start3A_246[%dma_start3A_247, %dma_start3A_248] : memref<10000x64xf32, #tpu.memory_space<hbm>> -> memref<10000x64xf32, #tpu.memory_space<hbm>>
    tpu.enqueue_indirect_dma source(%dma_start3A_249 : memref<10000x64xf32, #tpu.memory_space<hbm>>) target(%arg12 : memref<80x64xf32, #tpu.memory_space<vmem>>) offsets(%dma_start3A_242 : memref<80xi32, #tpu.memory_space<vmem>>) semaphore(%arg19 : memref<!tpu.dma_semaphore, #tpu.memory_space<semaphore_mem>>)
    %dma_start3A_250 = arith.constant 240 : i32
    %dma_start3A_251 = tpu.memref_slice %arg8[%dma_start3A_250] : memref<20000xi32, #tpu.memory_space<vmem>> -> memref<80xi32, #tpu.memory_space<vmem>>
    %dma_start3A_252 = arith.constant 0 : i32
    %dma_start3A_253 = arith.constant 0 : i32
    %dma_start3A_254 = tpu.memref_slice %arg15[%dma_start3A_252, %dma_start3A_253] : memref<10000x64xf32, #tpu.memory_space<vmem_shared>> -> memref<10000x64xf32, #tpu.memory_space<vmem_shared>>
    tpu.enqueue_indirect_dma source(%arg14 : memref<80x64xf32, #tpu.memory_space<vmem>>) target(%dma_start3A_254 : memref<10000x64xf32, #tpu.memory_space<vmem_shared>>) offsets(%dma_start3A_251 : memref<80xi32, #tpu.memory_space<vmem>>) semaphore(%arg25 : memref<!tpu.dma_semaphore, #tpu.memory_space<semaphore_mem>>) {add = true}
    %dma_wait3A_255 = arith.constant 400 : i32
    %dma_wait3A_256 = tpu.memref_slice %arg7[%dma_wait3A_255] : memref<20000xi32, #tpu.memory_space<vmem>> -> memref<80xi32, #tpu.memory_space<vmem>>
    %dma_wait3A_257 = arith.constant 0 : i32
    %dma_wait3A_258 = arith.constant 0 : i32
    %dma_wait3A_259 = tpu.memref_slice %arg2[%arg0, %dma_wait3A_257, %dma_wait3A_258] : memref<2x10000x64xf32, #tpu.memory_space<hbm>> -> memref<1x10000x64xf32, #tpu.memory_space<hbm>>
    %dma_wait3A_260 = tpu.memref_squeeze %dma_wait3A_259 : memref<1x10000x64xf32, #tpu.memory_space<hbm>> -> memref<10000x64xf32, #tpu.memory_space<hbm>>
    %dma_wait3A_261 = arith.constant 0 : i32
    %dma_wait3A_262 = arith.constant 0 : i32
    %dma_wait3A_263 = tpu.memref_slice %dma_wait3A_260[%dma_wait3A_261, %dma_wait3A_262] : memref<10000x64xf32, #tpu.memory_space<hbm>> -> memref<10000x64xf32, #tpu.memory_space<hbm>>
    tpu.wait_indirect_dma semaphore(%arg17 : memref<!tpu.dma_semaphore, #tpu.memory_space<semaphore_mem>>) src(%dma_wait3A_263 : memref<10000x64xf32, #tpu.memory_space<hbm>>) dst(%arg10 : memref<80x64xf32, #tpu.memory_space<vmem>>)
    %dma_start3A_264 = arith.constant 400 : i32
    %dma_start3A_265 = tpu.memref_slice %arg8[%dma_start3A_264] : memref<20000xi32, #tpu.memory_space<vmem>> -> memref<80xi32, #tpu.memory_space<vmem>>
    %dma_start3A_266 = arith.constant 0 : i32
    %dma_start3A_267 = arith.constant 0 : i32
    %dma_start3A_268 = tpu.memref_slice %arg3[%arg0, %dma_start3A_266, %dma_start3A_267] : memref<2x10000x64xf32, #tpu.memory_space<hbm>> -> memref<1x10000x64xf32, #tpu.memory_space<hbm>>
    %dma_start3A_269 = tpu.memref_squeeze %dma_start3A_268 : memref<1x10000x64xf32, #tpu.memory_space<hbm>> -> memref<10000x64xf32, #tpu.memory_space<hbm>>
    %dma_start3A_270 = arith.constant 0 : i32
    %dma_start3A_271 = arith.constant 0 : i32
    %dma_start3A_272 = tpu.memref_slice %dma_start3A_269[%dma_start3A_270, %dma_start3A_271] : memref<10000x64xf32, #tpu.memory_space<hbm>> -> memref<10000x64xf32, #tpu.memory_space<hbm>>
    tpu.enqueue_indirect_dma source(%dma_start3A_272 : memref<10000x64xf32, #tpu.memory_space<hbm>>) target(%arg10 : memref<80x64xf32, #tpu.memory_space<vmem>>) offsets(%dma_start3A_265 : memref<80xi32, #tpu.memory_space<vmem>>) semaphore(%arg21 : memref<!tpu.dma_semaphore, #tpu.memory_space<semaphore_mem>>) {add = true}
    %scan3A_273 = arith.constant 0 : i32
    %scan3A_274 = arith.constant 60 : i32
    %scan3A_275 = arith.addi %scan3A_273, %scan3A_274 : i32
    %scan3A_276 = arith.constant 1 : i32
    scf.for %scan3A_533 = %scan3A_273 to %scan3A_275 step %scan3A_276  : i32 {
      %mul3A_534 = arith.constant 1 : i32
      %mul3A_535 = arith.muli %scan3A_533, %mul3A_534 : i32
      %add3A = arith.constant 1 : i32
      %add3A_536 = arith.addi %add3A, %mul3A_535 : i32
      %mul3A_537 = arith.constant 4 : i32
      %mul3A_538 = arith.muli %add3A_536, %mul3A_537 : i32
      %add3A_539 = arith.constant 0 : i32
      %add3A_540 = arith.addi %mul3A_538, %add3A_539 : i32
      %mul3A_541 = arith.constant 80 : i32
      %mul3A_542 = arith.muli %add3A_540, %mul3A_541 : i32
      %dma_wait3A_543 = tpu.memref_slice %arg8[%mul3A_542] : memref<20000xi32, #tpu.memory_space<vmem>> -> memref<80xi32, #tpu.memory_space<vmem>>
      %dma_wait3A_544 = arith.constant 0 : i32
      %dma_wait3A_545 = arith.constant 0 : i32
      %dma_wait3A_546 = tpu.memref_slice %arg3[%arg0, %dma_wait3A_544, %dma_wait3A_545] : memref<2x10000x64xf32, #tpu.memory_space<hbm>> -> memref<1x10000x64xf32, #tpu.memory_space<hbm>>
      %dma_wait3A_547 = tpu.memref_squeeze %dma_wait3A_546 : memref<1x10000x64xf32, #tpu.memory_space<hbm>> -> memref<10000x64xf32, #tpu.memory_space<hbm>>
      %dma_wait3A_548 = arith.constant 0 : i32
      %dma_wait3A_549 = arith.constant 0 : i32
      %dma_wait3A_550 = tpu.memref_slice %dma_wait3A_547[%dma_wait3A_548, %dma_wait3A_549] : memref<10000x64xf32, #tpu.memory_space<hbm>> -> memref<10000x64xf32, #tpu.memory_space<hbm>>
      tpu.wait_indirect_dma semaphore(%arg20 : memref<!tpu.dma_semaphore, #tpu.memory_space<semaphore_mem>>) src(%dma_wait3A_550 : memref<10000x64xf32, #tpu.memory_space<hbm>>) dst(%arg9 : memref<80x64xf32, #tpu.memory_space<vmem>>)
      %mul3A_551 = arith.constant 80 : i32
      %mul3A_552 = arith.muli %add3A_540, %mul3A_551 : i32
      %dma_wait3A_553 = tpu.memref_slice %arg8[%mul3A_552] : memref<20000xi32, #tpu.memory_space<vmem>> -> memref<80xi32, #tpu.memory_space<vmem>>
      %dma_wait3A_554 = arith.constant 0 : i32
      %dma_wait3A_555 = arith.constant 0 : i32
      %dma_wait3A_556 = tpu.memref_slice %arg15[%dma_wait3A_554, %dma_wait3A_555] : memref<10000x64xf32, #tpu.memory_space<vmem_shared>> -> memref<10000x64xf32, #tpu.memory_space<vmem_shared>>
      tpu.wait_indirect_dma semaphore(%arg24 : memref<!tpu.dma_semaphore, #tpu.memory_space<semaphore_mem>>) src(%arg13 : memref<80x64xf32, #tpu.memory_space<vmem>>) dst(%dma_wait3A_556 : memref<10000x64xf32, #tpu.memory_space<vmem_shared>>)
      %scan3A_557 = arith.constant 0 : i32
      %scan3A_558 = arith.constant 80 : i32
      %scan3A_559 = arith.addi %scan3A_557, %scan3A_558 : i32
      %scan3A_560 = arith.constant 1 : i32
      scf.for %scan3A_805 = %scan3A_557 to %scan3A_559 step %scan3A_560  : i32 {
        %mul3A_806 = arith.constant 1 : i32
        %mul3A_807 = arith.muli %scan3A_805, %mul3A_806 : i32
        %add3A_808 = arith.constant 0 : i32
        %add3A_809 = arith.addi %add3A_808, %mul3A_807 : i32
        %get3A = arith.index_cast %add3A_809 : i32 to index
        %get3A_810 = arith.constant 0 : index
        %get3A_811 = tpu.vector_load %arg9[%get3A, %get3A_810] {strides = array<i32>} : memref<80x64xf32, #tpu.memory_space<vmem>>, vector<1x16xf32>,
        %get3A_812 = vector.shape_cast %get3A_811 : vector<1x16xf32> to vector<16xf32>
        %max3A = arith.constant 0.000000e+00 : f32
        %max3A_813 = vector.broadcast %max3A : f32 to vector<16xf32>
        %max3A_814 = arith.maximumf %get3A_812, %max3A_813 : vector<16xf32>
        %swap3A = arith.index_cast %add3A_809 : i32 to index
        %swap3A_815 = arith.constant 0 : index
        %swap3A_816 = tpu.vector_load %arg13[%swap3A, %swap3A_815] {strides = array<i32>} : memref<80x64xf32, #tpu.memory_space<vmem>>, vector<1x16xf32>,
        %swap3A_817 = vector.shape_cast %swap3A_816 : vector<1x16xf32> to vector<16xf32>
        %swap3A_818 = vector.shape_cast %max3A_814 : vector<16xf32> to vector<1x16xf32>
        tpu.vector_store %arg13[%swap3A, %swap3A_815], %swap3A_818 {strides = array<i32>} : memref<80x64xf32, #tpu.memory_space<vmem>>, vector<1x16xf32>,
        %get3A_819 = arith.index_cast %add3A_809 : i32 to index
        %get3A_820 = arith.constant 16 : index
        %get3A_821 = tpu.vector_load %arg9[%get3A_819, %get3A_820] {strides = array<i32>} : memref<80x64xf32, #tpu.memory_space<vmem>>, vector<1x16xf32>,
        %get3A_822 = vector.shape_cast %get3A_821 : vector<1x16xf32> to vector<16xf32>
        %max3A_823 = arith.constant 0.000000e+00 : f32
        %max3A_824 = vector.broadcast %max3A_823 : f32 to vector<16xf32>
        %max3A_825 = arith.maximumf %get3A_822, %max3A_824 : vector<16xf32>
        %swap3A_826 = arith.index_cast %add3A_809 : i32 to index
        %swap3A_827 = arith.constant 16 : index
        %swap3A_828 = tpu.vector_load %arg13[%swap3A_826, %swap3A_827] {strides = array<i32>} : memref<80x64xf32, #tpu.memory_space<vmem>>, vector<1x16xf32>,
        %swap3A_829 = vector.shape_cast %swap3A_828 : vector<1x16xf32> to vector<16xf32>
        %swap3A_830 = vector.shape_cast %max3A_825 : vector<16xf32> to vector<1x16xf32>
        tpu.vector_store %arg13[%swap3A_826, %swap3A_827], %swap3A_830 {strides = array<i32>} : memref<80x64xf32, #tpu.memory_space<vmem>>, vector<1x16xf32>,
        %get3A_831 = arith.index_cast %add3A_809 : i32 to index
        %get3A_832 = arith.constant 32 : index
        %get3A_833 = tpu.vector_load %arg9[%get3A_831, %get3A_832] {strides = array<i32>} : memref<80x64xf32, #tpu.memory_space<vmem>>, vector<1x16xf32>,
        %get3A_834 = vector.shape_cast %get3A_833 : vector<1x16xf32> to vector<16xf32>
        %max3A_835 = arith.constant 0.000000e+00 : f32
        %max3A_836 = vector.broadcast %max3A_835 : f32 to vector<16xf32>
        %max3A_837 = arith.maximumf %get3A_834, %max3A_836 : vector<16xf32>
        %swap3A_838 = arith.index_cast %add3A_809 : i32 to index
        %swap3A_839 = arith.constant 32 : index
        %swap3A_840 = tpu.vector_load %arg13[%swap3A_838, %swap3A_839] {strides = array<i32>} : memref<80x64xf32, #tpu.memory_space<vmem>>, vector<1x16xf32>,
        %swap3A_841 = vector.shape_cast %swap3A_840 : vector<1x16xf32> to vector<16xf32>
        %swap3A_842 = vector.shape_cast %max3A_837 : vector<16xf32> to vector<1x16xf32>
        tpu.vector_store %arg13[%swap3A_838, %swap3A_839], %swap3A_842 {strides = array<i32>} : memref<80x64xf32, #tpu.memory_space<vmem>>, vector<1x16xf32>,
        %get3A_843 = arith.index_cast %add3A_809 : i32 to index
        %get3A_844 = arith.constant 48 : index
        %get3A_845 = tpu.vector_load %arg9[%get3A_843, %get3A_844] {strides = array<i32>} : memref<80x64xf32, #tpu.memory_space<vmem>>, vector<1x16xf32>,
        %get3A_846 = vector.shape_cast %get3A_845 : vector<1x16xf32> to vector<16xf32>
        %max3A_847 = arith.constant 0.000000e+00 : f32
        %max3A_848 = vector.broadcast %max3A_847 : f32 to vector<16xf32>
        %max3A_849 = arith.maximumf %get3A_846, %max3A_848 : vector<16xf32>
        %swap3A_850 = arith.index_cast %add3A_809 : i32 to index
        %swap3A_851 = arith.constant 48 : index
        %swap3A_852 = tpu.vector_load %arg13[%swap3A_850, %swap3A_851] {strides = array<i32>} : memref<80x64xf32, #tpu.memory_space<vmem>>, vector<1x16xf32>,
        %swap3A_853 = vector.shape_cast %swap3A_852 : vector<1x16xf32> to vector<16xf32>
        %swap3A_854 = vector.shape_cast %max3A_849 : vector<16xf32> to vector<1x16xf32>
        tpu.vector_store %arg13[%swap3A_850, %swap3A_851], %swap3A_854 {strides = array<i32>} : memref<80x64xf32, #tpu.memory_space<vmem>>, vector<1x16xf32>,
      }
      %scan3A_561 = arith.constant 80 : i32
      %add3A_562 = arith.constant 4 : i32
      %add3A_563 = arith.addi %add3A_540, %add3A_562 : i32
      %mul3A_564 = arith.constant 80 : i32
      %mul3A_565 = arith.muli %add3A_563, %mul3A_564 : i32
      %dma_start3A_566 = tpu.memref_slice %arg7[%mul3A_565] : memref<20000xi32, #tpu.memory_space<vmem>> -> memref<80xi32, #tpu.memory_space<vmem>>
      %dma_start3A_567 = arith.constant 0 : i32
      %dma_start3A_568 = arith.constant 0 : i32
      %dma_start3A_569 = tpu.memref_slice %arg2[%arg0, %dma_start3A_567, %dma_start3A_568] : memref<2x10000x64xf32, #tpu.memory_space<hbm>> -> memref<1x10000x64xf32, #tpu.memory_space<hbm>>
      %dma_start3A_570 = tpu.memref_squeeze %dma_start3A_569 : memref<1x10000x64xf32, #tpu.memory_space<hbm>> -> memref<10000x64xf32, #tpu.memory_space<hbm>>
      %dma_start3A_571 = arith.constant 0 : i32
      %dma_start3A_572 = arith.constant 0 : i32
      %dma_start3A_573 = tpu.memref_slice %dma_start3A_570[%dma_start3A_571, %dma_start3A_572] : memref<10000x64xf32, #tpu.memory_space<hbm>> -> memref<10000x64xf32, #tpu.memory_space<hbm>>
      tpu.enqueue_indirect_dma source(%dma_start3A_573 : memref<10000x64xf32, #tpu.memory_space<hbm>>) target(%arg9 : memref<80x64xf32, #tpu.memory_space<vmem>>) offsets(%dma_start3A_566 : memref<80xi32, #tpu.memory_space<vmem>>) semaphore(%arg16 : memref<!tpu.dma_semaphore, #tpu.memory_space<semaphore_mem>>)
      %mul3A_574 = arith.constant 80 : i32
      %mul3A_575 = arith.muli %add3A_540, %mul3A_574 : i32
      %dma_start3A_576 = tpu.memref_slice %arg8[%mul3A_575] : memref<20000xi32, #tpu.memory_space<vmem>> -> memref<80xi32, #tpu.memory_space<vmem>>
      %dma_start3A_577 = arith.constant 0 : i32
      %dma_start3A_578 = arith.constant 0 : i32
      %dma_start3A_579 = tpu.memref_slice %arg15[%dma_start3A_577, %dma_start3A_578] : memref<10000x64xf32, #tpu.memory_space<vmem_shared>> -> memref<10000x64xf32, #tpu.memory_space<vmem_shared>>
      tpu.enqueue_indirect_dma source(%arg13 : memref<80x64xf32, #tpu.memory_space<vmem>>) target(%dma_start3A_579 : memref<10000x64xf32, #tpu.memory_space<vmem_shared>>) offsets(%dma_start3A_576 : memref<80xi32, #tpu.memory_space<vmem>>) semaphore(%arg24 : memref<!tpu.dma_semaphore, #tpu.memory_space<semaphore_mem>>) {add = true}
      %add3A_580 = arith.constant 2 : i32
      %add3A_581 = arith.addi %add3A_540, %add3A_580 : i32
      %mul3A_582 = arith.constant 80 : i32
      %mul3A_583 = arith.muli %add3A_581, %mul3A_582 : i32
      %dma_wait3A_584 = tpu.memref_slice %arg7[%mul3A_583] : memref<20000xi32, #tpu.memory_space<vmem>> -> memref<80xi32, #tpu.memory_space<vmem>>
      %dma_wait3A_585 = arith.constant 0 : i32
      %dma_wait3A_586 = arith.constant 0 : i32
      %dma_wait3A_587 = tpu.memref_slice %arg2[%arg0, %dma_wait3A_585, %dma_wait3A_586] : memref<2x10000x64xf32, #tpu.memory_space<hbm>> -> memref<1x10000x64xf32, #tpu.memory_space<hbm>>
      %dma_wait3A_588 = tpu.memref_squeeze %dma_wait3A_587 : memref<1x10000x64xf32, #tpu.memory_space<hbm>> -> memref<10000x64xf32, #tpu.memory_space<hbm>>
      %dma_wait3A_589 = arith.constant 0 : i32
      %dma_wait3A_590 = arith.constant 0 : i32
      %dma_wait3A_591 = tpu.memref_slice %dma_wait3A_588[%dma_wait3A_589, %dma_wait3A_590] : memref<10000x64xf32, #tpu.memory_space<hbm>> -> memref<10000x64xf32, #tpu.memory_space<hbm>>
      tpu.wait_indirect_dma semaphore(%arg18 : memref<!tpu.dma_semaphore, #tpu.memory_space<semaphore_mem>>) src(%dma_wait3A_591 : memref<10000x64xf32, #tpu.memory_space<hbm>>) dst(%arg11 : memref<80x64xf32, #tpu.memory_space<vmem>>)
      %add3A_592 = arith.constant 2 : i32
      %add3A_593 = arith.addi %add3A_540, %add3A_592 : i32
      %mul3A_594 = arith.constant 80 : i32
      %mul3A_595 = arith.muli %add3A_593, %mul3A_594 : i32
      %dma_start3A_596 = tpu.memref_slice %arg8[%mul3A_595] : memref<20000xi32, #tpu.memory_space<vmem>> -> memref<80xi32, #tpu.memory_space<vmem>>
      %dma_start3A_597 = arith.constant 0 : i32
      %dma_start3A_598 = arith.constant 0 : i32
      %dma_start3A_599 = tpu.memref_slice %arg3[%arg0, %dma_start3A_597, %dma_start3A_598] : memref<2x10000x64xf32, #tpu.memory_space<hbm>> -> memref<1x10000x64xf32, #tpu.memory_space<hbm>>
      %dma_start3A_600 = tpu.memref_squeeze %dma_start3A_599 : memref<1x10000x64xf32, #tpu.memory_space<hbm>> -> memref<10000x64xf32, #tpu.memory_space<hbm>>
      %dma_start3A_601 = arith.constant 0 : i32
      %dma_start3A_602 = arith.constant 0 : i32
      %dma_start3A_603 = tpu.memref_slice %dma_start3A_600[%dma_start3A_601, %dma_start3A_602] : memref<10000x64xf32, #tpu.memory_space<hbm>> -> memref<10000x64xf32, #tpu.memory_space<hbm>>
      tpu.enqueue_indirect_dma source(%dma_start3A_603 : memref<10000x64xf32, #tpu.memory_space<hbm>>) target(%arg11 : memref<80x64xf32, #tpu.memory_space<vmem>>) offsets(%dma_start3A_596 : memref<80xi32, #tpu.memory_space<vmem>>) semaphore(%arg22 : memref<!tpu.dma_semaphore, #tpu.memory_space<semaphore_mem>>) {add = true}
      %mul3A_604 = arith.constant 4 : i32
      %mul3A_605 = arith.muli %add3A_536, %mul3A_604 : i32
      %add3A_606 = arith.constant 1 : i32
      %add3A_607 = arith.addi %mul3A_605, %add3A_606 : i32
      %mul3A_608 = arith.constant 80 : i32
      %mul3A_609 = arith.muli %add3A_607, %mul3A_608 : i32
      %dma_wait3A_610 = tpu.memref_slice %arg8[%mul3A_609] : memref<20000xi32, #tpu.memory_space<vmem>> -> memref<80xi32, #tpu.memory_space<vmem>>
      %dma_wait3A_611 = arith.constant 0 : i32
      %dma_wait3A_612 = arith.constant 0 : i32
      %dma_wait3A_613 = tpu.memref_slice %arg3[%arg0, %dma_wait3A_611, %dma_wait3A_612] : memref<2x10000x64xf32, #tpu.memory_space<hbm>> -> memref<1x10000x64xf32, #tpu.memory_space<hbm>>
      %dma_wait3A_614 = tpu.memref_squeeze %dma_wait3A_613 : memref<1x10000x64xf32, #tpu.memory_space<hbm>> -> memref<10000x64xf32, #tpu.memory_space<hbm>>
      %dma_wait3A_615 = arith.constant 0 : i32
      %dma_wait3A_616 = arith.constant 0 : i32
      %dma_wait3A_617 = tpu.memref_slice %dma_wait3A_614[%dma_wait3A_615, %dma_wait3A_616] : memref<10000x64xf32, #tpu.memory_space<hbm>> -> memref<10000x64xf32, #tpu.memory_space<hbm>>
      tpu.wait_indirect_dma semaphore(%arg21 : memref<!tpu.dma_semaphore, #tpu.memory_space<semaphore_mem>>) src(%dma_wait3A_617 : memref<10000x64xf32, #tpu.memory_space<hbm>>) dst(%arg10 : memref<80x64xf32, #tpu.memory_space<vmem>>)
      %mul3A_618 = arith.constant 80 : i32
      %mul3A_619 = arith.muli %add3A_607, %mul3A_618 : i32
      %dma_wait3A_620 = tpu.memref_slice %arg8[%mul3A_619] : memref<20000xi32, #tpu.memory_space<vmem>> -> memref<80xi32, #tpu.memory_space<vmem>>
      %dma_wait3A_621 = arith.constant 0 : i32
      %dma_wait3A_622 = arith.constant 0 : i32
      %dma_wait3A_623 = tpu.memref_slice %arg15[%dma_wait3A_621, %dma_wait3A_622] : memref<10000x64xf32, #tpu.memory_space<vmem_shared>> -> memref<10000x64xf32, #tpu.memory_space<vmem_shared>>
      tpu.wait_indirect_dma semaphore(%arg25 : memref<!tpu.dma_semaphore, #tpu.memory_space<semaphore_mem>>) src(%arg14 : memref<80x64xf32, #tpu.memory_space<vmem>>) dst(%dma_wait3A_623 : memref<10000x64xf32, #tpu.memory_space<vmem_shared>>)
      %scan3A_624 = arith.constant 0 : i32
      %scan3A_625 = arith.constant 80 : i32
      %scan3A_626 = arith.addi %scan3A_624, %scan3A_625 : i32
      %scan3A_627 = arith.constant 1 : i32
      scf.for %scan3A_805 = %scan3A_624 to %scan3A_626 step %scan3A_627  : i32 {
        %mul3A_806 = arith.constant 1 : i32
        %mul3A_807 = arith.muli %scan3A_805, %mul3A_806 : i32
        %add3A_808 = arith.constant 0 : i32
        %add3A_809 = arith.addi %add3A_808, %mul3A_807 : i32
        %get3A = arith.index_cast %add3A_809 : i32 to index
        %get3A_810 = arith.constant 0 : index
        %get3A_811 = tpu.vector_load %arg10[%get3A, %get3A_810] {strides = array<i32>} : memref<80x64xf32, #tpu.memory_space<vmem>>, vector<1x16xf32>,
        %get3A_812 = vector.shape_cast %get3A_811 : vector<1x16xf32> to vector<16xf32>
        %max3A = arith.constant 0.000000e+00 : f32
        %max3A_813 = vector.broadcast %max3A : f32 to vector<16xf32>
        %max3A_814 = arith.maximumf %get3A_812, %max3A_813 : vector<16xf32>
        %swap3A = arith.index_cast %add3A_809 : i32 to index
        %swap3A_815 = arith.constant 0 : index
        %swap3A_816 = tpu.vector_load %arg14[%swap3A, %swap3A_815] {strides = array<i32>} : memref<80x64xf32, #tpu.memory_space<vmem>>, vector<1x16xf32>,
        %swap3A_817 = vector.shape_cast %swap3A_816 : vector<1x16xf32> to vector<16xf32>
        %swap3A_818 = vector.shape_cast %max3A_814 : vector<16xf32> to vector<1x16xf32>
        tpu.vector_store %arg14[%swap3A, %swap3A_815], %swap3A_818 {strides = array<i32>} : memref<80x64xf32, #tpu.memory_space<vmem>>, vector<1x16xf32>,
        %get3A_819 = arith.index_cast %add3A_809 : i32 to index
        %get3A_820 = arith.constant 16 : index
        %get3A_821 = tpu.vector_load %arg10[%get3A_819, %get3A_820] {strides = array<i32>} : memref<80x64xf32, #tpu.memory_space<vmem>>, vector<1x16xf32>,
        %get3A_822 = vector.shape_cast %get3A_821 : vector<1x16xf32> to vector<16xf32>
        %max3A_823 = arith.constant 0.000000e+00 : f32
        %max3A_824 = vector.broadcast %max3A_823 : f32 to vector<16xf32>
        %max3A_825 = arith.maximumf %get3A_822, %max3A_824 : vector<16xf32>
        %swap3A_826 = arith.index_cast %add3A_809 : i32 to index
        %swap3A_827 = arith.constant 16 : index
        %swap3A_828 = tpu.vector_load %arg14[%swap3A_826, %swap3A_827] {strides = array<i32>} : memref<80x64xf32, #tpu.memory_space<vmem>>, vector<1x16xf32>,
        %swap3A_829 = vector.shape_cast %swap3A_828 : vector<1x16xf32> to vector<16xf32>
        %swap3A_830 = vector.shape_cast %max3A_825 : vector<16xf32> to vector<1x16xf32>
        tpu.vector_store %arg14[%swap3A_826, %swap3A_827], %swap3A_830 {strides = array<i32>} : memref<80x64xf32, #tpu.memory_space<vmem>>, vector<1x16xf32>,
        %get3A_831 = arith.index_cast %add3A_809 : i32 to index
        %get3A_832 = arith.constant 32 : index
        %get3A_833 = tpu.vector_load %arg10[%get3A_831, %get3A_832] {strides = array<i32>} : memref<80x64xf32, #tpu.memory_space<vmem>>, vector<1x16xf32>,
        %get3A_834 = vector.shape_cast %get3A_833 : vector<1x16xf32> to vector<16xf32>
        %max3A_835 = arith.constant 0.000000e+00 : f32
        %max3A_836 = vector.broadcast %max3A_835 : f32 to vector<16xf32>
        %max3A_837 = arith.maximumf %get3A_834, %max3A_836 : vector<16xf32>
        %swap3A_838 = arith.index_cast %add3A_809 : i32 to index
        %swap3A_839 = arith.constant 32 : index
        %swap3A_840 = tpu.vector_load %arg14[%swap3A_838, %swap3A_839] {strides = array<i32>} : memref<80x64xf32, #tpu.memory_space<vmem>>, vector<1x16xf32>,
        %swap3A_841 = vector.shape_cast %swap3A_840 : vector<1x16xf32> to vector<16xf32>
        %swap3A_842 = vector.shape_cast %max3A_837 : vector<16xf32> to vector<1x16xf32>
        tpu.vector_store %arg14[%swap3A_838, %swap3A_839], %swap3A_842 {strides = array<i32>} : memref<80x64xf32, #tpu.memory_space<vmem>>, vector<1x16xf32>,
        %get3A_843 = arith.index_cast %add3A_809 : i32 to index
        %get3A_844 = arith.constant 48 : index
        %get3A_845 = tpu.vector_load %arg10[%get3A_843, %get3A_844] {strides = array<i32>} : memref<80x64xf32, #tpu.memory_space<vmem>>, vector<1x16xf32>,
        %get3A_846 = vector.shape_cast %get3A_845 : vector<1x16xf32> to vector<16xf32>
        %max3A_847 = arith.constant 0.000000e+00 : f32
        %max3A_848 = vector.broadcast %max3A_847 : f32 to vector<16xf32>
        %max3A_849 = arith.maximumf %get3A_846, %max3A_848 : vector<16xf32>
        %swap3A_850 = arith.index_cast %add3A_809 : i32 to index
        %swap3A_851 = arith.constant 48 : index
        %swap3A_852 = tpu.vector_load %arg14[%swap3A_850, %swap3A_851] {strides = array<i32>} : memref<80x64xf32, #tpu.memory_space<vmem>>, vector<1x16xf32>,
        %swap3A_853 = vector.shape_cast %swap3A_852 : vector<1x16xf32> to vector<16xf32>
        %swap3A_854 = vector.shape_cast %max3A_849 : vector<16xf32> to vector<1x16xf32>
        tpu.vector_store %arg14[%swap3A_850, %swap3A_851], %swap3A_854 {strides = array<i32>} : memref<80x64xf32, #tpu.memory_space<vmem>>, vector<1x16xf32>,
      }
      %scan3A_628 = arith.constant 80 : i32
      %add3A_629 = arith.constant 4 : i32
      %add3A_630 = arith.addi %add3A_607, %add3A_629 : i32
      %mul3A_631 = arith.constant 80 : i32
      %mul3A_632 = arith.muli %add3A_630, %mul3A_631 : i32
      %dma_start3A_633 = tpu.memref_slice %arg7[%mul3A_632] : memref<20000xi32, #tpu.memory_space<vmem>> -> memref<80xi32, #tpu.memory_space<vmem>>
      %dma_start3A_634 = arith.constant 0 : i32
      %dma_start3A_635 = arith.constant 0 : i32
      %dma_start3A_636 = tpu.memref_slice %arg2[%arg0, %dma_start3A_634, %dma_start3A_635] : memref<2x10000x64xf32, #tpu.memory_space<hbm>> -> memref<1x10000x64xf32, #tpu.memory_space<hbm>>
      %dma_start3A_637 = tpu.memref_squeeze %dma_start3A_636 : memref<1x10000x64xf32, #tpu.memory_space<hbm>> -> memref<10000x64xf32, #tpu.memory_space<hbm>>
      %dma_start3A_638 = arith.constant 0 : i32
      %dma_start3A_639 = arith.constant 0 : i32
      %dma_start3A_640 = tpu.memref_slice %dma_start3A_637[%dma_start3A_638, %dma_start3A_639] : memref<10000x64xf32, #tpu.memory_space<hbm>> -> memref<10000x64xf32, #tpu.memory_space<hbm>>
      tpu.enqueue_indirect_dma source(%dma_start3A_640 : memref<10000x64xf32, #tpu.memory_space<hbm>>) target(%arg10 : memref<80x64xf32, #tpu.memory_space<vmem>>) offsets(%dma_start3A_633 : memref<80xi32, #tpu.memory_space<vmem>>) semaphore(%arg17 : memref<!tpu.dma_semaphore, #tpu.memory_space<semaphore_mem>>)
      %mul3A_641 = arith.constant 80 : i32
      %mul3A_642 = arith.muli %add3A_607, %mul3A_641 : i32
      %dma_start3A_643 = tpu.memref_slice %arg8[%mul3A_642] : memref<20000xi32, #tpu.memory_space<vmem>> -> memref<80xi32, #tpu.memory_space<vmem>>
      %dma_start3A_644 = arith.constant 0 : i32
      %dma_start3A_645 = arith.constant 0 : i32
      %dma_start3A_646 = tpu.memref_slice %arg15[%dma_start3A_644, %dma_start3A_645] : memref<10000x64xf32, #tpu.memory_space<vmem_shared>> -> memref<10000x64xf32, #tpu.memory_space<vmem_shared>>
      tpu.enqueue_indirect_dma source(%arg14 : memref<80x64xf32, #tpu.memory_space<vmem>>) target(%dma_start3A_646 : memref<10000x64xf32, #tpu.memory_space<vmem_shared>>) offsets(%dma_start3A_643 : memref<80xi32, #tpu.memory_space<vmem>>) semaphore(%arg25 : memref<!tpu.dma_semaphore, #tpu.memory_space<semaphore_mem>>) {add = true}
      %add3A_647 = arith.constant 2 : i32
      %add3A_648 = arith.addi %add3A_607, %add3A_647 : i32
      %mul3A_649 = arith.constant 80 : i32
      %mul3A_650 = arith.muli %add3A_648, %mul3A_649 : i32
      %dma_wait3A_651 = tpu.memref_slice %arg7[%mul3A_650] : memref<20000xi32, #tpu.memory_space<vmem>> -> memref<80xi32, #tpu.memory_space<vmem>>
      %dma_wait3A_652 = arith.constant 0 : i32
      %dma_wait3A_653 = arith.constant 0 : i32
      %dma_wait3A_654 = tpu.memref_slice %arg2[%arg0, %dma_wait3A_652, %dma_wait3A_653] : memref<2x10000x64xf32, #tpu.memory_space<hbm>> -> memref<1x10000x64xf32, #tpu.memory_space<hbm>>
      %dma_wait3A_655 = tpu.memref_squeeze %dma_wait3A_654 : memref<1x10000x64xf32, #tpu.memory_space<hbm>> -> memref<10000x64xf32, #tpu.memory_space<hbm>>
      %dma_wait3A_656 = arith.constant 0 : i32
      %dma_wait3A_657 = arith.constant 0 : i32
      %dma_wait3A_658 = tpu.memref_slice %dma_wait3A_655[%dma_wait3A_656, %dma_wait3A_657] : memref<10000x64xf32, #tpu.memory_space<hbm>> -> memref<10000x64xf32, #tpu.memory_space<hbm>>
      tpu.wait_indirect_dma semaphore(%arg19 : memref<!tpu.dma_semaphore, #tpu.memory_space<semaphore_mem>>) src(%dma_wait3A_658 : memref<10000x64xf32, #tpu.memory_space<hbm>>) dst(%arg12 : memref<80x64xf32, #tpu.memory_space<vmem>>)
      %add3A_659 = arith.constant 2 : i32
      %add3A_660 = arith.addi %add3A_607, %add3A_659 : i32
      %mul3A_661 = arith.constant 80 : i32
      %mul3A_662 = arith.muli %add3A_660, %mul3A_661 : i32
      %dma_start3A_663 = tpu.memref_slice %arg8[%mul3A_662] : memref<20000xi32, #tpu.memory_space<vmem>> -> memref<80xi32, #tpu.memory_space<vmem>>
      %dma_start3A_664 = arith.constant 0 : i32
      %dma_start3A_665 = arith.constant 0 : i32
      %dma_start3A_666 = tpu.memref_slice %arg3[%arg0, %dma_start3A_664, %dma_start3A_665] : memref<2x10000x64xf32, #tpu.memory_space<hbm>> -> memref<1x10000x64xf32, #tpu.memory_space<hbm>>
      %dma_start3A_667 = tpu.memref_squeeze %dma_start3A_666 : memref<1x10000x64xf32, #tpu.memory_space<hbm>> -> memref<10000x64xf32, #tpu.memory_space<hbm>>
      %dma_start3A_668 = arith.constant 0 : i32
      %dma_start3A_669 = arith.constant 0 : i32
      %dma_start3A_670 = tpu.memref_slice %dma_start3A_667[%dma_start3A_668, %dma_start3A_669] : memref<10000x64xf32, #tpu.memory_space<hbm>> -> memref<10000x64xf32, #tpu.memory_space<hbm>>
      tpu.enqueue_indirect_dma source(%dma_start3A_670 : memref<10000x64xf32, #tpu.memory_space<hbm>>) target(%arg12 : memref<80x64xf32, #tpu.memory_space<vmem>>) offsets(%dma_start3A_663 : memref<80xi32, #tpu.memory_space<vmem>>) semaphore(%arg23 : memref<!tpu.dma_semaphore, #tpu.memory_space<semaphore_mem>>) {add = true}
      %mul3A_671 = arith.constant 4 : i32
      %mul3A_672 = arith.muli %add3A_536, %mul3A_671 : i32
      %add3A_673 = arith.constant 2 : i32
      %add3A_674 = arith.addi %mul3A_672, %add3A_673 : i32
      %mul3A_675 = arith.constant 80 : i32
      %mul3A_676 = arith.muli %add3A_674, %mul3A_675 : i32
      %dma_wait3A_677 = tpu.memref_slice %arg8[%mul3A_676] : memref<20000xi32, #tpu.memory_space<vmem>> -> memref<80xi32, #tpu.memory_space<vmem>>
      %dma_wait3A_678 = arith.constant 0 : i32
      %dma_wait3A_679 = arith.constant 0 : i32
      %dma_wait3A_680 = tpu.memref_slice %arg3[%arg0, %dma_wait3A_678, %dma_wait3A_679] : memref<2x10000x64xf32, #tpu.memory_space<hbm>> -> memref<1x10000x64xf32, #tpu.memory_space<hbm>>
      %dma_wait3A_681 = tpu.memref_squeeze %dma_wait3A_680 : memref<1x10000x64xf32, #tpu.memory_space<hbm>> -> memref<10000x64xf32, #tpu.memory_space<hbm>>
      %dma_wait3A_682 = arith.constant 0 : i32
      %dma_wait3A_683 = arith.constant 0 : i32
      %dma_wait3A_684 = tpu.memref_slice %dma_wait3A_681[%dma_wait3A_682, %dma_wait3A_683] : memref<10000x64xf32, #tpu.memory_space<hbm>> -> memref<10000x64xf32, #tpu.memory_space<hbm>>
      tpu.wait_indirect_dma semaphore(%arg22 : memref<!tpu.dma_semaphore, #tpu.memory_space<semaphore_mem>>) src(%dma_wait3A_684 : memref<10000x64xf32, #tpu.memory_space<hbm>>) dst(%arg11 : memref<80x64xf32, #tpu.memory_space<vmem>>)
      %mul3A_685 = arith.constant 80 : i32
      %mul3A_686 = arith.muli %add3A_674, %mul3A_685 : i32
      %dma_wait3A_687 = tpu.memref_slice %arg8[%mul3A_686] : memref<20000xi32, #tpu.memory_space<vmem>> -> memref<80xi32, #tpu.memory_space<vmem>>
      %dma_wait3A_688 = arith.constant 0 : i32
      %dma_wait3A_689 = arith.constant 0 : i32
      %dma_wait3A_690 = tpu.memref_slice %arg15[%dma_wait3A_688, %dma_wait3A_689] : memref<10000x64xf32, #tpu.memory_space<vmem_shared>> -> memref<10000x64xf32, #tpu.memory_space<vmem_shared>>
      tpu.wait_indirect_dma semaphore(%arg24 : memref<!tpu.dma_semaphore, #tpu.memory_space<semaphore_mem>>) src(%arg13 : memref<80x64xf32, #tpu.memory_space<vmem>>) dst(%dma_wait3A_690 : memref<10000x64xf32, #tpu.memory_space<vmem_shared>>)
      %scan3A_691 = arith.constant 0 : i32
      %scan3A_692 = arith.constant 80 : i32
      %scan3A_693 = arith.addi %scan3A_691, %scan3A_692 : i32
      %scan3A_694 = arith.constant 1 : i32
      scf.for %scan3A_805 = %scan3A_691 to %scan3A_693 step %scan3A_694  : i32 {
        %mul3A_806 = arith.constant 1 : i32
        %mul3A_807 = arith.muli %scan3A_805, %mul3A_806 : i32
        %add3A_808 = arith.constant 0 : i32
        %add3A_809 = arith.addi %add3A_808, %mul3A_807 : i32
        %get3A = arith.index_cast %add3A_809 : i32 to index
        %get3A_810 = arith.constant 0 : index
        %get3A_811 = tpu.vector_load %arg11[%get3A, %get3A_810] {strides = array<i32>} : memref<80x64xf32, #tpu.memory_space<vmem>>, vector<1x16xf32>,
        %get3A_812 = vector.shape_cast %get3A_811 : vector<1x16xf32> to vector<16xf32>
        %max3A = arith.constant 0.000000e+00 : f32
        %max3A_813 = vector.broadcast %max3A : f32 to vector<16xf32>
        %max3A_814 = arith.maximumf %get3A_812, %max3A_813 : vector<16xf32>
        %swap3A = arith.index_cast %add3A_809 : i32 to index
        %swap3A_815 = arith.constant 0 : index
        %swap3A_816 = tpu.vector_load %arg13[%swap3A, %swap3A_815] {strides = array<i32>} : memref<80x64xf32, #tpu.memory_space<vmem>>, vector<1x16xf32>,
        %swap3A_817 = vector.shape_cast %swap3A_816 : vector<1x16xf32> to vector<16xf32>
        %swap3A_818 = vector.shape_cast %max3A_814 : vector<16xf32> to vector<1x16xf32>
        tpu.vector_store %arg13[%swap3A, %swap3A_815], %swap3A_818 {strides = array<i32>} : memref<80x64xf32, #tpu.memory_space<vmem>>, vector<1x16xf32>,
        %get3A_819 = arith.index_cast %add3A_809 : i32 to index
        %get3A_820 = arith.constant 16 : index
        %get3A_821 = tpu.vector_load %arg11[%get3A_819, %get3A_820] {strides = array<i32>} : memref<80x64xf32, #tpu.memory_space<vmem>>, vector<1x16xf32>,
        %get3A_822 = vector.shape_cast %get3A_821 : vector<1x16xf32> to vector<16xf32>
        %max3A_823 = arith.constant 0.000000e+00 : f32
        %max3A_824 = vector.broadcast %max3A_823 : f32 to vector<16xf32>
        %max3A_825 = arith.maximumf %get3A_822, %max3A_824 : vector<16xf32>
        %swap3A_826 = arith.index_cast %add3A_809 : i32 to index
        %swap3A_827 = arith.constant 16 : index
        %swap3A_828 = tpu.vector_load %arg13[%swap3A_826, %swap3A_827] {strides = array<i32>} : memref<80x64xf32, #tpu.memory_space<vmem>>, vector<1x16xf32>,
        %swap3A_829 = vector.shape_cast %swap3A_828 : vector<1x16xf32> to vector<16xf32>
        %swap3A_830 = vector.shape_cast %max3A_825 : vector<16xf32> to vector<1x16xf32>
        tpu.vector_store %arg13[%swap3A_826, %swap3A_827], %swap3A_830 {strides = array<i32>} : memref<80x64xf32, #tpu.memory_space<vmem>>, vector<1x16xf32>,
        %get3A_831 = arith.index_cast %add3A_809 : i32 to index
        %get3A_832 = arith.constant 32 : index
        %get3A_833 = tpu.vector_load %arg11[%get3A_831, %get3A_832] {strides = array<i32>} : memref<80x64xf32, #tpu.memory_space<vmem>>, vector<1x16xf32>,
        %get3A_834 = vector.shape_cast %get3A_833 : vector<1x16xf32> to vector<16xf32>
        %max3A_835 = arith.constant 0.000000e+00 : f32
        %max3A_836 = vector.broadcast %max3A_835 : f32 to vector<16xf32>
        %max3A_837 = arith.maximumf %get3A_834, %max3A_836 : vector<16xf32>
        %swap3A_838 = arith.index_cast %add3A_809 : i32 to index
        %swap3A_839 = arith.constant 32 : index
        %swap3A_840 = tpu.vector_load %arg13[%swap3A_838, %swap3A_839] {strides = array<i32>} : memref<80x64xf32, #tpu.memory_space<vmem>>, vector<1x16xf32>,
        %swap3A_841 = vector.shape_cast %swap3A_840 : vector<1x16xf32> to vector<16xf32>
        %swap3A_842 = vector.shape_cast %max3A_837 : vector<16xf32> to vector<1x16xf32>
        tpu.vector_store %arg13[%swap3A_838, %swap3A_839], %swap3A_842 {strides = array<i32>} : memref<80x64xf32, #tpu.memory_space<vmem>>, vector<1x16xf32>,
        %get3A_843 = arith.index_cast %add3A_809 : i32 to index
        %get3A_844 = arith.constant 48 : index
        %get3A_845 = tpu.vector_load %arg11[%get3A_843, %get3A_844] {strides = array<i32>} : memref<80x64xf32, #tpu.memory_space<vmem>>, vector<1x16xf32>,
        %get3A_846 = vector.shape_cast %get3A_845 : vector<1x16xf32> to vector<16xf32>
        %max3A_847 = arith.constant 0.000000e+00 : f32
        %max3A_848 = vector.broadcast %max3A_847 : f32 to vector<16xf32>
        %max3A_849 = arith.maximumf %get3A_846, %max3A_848 : vector<16xf32>
        %swap3A_850 = arith.index_cast %add3A_809 : i32 to index
        %swap3A_851 = arith.constant 48 : index
        %swap3A_852 = tpu.vector_load %arg13[%swap3A_850, %swap3A_851] {strides = array<i32>} : memref<80x64xf32, #tpu.memory_space<vmem>>, vector<1x16xf32>,
        %swap3A_853 = vector.shape_cast %swap3A_852 : vector<1x16xf32> to vector<16xf32>
        %swap3A_854 = vector.shape_cast %max3A_849 : vector<16xf32> to vector<1x16xf32>
        tpu.vector_store %arg13[%swap3A_850, %swap3A_851], %swap3A_854 {strides = array<i32>} : memref<80x64xf32, #tpu.memory_space<vmem>>, vector<1x16xf32>,
      }
      %scan3A_695 = arith.constant 80 : i32
      %add3A_696 = arith.constant 4 : i32
      %add3A_697 = arith.addi %add3A_674, %add3A_696 : i32
      %mul3A_698 = arith.constant 80 : i32
      %mul3A_699 = arith.muli %add3A_697, %mul3A_698 : i32
      %dma_start3A_700 = tpu.memref_slice %arg7[%mul3A_699] : memref<20000xi32, #tpu.memory_space<vmem>> -> memref<80xi32, #tpu.memory_space<vmem>>
      %dma_start3A_701 = arith.constant 0 : i32
      %dma_start3A_702 = arith.constant 0 : i32
      %dma_start3A_703 = tpu.memref_slice %arg2[%arg0, %dma_start3A_701, %dma_start3A_702] : memref<2x10000x64xf32, #tpu.memory_space<hbm>> -> memref<1x10000x64xf32, #tpu.memory_space<hbm>>
      %dma_start3A_704 = tpu.memref_squeeze %dma_start3A_703 : memref<1x10000x64xf32, #tpu.memory_space<hbm>> -> memref<10000x64xf32, #tpu.memory_space<hbm>>
      %dma_start3A_705 = arith.constant 0 : i32
      %dma_start3A_706 = arith.constant 0 : i32
      %dma_start3A_707 = tpu.memref_slice %dma_start3A_704[%dma_start3A_705, %dma_start3A_706] : memref<10000x64xf32, #tpu.memory_space<hbm>> -> memref<10000x64xf32, #tpu.memory_space<hbm>>
      tpu.enqueue_indirect_dma source(%dma_start3A_707 : memref<10000x64xf32, #tpu.memory_space<hbm>>) target(%arg11 : memref<80x64xf32, #tpu.memory_space<vmem>>) offsets(%dma_start3A_700 : memref<80xi32, #tpu.memory_space<vmem>>) semaphore(%arg18 : memref<!tpu.dma_semaphore, #tpu.memory_space<semaphore_mem>>)
      %mul3A_708 = arith.constant 80 : i32
      %mul3A_709 = arith.muli %add3A_674, %mul3A_708 : i32
      %dma_start3A_710 = tpu.memref_slice %arg8[%mul3A_709] : memref<20000xi32, #tpu.memory_space<vmem>> -> memref<80xi32, #tpu.memory_space<vmem>>
      %dma_start3A_711 = arith.constant 0 : i32
      %dma_start3A_712 = arith.constant 0 : i32
      %dma_start3A_713 = tpu.memref_slice %arg15[%dma_start3A_711, %dma_start3A_712] : memref<10000x64xf32, #tpu.memory_space<vmem_shared>> -> memref<10000x64xf32, #tpu.memory_space<vmem_shared>>
      tpu.enqueue_indirect_dma source(%arg13 : memref<80x64xf32, #tpu.memory_space<vmem>>) target(%dma_start3A_713 : memref<10000x64xf32, #tpu.memory_space<vmem_shared>>) offsets(%dma_start3A_710 : memref<80xi32, #tpu.memory_space<vmem>>) semaphore(%arg24 : memref<!tpu.dma_semaphore, #tpu.memory_space<semaphore_mem>>) {add = true}
      %add3A_714 = arith.constant 2 : i32
      %add3A_715 = arith.addi %add3A_674, %add3A_714 : i32
      %mul3A_716 = arith.constant 80 : i32
      %mul3A_717 = arith.muli %add3A_715, %mul3A_716 : i32
      %dma_wait3A_718 = tpu.memref_slice %arg7[%mul3A_717] : memref<20000xi32, #tpu.memory_space<vmem>> -> memref<80xi32, #tpu.memory_space<vmem>>
      %dma_wait3A_719 = arith.constant 0 : i32
      %dma_wait3A_720 = arith.constant 0 : i32
      %dma_wait3A_721 = tpu.memref_slice %arg2[%arg0, %dma_wait3A_719, %dma_wait3A_720] : memref<2x10000x64xf32, #tpu.memory_space<hbm>> -> memref<1x10000x64xf32, #tpu.memory_space<hbm>>
      %dma_wait3A_722 = tpu.memref_squeeze %dma_wait3A_721 : memref<1x10000x64xf32, #tpu.memory_space<hbm>> -> memref<10000x64xf32, #tpu.memory_space<hbm>>
      %dma_wait3A_723 = arith.constant 0 : i32
      %dma_wait3A_724 = arith.constant 0 : i32
      %dma_wait3A_725 = tpu.memref_slice %dma_wait3A_722[%dma_wait3A_723, %dma_wait3A_724] : memref<10000x64xf32, #tpu.memory_space<hbm>> -> memref<10000x64xf32, #tpu.memory_space<hbm>>
      tpu.wait_indirect_dma semaphore(%arg16 : memref<!tpu.dma_semaphore, #tpu.memory_space<semaphore_mem>>) src(%dma_wait3A_725 : memref<10000x64xf32, #tpu.memory_space<hbm>>) dst(%arg9 : memref<80x64xf32, #tpu.memory_space<vmem>>)
      %add3A_726 = arith.constant 2 : i32
      %add3A_727 = arith.addi %add3A_674, %add3A_726 : i32
      %mul3A_728 = arith.constant 80 : i32
      %mul3A_729 = arith.muli %add3A_727, %mul3A_728 : i32
      %dma_start3A_730 = tpu.memref_slice %arg8[%mul3A_729] : memref<20000xi32, #tpu.memory_space<vmem>> -> memref<80xi32, #tpu.memory_space<vmem>>
      %dma_start3A_731 = arith.constant 0 : i32
      %dma_start3A_732 = arith.constant 0 : i32
      %dma_start3A_733 = tpu.memref_slice %arg3[%arg0, %dma_start3A_731, %dma_start3A_732] : memref<2x10000x64xf32, #tpu.memory_space<hbm>> -> memref<1x10000x64xf32, #tpu.memory_space<hbm>>
      %dma_start3A_734 = tpu.memref_squeeze %dma_start3A_733 : memref<1x10000x64xf32, #tpu.memory_space<hbm>> -> memref<10000x64xf32, #tpu.memory_space<hbm>>
      %dma_start3A_735 = arith.constant 0 : i32
      %dma_start3A_736 = arith.constant 0 : i32
      %dma_start3A_737 = tpu.memref_slice %dma_start3A_734[%dma_start3A_735, %dma_start3A_736] : memref<10000x64xf32, #tpu.memory_space<hbm>> -> memref<10000x64xf32, #tpu.memory_space<hbm>>
      tpu.enqueue_indirect_dma source(%dma_start3A_737 : memref<10000x64xf32, #tpu.memory_space<hbm>>) target(%arg9 : memref<80x64xf32, #tpu.memory_space<vmem>>) offsets(%dma_start3A_730 : memref<80xi32, #tpu.memory_space<vmem>>) semaphore(%arg20 : memref<!tpu.dma_semaphore, #tpu.memory_space<semaphore_mem>>) {add = true}
      %mul3A_738 = arith.constant 4 : i32
      %mul3A_739 = arith.muli %add3A_536, %mul3A_738 : i32
      %add3A_740 = arith.constant 3 : i32
      %add3A_741 = arith.addi %mul3A_739, %add3A_740 : i32
      %mul3A_742 = arith.constant 80 : i32
      %mul3A_743 = arith.muli %add3A_741, %mul3A_742 : i32
      %dma_wait3A_744 = tpu.memref_slice %arg8[%mul3A_743] : memref<20000xi32, #tpu.memory_space<vmem>> -> memref<80xi32, #tpu.memory_space<vmem>>
      %dma_wait3A_745 = arith.constant 0 : i32
      %dma_wait3A_746 = arith.constant 0 : i32
      %dma_wait3A_747 = tpu.memref_slice %arg3[%arg0, %dma_wait3A_745, %dma_wait3A_746] : memref<2x10000x64xf32, #tpu.memory_space<hbm>> -> memref<1x10000x64xf32, #tpu.memory_space<hbm>>
      %dma_wait3A_748 = tpu.memref_squeeze %dma_wait3A_747 : memref<1x10000x64xf32, #tpu.memory_space<hbm>> -> memref<10000x64xf32, #tpu.memory_space<hbm>>
      %dma_wait3A_749 = arith.constant 0 : i32
      %dma_wait3A_750 = arith.constant 0 : i32
      %dma_wait3A_751 = tpu.memref_slice %dma_wait3A_748[%dma_wait3A_749, %dma_wait3A_750] : memref<10000x64xf32, #tpu.memory_space<hbm>> -> memref<10000x64xf32, #tpu.memory_space<hbm>>
      tpu.wait_indirect_dma semaphore(%arg23 : memref<!tpu.dma_semaphore, #tpu.memory_space<semaphore_mem>>) src(%dma_wait3A_751 : memref<10000x64xf32, #tpu.memory_space<hbm>>) dst(%arg12 : memref<80x64xf32, #tpu.memory_space<vmem>>)
      %mul3A_752 = arith.constant 80 : i32
      %mul3A_753 = arith.muli %add3A_741, %mul3A_752 : i32
      %dma_wait3A_754 = tpu.memref_slice %arg8[%mul3A_753] : memref<20000xi32, #tpu.memory_space<vmem>> -> memref<80xi32, #tpu.memory_space<vmem>>
      %dma_wait3A_755 = arith.constant 0 : i32
      %dma_wait3A_756 = arith.constant 0 : i32
      %dma_wait3A_757 = tpu.memref_slice %arg15[%dma_wait3A_755, %dma_wait3A_756] : memref<10000x64xf32, #tpu.memory_space<vmem_shared>> -> memref<10000x64xf32, #tpu.memory_space<vmem_shared>>
      tpu.wait_indirect_dma semaphore(%arg25 : memref<!tpu.dma_semaphore, #tpu.memory_space<semaphore_mem>>) src(%arg14 : memref<80x64xf32, #tpu.memory_space<vmem>>) dst(%dma_wait3A_757 : memref<10000x64xf32, #tpu.memory_space<vmem_shared>>)
      %scan3A_758 = arith.constant 0 : i32
      %scan3A_759 = arith.constant 80 : i32
      %scan3A_760 = arith.addi %scan3A_758, %scan3A_759 : i32
      %scan3A_761 = arith.constant 1 : i32
      scf.for %scan3A_805 = %scan3A_758 to %scan3A_760 step %scan3A_761  : i32 {
        %mul3A_806 = arith.constant 1 : i32
        %mul3A_807 = arith.muli %scan3A_805, %mul3A_806 : i32
        %add3A_808 = arith.constant 0 : i32
        %add3A_809 = arith.addi %add3A_808, %mul3A_807 : i32
        %get3A = arith.index_cast %add3A_809 : i32 to index
        %get3A_810 = arith.constant 0 : index
        %get3A_811 = tpu.vector_load %arg12[%get3A, %get3A_810] {strides = array<i32>} : memref<80x64xf32, #tpu.memory_space<vmem>>, vector<1x16xf32>,
        %get3A_812 = vector.shape_cast %get3A_811 : vector<1x16xf32> to vector<16xf32>
        %max3A = arith.constant 0.000000e+00 : f32
        %max3A_813 = vector.broadcast %max3A : f32 to vector<16xf32>
        %max3A_814 = arith.maximumf %get3A_812, %max3A_813 : vector<16xf32>
        %swap3A = arith.index_cast %add3A_809 : i32 to index
        %swap3A_815 = arith.constant 0 : index
        %swap3A_816 = tpu.vector_load %arg14[%swap3A, %swap3A_815] {strides = array<i32>} : memref<80x64xf32, #tpu.memory_space<vmem>>, vector<1x16xf32>,
        %swap3A_817 = vector.shape_cast %swap3A_816 : vector<1x16xf32> to vector<16xf32>
        %swap3A_818 = vector.shape_cast %max3A_814 : vector<16xf32> to vector<1x16xf32>
        tpu.vector_store %arg14[%swap3A, %swap3A_815], %swap3A_818 {strides = array<i32>} : memref<80x64xf32, #tpu.memory_space<vmem>>, vector<1x16xf32>,
        %get3A_819 = arith.index_cast %add3A_809 : i32 to index
        %get3A_820 = arith.constant 16 : index
        %get3A_821 = tpu.vector_load %arg12[%get3A_819, %get3A_820] {strides = array<i32>} : memref<80x64xf32, #tpu.memory_space<vmem>>, vector<1x16xf32>,
        %get3A_822 = vector.shape_cast %get3A_821 : vector<1x16xf32> to vector<16xf32>
        %max3A_823 = arith.constant 0.000000e+00 : f32
        %max3A_824 = vector.broadcast %max3A_823 : f32 to vector<16xf32>
        %max3A_825 = arith.maximumf %get3A_822, %max3A_824 : vector<16xf32>
        %swap3A_826 = arith.index_cast %add3A_809 : i32 to index
        %swap3A_827 = arith.constant 16 : index
        %swap3A_828 = tpu.vector_load %arg14[%swap3A_826, %swap3A_827] {strides = array<i32>} : memref<80x64xf32, #tpu.memory_space<vmem>>, vector<1x16xf32>,
        %swap3A_829 = vector.shape_cast %swap3A_828 : vector<1x16xf32> to vector<16xf32>
        %swap3A_830 = vector.shape_cast %max3A_825 : vector<16xf32> to vector<1x16xf32>
        tpu.vector_store %arg14[%swap3A_826, %swap3A_827], %swap3A_830 {strides = array<i32>} : memref<80x64xf32, #tpu.memory_space<vmem>>, vector<1x16xf32>,
        %get3A_831 = arith.index_cast %add3A_809 : i32 to index
        %get3A_832 = arith.constant 32 : index
        %get3A_833 = tpu.vector_load %arg12[%get3A_831, %get3A_832] {strides = array<i32>} : memref<80x64xf32, #tpu.memory_space<vmem>>, vector<1x16xf32>,
        %get3A_834 = vector.shape_cast %get3A_833 : vector<1x16xf32> to vector<16xf32>
        %max3A_835 = arith.constant 0.000000e+00 : f32
        %max3A_836 = vector.broadcast %max3A_835 : f32 to vector<16xf32>
        %max3A_837 = arith.maximumf %get3A_834, %max3A_836 : vector<16xf32>
        %swap3A_838 = arith.index_cast %add3A_809 : i32 to index
        %swap3A_839 = arith.constant 32 : index
        %swap3A_840 = tpu.vector_load %arg14[%swap3A_838, %swap3A_839] {strides = array<i32>} : memref<80x64xf32, #tpu.memory_space<vmem>>, vector<1x16xf32>,
        %swap3A_841 = vector.shape_cast %swap3A_840 : vector<1x16xf32> to vector<16xf32>
        %swap3A_842 = vector.shape_cast %max3A_837 : vector<16xf32> to vector<1x16xf32>
        tpu.vector_store %arg14[%swap3A_838, %swap3A_839], %swap3A_842 {strides = array<i32>} : memref<80x64xf32, #tpu.memory_space<vmem>>, vector<1x16xf32>,
        %get3A_843 = arith.index_cast %add3A_809 : i32 to index
        %get3A_844 = arith.constant 48 : index
        %get3A_845 = tpu.vector_load %arg12[%get3A_843, %get3A_844] {strides = array<i32>} : memref<80x64xf32, #tpu.memory_space<vmem>>, vector<1x16xf32>,
        %get3A_846 = vector.shape_cast %get3A_845 : vector<1x16xf32> to vector<16xf32>
        %max3A_847 = arith.constant 0.000000e+00 : f32
        %max3A_848 = vector.broadcast %max3A_847 : f32 to vector<16xf32>
        %max3A_849 = arith.maximumf %get3A_846, %max3A_848 : vector<16xf32>
        %swap3A_850 = arith.index_cast %add3A_809 : i32 to index
        %swap3A_851 = arith.constant 48 : index
        %swap3A_852 = tpu.vector_load %arg14[%swap3A_850, %swap3A_851] {strides = array<i32>} : memref<80x64xf32, #tpu.memory_space<vmem>>, vector<1x16xf32>,
        %swap3A_853 = vector.shape_cast %swap3A_852 : vector<1x16xf32> to vector<16xf32>
        %swap3A_854 = vector.shape_cast %max3A_849 : vector<16xf32> to vector<1x16xf32>
        tpu.vector_store %arg14[%swap3A_850, %swap3A_851], %swap3A_854 {strides = array<i32>} : memref<80x64xf32, #tpu.memory_space<vmem>>, vector<1x16xf32>,
      }
      %scan3A_762 = arith.constant 80 : i32
      %add3A_763 = arith.constant 4 : i32
      %add3A_764 = arith.addi %add3A_741, %add3A_763 : i32
      %mul3A_765 = arith.constant 80 : i32
      %mul3A_766 = arith.muli %add3A_764, %mul3A_765 : i32
      %dma_start3A_767 = tpu.memref_slice %arg7[%mul3A_766] : memref<20000xi32, #tpu.memory_space<vmem>> -> memref<80xi32, #tpu.memory_space<vmem>>
      %dma_start3A_768 = arith.constant 0 : i32
      %dma_start3A_769 = arith.constant 0 : i32
      %dma_start3A_770 = tpu.memref_slice %arg2[%arg0, %dma_start3A_768, %dma_start3A_769] : memref<2x10000x64xf32, #tpu.memory_space<hbm>> -> memref<1x10000x64xf32, #tpu.memory_space<hbm>>
      %dma_start3A_771 = tpu.memref_squeeze %dma_start3A_770 : memref<1x10000x64xf32, #tpu.memory_space<hbm>> -> memref<10000x64xf32, #tpu.memory_space<hbm>>
      %dma_start3A_772 = arith.constant 0 : i32
      %dma_start3A_773 = arith.constant 0 : i32
      %dma_start3A_774 = tpu.memref_slice %dma_start3A_771[%dma_start3A_772, %dma_start3A_773] : memref<10000x64xf32, #tpu.memory_space<hbm>> -> memref<10000x64xf32, #tpu.memory_space<hbm>>
      tpu.enqueue_indirect_dma source(%dma_start3A_774 : memref<10000x64xf32, #tpu.memory_space<hbm>>) target(%arg12 : memref<80x64xf32, #tpu.memory_space<vmem>>) offsets(%dma_start3A_767 : memref<80xi32, #tpu.memory_space<vmem>>) semaphore(%arg19 : memref<!tpu.dma_semaphore, #tpu.memory_space<semaphore_mem>>)
      %mul3A_775 = arith.constant 80 : i32
      %mul3A_776 = arith.muli %add3A_741, %mul3A_775 : i32
      %dma_start3A_777 = tpu.memref_slice %arg8[%mul3A_776] : memref<20000xi32, #tpu.memory_space<vmem>> -> memref<80xi32, #tpu.memory_space<vmem>>
      %dma_start3A_778 = arith.constant 0 : i32
      %dma_start3A_779 = arith.constant 0 : i32
      %dma_start3A_780 = tpu.memref_slice %arg15[%dma_start3A_778, %dma_start3A_779] : memref<10000x64xf32, #tpu.memory_space<vmem_shared>> -> memref<10000x64xf32, #tpu.memory_space<vmem_shared>>
      tpu.enqueue_indirect_dma source(%arg14 : memref<80x64xf32, #tpu.memory_space<vmem>>) target(%dma_start3A_780 : memref<10000x64xf32, #tpu.memory_space<vmem_shared>>) offsets(%dma_start3A_777 : memref<80xi32, #tpu.memory_space<vmem>>) semaphore(%arg25 : memref<!tpu.dma_semaphore, #tpu.memory_space<semaphore_mem>>) {add = true}
      %add3A_781 = arith.constant 2 : i32
      %add3A_782 = arith.addi %add3A_741, %add3A_781 : i32
      %mul3A_783 = arith.constant 80 : i32
      %mul3A_784 = arith.muli %add3A_782, %mul3A_783 : i32
      %dma_wait3A_785 = tpu.memref_slice %arg7[%mul3A_784] : memref<20000xi32, #tpu.memory_space<vmem>> -> memref<80xi32, #tpu.memory_space<vmem>>
      %dma_wait3A_786 = arith.constant 0 : i32
      %dma_wait3A_787 = arith.constant 0 : i32
      %dma_wait3A_788 = tpu.memref_slice %arg2[%arg0, %dma_wait3A_786, %dma_wait3A_787] : memref<2x10000x64xf32, #tpu.memory_space<hbm>> -> memref<1x10000x64xf32, #tpu.memory_space<hbm>>
      %dma_wait3A_789 = tpu.memref_squeeze %dma_wait3A_788 : memref<1x10000x64xf32, #tpu.memory_space<hbm>> -> memref<10000x64xf32, #tpu.memory_space<hbm>>
      %dma_wait3A_790 = arith.constant 0 : i32
      %dma_wait3A_791 = arith.constant 0 : i32
      %dma_wait3A_792 = tpu.memref_slice %dma_wait3A_789[%dma_wait3A_790, %dma_wait3A_791] : memref<10000x64xf32, #tpu.memory_space<hbm>> -> memref<10000x64xf32, #tpu.memory_space<hbm>>
      tpu.wait_indirect_dma semaphore(%arg17 : memref<!tpu.dma_semaphore, #tpu.memory_space<semaphore_mem>>) src(%dma_wait3A_792 : memref<10000x64xf32, #tpu.memory_space<hbm>>) dst(%arg10 : memref<80x64xf32, #tpu.memory_space<vmem>>)
      %add3A_793 = arith.constant 2 : i32
      %add3A_794 = arith.addi %add3A_741, %add3A_793 : i32
      %mul3A_795 = arith.constant 80 : i32
      %mul3A_796 = arith.muli %add3A_794, %mul3A_795 : i32
      %dma_start3A_797 = tpu.memref_slice %arg8[%mul3A_796] : memref<20000xi32, #tpu.memory_space<vmem>> -> memref<80xi32, #tpu.memory_space<vmem>>
      %dma_start3A_798 = arith.constant 0 : i32
      %dma_start3A_799 = arith.constant 0 : i32
      %dma_start3A_800 = tpu.memref_slice %arg3[%arg0, %dma_start3A_798, %dma_start3A_799] : memref<2x10000x64xf32, #tpu.memory_space<hbm>> -> memref<1x10000x64xf32, #tpu.memory_space<hbm>>
      %dma_start3A_801 = tpu.memref_squeeze %dma_start3A_800 : memref<1x10000x64xf32, #tpu.memory_space<hbm>> -> memref<10000x64xf32, #tpu.memory_space<hbm>>
      %dma_start3A_802 = arith.constant 0 : i32
      %dma_start3A_803 = arith.constant 0 : i32
      %dma_start3A_804 = tpu.memref_slice %dma_start3A_801[%dma_start3A_802, %dma_start3A_803] : memref<10000x64xf32, #tpu.memory_space<hbm>> -> memref<10000x64xf32, #tpu.memory_space<hbm>>
      tpu.enqueue_indirect_dma source(%dma_start3A_804 : memref<10000x64xf32, #tpu.memory_space<hbm>>) target(%arg10 : memref<80x64xf32, #tpu.memory_space<vmem>>) offsets(%dma_start3A_797 : memref<80xi32, #tpu.memory_space<vmem>>) semaphore(%arg21 : memref<!tpu.dma_semaphore, #tpu.memory_space<semaphore_mem>>) {add = true}
    }
    %scan3A_277 = arith.constant 60 : i32
    %dma_wait3A_278 = arith.constant 19520 : i32
    %dma_wait3A_279 = tpu.memref_slice %arg8[%dma_wait3A_278] : memref<20000xi32, #tpu.memory_space<vmem>> -> memref<80xi32, #tpu.memory_space<vmem>>
    %dma_wait3A_280 = arith.constant 0 : i32
    %dma_wait3A_281 = arith.constant 0 : i32
    %dma_wait3A_282 = tpu.memref_slice %arg3[%arg0, %dma_wait3A_280, %dma_wait3A_281] : memref<2x10000x64xf32, #tpu.memory_space<hbm>> -> memref<1x10000x64xf32, #tpu.memory_space<hbm>>
    %dma_wait3A_283 = tpu.memref_squeeze %dma_wait3A_282 : memref<1x10000x64xf32, #tpu.memory_space<hbm>> -> memref<10000x64xf32, #tpu.memory_space<hbm>>
    %dma_wait3A_284 = arith.constant 0 : i32
    %dma_wait3A_285 = arith.constant 0 : i32
    %dma_wait3A_286 = tpu.memref_slice %dma_wait3A_283[%dma_wait3A_284, %dma_wait3A_285] : memref<10000x64xf32, #tpu.memory_space<hbm>> -> memref<10000x64xf32, #tpu.memory_space<hbm>>
    tpu.wait_indirect_dma semaphore(%arg20 : memref<!tpu.dma_semaphore, #tpu.memory_space<semaphore_mem>>) src(%dma_wait3A_286 : memref<10000x64xf32, #tpu.memory_space<hbm>>) dst(%arg9 : memref<80x64xf32, #tpu.memory_space<vmem>>)
    %dma_wait3A_287 = arith.constant 19520 : i32
    %dma_wait3A_288 = tpu.memref_slice %arg8[%dma_wait3A_287] : memref<20000xi32, #tpu.memory_space<vmem>> -> memref<80xi32, #tpu.memory_space<vmem>>
    %dma_wait3A_289 = arith.constant 0 : i32
    %dma_wait3A_290 = arith.constant 0 : i32
    %dma_wait3A_291 = tpu.memref_slice %arg15[%dma_wait3A_289, %dma_wait3A_290] : memref<10000x64xf32, #tpu.memory_space<vmem_shared>> -> memref<10000x64xf32, #tpu.memory_space<vmem_shared>>
    tpu.wait_indirect_dma semaphore(%arg24 : memref<!tpu.dma_semaphore, #tpu.memory_space<semaphore_mem>>) src(%arg13 : memref<80x64xf32, #tpu.memory_space<vmem>>) dst(%dma_wait3A_291 : memref<10000x64xf32, #tpu.memory_space<vmem_shared>>)
    %scan3A_292 = arith.constant 0 : i32
    %scan3A_293 = arith.constant 80 : i32
    %scan3A_294 = arith.addi %scan3A_292, %scan3A_293 : i32
    %scan3A_295 = arith.constant 1 : i32
    scf.for %scan3A_533 = %scan3A_292 to %scan3A_294 step %scan3A_295  : i32 {
      %mul3A_534 = arith.constant 1 : i32
      %mul3A_535 = arith.muli %scan3A_533, %mul3A_534 : i32
      %add3A = arith.constant 0 : i32
      %add3A_536 = arith.addi %add3A, %mul3A_535 : i32
      %get3A = arith.index_cast %add3A_536 : i32 to index
      %get3A_537 = arith.constant 0 : index
      %get3A_538 = tpu.vector_load %arg9[%get3A, %get3A_537] {strides = array<i32>} : memref<80x64xf32, #tpu.memory_space<vmem>>, vector<1x16xf32>,
      %get3A_539 = vector.shape_cast %get3A_538 : vector<1x16xf32> to vector<16xf32>
      %max3A = arith.constant 0.000000e+00 : f32
      %max3A_540 = vector.broadcast %max3A : f32 to vector<16xf32>
      %max3A_541 = arith.maximumf %get3A_539, %max3A_540 : vector<16xf32>
      %swap3A = arith.index_cast %add3A_536 : i32 to index
      %swap3A_542 = arith.constant 0 : index
      %swap3A_543 = tpu.vector_load %arg13[%swap3A, %swap3A_542] {strides = array<i32>} : memref<80x64xf32, #tpu.memory_space<vmem>>, vector<1x16xf32>,
      %swap3A_544 = vector.shape_cast %swap3A_543 : vector<1x16xf32> to vector<16xf32>
      %swap3A_545 = vector.shape_cast %max3A_541 : vector<16xf32> to vector<1x16xf32>
      tpu.vector_store %arg13[%swap3A, %swap3A_542], %swap3A_545 {strides = array<i32>} : memref<80x64xf32, #tpu.memory_space<vmem>>, vector<1x16xf32>,
      %get3A_546 = arith.index_cast %add3A_536 : i32 to index
      %get3A_547 = arith.constant 16 : index
      %get3A_548 = tpu.vector_load %arg9[%get3A_546, %get3A_547] {strides = array<i32>} : memref<80x64xf32, #tpu.memory_space<vmem>>, vector<1x16xf32>,
      %get3A_549 = vector.shape_cast %get3A_548 : vector<1x16xf32> to vector<16xf32>
      %max3A_550 = arith.constant 0.000000e+00 : f32
      %max3A_551 = vector.broadcast %max3A_550 : f32 to vector<16xf32>
      %max3A_552 = arith.maximumf %get3A_549, %max3A_551 : vector<16xf32>
      %swap3A_553 = arith.index_cast %add3A_536 : i32 to index
      %swap3A_554 = arith.constant 16 : index
      %swap3A_555 = tpu.vector_load %arg13[%swap3A_553, %swap3A_554] {strides = array<i32>} : memref<80x64xf32, #tpu.memory_space<vmem>>, vector<1x16xf32>,
      %swap3A_556 = vector.shape_cast %swap3A_555 : vector<1x16xf32> to vector<16xf32>
      %swap3A_557 = vector.shape_cast %max3A_552 : vector<16xf32> to vector<1x16xf32>
      tpu.vector_store %arg13[%swap3A_553, %swap3A_554], %swap3A_557 {strides = array<i32>} : memref<80x64xf32, #tpu.memory_space<vmem>>, vector<1x16xf32>,
      %get3A_558 = arith.index_cast %add3A_536 : i32 to index
      %get3A_559 = arith.constant 32 : index
      %get3A_560 = tpu.vector_load %arg9[%get3A_558, %get3A_559] {strides = array<i32>} : memref<80x64xf32, #tpu.memory_space<vmem>>, vector<1x16xf32>,
      %get3A_561 = vector.shape_cast %get3A_560 : vector<1x16xf32> to vector<16xf32>
      %max3A_562 = arith.constant 0.000000e+00 : f32
      %max3A_563 = vector.broadcast %max3A_562 : f32 to vector<16xf32>
      %max3A_564 = arith.maximumf %get3A_561, %max3A_563 : vector<16xf32>
      %swap3A_565 = arith.index_cast %add3A_536 : i32 to index
      %swap3A_566 = arith.constant 32 : index
      %swap3A_567 = tpu.vector_load %arg13[%swap3A_565, %swap3A_566] {strides = array<i32>} : memref<80x64xf32, #tpu.memory_space<vmem>>, vector<1x16xf32>,
      %swap3A_568 = vector.shape_cast %swap3A_567 : vector<1x16xf32> to vector<16xf32>
      %swap3A_569 = vector.shape_cast %max3A_564 : vector<16xf32> to vector<1x16xf32>
      tpu.vector_store %arg13[%swap3A_565, %swap3A_566], %swap3A_569 {strides = array<i32>} : memref<80x64xf32, #tpu.memory_space<vmem>>, vector<1x16xf32>,
      %get3A_570 = arith.index_cast %add3A_536 : i32 to index
      %get3A_571 = arith.constant 48 : index
      %get3A_572 = tpu.vector_load %arg9[%get3A_570, %get3A_571] {strides = array<i32>} : memref<80x64xf32, #tpu.memory_space<vmem>>, vector<1x16xf32>,
      %get3A_573 = vector.shape_cast %get3A_572 : vector<1x16xf32> to vector<16xf32>
      %max3A_574 = arith.constant 0.000000e+00 : f32
      %max3A_575 = vector.broadcast %max3A_574 : f32 to vector<16xf32>
      %max3A_576 = arith.maximumf %get3A_573, %max3A_575 : vector<16xf32>
      %swap3A_577 = arith.index_cast %add3A_536 : i32 to index
      %swap3A_578 = arith.constant 48 : index
      %swap3A_579 = tpu.vector_load %arg13[%swap3A_577, %swap3A_578] {strides = array<i32>} : memref<80x64xf32, #tpu.memory_space<vmem>>, vector<1x16xf32>,
      %swap3A_580 = vector.shape_cast %swap3A_579 : vector<1x16xf32> to vector<16xf32>
      %swap3A_581 = vector.shape_cast %max3A_576 : vector<16xf32> to vector<1x16xf32>
      tpu.vector_store %arg13[%swap3A_577, %swap3A_578], %swap3A_581 {strides = array<i32>} : memref<80x64xf32, #tpu.memory_space<vmem>>, vector<1x16xf32>,
    }
    %scan3A_296 = arith.constant 80 : i32
    %dma_start3A_297 = arith.constant 19840 : i32
    %dma_start3A_298 = tpu.memref_slice %arg7[%dma_start3A_297] : memref<20000xi32, #tpu.memory_space<vmem>> -> memref<80xi32, #tpu.memory_space<vmem>>
    %dma_start3A_299 = arith.constant 0 : i32
    %dma_start3A_300 = arith.constant 0 : i32
    %dma_start3A_301 = tpu.memref_slice %arg2[%arg0, %dma_start3A_299, %dma_start3A_300] : memref<2x10000x64xf32, #tpu.memory_space<hbm>> -> memref<1x10000x64xf32, #tpu.memory_space<hbm>>
    %dma_start3A_302 = tpu.memref_squeeze %dma_start3A_301 : memref<1x10000x64xf32, #tpu.memory_space<hbm>> -> memref<10000x64xf32, #tpu.memory_space<hbm>>
    %dma_start3A_303 = arith.constant 0 : i32
    %dma_start3A_304 = arith.constant 0 : i32
    %dma_start3A_305 = tpu.memref_slice %dma_start3A_302[%dma_start3A_303, %dma_start3A_304] : memref<10000x64xf32, #tpu.memory_space<hbm>> -> memref<10000x64xf32, #tpu.memory_space<hbm>>
    tpu.enqueue_indirect_dma source(%dma_start3A_305 : memref<10000x64xf32, #tpu.memory_space<hbm>>) target(%arg9 : memref<80x64xf32, #tpu.memory_space<vmem>>) offsets(%dma_start3A_298 : memref<80xi32, #tpu.memory_space<vmem>>) semaphore(%arg16 : memref<!tpu.dma_semaphore, #tpu.memory_space<semaphore_mem>>)
    %dma_start3A_306 = arith.constant 19520 : i32
    %dma_start3A_307 = tpu.memref_slice %arg8[%dma_start3A_306] : memref<20000xi32, #tpu.memory_space<vmem>> -> memref<80xi32, #tpu.memory_space<vmem>>
    %dma_start3A_308 = arith.constant 0 : i32
    %dma_start3A_309 = arith.constant 0 : i32
    %dma_start3A_310 = tpu.memref_slice %arg15[%dma_start3A_308, %dma_start3A_309] : memref<10000x64xf32, #tpu.memory_space<vmem_shared>> -> memref<10000x64xf32, #tpu.memory_space<vmem_shared>>
    tpu.enqueue_indirect_dma source(%arg13 : memref<80x64xf32, #tpu.memory_space<vmem>>) target(%dma_start3A_310 : memref<10000x64xf32, #tpu.memory_space<vmem_shared>>) offsets(%dma_start3A_307 : memref<80xi32, #tpu.memory_space<vmem>>) semaphore(%arg24 : memref<!tpu.dma_semaphore, #tpu.memory_space<semaphore_mem>>) {add = true}
    %dma_wait3A_311 = arith.constant 19680 : i32
    %dma_wait3A_312 = tpu.memref_slice %arg7[%dma_wait3A_311] : memref<20000xi32, #tpu.memory_space<vmem>> -> memref<80xi32, #tpu.memory_space<vmem>>
    %dma_wait3A_313 = arith.constant 0 : i32
    %dma_wait3A_314 = arith.constant 0 : i32
    %dma_wait3A_315 = tpu.memref_slice %arg2[%arg0, %dma_wait3A_313, %dma_wait3A_314] : memref<2x10000x64xf32, #tpu.memory_space<hbm>> -> memref<1x10000x64xf32, #tpu.memory_space<hbm>>
    %dma_wait3A_316 = tpu.memref_squeeze %dma_wait3A_315 : memref<1x10000x64xf32, #tpu.memory_space<hbm>> -> memref<10000x64xf32, #tpu.memory_space<hbm>>
    %dma_wait3A_317 = arith.constant 0 : i32
    %dma_wait3A_318 = arith.constant 0 : i32
    %dma_wait3A_319 = tpu.memref_slice %dma_wait3A_316[%dma_wait3A_317, %dma_wait3A_318] : memref<10000x64xf32, #tpu.memory_space<hbm>> -> memref<10000x64xf32, #tpu.memory_space<hbm>>
    tpu.wait_indirect_dma semaphore(%arg18 : memref<!tpu.dma_semaphore, #tpu.memory_space<semaphore_mem>>) src(%dma_wait3A_319 : memref<10000x64xf32, #tpu.memory_space<hbm>>) dst(%arg11 : memref<80x64xf32, #tpu.memory_space<vmem>>)
    %dma_start3A_320 = arith.constant 19680 : i32
    %dma_start3A_321 = tpu.memref_slice %arg8[%dma_start3A_320] : memref<20000xi32, #tpu.memory_space<vmem>> -> memref<80xi32, #tpu.memory_space<vmem>>
    %dma_start3A_322 = arith.constant 0 : i32
    %dma_start3A_323 = arith.constant 0 : i32
    %dma_start3A_324 = tpu.memref_slice %arg3[%arg0, %dma_start3A_322, %dma_start3A_323] : memref<2x10000x64xf32, #tpu.memory_space<hbm>> -> memref<1x10000x64xf32, #tpu.memory_space<hbm>>
    %dma_start3A_325 = tpu.memref_squeeze %dma_start3A_324 : memref<1x10000x64xf32, #tpu.memory_space<hbm>> -> memref<10000x64xf32, #tpu.memory_space<hbm>>
    %dma_start3A_326 = arith.constant 0 : i32
    %dma_start3A_327 = arith.constant 0 : i32
    %dma_start3A_328 = tpu.memref_slice %dma_start3A_325[%dma_start3A_326, %dma_start3A_327] : memref<10000x64xf32, #tpu.memory_space<hbm>> -> memref<10000x64xf32, #tpu.memory_space<hbm>>
    tpu.enqueue_indirect_dma source(%dma_start3A_328 : memref<10000x64xf32, #tpu.memory_space<hbm>>) target(%arg11 : memref<80x64xf32, #tpu.memory_space<vmem>>) offsets(%dma_start3A_321 : memref<80xi32, #tpu.memory_space<vmem>>) semaphore(%arg22 : memref<!tpu.dma_semaphore, #tpu.memory_space<semaphore_mem>>) {add = true}
    %dma_wait3A_329 = arith.constant 19600 : i32
    %dma_wait3A_330 = tpu.memref_slice %arg8[%dma_wait3A_329] : memref<20000xi32, #tpu.memory_space<vmem>> -> memref<80xi32, #tpu.memory_space<vmem>>
    %dma_wait3A_331 = arith.constant 0 : i32
    %dma_wait3A_332 = arith.constant 0 : i32
    %dma_wait3A_333 = tpu.memref_slice %arg3[%arg0, %dma_wait3A_331, %dma_wait3A_332] : memref<2x10000x64xf32, #tpu.memory_space<hbm>> -> memref<1x10000x64xf32, #tpu.memory_space<hbm>>
    %dma_wait3A_334 = tpu.memref_squeeze %dma_wait3A_333 : memref<1x10000x64xf32, #tpu.memory_space<hbm>> -> memref<10000x64xf32, #tpu.memory_space<hbm>>
    %dma_wait3A_335 = arith.constant 0 : i32
    %dma_wait3A_336 = arith.constant 0 : i32
    %dma_wait3A_337 = tpu.memref_slice %dma_wait3A_334[%dma_wait3A_335, %dma_wait3A_336] : memref<10000x64xf32, #tpu.memory_space<hbm>> -> memref<10000x64xf32, #tpu.memory_space<hbm>>
    tpu.wait_indirect_dma semaphore(%arg21 : memref<!tpu.dma_semaphore, #tpu.memory_space<semaphore_mem>>) src(%dma_wait3A_337 : memref<10000x64xf32, #tpu.memory_space<hbm>>) dst(%arg10 : memref<80x64xf32, #tpu.memory_space<vmem>>)
    %dma_wait3A_338 = arith.constant 19600 : i32
    %dma_wait3A_339 = tpu.memref_slice %arg8[%dma_wait3A_338] : memref<20000xi32, #tpu.memory_space<vmem>> -> memref<80xi32, #tpu.memory_space<vmem>>
    %dma_wait3A_340 = arith.constant 0 : i32
    %dma_wait3A_341 = arith.constant 0 : i32
    %dma_wait3A_342 = tpu.memref_slice %arg15[%dma_wait3A_340, %dma_wait3A_341] : memref<10000x64xf32, #tpu.memory_space<vmem_shared>> -> memref<10000x64xf32, #tpu.memory_space<vmem_shared>>
    tpu.wait_indirect_dma semaphore(%arg25 : memref<!tpu.dma_semaphore, #tpu.memory_space<semaphore_mem>>) src(%arg14 : memref<80x64xf32, #tpu.memory_space<vmem>>) dst(%dma_wait3A_342 : memref<10000x64xf32, #tpu.memory_space<vmem_shared>>)
    %scan3A_343 = arith.constant 0 : i32
    %scan3A_344 = arith.constant 80 : i32
    %scan3A_345 = arith.addi %scan3A_343, %scan3A_344 : i32
    %scan3A_346 = arith.constant 1 : i32
    scf.for %scan3A_533 = %scan3A_343 to %scan3A_345 step %scan3A_346  : i32 {
      %mul3A_534 = arith.constant 1 : i32
      %mul3A_535 = arith.muli %scan3A_533, %mul3A_534 : i32
      %add3A = arith.constant 0 : i32
      %add3A_536 = arith.addi %add3A, %mul3A_535 : i32
      %get3A = arith.index_cast %add3A_536 : i32 to index
      %get3A_537 = arith.constant 0 : index
      %get3A_538 = tpu.vector_load %arg10[%get3A, %get3A_537] {strides = array<i32>} : memref<80x64xf32, #tpu.memory_space<vmem>>, vector<1x16xf32>,
      %get3A_539 = vector.shape_cast %get3A_538 : vector<1x16xf32> to vector<16xf32>
      %max3A = arith.constant 0.000000e+00 : f32
      %max3A_540 = vector.broadcast %max3A : f32 to vector<16xf32>
      %max3A_541 = arith.maximumf %get3A_539, %max3A_540 : vector<16xf32>
      %swap3A = arith.index_cast %add3A_536 : i32 to index
      %swap3A_542 = arith.constant 0 : index
      %swap3A_543 = tpu.vector_load %arg14[%swap3A, %swap3A_542] {strides = array<i32>} : memref<80x64xf32, #tpu.memory_space<vmem>>, vector<1x16xf32>,
      %swap3A_544 = vector.shape_cast %swap3A_543 : vector<1x16xf32> to vector<16xf32>
      %swap3A_545 = vector.shape_cast %max3A_541 : vector<16xf32> to vector<1x16xf32>
      tpu.vector_store %arg14[%swap3A, %swap3A_542], %swap3A_545 {strides = array<i32>} : memref<80x64xf32, #tpu.memory_space<vmem>>, vector<1x16xf32>,
      %get3A_546 = arith.index_cast %add3A_536 : i32 to index
      %get3A_547 = arith.constant 16 : index
      %get3A_548 = tpu.vector_load %arg10[%get3A_546, %get3A_547] {strides = array<i32>} : memref<80x64xf32, #tpu.memory_space<vmem>>, vector<1x16xf32>,
      %get3A_549 = vector.shape_cast %get3A_548 : vector<1x16xf32> to vector<16xf32>
      %max3A_550 = arith.constant 0.000000e+00 : f32
      %max3A_551 = vector.broadcast %max3A_550 : f32 to vector<16xf32>
      %max3A_552 = arith.maximumf %get3A_549, %max3A_551 : vector<16xf32>
      %swap3A_553 = arith.index_cast %add3A_536 : i32 to index
      %swap3A_554 = arith.constant 16 : index
      %swap3A_555 = tpu.vector_load %arg14[%swap3A_553, %swap3A_554] {strides = array<i32>} : memref<80x64xf32, #tpu.memory_space<vmem>>, vector<1x16xf32>,
      %swap3A_556 = vector.shape_cast %swap3A_555 : vector<1x16xf32> to vector<16xf32>
      %swap3A_557 = vector.shape_cast %max3A_552 : vector<16xf32> to vector<1x16xf32>
      tpu.vector_store %arg14[%swap3A_553, %swap3A_554], %swap3A_557 {strides = array<i32>} : memref<80x64xf32, #tpu.memory_space<vmem>>, vector<1x16xf32>,
      %get3A_558 = arith.index_cast %add3A_536 : i32 to index
      %get3A_559 = arith.constant 32 : index
      %get3A_560 = tpu.vector_load %arg10[%get3A_558, %get3A_559] {strides = array<i32>} : memref<80x64xf32, #tpu.memory_space<vmem>>, vector<1x16xf32>,
      %get3A_561 = vector.shape_cast %get3A_560 : vector<1x16xf32> to vector<16xf32>
      %max3A_562 = arith.constant 0.000000e+00 : f32
      %max3A_563 = vector.broadcast %max3A_562 : f32 to vector<16xf32>
      %max3A_564 = arith.maximumf %get3A_561, %max3A_563 : vector<16xf32>
      %swap3A_565 = arith.index_cast %add3A_536 : i32 to index
      %swap3A_566 = arith.constant 32 : index
      %swap3A_567 = tpu.vector_load %arg14[%swap3A_565, %swap3A_566] {strides = array<i32>} : memref<80x64xf32, #tpu.memory_space<vmem>>, vector<1x16xf32>,
      %swap3A_568 = vector.shape_cast %swap3A_567 : vector<1x16xf32> to vector<16xf32>
      %swap3A_569 = vector.shape_cast %max3A_564 : vector<16xf32> to vector<1x16xf32>
      tpu.vector_store %arg14[%swap3A_565, %swap3A_566], %swap3A_569 {strides = array<i32>} : memref<80x64xf32, #tpu.memory_space<vmem>>, vector<1x16xf32>,
      %get3A_570 = arith.index_cast %add3A_536 : i32 to index
      %get3A_571 = arith.constant 48 : index
      %get3A_572 = tpu.vector_load %arg10[%get3A_570, %get3A_571] {strides = array<i32>} : memref<80x64xf32, #tpu.memory_space<vmem>>, vector<1x16xf32>,
      %get3A_573 = vector.shape_cast %get3A_572 : vector<1x16xf32> to vector<16xf32>
      %max3A_574 = arith.constant 0.000000e+00 : f32
      %max3A_575 = vector.broadcast %max3A_574 : f32 to vector<16xf32>
      %max3A_576 = arith.maximumf %get3A_573, %max3A_575 : vector<16xf32>
      %swap3A_577 = arith.index_cast %add3A_536 : i32 to index
      %swap3A_578 = arith.constant 48 : index
      %swap3A_579 = tpu.vector_load %arg14[%swap3A_577, %swap3A_578] {strides = array<i32>} : memref<80x64xf32, #tpu.memory_space<vmem>>, vector<1x16xf32>,
      %swap3A_580 = vector.shape_cast %swap3A_579 : vector<1x16xf32> to vector<16xf32>
      %swap3A_581 = vector.shape_cast %max3A_576 : vector<16xf32> to vector<1x16xf32>
      tpu.vector_store %arg14[%swap3A_577, %swap3A_578], %swap3A_581 {strides = array<i32>} : memref<80x64xf32, #tpu.memory_space<vmem>>, vector<1x16xf32>,
    }
    %scan3A_347 = arith.constant 80 : i32
    %dma_start3A_348 = arith.constant 19920 : i32
    %dma_start3A_349 = tpu.memref_slice %arg7[%dma_start3A_348] : memref<20000xi32, #tpu.memory_space<vmem>> -> memref<80xi32, #tpu.memory_space<vmem>>
    %dma_start3A_350 = arith.constant 0 : i32
    %dma_start3A_351 = arith.constant 0 : i32
    %dma_start3A_352 = tpu.memref_slice %arg2[%arg0, %dma_start3A_350, %dma_start3A_351] : memref<2x10000x64xf32, #tpu.memory_space<hbm>> -> memref<1x10000x64xf32, #tpu.memory_space<hbm>>
    %dma_start3A_353 = tpu.memref_squeeze %dma_start3A_352 : memref<1x10000x64xf32, #tpu.memory_space<hbm>> -> memref<10000x64xf32, #tpu.memory_space<hbm>>
    %dma_start3A_354 = arith.constant 0 : i32
    %dma_start3A_355 = arith.constant 0 : i32
    %dma_start3A_356 = tpu.memref_slice %dma_start3A_353[%dma_start3A_354, %dma_start3A_355] : memref<10000x64xf32, #tpu.memory_space<hbm>> -> memref<10000x64xf32, #tpu.memory_space<hbm>>
    tpu.enqueue_indirect_dma source(%dma_start3A_356 : memref<10000x64xf32, #tpu.memory_space<hbm>>) target(%arg10 : memref<80x64xf32, #tpu.memory_space<vmem>>) offsets(%dma_start3A_349 : memref<80xi32, #tpu.memory_space<vmem>>) semaphore(%arg17 : memref<!tpu.dma_semaphore, #tpu.memory_space<semaphore_mem>>)
    %dma_start3A_357 = arith.constant 19600 : i32
    %dma_start3A_358 = tpu.memref_slice %arg8[%dma_start3A_357] : memref<20000xi32, #tpu.memory_space<vmem>> -> memref<80xi32, #tpu.memory_space<vmem>>
    %dma_start3A_359 = arith.constant 0 : i32
    %dma_start3A_360 = arith.constant 0 : i32
    %dma_start3A_361 = tpu.memref_slice %arg15[%dma_start3A_359, %dma_start3A_360] : memref<10000x64xf32, #tpu.memory_space<vmem_shared>> -> memref<10000x64xf32, #tpu.memory_space<vmem_shared>>
    tpu.enqueue_indirect_dma source(%arg14 : memref<80x64xf32, #tpu.memory_space<vmem>>) target(%dma_start3A_361 : memref<10000x64xf32, #tpu.memory_space<vmem_shared>>) offsets(%dma_start3A_358 : memref<80xi32, #tpu.memory_space<vmem>>) semaphore(%arg25 : memref<!tpu.dma_semaphore, #tpu.memory_space<semaphore_mem>>) {add = true}
    %dma_wait3A_362 = arith.constant 19760 : i32
    %dma_wait3A_363 = tpu.memref_slice %arg7[%dma_wait3A_362] : memref<20000xi32, #tpu.memory_space<vmem>> -> memref<80xi32, #tpu.memory_space<vmem>>
    %dma_wait3A_364 = arith.constant 0 : i32
    %dma_wait3A_365 = arith.constant 0 : i32
    %dma_wait3A_366 = tpu.memref_slice %arg2[%arg0, %dma_wait3A_364, %dma_wait3A_365] : memref<2x10000x64xf32, #tpu.memory_space<hbm>> -> memref<1x10000x64xf32, #tpu.memory_space<hbm>>
    %dma_wait3A_367 = tpu.memref_squeeze %dma_wait3A_366 : memref<1x10000x64xf32, #tpu.memory_space<hbm>> -> memref<10000x64xf32, #tpu.memory_space<hbm>>
    %dma_wait3A_368 = arith.constant 0 : i32
    %dma_wait3A_369 = arith.constant 0 : i32
    %dma_wait3A_370 = tpu.memref_slice %dma_wait3A_367[%dma_wait3A_368, %dma_wait3A_369] : memref<10000x64xf32, #tpu.memory_space<hbm>> -> memref<10000x64xf32, #tpu.memory_space<hbm>>
    tpu.wait_indirect_dma semaphore(%arg19 : memref<!tpu.dma_semaphore, #tpu.memory_space<semaphore_mem>>) src(%dma_wait3A_370 : memref<10000x64xf32, #tpu.memory_space<hbm>>) dst(%arg12 : memref<80x64xf32, #tpu.memory_space<vmem>>)
    %dma_start3A_371 = arith.constant 19760 : i32
    %dma_start3A_372 = tpu.memref_slice %arg8[%dma_start3A_371] : memref<20000xi32, #tpu.memory_space<vmem>> -> memref<80xi32, #tpu.memory_space<vmem>>
    %dma_start3A_373 = arith.constant 0 : i32
    %dma_start3A_374 = arith.constant 0 : i32
    %dma_start3A_375 = tpu.memref_slice %arg3[%arg0, %dma_start3A_373, %dma_start3A_374] : memref<2x10000x64xf32, #tpu.memory_space<hbm>> -> memref<1x10000x64xf32, #tpu.memory_space<hbm>>
    %dma_start3A_376 = tpu.memref_squeeze %dma_start3A_375 : memref<1x10000x64xf32, #tpu.memory_space<hbm>> -> memref<10000x64xf32, #tpu.memory_space<hbm>>
    %dma_start3A_377 = arith.constant 0 : i32
    %dma_start3A_378 = arith.constant 0 : i32
    %dma_start3A_379 = tpu.memref_slice %dma_start3A_376[%dma_start3A_377, %dma_start3A_378] : memref<10000x64xf32, #tpu.memory_space<hbm>> -> memref<10000x64xf32, #tpu.memory_space<hbm>>
    tpu.enqueue_indirect_dma source(%dma_start3A_379 : memref<10000x64xf32, #tpu.memory_space<hbm>>) target(%arg12 : memref<80x64xf32, #tpu.memory_space<vmem>>) offsets(%dma_start3A_372 : memref<80xi32, #tpu.memory_space<vmem>>) semaphore(%arg23 : memref<!tpu.dma_semaphore, #tpu.memory_space<semaphore_mem>>) {add = true}
    %dma_wait3A_380 = arith.constant 19680 : i32
    %dma_wait3A_381 = tpu.memref_slice %arg8[%dma_wait3A_380] : memref<20000xi32, #tpu.memory_space<vmem>> -> memref<80xi32, #tpu.memory_space<vmem>>
    %dma_wait3A_382 = arith.constant 0 : i32
    %dma_wait3A_383 = arith.constant 0 : i32
    %dma_wait3A_384 = tpu.memref_slice %arg3[%arg0, %dma_wait3A_382, %dma_wait3A_383] : memref<2x10000x64xf32, #tpu.memory_space<hbm>> -> memref<1x10000x64xf32, #tpu.memory_space<hbm>>
    %dma_wait3A_385 = tpu.memref_squeeze %dma_wait3A_384 : memref<1x10000x64xf32, #tpu.memory_space<hbm>> -> memref<10000x64xf32, #tpu.memory_space<hbm>>
    %dma_wait3A_386 = arith.constant 0 : i32
    %dma_wait3A_387 = arith.constant 0 : i32
    %dma_wait3A_388 = tpu.memref_slice %dma_wait3A_385[%dma_wait3A_386, %dma_wait3A_387] : memref<10000x64xf32, #tpu.memory_space<hbm>> -> memref<10000x64xf32, #tpu.memory_space<hbm>>
    tpu.wait_indirect_dma semaphore(%arg22 : memref<!tpu.dma_semaphore, #tpu.memory_space<semaphore_mem>>) src(%dma_wait3A_388 : memref<10000x64xf32, #tpu.memory_space<hbm>>) dst(%arg11 : memref<80x64xf32, #tpu.memory_space<vmem>>)
    %dma_wait3A_389 = arith.constant 19680 : i32
    %dma_wait3A_390 = tpu.memref_slice %arg8[%dma_wait3A_389] : memref<20000xi32, #tpu.memory_space<vmem>> -> memref<80xi32, #tpu.memory_space<vmem>>
    %dma_wait3A_391 = arith.constant 0 : i32
    %dma_wait3A_392 = arith.constant 0 : i32
    %dma_wait3A_393 = tpu.memref_slice %arg15[%dma_wait3A_391, %dma_wait3A_392] : memref<10000x64xf32, #tpu.memory_space<vmem_shared>> -> memref<10000x64xf32, #tpu.memory_space<vmem_shared>>
    tpu.wait_indirect_dma semaphore(%arg24 : memref<!tpu.dma_semaphore, #tpu.memory_space<semaphore_mem>>) src(%arg13 : memref<80x64xf32, #tpu.memory_space<vmem>>) dst(%dma_wait3A_393 : memref<10000x64xf32, #tpu.memory_space<vmem_shared>>)
    %scan3A_394 = arith.constant 0 : i32
    %scan3A_395 = arith.constant 80 : i32
    %scan3A_396 = arith.addi %scan3A_394, %scan3A_395 : i32
    %scan3A_397 = arith.constant 1 : i32
    scf.for %scan3A_533 = %scan3A_394 to %scan3A_396 step %scan3A_397  : i32 {
      %mul3A_534 = arith.constant 1 : i32
      %mul3A_535 = arith.muli %scan3A_533, %mul3A_534 : i32
      %add3A = arith.constant 0 : i32
      %add3A_536 = arith.addi %add3A, %mul3A_535 : i32
      %get3A = arith.index_cast %add3A_536 : i32 to index
      %get3A_537 = arith.constant 0 : index
      %get3A_538 = tpu.vector_load %arg11[%get3A, %get3A_537] {strides = array<i32>} : memref<80x64xf32, #tpu.memory_space<vmem>>, vector<1x16xf32>,
      %get3A_539 = vector.shape_cast %get3A_538 : vector<1x16xf32> to vector<16xf32>
      %max3A = arith.constant 0.000000e+00 : f32
      %max3A_540 = vector.broadcast %max3A : f32 to vector<16xf32>
      %max3A_541 = arith.maximumf %get3A_539, %max3A_540 : vector<16xf32>
      %swap3A = arith.index_cast %add3A_536 : i32 to index
      %swap3A_542 = arith.constant 0 : index
      %swap3A_543 = tpu.vector_load %arg13[%swap3A, %swap3A_542] {strides = array<i32>} : memref<80x64xf32, #tpu.memory_space<vmem>>, vector<1x16xf32>,
      %swap3A_544 = vector.shape_cast %swap3A_543 : vector<1x16xf32> to vector<16xf32>
      %swap3A_545 = vector.shape_cast %max3A_541 : vector<16xf32> to vector<1x16xf32>
      tpu.vector_store %arg13[%swap3A, %swap3A_542], %swap3A_545 {strides = array<i32>} : memref<80x64xf32, #tpu.memory_space<vmem>>, vector<1x16xf32>,
      %get3A_546 = arith.index_cast %add3A_536 : i32 to index
      %get3A_547 = arith.constant 16 : index
      %get3A_548 = tpu.vector_load %arg11[%get3A_546, %get3A_547] {strides = array<i32>} : memref<80x64xf32, #tpu.memory_space<vmem>>, vector<1x16xf32>,
      %get3A_549 = vector.shape_cast %get3A_548 : vector<1x16xf32> to vector<16xf32>
      %max3A_550 = arith.constant 0.000000e+00 : f32
      %max3A_551 = vector.broadcast %max3A_550 : f32 to vector<16xf32>
      %max3A_552 = arith.maximumf %get3A_549, %max3A_551 : vector<16xf32>
      %swap3A_553 = arith.index_cast %add3A_536 : i32 to index
      %swap3A_554 = arith.constant 16 : index
      %swap3A_555 = tpu.vector_load %arg13[%swap3A_553, %swap3A_554] {strides = array<i32>} : memref<80x64xf32, #tpu.memory_space<vmem>>, vector<1x16xf32>,
      %swap3A_556 = vector.shape_cast %swap3A_555 : vector<1x16xf32> to vector<16xf32>
      %swap3A_557 = vector.shape_cast %max3A_552 : vector<16xf32> to vector<1x16xf32>
      tpu.vector_store %arg13[%swap3A_553, %swap3A_554], %swap3A_557 {strides = array<i32>} : memref<80x64xf32, #tpu.memory_space<vmem>>, vector<1x16xf32>,
      %get3A_558 = arith.index_cast %add3A_536 : i32 to index
      %get3A_559 = arith.constant 32 : index
      %get3A_560 = tpu.vector_load %arg11[%get3A_558, %get3A_559] {strides = array<i32>} : memref<80x64xf32, #tpu.memory_space<vmem>>, vector<1x16xf32>,
      %get3A_561 = vector.shape_cast %get3A_560 : vector<1x16xf32> to vector<16xf32>
      %max3A_562 = arith.constant 0.000000e+00 : f32
      %max3A_563 = vector.broadcast %max3A_562 : f32 to vector<16xf32>
      %max3A_564 = arith.maximumf %get3A_561, %max3A_563 : vector<16xf32>
      %swap3A_565 = arith.index_cast %add3A_536 : i32 to index
      %swap3A_566 = arith.constant 32 : index
      %swap3A_567 = tpu.vector_load %arg13[%swap3A_565, %swap3A_566] {strides = array<i32>} : memref<80x64xf32, #tpu.memory_space<vmem>>, vector<1x16xf32>,
      %swap3A_568 = vector.shape_cast %swap3A_567 : vector<1x16xf32> to vector<16xf32>
      %swap3A_569 = vector.shape_cast %max3A_564 : vector<16xf32> to vector<1x16xf32>
      tpu.vector_store %arg13[%swap3A_565, %swap3A_566], %swap3A_569 {strides = array<i32>} : memref<80x64xf32, #tpu.memory_space<vmem>>, vector<1x16xf32>,
      %get3A_570 = arith.index_cast %add3A_536 : i32 to index
      %get3A_571 = arith.constant 48 : index
      %get3A_572 = tpu.vector_load %arg11[%get3A_570, %get3A_571] {strides = array<i32>} : memref<80x64xf32, #tpu.memory_space<vmem>>, vector<1x16xf32>,
      %get3A_573 = vector.shape_cast %get3A_572 : vector<1x16xf32> to vector<16xf32>
      %max3A_574 = arith.constant 0.000000e+00 : f32
      %max3A_575 = vector.broadcast %max3A_574 : f32 to vector<16xf32>
      %max3A_576 = arith.maximumf %get3A_573, %max3A_575 : vector<16xf32>
      %swap3A_577 = arith.index_cast %add3A_536 : i32 to index
      %swap3A_578 = arith.constant 48 : index
      %swap3A_579 = tpu.vector_load %arg13[%swap3A_577, %swap3A_578] {strides = array<i32>} : memref<80x64xf32, #tpu.memory_space<vmem>>, vector<1x16xf32>,
      %swap3A_580 = vector.shape_cast %swap3A_579 : vector<1x16xf32> to vector<16xf32>
      %swap3A_581 = vector.shape_cast %max3A_576 : vector<16xf32> to vector<1x16xf32>
      tpu.vector_store %arg13[%swap3A_577, %swap3A_578], %swap3A_581 {strides = array<i32>} : memref<80x64xf32, #tpu.memory_space<vmem>>, vector<1x16xf32>,
    }
    %scan3A_398 = arith.constant 80 : i32
    %dma_start3A_399 = arith.constant 19680 : i32
    %dma_start3A_400 = tpu.memref_slice %arg8[%dma_start3A_399] : memref<20000xi32, #tpu.memory_space<vmem>> -> memref<80xi32, #tpu.memory_space<vmem>>
    %dma_start3A_401 = arith.constant 0 : i32
    %dma_start3A_402 = arith.constant 0 : i32
    %dma_start3A_403 = tpu.memref_slice %arg15[%dma_start3A_401, %dma_start3A_402] : memref<10000x64xf32, #tpu.memory_space<vmem_shared>> -> memref<10000x64xf32, #tpu.memory_space<vmem_shared>>
    tpu.enqueue_indirect_dma source(%arg13 : memref<80x64xf32, #tpu.memory_space<vmem>>) target(%dma_start3A_403 : memref<10000x64xf32, #tpu.memory_space<vmem_shared>>) offsets(%dma_start3A_400 : memref<80xi32, #tpu.memory_space<vmem>>) semaphore(%arg24 : memref<!tpu.dma_semaphore, #tpu.memory_space<semaphore_mem>>) {add = true}
    %dma_wait3A_404 = arith.constant 19840 : i32
    %dma_wait3A_405 = tpu.memref_slice %arg7[%dma_wait3A_404] : memref<20000xi32, #tpu.memory_space<vmem>> -> memref<80xi32, #tpu.memory_space<vmem>>
    %dma_wait3A_406 = arith.constant 0 : i32
    %dma_wait3A_407 = arith.constant 0 : i32
    %dma_wait3A_408 = tpu.memref_slice %arg2[%arg0, %dma_wait3A_406, %dma_wait3A_407] : memref<2x10000x64xf32, #tpu.memory_space<hbm>> -> memref<1x10000x64xf32, #tpu.memory_space<hbm>>
    %dma_wait3A_409 = tpu.memref_squeeze %dma_wait3A_408 : memref<1x10000x64xf32, #tpu.memory_space<hbm>> -> memref<10000x64xf32, #tpu.memory_space<hbm>>
    %dma_wait3A_410 = arith.constant 0 : i32
    %dma_wait3A_411 = arith.constant 0 : i32
    %dma_wait3A_412 = tpu.memref_slice %dma_wait3A_409[%dma_wait3A_410, %dma_wait3A_411] : memref<10000x64xf32, #tpu.memory_space<hbm>> -> memref<10000x64xf32, #tpu.memory_space<hbm>>
    tpu.wait_indirect_dma semaphore(%arg16 : memref<!tpu.dma_semaphore, #tpu.memory_space<semaphore_mem>>) src(%dma_wait3A_412 : memref<10000x64xf32, #tpu.memory_space<hbm>>) dst(%arg9 : memref<80x64xf32, #tpu.memory_space<vmem>>)
    %dma_start3A_413 = arith.constant 19840 : i32
    %dma_start3A_414 = tpu.memref_slice %arg8[%dma_start3A_413] : memref<20000xi32, #tpu.memory_space<vmem>> -> memref<80xi32, #tpu.memory_space<vmem>>
    %dma_start3A_415 = arith.constant 0 : i32
    %dma_start3A_416 = arith.constant 0 : i32
    %dma_start3A_417 = tpu.memref_slice %arg3[%arg0, %dma_start3A_415, %dma_start3A_416] : memref<2x10000x64xf32, #tpu.memory_space<hbm>> -> memref<1x10000x64xf32, #tpu.memory_space<hbm>>
    %dma_start3A_418 = tpu.memref_squeeze %dma_start3A_417 : memref<1x10000x64xf32, #tpu.memory_space<hbm>> -> memref<10000x64xf32, #tpu.memory_space<hbm>>
    %dma_start3A_419 = arith.constant 0 : i32
    %dma_start3A_420 = arith.constant 0 : i32
    %dma_start3A_421 = tpu.memref_slice %dma_start3A_418[%dma_start3A_419, %dma_start3A_420] : memref<10000x64xf32, #tpu.memory_space<hbm>> -> memref<10000x64xf32, #tpu.memory_space<hbm>>
    tpu.enqueue_indirect_dma source(%dma_start3A_421 : memref<10000x64xf32, #tpu.memory_space<hbm>>) target(%arg9 : memref<80x64xf32, #tpu.memory_space<vmem>>) offsets(%dma_start3A_414 : memref<80xi32, #tpu.memory_space<vmem>>) semaphore(%arg20 : memref<!tpu.dma_semaphore, #tpu.memory_space<semaphore_mem>>) {add = true}
    %dma_wait3A_422 = arith.constant 19760 : i32
    %dma_wait3A_423 = tpu.memref_slice %arg8[%dma_wait3A_422] : memref<20000xi32, #tpu.memory_space<vmem>> -> memref<80xi32, #tpu.memory_space<vmem>>
    %dma_wait3A_424 = arith.constant 0 : i32
    %dma_wait3A_425 = arith.constant 0 : i32
    %dma_wait3A_426 = tpu.memref_slice %arg3[%arg0, %dma_wait3A_424, %dma_wait3A_425] : memref<2x10000x64xf32, #tpu.memory_space<hbm>> -> memref<1x10000x64xf32, #tpu.memory_space<hbm>>
    %dma_wait3A_427 = tpu.memref_squeeze %dma_wait3A_426 : memref<1x10000x64xf32, #tpu.memory_space<hbm>> -> memref<10000x64xf32, #tpu.memory_space<hbm>>
    %dma_wait3A_428 = arith.constant 0 : i32
    %dma_wait3A_429 = arith.constant 0 : i32
    %dma_wait3A_430 = tpu.memref_slice %dma_wait3A_427[%dma_wait3A_428, %dma_wait3A_429] : memref<10000x64xf32, #tpu.memory_space<hbm>> -> memref<10000x64xf32, #tpu.memory_space<hbm>>
    tpu.wait_indirect_dma semaphore(%arg23 : memref<!tpu.dma_semaphore, #tpu.memory_space<semaphore_mem>>) src(%dma_wait3A_430 : memref<10000x64xf32, #tpu.memory_space<hbm>>) dst(%arg12 : memref<80x64xf32, #tpu.memory_space<vmem>>)
    %dma_wait3A_431 = arith.constant 19760 : i32
    %dma_wait3A_432 = tpu.memref_slice %arg8[%dma_wait3A_431] : memref<20000xi32, #tpu.memory_space<vmem>> -> memref<80xi32, #tpu.memory_space<vmem>>
    %dma_wait3A_433 = arith.constant 0 : i32
    %dma_wait3A_434 = arith.constant 0 : i32
    %dma_wait3A_435 = tpu.memref_slice %arg15[%dma_wait3A_433, %dma_wait3A_434] : memref<10000x64xf32, #tpu.memory_space<vmem_shared>> -> memref<10000x64xf32, #tpu.memory_space<vmem_shared>>
    tpu.wait_indirect_dma semaphore(%arg25 : memref<!tpu.dma_semaphore, #tpu.memory_space<semaphore_mem>>) src(%arg14 : memref<80x64xf32, #tpu.memory_space<vmem>>) dst(%dma_wait3A_435 : memref<10000x64xf32, #tpu.memory_space<vmem_shared>>)
    %scan3A_436 = arith.constant 0 : i32
    %scan3A_437 = arith.constant 80 : i32
    %scan3A_438 = arith.addi %scan3A_436, %scan3A_437 : i32
    %scan3A_439 = arith.constant 1 : i32
    scf.for %scan3A_533 = %scan3A_436 to %scan3A_438 step %scan3A_439  : i32 {
      %mul3A_534 = arith.constant 1 : i32
      %mul3A_535 = arith.muli %scan3A_533, %mul3A_534 : i32
      %add3A = arith.constant 0 : i32
      %add3A_536 = arith.addi %add3A, %mul3A_535 : i32
      %get3A = arith.index_cast %add3A_536 : i32 to index
      %get3A_537 = arith.constant 0 : index
      %get3A_538 = tpu.vector_load %arg12[%get3A, %get3A_537] {strides = array<i32>} : memref<80x64xf32, #tpu.memory_space<vmem>>, vector<1x16xf32>,
      %get3A_539 = vector.shape_cast %get3A_538 : vector<1x16xf32> to vector<16xf32>
      %max3A = arith.constant 0.000000e+00 : f32
      %max3A_540 = vector.broadcast %max3A : f32 to vector<16xf32>
      %max3A_541 = arith.maximumf %get3A_539, %max3A_540 : vector<16xf32>
      %swap3A = arith.index_cast %add3A_536 : i32 to index
      %swap3A_542 = arith.constant 0 : index
      %swap3A_543 = tpu.vector_load %arg14[%swap3A, %swap3A_542] {strides = array<i32>} : memref<80x64xf32, #tpu.memory_space<vmem>>, vector<1x16xf32>,
      %swap3A_544 = vector.shape_cast %swap3A_543 : vector<1x16xf32> to vector<16xf32>
      %swap3A_545 = vector.shape_cast %max3A_541 : vector<16xf32> to vector<1x16xf32>
      tpu.vector_store %arg14[%swap3A, %swap3A_542], %swap3A_545 {strides = array<i32>} : memref<80x64xf32, #tpu.memory_space<vmem>>, vector<1x16xf32>,
      %get3A_546 = arith.index_cast %add3A_536 : i32 to index
      %get3A_547 = arith.constant 16 : index
      %get3A_548 = tpu.vector_load %arg12[%get3A_546, %get3A_547] {strides = array<i32>} : memref<80x64xf32, #tpu.memory_space<vmem>>, vector<1x16xf32>,
      %get3A_549 = vector.shape_cast %get3A_548 : vector<1x16xf32> to vector<16xf32>
      %max3A_550 = arith.constant 0.000000e+00 : f32
      %max3A_551 = vector.broadcast %max3A_550 : f32 to vector<16xf32>
      %max3A_552 = arith.maximumf %get3A_549, %max3A_551 : vector<16xf32>
      %swap3A_553 = arith.index_cast %add3A_536 : i32 to index
      %swap3A_554 = arith.constant 16 : index
      %swap3A_555 = tpu.vector_load %arg14[%swap3A_553, %swap3A_554] {strides = array<i32>} : memref<80x64xf32, #tpu.memory_space<vmem>>, vector<1x16xf32>,
      %swap3A_556 = vector.shape_cast %swap3A_555 : vector<1x16xf32> to vector<16xf32>
      %swap3A_557 = vector.shape_cast %max3A_552 : vector<16xf32> to vector<1x16xf32>
      tpu.vector_store %arg14[%swap3A_553, %swap3A_554], %swap3A_557 {strides = array<i32>} : memref<80x64xf32, #tpu.memory_space<vmem>>, vector<1x16xf32>,
      %get3A_558 = arith.index_cast %add3A_536 : i32 to index
      %get3A_559 = arith.constant 32 : index
      %get3A_560 = tpu.vector_load %arg12[%get3A_558, %get3A_559] {strides = array<i32>} : memref<80x64xf32, #tpu.memory_space<vmem>>, vector<1x16xf32>,
      %get3A_561 = vector.shape_cast %get3A_560 : vector<1x16xf32> to vector<16xf32>
      %max3A_562 = arith.constant 0.000000e+00 : f32
      %max3A_563 = vector.broadcast %max3A_562 : f32 to vector<16xf32>
      %max3A_564 = arith.maximumf %get3A_561, %max3A_563 : vector<16xf32>
      %swap3A_565 = arith.index_cast %add3A_536 : i32 to index
      %swap3A_566 = arith.constant 32 : index
      %swap3A_567 = tpu.vector_load %arg14[%swap3A_565, %swap3A_566] {strides = array<i32>} : memref<80x64xf32, #tpu.memory_space<vmem>>, vector<1x16xf32>,
      %swap3A_568 = vector.shape_cast %swap3A_567 : vector<1x16xf32> to vector<16xf32>
      %swap3A_569 = vector.shape_cast %max3A_564 : vector<16xf32> to vector<1x16xf32>
      tpu.vector_store %arg14[%swap3A_565, %swap3A_566], %swap3A_569 {strides = array<i32>} : memref<80x64xf32, #tpu.memory_space<vmem>>, vector<1x16xf32>,
      %get3A_570 = arith.index_cast %add3A_536 : i32 to index
      %get3A_571 = arith.constant 48 : index
      %get3A_572 = tpu.vector_load %arg12[%get3A_570, %get3A_571] {strides = array<i32>} : memref<80x64xf32, #tpu.memory_space<vmem>>, vector<1x16xf32>,
      %get3A_573 = vector.shape_cast %get3A_572 : vector<1x16xf32> to vector<16xf32>
      %max3A_574 = arith.constant 0.000000e+00 : f32
      %max3A_575 = vector.broadcast %max3A_574 : f32 to vector<16xf32>
      %max3A_576 = arith.maximumf %get3A_573, %max3A_575 : vector<16xf32>
      %swap3A_577 = arith.index_cast %add3A_536 : i32 to index
      %swap3A_578 = arith.constant 48 : index
      %swap3A_579 = tpu.vector_load %arg14[%swap3A_577, %swap3A_578] {strides = array<i32>} : memref<80x64xf32, #tpu.memory_space<vmem>>, vector<1x16xf32>,
      %swap3A_580 = vector.shape_cast %swap3A_579 : vector<1x16xf32> to vector<16xf32>
      %swap3A_581 = vector.shape_cast %max3A_576 : vector<16xf32> to vector<1x16xf32>
      tpu.vector_store %arg14[%swap3A_577, %swap3A_578], %swap3A_581 {strides = array<i32>} : memref<80x64xf32, #tpu.memory_space<vmem>>, vector<1x16xf32>,
    }
    %scan3A_440 = arith.constant 80 : i32
    %dma_start3A_441 = arith.constant 19760 : i32
    %dma_start3A_442 = tpu.memref_slice %arg8[%dma_start3A_441] : memref<20000xi32, #tpu.memory_space<vmem>> -> memref<80xi32, #tpu.memory_space<vmem>>
    %dma_start3A_443 = arith.constant 0 : i32
    %dma_start3A_444 = arith.constant 0 : i32
    %dma_start3A_445 = tpu.memref_slice %arg15[%dma_start3A_443, %dma_start3A_444] : memref<10000x64xf32, #tpu.memory_space<vmem_shared>> -> memref<10000x64xf32, #tpu.memory_space<vmem_shared>>
    tpu.enqueue_indirect_dma source(%arg14 : memref<80x64xf32, #tpu.memory_space<vmem>>) target(%dma_start3A_445 : memref<10000x64xf32, #tpu.memory_space<vmem_shared>>) offsets(%dma_start3A_442 : memref<80xi32, #tpu.memory_space<vmem>>) semaphore(%arg25 : memref<!tpu.dma_semaphore, #tpu.memory_space<semaphore_mem>>) {add = true}
    %dma_wait3A_446 = arith.constant 19920 : i32
    %dma_wait3A_447 = tpu.memref_slice %arg7[%dma_wait3A_446] : memref<20000xi32, #tpu.memory_space<vmem>> -> memref<80xi32, #tpu.memory_space<vmem>>
    %dma_wait3A_448 = arith.constant 0 : i32
    %dma_wait3A_449 = arith.constant 0 : i32
    %dma_wait3A_450 = tpu.memref_slice %arg2[%arg0, %dma_wait3A_448, %dma_wait3A_449] : memref<2x10000x64xf32, #tpu.memory_space<hbm>> -> memref<1x10000x64xf32, #tpu.memory_space<hbm>>
    %dma_wait3A_451 = tpu.memref_squeeze %dma_wait3A_450 : memref<1x10000x64xf32, #tpu.memory_space<hbm>> -> memref<10000x64xf32, #tpu.memory_space<hbm>>
    %dma_wait3A_452 = arith.constant 0 : i32
    %dma_wait3A_453 = arith.constant 0 : i32
    %dma_wait3A_454 = tpu.memref_slice %dma_wait3A_451[%dma_wait3A_452, %dma_wait3A_453] : memref<10000x64xf32, #tpu.memory_space<hbm>> -> memref<10000x64xf32, #tpu.memory_space<hbm>>
    tpu.wait_indirect_dma semaphore(%arg17 : memref<!tpu.dma_semaphore, #tpu.memory_space<semaphore_mem>>) src(%dma_wait3A_454 : memref<10000x64xf32, #tpu.memory_space<hbm>>) dst(%arg10 : memref<80x64xf32, #tpu.memory_space<vmem>>)
    %dma_start3A_455 = arith.constant 19920 : i32
    %dma_start3A_456 = tpu.memref_slice %arg8[%dma_start3A_455] : memref<20000xi32, #tpu.memory_space<vmem>> -> memref<80xi32, #tpu.memory_space<vmem>>
    %dma_start3A_457 = arith.constant 0 : i32
    %dma_start3A_458 = arith.constant 0 : i32
    %dma_start3A_459 = tpu.memref_slice %arg3[%arg0, %dma_start3A_457, %dma_start3A_458] : memref<2x10000x64xf32, #tpu.memory_space<hbm>> -> memref<1x10000x64xf32, #tpu.memory_space<hbm>>
    %dma_start3A_460 = tpu.memref_squeeze %dma_start3A_459 : memref<1x10000x64xf32, #tpu.memory_space<hbm>> -> memref<10000x64xf32, #tpu.memory_space<hbm>>
    %dma_start3A_461 = arith.constant 0 : i32
    %dma_start3A_462 = arith.constant 0 : i32
    %dma_start3A_463 = tpu.memref_slice %dma_start3A_460[%dma_start3A_461, %dma_start3A_462] : memref<10000x64xf32, #tpu.memory_space<hbm>> -> memref<10000x64xf32, #tpu.memory_space<hbm>>
    tpu.enqueue_indirect_dma source(%dma_start3A_463 : memref<10000x64xf32, #tpu.memory_space<hbm>>) target(%arg10 : memref<80x64xf32, #tpu.memory_space<vmem>>) offsets(%dma_start3A_456 : memref<80xi32, #tpu.memory_space<vmem>>) semaphore(%arg21 : memref<!tpu.dma_semaphore, #tpu.memory_space<semaphore_mem>>) {add = true}
    %dma_wait3A_464 = arith.constant 19840 : i32
    %dma_wait3A_465 = tpu.memref_slice %arg8[%dma_wait3A_464] : memref<20000xi32, #tpu.memory_space<vmem>> -> memref<80xi32, #tpu.memory_space<vmem>>
    %dma_wait3A_466 = arith.constant 0 : i32
    %dma_wait3A_467 = arith.constant 0 : i32
    %dma_wait3A_468 = tpu.memref_slice %arg3[%arg0, %dma_wait3A_466, %dma_wait3A_467] : memref<2x10000x64xf32, #tpu.memory_space<hbm>> -> memref<1x10000x64xf32, #tpu.memory_space<hbm>>
    %dma_wait3A_469 = tpu.memref_squeeze %dma_wait3A_468 : memref<1x10000x64xf32, #tpu.memory_space<hbm>> -> memref<10000x64xf32, #tpu.memory_space<hbm>>
    %dma_wait3A_470 = arith.constant 0 : i32
    %dma_wait3A_471 = arith.constant 0 : i32
    %dma_wait3A_472 = tpu.memref_slice %dma_wait3A_469[%dma_wait3A_470, %dma_wait3A_471] : memref<10000x64xf32, #tpu.memory_space<hbm>> -> memref<10000x64xf32, #tpu.memory_space<hbm>>
    tpu.wait_indirect_dma semaphore(%arg20 : memref<!tpu.dma_semaphore, #tpu.memory_space<semaphore_mem>>) src(%dma_wait3A_472 : memref<10000x64xf32, #tpu.memory_space<hbm>>) dst(%arg9 : memref<80x64xf32, #tpu.memory_space<vmem>>)
    %dma_wait3A_473 = arith.constant 19840 : i32
    %dma_wait3A_474 = tpu.memref_slice %arg8[%dma_wait3A_473] : memref<20000xi32, #tpu.memory_space<vmem>> -> memref<80xi32, #tpu.memory_space<vmem>>
    %dma_wait3A_475 = arith.constant 0 : i32
    %dma_wait3A_476 = arith.constant 0 : i32
    %dma_wait3A_477 = tpu.memref_slice %arg15[%dma_wait3A_475, %dma_wait3A_476] : memref<10000x64xf32, #tpu.memory_space<vmem_shared>> -> memref<10000x64xf32, #tpu.memory_space<vmem_shared>>
    tpu.wait_indirect_dma semaphore(%arg24 : memref<!tpu.dma_semaphore, #tpu.memory_space<semaphore_mem>>) src(%arg13 : memref<80x64xf32, #tpu.memory_space<vmem>>) dst(%dma_wait3A_477 : memref<10000x64xf32, #tpu.memory_space<vmem_shared>>)
    %scan3A_478 = arith.constant 0 : i32
    %scan3A_479 = arith.constant 80 : i32
    %scan3A_480 = arith.addi %scan3A_478, %scan3A_479 : i32
    %scan3A_481 = arith.constant 1 : i32
    scf.for %scan3A_533 = %scan3A_478 to %scan3A_480 step %scan3A_481  : i32 {
      %mul3A_534 = arith.constant 1 : i32
      %mul3A_535 = arith.muli %scan3A_533, %mul3A_534 : i32
      %add3A = arith.constant 0 : i32
      %add3A_536 = arith.addi %add3A, %mul3A_535 : i32
      %get3A = arith.index_cast %add3A_536 : i32 to index
      %get3A_537 = arith.constant 0 : index
      %get3A_538 = tpu.vector_load %arg9[%get3A, %get3A_537] {strides = array<i32>} : memref<80x64xf32, #tpu.memory_space<vmem>>, vector<1x16xf32>,
      %get3A_539 = vector.shape_cast %get3A_538 : vector<1x16xf32> to vector<16xf32>
      %max3A = arith.constant 0.000000e+00 : f32
      %max3A_540 = vector.broadcast %max3A : f32 to vector<16xf32>
      %max3A_541 = arith.maximumf %get3A_539, %max3A_540 : vector<16xf32>
      %swap3A = arith.index_cast %add3A_536 : i32 to index
      %swap3A_542 = arith.constant 0 : index
      %swap3A_543 = tpu.vector_load %arg13[%swap3A, %swap3A_542] {strides = array<i32>} : memref<80x64xf32, #tpu.memory_space<vmem>>, vector<1x16xf32>,
      %swap3A_544 = vector.shape_cast %swap3A_543 : vector<1x16xf32> to vector<16xf32>
      %swap3A_545 = vector.shape_cast %max3A_541 : vector<16xf32> to vector<1x16xf32>
      tpu.vector_store %arg13[%swap3A, %swap3A_542], %swap3A_545 {strides = array<i32>} : memref<80x64xf32, #tpu.memory_space<vmem>>, vector<1x16xf32>,
      %get3A_546 = arith.index_cast %add3A_536 : i32 to index
      %get3A_547 = arith.constant 16 : index
      %get3A_548 = tpu.vector_load %arg9[%get3A_546, %get3A_547] {strides = array<i32>} : memref<80x64xf32, #tpu.memory_space<vmem>>, vector<1x16xf32>,
      %get3A_549 = vector.shape_cast %get3A_548 : vector<1x16xf32> to vector<16xf32>
      %max3A_550 = arith.constant 0.000000e+00 : f32
      %max3A_551 = vector.broadcast %max3A_550 : f32 to vector<16xf32>
      %max3A_552 = arith.maximumf %get3A_549, %max3A_551 : vector<16xf32>
      %swap3A_553 = arith.index_cast %add3A_536 : i32 to index
      %swap3A_554 = arith.constant 16 : index
      %swap3A_555 = tpu.vector_load %arg13[%swap3A_553, %swap3A_554] {strides = array<i32>} : memref<80x64xf32, #tpu.memory_space<vmem>>, vector<1x16xf32>,
      %swap3A_556 = vector.shape_cast %swap3A_555 : vector<1x16xf32> to vector<16xf32>
      %swap3A_557 = vector.shape_cast %max3A_552 : vector<16xf32> to vector<1x16xf32>
      tpu.vector_store %arg13[%swap3A_553, %swap3A_554], %swap3A_557 {strides = array<i32>} : memref<80x64xf32, #tpu.memory_space<vmem>>, vector<1x16xf32>,
      %get3A_558 = arith.index_cast %add3A_536 : i32 to index
      %get3A_559 = arith.constant 32 : index
      %get3A_560 = tpu.vector_load %arg9[%get3A_558, %get3A_559] {strides = array<i32>} : memref<80x64xf32, #tpu.memory_space<vmem>>, vector<1x16xf32>,
      %get3A_561 = vector.shape_cast %get3A_560 : vector<1x16xf32> to vector<16xf32>
      %max3A_562 = arith.constant 0.000000e+00 : f32
      %max3A_563 = vector.broadcast %max3A_562 : f32 to vector<16xf32>
      %max3A_564 = arith.maximumf %get3A_561, %max3A_563 : vector<16xf32>
      %swap3A_565 = arith.index_cast %add3A_536 : i32 to index
      %swap3A_566 = arith.constant 32 : index
      %swap3A_567 = tpu.vector_load %arg13[%swap3A_565, %swap3A_566] {strides = array<i32>} : memref<80x64xf32, #tpu.memory_space<vmem>>, vector<1x16xf32>,
      %swap3A_568 = vector.shape_cast %swap3A_567 : vector<1x16xf32> to vector<16xf32>
      %swap3A_569 = vector.shape_cast %max3A_564 : vector<16xf32> to vector<1x16xf32>
      tpu.vector_store %arg13[%swap3A_565, %swap3A_566], %swap3A_569 {strides = array<i32>} : memref<80x64xf32, #tpu.memory_space<vmem>>, vector<1x16xf32>,
      %get3A_570 = arith.index_cast %add3A_536 : i32 to index
      %get3A_571 = arith.constant 48 : index
      %get3A_572 = tpu.vector_load %arg9[%get3A_570, %get3A_571] {strides = array<i32>} : memref<80x64xf32, #tpu.memory_space<vmem>>, vector<1x16xf32>,
      %get3A_573 = vector.shape_cast %get3A_572 : vector<1x16xf32> to vector<16xf32>
      %max3A_574 = arith.constant 0.000000e+00 : f32
      %max3A_575 = vector.broadcast %max3A_574 : f32 to vector<16xf32>
      %max3A_576 = arith.maximumf %get3A_573, %max3A_575 : vector<16xf32>
      %swap3A_577 = arith.index_cast %add3A_536 : i32 to index
      %swap3A_578 = arith.constant 48 : index
      %swap3A_579 = tpu.vector_load %arg13[%swap3A_577, %swap3A_578] {strides = array<i32>} : memref<80x64xf32, #tpu.memory_space<vmem>>, vector<1x16xf32>,
      %swap3A_580 = vector.shape_cast %swap3A_579 : vector<1x16xf32> to vector<16xf32>
      %swap3A_581 = vector.shape_cast %max3A_576 : vector<16xf32> to vector<1x16xf32>
      tpu.vector_store %arg13[%swap3A_577, %swap3A_578], %swap3A_581 {strides = array<i32>} : memref<80x64xf32, #tpu.memory_space<vmem>>, vector<1x16xf32>,
    }
    %scan3A_482 = arith.constant 80 : i32
    %dma_start3A_483 = arith.constant 19840 : i32
    %dma_start3A_484 = tpu.memref_slice %arg8[%dma_start3A_483] : memref<20000xi32, #tpu.memory_space<vmem>> -> memref<80xi32, #tpu.memory_space<vmem>>
    %dma_start3A_485 = arith.constant 0 : i32
    %dma_start3A_486 = arith.constant 0 : i32
    %dma_start3A_487 = tpu.memref_slice %arg15[%dma_start3A_485, %dma_start3A_486] : memref<10000x64xf32, #tpu.memory_space<vmem_shared>> -> memref<10000x64xf32, #tpu.memory_space<vmem_shared>>
    tpu.enqueue_indirect_dma source(%arg13 : memref<80x64xf32, #tpu.memory_space<vmem>>) target(%dma_start3A_487 : memref<10000x64xf32, #tpu.memory_space<vmem_shared>>) offsets(%dma_start3A_484 : memref<80xi32, #tpu.memory_space<vmem>>) semaphore(%arg24 : memref<!tpu.dma_semaphore, #tpu.memory_space<semaphore_mem>>) {add = true}
    %dma_wait3A_488 = arith.constant 19920 : i32
    %dma_wait3A_489 = tpu.memref_slice %arg8[%dma_wait3A_488] : memref<20000xi32, #tpu.memory_space<vmem>> -> memref<80xi32, #tpu.memory_space<vmem>>
    %dma_wait3A_490 = arith.constant 0 : i32
    %dma_wait3A_491 = arith.constant 0 : i32
    %dma_wait3A_492 = tpu.memref_slice %arg3[%arg0, %dma_wait3A_490, %dma_wait3A_491] : memref<2x10000x64xf32, #tpu.memory_space<hbm>> -> memref<1x10000x64xf32, #tpu.memory_space<hbm>>
    %dma_wait3A_493 = tpu.memref_squeeze %dma_wait3A_492 : memref<1x10000x64xf32, #tpu.memory_space<hbm>> -> memref<10000x64xf32, #tpu.memory_space<hbm>>
    %dma_wait3A_494 = arith.constant 0 : i32
    %dma_wait3A_495 = arith.constant 0 : i32
    %dma_wait3A_496 = tpu.memref_slice %dma_wait3A_493[%dma_wait3A_494, %dma_wait3A_495] : memref<10000x64xf32, #tpu.memory_space<hbm>> -> memref<10000x64xf32, #tpu.memory_space<hbm>>
    tpu.wait_indirect_dma semaphore(%arg21 : memref<!tpu.dma_semaphore, #tpu.memory_space<semaphore_mem>>) src(%dma_wait3A_496 : memref<10000x64xf32, #tpu.memory_space<hbm>>) dst(%arg10 : memref<80x64xf32, #tpu.memory_space<vmem>>)
    %dma_wait3A_497 = arith.constant 19920 : i32
    %dma_wait3A_498 = tpu.memref_slice %arg8[%dma_wait3A_497] : memref<20000xi32, #tpu.memory_space<vmem>> -> memref<80xi32, #tpu.memory_space<vmem>>
    %dma_wait3A_499 = arith.constant 0 : i32
    %dma_wait3A_500 = arith.constant 0 : i32
    %dma_wait3A_501 = tpu.memref_slice %arg15[%dma_wait3A_499, %dma_wait3A_500] : memref<10000x64xf32, #tpu.memory_space<vmem_shared>> -> memref<10000x64xf32, #tpu.memory_space<vmem_shared>>
    tpu.wait_indirect_dma semaphore(%arg25 : memref<!tpu.dma_semaphore, #tpu.memory_space<semaphore_mem>>) src(%arg14 : memref<80x64xf32, #tpu.memory_space<vmem>>) dst(%dma_wait3A_501 : memref<10000x64xf32, #tpu.memory_space<vmem_shared>>)
    %scan3A_502 = arith.constant 0 : i32
    %scan3A_503 = arith.constant 80 : i32
    %scan3A_504 = arith.addi %scan3A_502, %scan3A_503 : i32
    %scan3A_505 = arith.constant 1 : i32
    scf.for %scan3A_533 = %scan3A_502 to %scan3A_504 step %scan3A_505  : i32 {
      %mul3A_534 = arith.constant 1 : i32
      %mul3A_535 = arith.muli %scan3A_533, %mul3A_534 : i32
      %add3A = arith.constant 0 : i32
      %add3A_536 = arith.addi %add3A, %mul3A_535 : i32
      %get3A = arith.index_cast %add3A_536 : i32 to index
      %get3A_537 = arith.constant 0 : index
      %get3A_538 = tpu.vector_load %arg10[%get3A, %get3A_537] {strides = array<i32>} : memref<80x64xf32, #tpu.memory_space<vmem>>, vector<1x16xf32>,
      %get3A_539 = vector.shape_cast %get3A_538 : vector<1x16xf32> to vector<16xf32>
      %max3A = arith.constant 0.000000e+00 : f32
      %max3A_540 = vector.broadcast %max3A : f32 to vector<16xf32>
      %max3A_541 = arith.maximumf %get3A_539, %max3A_540 : vector<16xf32>
      %swap3A = arith.index_cast %add3A_536 : i32 to index
      %swap3A_542 = arith.constant 0 : index
      %swap3A_543 = tpu.vector_load %arg14[%swap3A, %swap3A_542] {strides = array<i32>} : memref<80x64xf32, #tpu.memory_space<vmem>>, vector<1x16xf32>,
      %swap3A_544 = vector.shape_cast %swap3A_543 : vector<1x16xf32> to vector<16xf32>
      %swap3A_545 = vector.shape_cast %max3A_541 : vector<16xf32> to vector<1x16xf32>
      tpu.vector_store %arg14[%swap3A, %swap3A_542], %swap3A_545 {strides = array<i32>} : memref<80x64xf32, #tpu.memory_space<vmem>>, vector<1x16xf32>,
      %get3A_546 = arith.index_cast %add3A_536 : i32 to index
      %get3A_547 = arith.constant 16 : index
      %get3A_548 = tpu.vector_load %arg10[%get3A_546, %get3A_547] {strides = array<i32>} : memref<80x64xf32, #tpu.memory_space<vmem>>, vector<1x16xf32>,
      %get3A_549 = vector.shape_cast %get3A_548 : vector<1x16xf32> to vector<16xf32>
      %max3A_550 = arith.constant 0.000000e+00 : f32
      %max3A_551 = vector.broadcast %max3A_550 : f32 to vector<16xf32>
      %max3A_552 = arith.maximumf %get3A_549, %max3A_551 : vector<16xf32>
      %swap3A_553 = arith.index_cast %add3A_536 : i32 to index
      %swap3A_554 = arith.constant 16 : index
      %swap3A_555 = tpu.vector_load %arg14[%swap3A_553, %swap3A_554] {strides = array<i32>} : memref<80x64xf32, #tpu.memory_space<vmem>>, vector<1x16xf32>,
      %swap3A_556 = vector.shape_cast %swap3A_555 : vector<1x16xf32> to vector<16xf32>
      %swap3A_557 = vector.shape_cast %max3A_552 : vector<16xf32> to vector<1x16xf32>
      tpu.vector_store %arg14[%swap3A_553, %swap3A_554], %swap3A_557 {strides = array<i32>} : memref<80x64xf32, #tpu.memory_space<vmem>>, vector<1x16xf32>,
      %get3A_558 = arith.index_cast %add3A_536 : i32 to index
      %get3A_559 = arith.constant 32 : index
      %get3A_560 = tpu.vector_load %arg10[%get3A_558, %get3A_559] {strides = array<i32>} : memref<80x64xf32, #tpu.memory_space<vmem>>, vector<1x16xf32>,
      %get3A_561 = vector.shape_cast %get3A_560 : vector<1x16xf32> to vector<16xf32>
      %max3A_562 = arith.constant 0.000000e+00 : f32
      %max3A_563 = vector.broadcast %max3A_562 : f32 to vector<16xf32>
      %max3A_564 = arith.maximumf %get3A_561, %max3A_563 : vector<16xf32>
      %swap3A_565 = arith.index_cast %add3A_536 : i32 to index
      %swap3A_566 = arith.constant 32 : index
      %swap3A_567 = tpu.vector_load %arg14[%swap3A_565, %swap3A_566] {strides = array<i32>} : memref<80x64xf32, #tpu.memory_space<vmem>>, vector<1x16xf32>,
      %swap3A_568 = vector.shape_cast %swap3A_567 : vector<1x16xf32> to vector<16xf32>
      %swap3A_569 = vector.shape_cast %max3A_564 : vector<16xf32> to vector<1x16xf32>
      tpu.vector_store %arg14[%swap3A_565, %swap3A_566], %swap3A_569 {strides = array<i32>} : memref<80x64xf32, #tpu.memory_space<vmem>>, vector<1x16xf32>,
      %get3A_570 = arith.index_cast %add3A_536 : i32 to index
      %get3A_571 = arith.constant 48 : index
      %get3A_572 = tpu.vector_load %arg10[%get3A_570, %get3A_571] {strides = array<i32>} : memref<80x64xf32, #tpu.memory_space<vmem>>, vector<1x16xf32>,
      %get3A_573 = vector.shape_cast %get3A_572 : vector<1x16xf32> to vector<16xf32>
      %max3A_574 = arith.constant 0.000000e+00 : f32
      %max3A_575 = vector.broadcast %max3A_574 : f32 to vector<16xf32>
      %max3A_576 = arith.maximumf %get3A_573, %max3A_575 : vector<16xf32>
      %swap3A_577 = arith.index_cast %add3A_536 : i32 to index
      %swap3A_578 = arith.constant 48 : index
      %swap3A_579 = tpu.vector_load %arg14[%swap3A_577, %swap3A_578] {strides = array<i32>} : memref<80x64xf32, #tpu.memory_space<vmem>>, vector<1x16xf32>,
      %swap3A_580 = vector.shape_cast %swap3A_579 : vector<1x16xf32> to vector<16xf32>
      %swap3A_581 = vector.shape_cast %max3A_576 : vector<16xf32> to vector<1x16xf32>
      tpu.vector_store %arg14[%swap3A_577, %swap3A_578], %swap3A_581 {strides = array<i32>} : memref<80x64xf32, #tpu.memory_space<vmem>>, vector<1x16xf32>,
    }
    %scan3A_506 = arith.constant 80 : i32
    %dma_start3A_507 = arith.constant 19920 : i32
    %dma_start3A_508 = tpu.memref_slice %arg8[%dma_start3A_507] : memref<20000xi32, #tpu.memory_space<vmem>> -> memref<80xi32, #tpu.memory_space<vmem>>
    %dma_start3A_509 = arith.constant 0 : i32
    %dma_start3A_510 = arith.constant 0 : i32
    %dma_start3A_511 = tpu.memref_slice %arg15[%dma_start3A_509, %dma_start3A_510] : memref<10000x64xf32, #tpu.memory_space<vmem_shared>> -> memref<10000x64xf32, #tpu.memory_space<vmem_shared>>
    tpu.enqueue_indirect_dma source(%arg14 : memref<80x64xf32, #tpu.memory_space<vmem>>) target(%dma_start3A_511 : memref<10000x64xf32, #tpu.memory_space<vmem_shared>>) offsets(%dma_start3A_508 : memref<80xi32, #tpu.memory_space<vmem>>) semaphore(%arg25 : memref<!tpu.dma_semaphore, #tpu.memory_space<semaphore_mem>>) {add = true}
    %dma_wait3A_512 = arith.constant 19840 : i32
    %dma_wait3A_513 = tpu.memref_slice %arg8[%dma_wait3A_512] : memref<20000xi32, #tpu.memory_space<vmem>> -> memref<80xi32, #tpu.memory_space<vmem>>
    %dma_wait3A_514 = arith.constant 0 : i32
    %dma_wait3A_515 = arith.constant 0 : i32
    %dma_wait3A_516 = tpu.memref_slice %arg15[%dma_wait3A_514, %dma_wait3A_515] : memref<10000x64xf32, #tpu.memory_space<vmem_shared>> -> memref<10000x64xf32, #tpu.memory_space<vmem_shared>>
    tpu.wait_indirect_dma semaphore(%arg24 : memref<!tpu.dma_semaphore, #tpu.memory_space<semaphore_mem>>) src(%arg13 : memref<80x64xf32, #tpu.memory_space<vmem>>) dst(%dma_wait3A_516 : memref<10000x64xf32, #tpu.memory_space<vmem_shared>>)
    %dma_wait3A_517 = arith.constant 19920 : i32
    %dma_wait3A_518 = tpu.memref_slice %arg8[%dma_wait3A_517] : memref<20000xi32, #tpu.memory_space<vmem>> -> memref<80xi32, #tpu.memory_space<vmem>>
    %dma_wait3A_519 = arith.constant 0 : i32
    %dma_wait3A_520 = arith.constant 0 : i32
    %dma_wait3A_521 = tpu.memref_slice %arg15[%dma_wait3A_519, %dma_wait3A_520] : memref<10000x64xf32, #tpu.memory_space<vmem_shared>> -> memref<10000x64xf32, #tpu.memory_space<vmem_shared>>
    tpu.wait_indirect_dma semaphore(%arg25 : memref<!tpu.dma_semaphore, #tpu.memory_space<semaphore_mem>>) src(%arg14 : memref<80x64xf32, #tpu.memory_space<vmem>>) dst(%dma_wait3A_521 : memref<10000x64xf32, #tpu.memory_space<vmem_shared>>)
    %barrier3A_522 = arith.constant 0 : index
    tpu.barrier barrier_id(%barrier3A_522)
    %lt3A_523 = arith.constant 15 : i32
    %lt3A_524 = arith.cmpi slt, %arg1, %lt3A_523 : i32
    %convert_element_type3A_525 = arith.extui %lt3A_524 : i1 to i32
    %cond3A_526 = arith.constant 0 : i32
    %cond3A_527 = arith.cmpi ne, %convert_element_type3A_525, %cond3A_526 : i32
    scf.if %cond3A_527 {
      "tpu.region"() ({
        %run_scoped3A_533 = tpu.sem_alloc : memref<!tpu.dma_semaphore, #tpu.memory_space<semaphore_mem>>
        %dma_start3A_534 = arith.constant 0 : i32
        %dma_start3A_535 = tpu.memref_slice %arg6[%arg0, %multiple_of3A, %dma_start3A_534] : memref<2x10000x64xf32, #tpu.memory_space<hbm>> -> memref<1x624x64xf32, #tpu.memory_space<hbm>>
        %dma_start3A_536 = tpu.memref_squeeze %dma_start3A_535 : memref<1x624x64xf32, #tpu.memory_space<hbm>> -> memref<624x64xf32, #tpu.memory_space<hbm>>
        %dma_start3A_537 = arith.constant 0 : i32
        %dma_start3A_538 = tpu.memref_slice %arg15[%multiple_of3A, %dma_start3A_537] : memref<10000x64xf32, #tpu.memory_space<vmem_shared>> -> memref<624x64xf32, #tpu.memory_space<vmem_shared>>
        tpu.enqueue_dma source(%dma_start3A_538 : memref<624x64xf32, #tpu.memory_space<vmem_shared>>) target(%dma_start3A_536 : memref<624x64xf32, #tpu.memory_space<hbm>>) target_semaphore(%run_scoped3A_533 : memref<!tpu.dma_semaphore, #tpu.memory_space<semaphore_mem>>)
        %dma_wait3A_539 = arith.constant 0 : i32
        %dma_wait3A_540 = tpu.memref_slice %arg6[%arg0, %multiple_of3A, %dma_wait3A_539] : memref<2x10000x64xf32, #tpu.memory_space<hbm>> -> memref<1x624x64xf32, #tpu.memory_space<hbm>>
        %dma_wait3A_541 = tpu.memref_squeeze %dma_wait3A_540 : memref<1x624x64xf32, #tpu.memory_space<hbm>> -> memref<624x64xf32, #tpu.memory_space<hbm>>
        %dma_wait3A_542 = arith.constant 0 : i32
        %dma_wait3A_543 = tpu.memref_slice %arg15[%multiple_of3A, %dma_wait3A_542] : memref<10000x64xf32, #tpu.memory_space<vmem_shared>> -> memref<624x64xf32, #tpu.memory_space<vmem_shared>>
        tpu.wait_dma2 semaphore(%run_scoped3A_533 : memref<!tpu.dma_semaphore, #tpu.memory_space<semaphore_mem>>) src(%dma_wait3A_543 : memref<624x64xf32, #tpu.memory_space<vmem_shared>>) dst(%dma_wait3A_541 : memref<624x64xf32, #tpu.memory_space<hbm>>)
        tpu.yield
      }) : () -> ()
    } else {
    }
    %eq3A_528 = arith.constant 15 : i32
    %eq3A_529 = arith.cmpi eq, %arg1, %eq3A_528 : i32
    %convert_element_type3A_530 = arith.extui %eq3A_529 : i1 to i32
    %cond3A_531 = arith.constant 0 : i32
    %cond3A_532 = arith.cmpi ne, %convert_element_type3A_530, %cond3A_531 : i32
    scf.if %cond3A_532 {
      "tpu.region"() ({
        %run_scoped3A_533 = tpu.sem_alloc : memref<!tpu.dma_semaphore, #tpu.memory_space<semaphore_mem>>
        %dma_start3A_534 = arith.constant 0 : i32
        %dma_start3A_535 = tpu.memref_slice %arg6[%arg0, %multiple_of3A, %dma_start3A_534] : memref<2x10000x64xf32, #tpu.memory_space<hbm>> -> memref<1x640x64xf32, #tpu.memory_space<hbm>>
        %dma_start3A_536 = tpu.memref_squeeze %dma_start3A_535 : memref<1x640x64xf32, #tpu.memory_space<hbm>> -> memref<640x64xf32, #tpu.memory_space<hbm>>
        %dma_start3A_537 = arith.constant 0 : i32
        %dma_start3A_538 = tpu.memref_slice %arg15[%multiple_of3A, %dma_start3A_537] : memref<10000x64xf32, #tpu.memory_space<vmem_shared>> -> memref<640x64xf32, #tpu.memory_space<vmem_shared>>
        tpu.enqueue_dma source(%dma_start3A_538 : memref<640x64xf32, #tpu.memory_space<vmem_shared>>) target(%dma_start3A_536 : memref<640x64xf32, #tpu.memory_space<hbm>>) target_semaphore(%run_scoped3A_533 : memref<!tpu.dma_semaphore, #tpu.memory_space<semaphore_mem>>)
        %dma_wait3A_539 = arith.constant 0 : i32
        %dma_wait3A_540 = tpu.memref_slice %arg6[%arg0, %multiple_of3A, %dma_wait3A_539] : memref<2x10000x64xf32, #tpu.memory_space<hbm>> -> memref<1x640x64xf32, #tpu.memory_space<hbm>>
        %dma_wait3A_541 = tpu.memref_squeeze %dma_wait3A_540 : memref<1x640x64xf32, #tpu.memory_space<hbm>> -> memref<640x64xf32, #tpu.memory_space<hbm>>
        %dma_wait3A_542 = arith.constant 0 : i32
        %dma_wait3A_543 = tpu.memref_slice %arg15[%multiple_of3A, %dma_wait3A_542] : memref<10000x64xf32, #tpu.memory_space<vmem_shared>> -> memref<640x64xf32, #tpu.memory_space<vmem_shared>>
        tpu.wait_dma2 semaphore(%run_scoped3A_533 : memref<!tpu.dma_semaphore, #tpu.memory_space<semaphore_mem>>) src(%dma_wait3A_543 : memref<640x64xf32, #tpu.memory_space<vmem_shared>>) dst(%dma_wait3A_541 : memref<640x64xf32, #tpu.memory_space<hbm>>)
        tpu.yield
      }) : () -> ()
    } else {
    }
    return
  }
}

module attributes {stable_mosaic.version = 14 : i64} {
  func.func @_tc_pre_body(%arg0: i32, %arg1: memref<2000x128xf32, #tpu.memory_space<vmem>>, %arg2: memref<2000x128xf32, #tpu.memory_space<vmem>>, %arg3: memref<128x128xf32, #tpu.memory_space<vmem>>, %arg4: memref<128x128xf32, #tpu.memory_space<vmem>>, %arg5: memref<1x128xf32, #tpu.memory_space<vmem>>, %arg6: memref<2x2000x64xf32, #tpu.memory_space<vmem>>, %arg7: memref<2x2000x64xf32, #tpu.memory_space<vmem>>) attributes {dimension_semantics = [#tpu.dimension_semantics<arbitrary>], iteration_bounds = array<i64: 5>, scalar_prefetch = 0 : i64, scratch_operands = 0 : i64, tpu.core_type = #tpu.core_type<tc>, window_params = [{transform_indices = @transform_0, window_bounds = array<i64: 2000, 128>}, {transform_indices = @transform_1, window_bounds = array<i64: 2000, 128>}, {pipeline_mode = #tpu.pipeline_mode<synchronous>, transform_indices = @transform_2, window_bounds = array<i64: 128, 128>}, {pipeline_mode = #tpu.pipeline_mode<synchronous>, transform_indices = @transform_3, window_bounds = array<i64: 128, 128>}, {pipeline_mode = #tpu.pipeline_mode<synchronous>, transform_indices = @transform_4, window_bounds = array<i64: 1, 128>}, {transform_indices = @transform_5, window_bounds = array<i64: 2, 2000, 64>}, {transform_indices = @transform_6, window_bounds = array<i64: 2, 2000, 64>}]} {
    %get3A = arith.constant 0 : index
    %get3A_0 = arith.constant 0 : index
    %get3A_1 = vector.load %arg1[%get3A, %get3A_0] : memref<2000x128xf32, #tpu.memory_space<vmem>>, vector<2000x128xf32>
    %get3A_2 = arith.constant 0 : index
    %get3A_3 = arith.constant 0 : index
    %get3A_4 = vector.load %arg3[%get3A_2, %get3A_3] : memref<128x128xf32, #tpu.memory_space<vmem>>, vector<128x128xf32>
    %dot_general3A = arith.constant dense<0.000000e+00> : vector<2000x128xf32>
    %dot_general3A_5 = tpu.matmul %get3A_1, %get3A_4, %dot_general3A {dimension_numbers = #tpu.dot_dimension_numbers<[1], [0], [0], [1], [0, 0, 1, 1], [], []>, transpose_lhs_hint = false} : vector<2000x128xf32>, vector<128x128xf32>, vector<2000x128xf32> -> vector<2000x128xf32>
    %get3A_6 = arith.constant 0 : index
    %get3A_7 = arith.constant 0 : index
    %get3A_8 = vector.load %arg5[%get3A_6, %get3A_7] : memref<1x128xf32, #tpu.memory_space<vmem>>, vector<1x128xf32>
    %add3A = vector.broadcast %get3A_8 : vector<1x128xf32> to vector<2000x128xf32>
    %add3A_9 = arith.addf %dot_general3A_5, %add3A : vector<2000x128xf32>
    %get3A_10 = arith.constant 0 : index
    %get3A_11 = arith.constant 0 : index
    %get3A_12 = vector.load %arg2[%get3A_10, %get3A_11] : memref<2000x128xf32, #tpu.memory_space<vmem>>, vector<2000x128xf32>
    %get3A_13 = arith.constant 0 : index
    %get3A_14 = arith.constant 0 : index
    %get3A_15 = vector.load %arg4[%get3A_13, %get3A_14] : memref<128x128xf32, #tpu.memory_space<vmem>>, vector<128x128xf32>
    %dot_general3A_16 = arith.constant dense<0.000000e+00> : vector<2000x128xf32>
    %dot_general3A_17 = tpu.matmul %get3A_12, %get3A_15, %dot_general3A_16 {dimension_numbers = #tpu.dot_dimension_numbers<[1], [0], [0], [1], [0, 0, 1, 1], [], []>, transpose_lhs_hint = false} : vector<2000x128xf32>, vector<128x128xf32>, vector<2000x128xf32> -> vector<2000x128xf32>
    %slice3A = vector.extract_strided_slice %add3A_9 {offsets = [0, 0], sizes = [2000, 64], strides = [1, 1]} : vector<2000x128xf32> to vector<2000x64xf32>
    %slice3A_18 = vector.extract_strided_slice %add3A_9 {offsets = [0, 64], sizes = [2000, 64], strides = [1, 1]} : vector<2000x128xf32> to vector<2000x64xf32>
    %swap3A = arith.constant 0 : index
    %swap3A_19 = arith.constant 0 : index
    %swap3A_20 = arith.constant 0 : index
    %swap3A_21 = vector.load %arg6[%swap3A, %swap3A_19, %swap3A_20] : memref<2x2000x64xf32, #tpu.memory_space<vmem>>, vector<1x2000x64xf32>
    %swap3A_22 = vector.shape_cast %swap3A_21 : vector<1x2000x64xf32> to vector<2000x64xf32>
    %swap3A_23 = vector.shape_cast %slice3A : vector<2000x64xf32> to vector<1x2000x64xf32>
    tpu.vector_store %arg6[%swap3A, %swap3A_19, %swap3A_20], %swap3A_23 {strides = array<i32>} : memref<2x2000x64xf32, #tpu.memory_space<vmem>>, vector<1x2000x64xf32>,
    %swap3A_24 = arith.constant 1 : index
    %swap3A_25 = arith.constant 0 : index
    %swap3A_26 = arith.constant 0 : index
    %swap3A_27 = vector.load %arg6[%swap3A_24, %swap3A_25, %swap3A_26] : memref<2x2000x64xf32, #tpu.memory_space<vmem>>, vector<1x2000x64xf32>
    %swap3A_28 = vector.shape_cast %swap3A_27 : vector<1x2000x64xf32> to vector<2000x64xf32>
    %swap3A_29 = vector.shape_cast %slice3A_18 : vector<2000x64xf32> to vector<1x2000x64xf32>
    tpu.vector_store %arg6[%swap3A_24, %swap3A_25, %swap3A_26], %swap3A_29 {strides = array<i32>} : memref<2x2000x64xf32, #tpu.memory_space<vmem>>, vector<1x2000x64xf32>,
    %slice3A_30 = vector.extract_strided_slice %dot_general3A_17 {offsets = [0, 0], sizes = [2000, 64], strides = [1, 1]} : vector<2000x128xf32> to vector<2000x64xf32>
    %slice3A_31 = vector.extract_strided_slice %dot_general3A_17 {offsets = [0, 64], sizes = [2000, 64], strides = [1, 1]} : vector<2000x128xf32> to vector<2000x64xf32>
    %swap3A_32 = arith.constant 0 : index
    %swap3A_33 = arith.constant 0 : index
    %swap3A_34 = arith.constant 0 : index
    %swap3A_35 = vector.load %arg7[%swap3A_32, %swap3A_33, %swap3A_34] : memref<2x2000x64xf32, #tpu.memory_space<vmem>>, vector<1x2000x64xf32>
    %swap3A_36 = vector.shape_cast %swap3A_35 : vector<1x2000x64xf32> to vector<2000x64xf32>
    %swap3A_37 = vector.shape_cast %slice3A_30 : vector<2000x64xf32> to vector<1x2000x64xf32>
    tpu.vector_store %arg7[%swap3A_32, %swap3A_33, %swap3A_34], %swap3A_37 {strides = array<i32>} : memref<2x2000x64xf32, #tpu.memory_space<vmem>>, vector<1x2000x64xf32>,
    %swap3A_38 = arith.constant 1 : index
    %swap3A_39 = arith.constant 0 : index
    %swap3A_40 = arith.constant 0 : index
    %swap3A_41 = vector.load %arg7[%swap3A_38, %swap3A_39, %swap3A_40] : memref<2x2000x64xf32, #tpu.memory_space<vmem>>, vector<1x2000x64xf32>
    %swap3A_42 = vector.shape_cast %swap3A_41 : vector<1x2000x64xf32> to vector<2000x64xf32>
    %swap3A_43 = vector.shape_cast %slice3A_31 : vector<2000x64xf32> to vector<1x2000x64xf32>
    tpu.vector_store %arg7[%swap3A_38, %swap3A_39, %swap3A_40], %swap3A_43 {strides = array<i32>} : memref<2x2000x64xf32, #tpu.memory_space<vmem>>, vector<1x2000x64xf32>,
    return
  }
  func.func @transform_0(%arg0: i32) -> (i32, i32) {
    %c0_i32 = arith.constant 0 : i32
    %c0_i32_0 = arith.constant 0 : i32
    return %arg0, %c0_i32 : i32, i32
  }
  func.func @transform_1(%arg0: i32) -> (i32, i32) {
    %c0_i32 = arith.constant 0 : i32
    %c0_i32_0 = arith.constant 0 : i32
    return %arg0, %c0_i32 : i32, i32
  }
  func.func @transform_2(%arg0: i32) -> (i32, i32) {
    %c0_i32 = arith.constant 0 : i32
    %c0_i32_0 = arith.constant 0 : i32
    %c0_i32_1 = arith.constant 0 : i32
    return %c0_i32, %c0_i32_0 : i32, i32
  }
  func.func @transform_3(%arg0: i32) -> (i32, i32) {
    %c0_i32 = arith.constant 0 : i32
    %c0_i32_0 = arith.constant 0 : i32
    %c0_i32_1 = arith.constant 0 : i32
    return %c0_i32, %c0_i32_0 : i32, i32
  }
  func.func @transform_4(%arg0: i32) -> (i32, i32) {
    %c0_i32 = arith.constant 0 : i32
    %c0_i32_0 = arith.constant 0 : i32
    %c0_i32_1 = arith.constant 0 : i32
    return %c0_i32, %c0_i32_0 : i32, i32
  }
  func.func @transform_5(%arg0: i32) -> (i32, i32, i32) {
    %c0_i32 = arith.constant 0 : i32
    %c0_i32_0 = arith.constant 0 : i32
    %c0_i32_1 = arith.constant 0 : i32
    return %c0_i32, %arg0, %c0_i32_0 : i32, i32, i32
  }
  func.func @transform_6(%arg0: i32) -> (i32, i32, i32) {
    %c0_i32 = arith.constant 0 : i32
    %c0_i32_0 = arith.constant 0 : i32
    %c0_i32_1 = arith.constant 0 : i32
    return %c0_i32, %arg0, %c0_i32_0 : i32, i32, i32
  }
}

module attributes {stable_mosaic.version = 14 : i64} {
  func.func @_tc_mid_body(%arg0: i32, %arg1: memref<2000x128xf32, #tpu.memory_space<vmem>>, %arg2: memref<2000x128xf32, #tpu.memory_space<vmem>>, %arg3: memref<2x2000x64xf32, #tpu.memory_space<vmem>>, %arg4: memref<128x128xf32, #tpu.memory_space<vmem>>, %arg5: memref<128x128xf32, #tpu.memory_space<vmem>>, %arg6: memref<1x128xf32, #tpu.memory_space<vmem>>, %arg7: memref<128x128xf32, #tpu.memory_space<vmem>>, %arg8: memref<128x128xf32, #tpu.memory_space<vmem>>, %arg9: memref<1x128xf32, #tpu.memory_space<vmem>>, %arg10: memref<2000x128xf32, #tpu.memory_space<vmem>>, %arg11: memref<2x2000x64xf32, #tpu.memory_space<vmem>>, %arg12: memref<2x2000x64xf32, #tpu.memory_space<vmem>>) attributes {dimension_semantics = [#tpu.dimension_semantics<arbitrary>], iteration_bounds = array<i64: 5>, scalar_prefetch = 0 : i64, scratch_operands = 0 : i64, tpu.core_type = #tpu.core_type<tc>, window_params = [{transform_indices = @transform_0, window_bounds = array<i64: 2000, 128>}, {transform_indices = @transform_1, window_bounds = array<i64: 2000, 128>}, {transform_indices = @transform_2, window_bounds = array<i64: 2, 2000, 64>}, {pipeline_mode = #tpu.pipeline_mode<synchronous>, transform_indices = @transform_3, window_bounds = array<i64: 128, 128>}, {pipeline_mode = #tpu.pipeline_mode<synchronous>, transform_indices = @transform_4, window_bounds = array<i64: 128, 128>}, {pipeline_mode = #tpu.pipeline_mode<synchronous>, transform_indices = @transform_5, window_bounds = array<i64: 1, 128>}, {pipeline_mode = #tpu.pipeline_mode<synchronous>, transform_indices = @transform_6, window_bounds = array<i64: 128, 128>}, {pipeline_mode = #tpu.pipeline_mode<synchronous>, transform_indices = @transform_7, window_bounds = array<i64: 128, 128>}, {pipeline_mode = #tpu.pipeline_mode<synchronous>, transform_indices = @transform_8, window_bounds = array<i64: 1, 128>}, {transform_indices = @transform_9, window_bounds = array<i64: 2000, 128>}, {transform_indices = @transform_10, window_bounds = array<i64: 2, 2000, 64>}, {transform_indices = @transform_11, window_bounds = array<i64: 2, 2000, 64>}]} {
    %get3A = arith.constant 0 : index
    %get3A_0 = arith.constant 0 : index
    %get3A_1 = arith.constant 0 : index
    %get3A_2 = vector.load %arg3[%get3A, %get3A_0, %get3A_1] : memref<2x2000x64xf32, #tpu.memory_space<vmem>>, vector<1x2000x64xf32>
    %get3A_3 = vector.shape_cast %get3A_2 : vector<1x2000x64xf32> to vector<2000x64xf32>
    %get3A_4 = arith.constant 1 : index
    %get3A_5 = arith.constant 0 : index
    %get3A_6 = arith.constant 0 : index
    %get3A_7 = vector.load %arg3[%get3A_4, %get3A_5, %get3A_6] : memref<2x2000x64xf32, #tpu.memory_space<vmem>>, vector<1x2000x64xf32>
    %get3A_8 = vector.shape_cast %get3A_7 : vector<1x2000x64xf32> to vector<2000x64xf32>
    %concatenate3A = tpu.concatenate %get3A_3, %get3A_8 in 1 : vector<2000x64xf32>, vector<2000x64xf32> -> vector<2000x128xf32>
    %get3A_9 = arith.constant 0 : index
    %get3A_10 = arith.constant 0 : index
    %get3A_11 = vector.load %arg1[%get3A_9, %get3A_10] : memref<2000x128xf32, #tpu.memory_space<vmem>>, vector<2000x128xf32>
    %get3A_12 = arith.constant 0 : index
    %get3A_13 = arith.constant 0 : index
    %get3A_14 = vector.load %arg4[%get3A_12, %get3A_13] : memref<128x128xf32, #tpu.memory_space<vmem>>, vector<128x128xf32>
    %dot_general3A = arith.constant dense<0.000000e+00> : vector<2000x128xf32>
    %dot_general3A_15 = tpu.matmul %get3A_11, %get3A_14, %dot_general3A {dimension_numbers = #tpu.dot_dimension_numbers<[1], [0], [0], [1], [0, 0, 1, 1], [], []>, transpose_lhs_hint = false} : vector<2000x128xf32>, vector<128x128xf32>, vector<2000x128xf32> -> vector<2000x128xf32>
    %get3A_16 = arith.constant 0 : index
    %get3A_17 = arith.constant 0 : index
    %get3A_18 = vector.load %arg5[%get3A_16, %get3A_17] : memref<128x128xf32, #tpu.memory_space<vmem>>, vector<128x128xf32>
    %dot_general3A_19 = arith.constant dense<0.000000e+00> : vector<2000x128xf32>
    %dot_general3A_20 = tpu.matmul %concatenate3A, %get3A_18, %dot_general3A_19 {dimension_numbers = #tpu.dot_dimension_numbers<[1], [0], [0], [1], [0, 0, 1, 1], [], []>, transpose_lhs_hint = false} : vector<2000x128xf32>, vector<128x128xf32>, vector<2000x128xf32> -> vector<2000x128xf32>
    %add3A = arith.addf %dot_general3A_15, %dot_general3A_20 : vector<2000x128xf32>
    %get3A_21 = arith.constant 0 : index
    %get3A_22 = arith.constant 0 : index
    %get3A_23 = vector.load %arg6[%get3A_21, %get3A_22] : memref<1x128xf32, #tpu.memory_space<vmem>>, vector<1x128xf32>
    %add3A_24 = vector.broadcast %get3A_23 : vector<1x128xf32> to vector<2000x128xf32>
    %add3A_25 = arith.addf %add3A, %add3A_24 : vector<2000x128xf32>
    %max3A = arith.constant 0.000000e+00 : f32
    %max3A_26 = vector.broadcast %max3A : f32 to vector<2000x128xf32>
    %max3A_27 = arith.maximumf %add3A_25, %max3A_26 : vector<2000x128xf32>
    %swap3A = arith.constant 0 : index
    %swap3A_28 = arith.constant 0 : index
    %swap3A_29 = vector.load %arg10[%swap3A, %swap3A_28] : memref<2000x128xf32, #tpu.memory_space<vmem>>, vector<2000x128xf32>
    tpu.vector_store %arg10[%swap3A, %swap3A_28], %max3A_27 {strides = array<i32>} : memref<2000x128xf32, #tpu.memory_space<vmem>>, vector<2000x128xf32>,
    %get3A_30 = arith.constant 0 : index
    %get3A_31 = arith.constant 0 : index
    %get3A_32 = vector.load %arg2[%get3A_30, %get3A_31] : memref<2000x128xf32, #tpu.memory_space<vmem>>, vector<2000x128xf32>
    %get3A_33 = arith.constant 0 : index
    %get3A_34 = arith.constant 0 : index
    %get3A_35 = vector.load %arg7[%get3A_33, %get3A_34] : memref<128x128xf32, #tpu.memory_space<vmem>>, vector<128x128xf32>
    %dot_general3A_36 = arith.constant dense<0.000000e+00> : vector<2000x128xf32>
    %dot_general3A_37 = tpu.matmul %get3A_32, %get3A_35, %dot_general3A_36 {dimension_numbers = #tpu.dot_dimension_numbers<[1], [0], [0], [1], [0, 0, 1, 1], [], []>, transpose_lhs_hint = false} : vector<2000x128xf32>, vector<128x128xf32>, vector<2000x128xf32> -> vector<2000x128xf32>
    %get3A_38 = arith.constant 0 : index
    %get3A_39 = arith.constant 0 : index
    %get3A_40 = vector.load %arg8[%get3A_38, %get3A_39] : memref<128x128xf32, #tpu.memory_space<vmem>>, vector<128x128xf32>
    %dot_general3A_41 = arith.constant dense<0.000000e+00> : vector<2000x128xf32>
    %dot_general3A_42 = tpu.matmul %max3A_27, %get3A_40, %dot_general3A_41 {dimension_numbers = #tpu.dot_dimension_numbers<[1], [0], [0], [1], [0, 0, 1, 1], [], []>, transpose_lhs_hint = false} : vector<2000x128xf32>, vector<128x128xf32>, vector<2000x128xf32> -> vector<2000x128xf32>
    %get3A_43 = arith.constant 0 : index
    %get3A_44 = arith.constant 0 : index
    %get3A_45 = vector.load %arg9[%get3A_43, %get3A_44] : memref<1x128xf32, #tpu.memory_space<vmem>>, vector<1x128xf32>
    %add3A_46 = vector.broadcast %get3A_45 : vector<1x128xf32> to vector<2000x128xf32>
    %add3A_47 = arith.addf %dot_general3A_42, %add3A_46 : vector<2000x128xf32>
    %slice3A = vector.extract_strided_slice %dot_general3A_37 {offsets = [0, 0], sizes = [2000, 64], strides = [1, 1]} : vector<2000x128xf32> to vector<2000x64xf32>
    %slice3A_48 = vector.extract_strided_slice %dot_general3A_37 {offsets = [0, 64], sizes = [2000, 64], strides = [1, 1]} : vector<2000x128xf32> to vector<2000x64xf32>
    %swap3A_49 = arith.constant 0 : index
    %swap3A_50 = arith.constant 0 : index
    %swap3A_51 = arith.constant 0 : index
    %swap3A_52 = vector.load %arg11[%swap3A_49, %swap3A_50, %swap3A_51] : memref<2x2000x64xf32, #tpu.memory_space<vmem>>, vector<1x2000x64xf32>
    %swap3A_53 = vector.shape_cast %swap3A_52 : vector<1x2000x64xf32> to vector<2000x64xf32>
    %swap3A_54 = vector.shape_cast %slice3A : vector<2000x64xf32> to vector<1x2000x64xf32>
    tpu.vector_store %arg11[%swap3A_49, %swap3A_50, %swap3A_51], %swap3A_54 {strides = array<i32>} : memref<2x2000x64xf32, #tpu.memory_space<vmem>>, vector<1x2000x64xf32>,
    %swap3A_55 = arith.constant 1 : index
    %swap3A_56 = arith.constant 0 : index
    %swap3A_57 = arith.constant 0 : index
    %swap3A_58 = vector.load %arg11[%swap3A_55, %swap3A_56, %swap3A_57] : memref<2x2000x64xf32, #tpu.memory_space<vmem>>, vector<1x2000x64xf32>
    %swap3A_59 = vector.shape_cast %swap3A_58 : vector<1x2000x64xf32> to vector<2000x64xf32>
    %swap3A_60 = vector.shape_cast %slice3A_48 : vector<2000x64xf32> to vector<1x2000x64xf32>
    tpu.vector_store %arg11[%swap3A_55, %swap3A_56, %swap3A_57], %swap3A_60 {strides = array<i32>} : memref<2x2000x64xf32, #tpu.memory_space<vmem>>, vector<1x2000x64xf32>,
    %slice3A_61 = vector.extract_strided_slice %add3A_47 {offsets = [0, 0], sizes = [2000, 64], strides = [1, 1]} : vector<2000x128xf32> to vector<2000x64xf32>
    %slice3A_62 = vector.extract_strided_slice %add3A_47 {offsets = [0, 64], sizes = [2000, 64], strides = [1, 1]} : vector<2000x128xf32> to vector<2000x64xf32>
    %swap3A_63 = arith.constant 0 : index
    %swap3A_64 = arith.constant 0 : index
    %swap3A_65 = arith.constant 0 : index
    %swap3A_66 = vector.load %arg12[%swap3A_63, %swap3A_64, %swap3A_65] : memref<2x2000x64xf32, #tpu.memory_space<vmem>>, vector<1x2000x64xf32>
    %swap3A_67 = vector.shape_cast %swap3A_66 : vector<1x2000x64xf32> to vector<2000x64xf32>
    %swap3A_68 = vector.shape_cast %slice3A_61 : vector<2000x64xf32> to vector<1x2000x64xf32>
    tpu.vector_store %arg12[%swap3A_63, %swap3A_64, %swap3A_65], %swap3A_68 {strides = array<i32>} : memref<2x2000x64xf32, #tpu.memory_space<vmem>>, vector<1x2000x64xf32>,
    %swap3A_69 = arith.constant 1 : index
    %swap3A_70 = arith.constant 0 : index
    %swap3A_71 = arith.constant 0 : index
    %swap3A_72 = vector.load %arg12[%swap3A_69, %swap3A_70, %swap3A_71] : memref<2x2000x64xf32, #tpu.memory_space<vmem>>, vector<1x2000x64xf32>
    %swap3A_73 = vector.shape_cast %swap3A_72 : vector<1x2000x64xf32> to vector<2000x64xf32>
    %swap3A_74 = vector.shape_cast %slice3A_62 : vector<2000x64xf32> to vector<1x2000x64xf32>
    tpu.vector_store %arg12[%swap3A_69, %swap3A_70, %swap3A_71], %swap3A_74 {strides = array<i32>} : memref<2x2000x64xf32, #tpu.memory_space<vmem>>, vector<1x2000x64xf32>,
    return
  }
  func.func @transform_0(%arg0: i32) -> (i32, i32) {
    %c0_i32 = arith.constant 0 : i32
    %c0_i32_0 = arith.constant 0 : i32
    return %arg0, %c0_i32 : i32, i32
  }
  func.func @transform_1(%arg0: i32) -> (i32, i32) {
    %c0_i32 = arith.constant 0 : i32
    %c0_i32_0 = arith.constant 0 : i32
    return %arg0, %c0_i32 : i32, i32
  }
  func.func @transform_2(%arg0: i32) -> (i32, i32, i32) {
    %c0_i32 = arith.constant 0 : i32
    %c0_i32_0 = arith.constant 0 : i32
    %c0_i32_1 = arith.constant 0 : i32
    return %c0_i32, %arg0, %c0_i32_0 : i32, i32, i32
  }
  func.func @transform_3(%arg0: i32) -> (i32, i32) {
    %c0_i32 = arith.constant 0 : i32
    %c0_i32_0 = arith.constant 0 : i32
    %c0_i32_1 = arith.constant 0 : i32
    return %c0_i32, %c0_i32_0 : i32, i32
  }
  func.func @transform_4(%arg0: i32) -> (i32, i32) {
    %c0_i32 = arith.constant 0 : i32
    %c0_i32_0 = arith.constant 0 : i32
    %c0_i32_1 = arith.constant 0 : i32
    return %c0_i32, %c0_i32_0 : i32, i32
  }
  func.func @transform_5(%arg0: i32) -> (i32, i32) {
    %c0_i32 = arith.constant 0 : i32
    %c0_i32_0 = arith.constant 0 : i32
    %c0_i32_1 = arith.constant 0 : i32
    return %c0_i32, %c0_i32_0 : i32, i32
  }
  func.func @transform_6(%arg0: i32) -> (i32, i32) {
    %c0_i32 = arith.constant 0 : i32
    %c0_i32_0 = arith.constant 0 : i32
    %c0_i32_1 = arith.constant 0 : i32
    return %c0_i32, %c0_i32_0 : i32, i32
  }
  func.func @transform_7(%arg0: i32) -> (i32, i32) {
    %c0_i32 = arith.constant 0 : i32
    %c0_i32_0 = arith.constant 0 : i32
    %c0_i32_1 = arith.constant 0 : i32
    return %c0_i32, %c0_i32_0 : i32, i32
  }
  func.func @transform_8(%arg0: i32) -> (i32, i32) {
    %c0_i32 = arith.constant 0 : i32
    %c0_i32_0 = arith.constant 0 : i32
    %c0_i32_1 = arith.constant 0 : i32
    return %c0_i32, %c0_i32_0 : i32, i32
  }
  func.func @transform_9(%arg0: i32) -> (i32, i32) {
    %c0_i32 = arith.constant 0 : i32
    %c0_i32_0 = arith.constant 0 : i32
    return %arg0, %c0_i32 : i32, i32
  }
  func.func @transform_10(%arg0: i32) -> (i32, i32, i32) {
    %c0_i32 = arith.constant 0 : i32
    %c0_i32_0 = arith.constant 0 : i32
    %c0_i32_1 = arith.constant 0 : i32
    return %c0_i32, %arg0, %c0_i32_0 : i32, i32, i32
  }
  func.func @transform_11(%arg0: i32) -> (i32, i32, i32) {
    %c0_i32 = arith.constant 0 : i32
    %c0_i32_0 = arith.constant 0 : i32
    %c0_i32_1 = arith.constant 0 : i32
    return %c0_i32, %arg0, %c0_i32_0 : i32, i32, i32
  }
}

module attributes {stable_mosaic.version = 14 : i64} {
  func.func @_tc_post_body(%arg0: i32, %arg1: memref<2000x128xf32, #tpu.memory_space<vmem>>, %arg2: memref<2x2000x64xf32, #tpu.memory_space<vmem>>, %arg3: memref<128x128xf32, #tpu.memory_space<vmem>>, %arg4: memref<128x128xf32, #tpu.memory_space<vmem>>, %arg5: memref<1x128xf32, #tpu.memory_space<vmem>>, %arg6: memref<2000x128xf32, #tpu.memory_space<vmem>>) attributes {dimension_semantics = [#tpu.dimension_semantics<arbitrary>], iteration_bounds = array<i64: 5>, scalar_prefetch = 0 : i64, scratch_operands = 0 : i64, tpu.core_type = #tpu.core_type<tc>, window_params = [{transform_indices = @transform_0, window_bounds = array<i64: 2000, 128>}, {transform_indices = @transform_1, window_bounds = array<i64: 2, 2000, 64>}, {pipeline_mode = #tpu.pipeline_mode<synchronous>, transform_indices = @transform_2, window_bounds = array<i64: 128, 128>}, {pipeline_mode = #tpu.pipeline_mode<synchronous>, transform_indices = @transform_3, window_bounds = array<i64: 128, 128>}, {pipeline_mode = #tpu.pipeline_mode<synchronous>, transform_indices = @transform_4, window_bounds = array<i64: 1, 128>}, {transform_indices = @transform_5, window_bounds = array<i64: 2000, 128>}]} {
    %get3A = arith.constant 0 : index
    %get3A_0 = arith.constant 0 : index
    %get3A_1 = arith.constant 0 : index
    %get3A_2 = vector.load %arg2[%get3A, %get3A_0, %get3A_1] : memref<2x2000x64xf32, #tpu.memory_space<vmem>>, vector<1x2000x64xf32>
    %get3A_3 = vector.shape_cast %get3A_2 : vector<1x2000x64xf32> to vector<2000x64xf32>
    %get3A_4 = arith.constant 1 : index
    %get3A_5 = arith.constant 0 : index
    %get3A_6 = arith.constant 0 : index
    %get3A_7 = vector.load %arg2[%get3A_4, %get3A_5, %get3A_6] : memref<2x2000x64xf32, #tpu.memory_space<vmem>>, vector<1x2000x64xf32>
    %get3A_8 = vector.shape_cast %get3A_7 : vector<1x2000x64xf32> to vector<2000x64xf32>
    %concatenate3A = tpu.concatenate %get3A_3, %get3A_8 in 1 : vector<2000x64xf32>, vector<2000x64xf32> -> vector<2000x128xf32>
    %get3A_9 = arith.constant 0 : index
    %get3A_10 = arith.constant 0 : index
    %get3A_11 = vector.load %arg1[%get3A_9, %get3A_10] : memref<2000x128xf32, #tpu.memory_space<vmem>>, vector<2000x128xf32>
    %get3A_12 = arith.constant 0 : index
    %get3A_13 = arith.constant 0 : index
    %get3A_14 = vector.load %arg1[%get3A_12, %get3A_13] : memref<2000x128xf32, #tpu.memory_space<vmem>>, vector<2000x128xf32>
    %get3A_15 = arith.constant 0 : index
    %get3A_16 = arith.constant 0 : index
    %get3A_17 = vector.load %arg3[%get3A_15, %get3A_16] : memref<128x128xf32, #tpu.memory_space<vmem>>, vector<128x128xf32>
    %dot_general3A = arith.constant dense<0.000000e+00> : vector<2000x128xf32>
    %dot_general3A_18 = tpu.matmul %get3A_14, %get3A_17, %dot_general3A {dimension_numbers = #tpu.dot_dimension_numbers<[1], [0], [0], [1], [0, 0, 1, 1], [], []>, transpose_lhs_hint = false} : vector<2000x128xf32>, vector<128x128xf32>, vector<2000x128xf32> -> vector<2000x128xf32>
    %get3A_19 = arith.constant 0 : index
    %get3A_20 = arith.constant 0 : index
    %get3A_21 = vector.load %arg4[%get3A_19, %get3A_20] : memref<128x128xf32, #tpu.memory_space<vmem>>, vector<128x128xf32>
    %dot_general3A_22 = arith.constant dense<0.000000e+00> : vector<2000x128xf32>
    %dot_general3A_23 = tpu.matmul %concatenate3A, %get3A_21, %dot_general3A_22 {dimension_numbers = #tpu.dot_dimension_numbers<[1], [0], [0], [1], [0, 0, 1, 1], [], []>, transpose_lhs_hint = false} : vector<2000x128xf32>, vector<128x128xf32>, vector<2000x128xf32> -> vector<2000x128xf32>
    %add3A = arith.addf %dot_general3A_18, %dot_general3A_23 : vector<2000x128xf32>
    %get3A_24 = arith.constant 0 : index
    %get3A_25 = arith.constant 0 : index
    %get3A_26 = vector.load %arg5[%get3A_24, %get3A_25] : memref<1x128xf32, #tpu.memory_space<vmem>>, vector<1x128xf32>
    %add3A_27 = vector.broadcast %get3A_26 : vector<1x128xf32> to vector<2000x128xf32>
    %add3A_28 = arith.addf %add3A, %add3A_27 : vector<2000x128xf32>
    %max3A = arith.constant 0.000000e+00 : f32
    %max3A_29 = vector.broadcast %max3A : f32 to vector<2000x128xf32>
    %max3A_30 = arith.maximumf %add3A_28, %max3A_29 : vector<2000x128xf32>
    %add3A_31 = arith.addf %get3A_11, %max3A_30 : vector<2000x128xf32>
    %swap3A = arith.constant 0 : index
    %swap3A_32 = arith.constant 0 : index
    %swap3A_33 = vector.load %arg6[%swap3A, %swap3A_32] : memref<2000x128xf32, #tpu.memory_space<vmem>>, vector<2000x128xf32>
    tpu.vector_store %arg6[%swap3A, %swap3A_32], %add3A_31 {strides = array<i32>} : memref<2000x128xf32, #tpu.memory_space<vmem>>, vector<2000x128xf32>,
    return
  }
  func.func @transform_0(%arg0: i32) -> (i32, i32) {
    %c0_i32 = arith.constant 0 : i32
    %c0_i32_0 = arith.constant 0 : i32
    return %arg0, %c0_i32 : i32, i32
  }
  func.func @transform_1(%arg0: i32) -> (i32, i32, i32) {
    %c0_i32 = arith.constant 0 : i32
    %c0_i32_0 = arith.constant 0 : i32
    %c0_i32_1 = arith.constant 0 : i32
    return %c0_i32, %arg0, %c0_i32_0 : i32, i32, i32
  }
  func.func @transform_2(%arg0: i32) -> (i32, i32) {
    %c0_i32 = arith.constant 0 : i32
    %c0_i32_0 = arith.constant 0 : i32
    %c0_i32_1 = arith.constant 0 : i32
    return %c0_i32, %c0_i32_0 : i32, i32
  }
  func.func @transform_3(%arg0: i32) -> (i32, i32) {
    %c0_i32 = arith.constant 0 : i32
    %c0_i32_0 = arith.constant 0 : i32
    %c0_i32_1 = arith.constant 0 : i32
    return %c0_i32, %c0_i32_0 : i32, i32
  }
  func.func @transform_4(%arg0: i32) -> (i32, i32) {
    %c0_i32 = arith.constant 0 : i32
    %c0_i32_0 = arith.constant 0 : i32
    %c0_i32_1 = arith.constant 0 : i32
    return %c0_i32, %c0_i32_0 : i32, i32
  }
  func.func @transform_5(%arg0: i32) -> (i32, i32) {
    %c0_i32 = arith.constant 0 : i32
    %c0_i32_0 = arith.constant 0 : i32
    return %arg0, %c0_i32 : i32, i32
  }
}

</mosaic_0001>

<sc_bundles>
// kernel: kernel.10.cloned.1.call-start
scs
__scs_entry_jumppad:
0x0: {  	(pc) =	sbr.rel $0x88, $3  }
0x1: {  	(tag) =	ssettag $0x0;
	lr =	simm.s32 $0x1  }
0x2: {  	[smem:$0x3F96] =	sst lr;
	_ =	strace $0xD0000000  }
0x3: {  	_ = 	snop  }
0x4: {  	_ = 	snop  }
0x5: {  	_ = 	snop  }
0x6: {  	_ = 	snop  }
0x7: {  	_ = 	snop  }
__scs_overlays_trampoline_lowered:
0x8: {  	[smem:$0x3FA5] =	sst s0  }
0x9: {  	[smem:$0x3FA6] =	sst s1  }
0xa: {  	[smem:$0x3FA7] =	sst s2  }
0xb: {  	[smem:$0x3FA8] =	sst s3  }
0xc: {  	[smem:$0x3FA9] =	sst s4  }
0xd: {  	[smem:$0x3FAA] =	sst s5  }
0xe: {  	[smem:$0x3FAB] =	sst s6  }
0xf: {  	[smem:$0x3FAC] =	sst s7  }
0x10: {  	[smem:$0x3FAD] =	sst s8  }
0x11: {  	[smem:$0x3FAE] =	sst s9;
	s0 =	simm.s32 @!p0 $0x0  }
0x12: {  	s1 =	sld [smem:$0x3F94];
	s0 =	simm.s32 @p0 $0x1  }
0x13: {  	[smem:$0x3FAF] =	sst s0;
	s0 =	simm.s32 @!p1 $0x0  }
0x14: {  	s2 =	sld [smem:$0x3F93];
	s0 =	simm.s32 @p1 $0x1  }
0x15: {  	[smem:$0x3FB0] =	sst s0;
	s0 =	simm.s32 @!p2 $0x0  }
0x16: {  	s3 =	sld [smem:$0x3FDB];
	s0 =	simm.s32 @p2 $0x1  }
0x17: {  	s4 =	simm.s32 $0x1BF5;
	[smem:$0x3FB2] =	sst s0  }
0x18: {  	s0 =	sld [smem:$0x3F95];
	_ =	swait.ge [sflag:s4], $0x0  }
0x19: {  	s7 =	sld [smem:$0x3F96]  }
0x1a: {  	s8 =	sadd.s32 $0xFFFFE003, lr  }
0x1b: {  	s9 =	sadd.s32 $0xFFFFFEF7, lr;
	s5 =	simm.s32 $0xFFFFFFFF;
	p2 =	slt.u32 s8, $0xFFFFF086  }
0x1c: {  	p1 =	slt.u32 s9, $0xF7A;
	s5 =	simm.s32 @!p2 $0x0  }
0x1d: {  	s5 =	simm.s32 @p1 $0x1;
	p0 =	seq.s32 s7, s2  }
0x1e: {  	s7 =	smul.u32 @!p0 $0xF7A, s2;
	p2 =	seq.s32 @!p0 s5, $0x0  }
0x1f: {  	s9 =	smul.u32 $0xF7A, s1;
	s8 =	simm.s32 @!p0 $0x1BF5;
	p2 =	por !p2, p0  }
0x20: {  	[sflag:s8] =	ssyncset.s32 @!p0 $0xFFFFF086;
	s6 =	sadd.s32 @!p0 s3, s7;
	s7 =	simm.s32 @!p0 $0x108  }
0x21: {  	s3 =	sadd.s32 s3, s9;
	s6 =	sadd.s32 @!p0 $0x88, s6;
	s7 =	simm.s32 @p2 $0x1082  }
0x22: {  	[simem:s7], [sflag:s8] =	dma.local @!p0 [hbm:s6], $0xF7A  }
0x23: {  	s9 =	sor.u32 $0xD0000000, s2;
	s6 =	simm.s32 $0x108;
	_ =	swait.ge @!p0 [sflag:s8], $0x0  }
0x24: {  	s3 =	sadd.s32 $0x88, s3;
	s6 =	simm.s32 @!p1 $0x1082;
	[sflag:s4] =	ssyncset.s32 $0xFFFFF086  }
0x25: {  	[simem:s6], [sflag:s4] =	dma.local [hbm:s3], $0xF7A  }
0x26: {  	[smem:$0x3F96] =	sst s1;
	(tag) =	ssettag s2;
	_ =	strace s9  }
0x27: {  	s1 =	sld [smem:$0x3FA6]  }
0x28: {  	s2 =	sld [smem:$0x3FA7]  }
0x29: {  	s4 =	sld [smem:$0x3FA9]  }
0x2a: {  	p0 =	seq.s32 s5, $0x0;
	s5 =	sld [smem:$0x3FAA]  }
0x2b: {  	s6 =	sld [smem:$0x3FAB]  }
0x2c: {  	s7 =	sld [smem:$0x3FAC]  }
0x2d: {  	s3 =	simm.s32 $0x108;
	s8 =	sld [smem:$0x3FAD]  }
0x2e: {  	s3 =	simm.s32 @!p0 $0x1082;
	s9 =	sld [smem:$0x3FAE]  }
0x2f: {  	lr =	sadd.s32 s0, s3;
	s0 =	sld [smem:$0x3FA5]  }
0x30: {  	s3 =	sld [smem:$0x3FA8]  }
0x31: {  	[smem:$0x3FB1] =	sst s10  }
0x32: {  	s10 =	sld [smem:$0x3FAF];
	_ =	sdelay $0x3  }
0x33: {  	p0 =	seq.s32 s10, $0x1;
	s10 =	sld [smem:$0x3FB1];
	_ =	sdelay $0x3  }
0x34: {  	[smem:$0x3FB1] =	sst s10  }
0x35: {  	s10 =	sld [smem:$0x3FB0];
	_ =	sdelay $0x3  }
0x36: {  	p1 =	seq.s32 s10, $0x1;
	s10 =	sld [smem:$0x3FB1];
	_ =	sdelay $0x3  }
0x37: {  	[smem:$0x3FB1] =	sst s10  }
0x38: {  	s10 =	sld [smem:$0x3FB2]  }
0x39: {  	_ = 	snop;
	(pc) =	sbr.ind lr, $3  }
0x3a: {  	_ = 	snop  }
0x3b: {  	_ = 	snop  }
0x3c: {  	p2 =	seq.s32 s10, $0x1;
	s10 =	sld [smem:$0x3FB1]  }
0x3d: {  	_ =	shalt  }
0x3e: {  	_ =	shalt  }
0x3f: {  	_ =	shalt  }
0x40: {  	_ =	shalt  }
0x41: {  	_ =	shalt  }
0x42: {  	_ =	shalt  }
0x43: {  	_ =	shalt  }
0x44: {  	_ =	shalt  }
0x45: {  	_ =	shalt  }
0x46: {  	_ =	shalt  }
0x47: {  	_ =	shalt  }
0x48: {  	_ =	shalt  }
0x49: {  	_ =	shalt  }
0x4a: {  	_ =	shalt  }
0x4b: {  	_ =	shalt  }
0x4c: {  	_ =	shalt  }
0x4d: {  	_ =	shalt  }
0x4e: {  	_ =	shalt  }
0x4f: {  	_ =	shalt  }
0x50: {  	_ =	shalt  }
0x51: {  	_ =	shalt  }
0x52: {  	_ =	shalt  }
0x53: {  	_ =	shalt  }
0x54: {  	_ =	shalt  }
0x55: {  	_ =	shalt  }
0x56: {  	_ =	shalt  }
0x57: {  	_ =	shalt  }
0x58: {  	_ =	shalt  }
0x59: {  	_ =	shalt  }
0x5a: {  	_ =	shalt  }
0x5b: {  	_ =	shalt  }
0x5c: {  	_ =	shalt  }
0x5d: {  	_ =	shalt  }
0x5e: {  	_ =	shalt  }
0x5f: {  	_ =	shalt  }
0x60: {  	_ =	shalt  }
0x61: {  	_ =	shalt  }
0x62: {  	_ =	shalt  }
0x63: {  	_ =	shalt  }
0x64: {  	_ =	shalt  }
0x65: {  	_ =	shalt  }
0x66: {  	_ =	shalt  }
0x67: {  	_ =	shalt  }
0x68: {  	_ =	shalt  }
0x69: {  	_ =	shalt  }
0x6a: {  	_ =	shalt  }
0x6b: {  	_ =	shalt  }
0x6c: {  	_ =	shalt  }
0x6d: {  	_ =	shalt  }
0x6e: {  	_ =	shalt  }
0x6f: {  	_ =	shalt  }
0x70: {  	_ =	shalt  }
0x71: {  	_ =	shalt  }
0x72: {  	_ =	shalt  }
0x73: {  	_ =	shalt  }
0x74: {  	_ =	shalt  }
0x75: {  	_ =	shalt  }
0x76: {  	_ =	shalt  }
0x77: {  	_ =	shalt  }
0x78: {  	_ =	shalt  }
0x79: {  	_ =	shalt  }
0x7a: {  	_ =	shalt  }
0x7b: {  	_ =	shalt  }
0x7c: {  	_ =	shalt  }
0x7d: {  	_ =	shalt  }
0x7e: {  	_ =	shalt  }
0x7f: {  	_ =	shalt  }
0x80: {  	_ =	shalt  }
0x81: {  	_ =	shalt  }
0x82: {  	_ =	shalt  }
0x83: {  	_ =	shalt  }
0x84: {  	_ =	shalt  }
0x85: {  	_ =	shalt  }
0x86: {  	_ =	shalt  }
0x87: {  	_ =	shalt  }
.Lfunc_end0:
.L_simem_size_0:
called_computation.1_lowered:
.L_overlay_start_0:
0x88: {  	s2 =	sld [smem:$0x3FD9]  }
0x89: {  	s3 =	sld [smem:$0x3FFE];
	_ =	sdelay $0x1  }
0x8a: {  	s1 =	srdreg.scid  }
0x8b: {  	s0 =	sand.u32 $0x1, s1  }
0x8c: {  	s14 =	sshll.u32 s0, $0xA;
	s2 =	sadd.s32 s3, s2  }
0x8d: {  	s2 =	sadd.s32 s2, s14  }
0x8e: {  	[smem:$0x3FBD] =	sst s2  }
0x8f: {  	_ = 	snop  }
0x90: {  	s2 =	sld [smem:$0x3FD0];
	_ =	sdelay $0x2  }
0x91: {  	s15 =	simm.s32 $0xA;
	s4 =	simm.s32 $0x10  }
0x92: {  	[smem:s4], [sflag:s15] =	dma.local [hbm:s2], $0x1  }
0x93: {  	_ =	swait.eq [sflag:s15], $0x1  }
0x94: {  	[sflag:s15] =	ssyncset.done $0x0  }
0x95: {  	[sflag:s15] =	ssyncadd.s32 $0xFFFFFFFF  }
0x96: {  	s16 =	sld [smem:$0x10];
	(tm) =	ssettm $0x1  }
0x97: {  	s17 =	sld [smem:$0x3FFB];
	_ =	sdelay $0x3  }
0x98: {  	_ =	strace s17  }
0x99: {  	s3 =	sld [smem:$0x3FFC];
	_ =	sdelay $0x3  }
0x9a: {  	_ =	strace s3  }
0x9b: {  	s3 =	sld [smem:$0x3FFD];
	_ =	sdelay $0x3  }
0x9c: {  	_ =	strace s3  }
0x9d: {  	_ =	strace $0x8FFFFFFF  }
0x9e: {  	s18 =	sld [smem:$0x3FDB];
	_ =	sdelay $0x1  }
0x9f: {  	s19 =	simm.s32 $_scs_section_size  }
0xa0: {  	s5 =	simm.s32 $_size__tile_overlayer_lowered;
	s6 =	simm.s32 $_tile_overlayer_lowered  }
0xa1: {  	s22 =	simm.s32 $0x1BFF;
	s21 =	sshll.u32 s6, $0x1;
	s3 =	sadd.s32 s19, s18  }
0xa2: {  	s7 =	simm.s32 $0x0;
	s20 =	sshll.u32 s5, $0x1;
	s5 =	sadd.s32 s21, s3  }
0xa3: {  	[timem:s7], [sflag:s22] =	dma.local [hbm:s5], s20  }
0xa4: {  	_ =	swait.ge [sflag:s22], s20  }
0xa5: {  	s4 =	ssub.s32 $0x0, s20;
	[sflag:s22] =	ssyncset.done $0x0  }
0xa6: {  	[sflag:s22] =	ssyncadd.s32 s4;
	_ =	sdelay $0x1  }
0xa7: {  	s23 =	simm.s32 $0x1B8B  }
0xa8: {  	_ =	swait.ge [sflag:s23], $0x1  }
0xa9: {  	[sflag:s23] =	ssyncset.done $0x0  }
0xaa: {  	s25 =	simm.s32 $0x1B8E;
	s24 =	sld [smem:$0x3FFE];
	[sflag:s23] =	ssyncadd.s32 $0xFFFFFFFF  }
0xab: {  	s26 =	simm.s32 $execute0_lowered;
	[smem:$0x3FD2] =	sst s25  }
0xac: {  	s5 =	sshll.u32 s26, $0x1;
	_ =	strace $0x80000049;
	[dreg:$0x1] =	wrdreg $0xFFFFFFFF  }
0xad: {  	s28 =	simm.s32 $_size_execute0_lowered;
	s3 =	sadd.s32 s3, s5;
	[dreg:$0x0] =	wrdreg $0x0  }
0xae: {  	s5 =	sshll.u32 s28, $0x1;
	[dreg:$0x2] =	wrdreg s3  }
0xaf: {  	[dreg:$0x3] =	wrdreg s5  }
0xb0: {  	[dreg:$0x4] =	wrdreg $0xC0  }
0xb1: {  	_ =	task [dreg:s7], $0x5FFFF  }
0xb2: {  	[dreg:$0x1] =	wrdreg $0xFFFFFFFF  }
0xb3: {  	[dreg:$0x0] =	wrdreg $0x60  }
0xb4: {  	[dreg:$0x2] =	wrdreg s16  }
0xb5: {  	[dreg:$0x3] =	wrdreg s24  }
0xb6: {  	[dreg:$0x4] =	wrdreg $0x114400  }
0xb7: {  	[dreg:$0x5] =	wrdreg $0x9  }
0xb8: {  	_ =	task.clear_ibuf [dreg:s7], $0x6FFFF;
	_ =	strace $0x90000049  }
0xb9: {  	s29 =	simm.s32 $0x9;
	_ =	strace $0x8000004B  }
0xba: {  	_ =	swait.ge [sflag:s29], $0x1  }
0xbb: {  	[sflag:s29] =	ssyncadd.s32 $0xFFFFFFFF  }
0xbc: {  	_ =	strace $0x9000004B  }
0xbd: {  	_ =	sfence  }
0xbe: {  	s30 =	sld [smem:$0x0];
	_ =	sdelay $0x2  }
0xbf: {  	s31 =	sshll.u32 s1, $0xD;
	s1 =	sshrl.u32 s1, $0x2  }
0xc0: {  	s3 =	sand.u32 $0x4000, s31;
	s1 =	sadd.s32 s1, s30  }
0xc1: {  	s0 =	sor.u32 s3, s0;
	s1 =	sshll.u32 s1, $0x11  }
0xc2: {  	s0 =	sor.u32 s1, s0  }
0xc3: {  	s0 =	sadd.s32 $0x8F2B, s0  }
0xc4: {  	[sflag:s0] =	ssyncadd.remote.s32 $0x1  }
0xc5: {  	_ =	sfence.sel $0xFFFF  }
0xc6: {  	[dreg:$0x0] =	wrdreg $0xFFFFFFFF;
	(pc) =	sbr.abs _section_cstart, $3  }
0xc7: {  	[dreg:$0x1] =	wrdreg $0xFFFFFFFF  }
0xc8: {  	_ =	task.clear_ibuf [dreg:s7], $0x2FFFF;
	_ =	strace $0x9FFFFFFF  }
0xc9: {  	(tm) =	ssettm $0x7FFFFFFF  }
tec
execute0_lowered:
.L_overlay_start_1:
0x0: {  	(tag) =	ssettag $0x1  }
0x1: {  	s0 =	rddreg [dreg:$0x0]  }
0x2: {  	s2 =	rddreg [dreg:$0x1]  }
0x3: {  	s1 =	rddreg [dreg:$0x2];
	s3 =	srdreg.scid  }
0x4: {  	s5 =	simm.s32 $0x0;
	s12 =	stileid.u32;
	s17 =	simm.s32 $0x50  }
0x5: {  	s18 =	simm.s32 $0x9C40;
	s19 =	simm.s32 $0xB040;
	s21 =	simm.s32 $0xC440  }
0x6: {  	s13 =	simm.s32 $0x4E70;
	s29 =	simm.s32 $0x5;
	s31 =	simm.s32 $0xEC40  }
0x7: {  	s14 =	simm.s32 $0x4EC0;
	s20 =	simm.s32 $0x6;
	s30 =	simm.s32 $0x10040  }
0x8: {  	s16 =	simm.s32 $0x4F10;
	s3 =	sand.u32 $0x1, s3;
	s22 =	smul.u32 $0x4E20, s12  }
0x9: {  	[smem:$0x7FF] =	sst s5;
	s7 =	smul.u32 $0x27000, s12;
	s9 =	sadd.s32 $0x16C00, s2  }
0xa: {  	s10 =	smul.u32 $0x9C00, s12;
	s11 =	sadd.s32 $0x92400, s1;
	p0 =	seq.s32 s12, $0xF  }
0xb: {  	s4 =	smul.u32 $0x9C400, s3;
	_ =	strace $0x8000004A;
	s3 =	ssub.s32 $0x2, s3  }
0xc: {  	[dreg:$0x4] =	wrdreg s9;
	s5 =	sshrl.u32 s22, $0x3;
	s23 =	sshrl.u32 s3, $0x1  }
0xd: {  	s7 =	sshrl.u32 s7, $0x2;
	s22 =	simm.s32 $0x4;
	s6 =	sshrl.u32 s4, $0x3  }
0xe: {  	s5 =	sadd.s32 s5, s2;
	s3 =	ssub.s32 s3, s23;
	s9 =	sadd.s32 s7, s1  }
0xf: {  	s4 =	sadd.s32 s10, s4;
	s23 =	simm.s32 $0xD840;
	s8 =	sadd.s32 s6, s2  }
0x10: {  	s2 =	sadd.s32 $0x3F200, s2;
	s24 =	sadd.s32 $0xCE40, s5;
	s5 =	sadd.s32 $0x3200, s5  }
0x11: {  	s7 =	sadd.s32 s0, s6;
	s25 =	sshrl.u32 s4, $0x3;
	s28 =	smax.u32 s3, $0x1  }
0x12: {  	s4 =	sshrl.u32 @p0 s11, $0x3;
	s11 =	simm.s32 $0xA;
	[dreg:$0x5] =	wrdreg s24  }
0x13: {  	[dreg:$0x6] =	wrdreg s5;
	s8 =	sadd.s32 $0x18000, s8;
	s0 =	sadd.s32 s2, s25  }
0x14: {  	s26 =	sadd.s32 s2, s6;
	s2 =	sadd.s32 s10, s1;
	[dreg:$0x9] =	wrdreg s28  }
0x15: {  	s24 =	simm.s32 $0x1;
	s6 =	simm.s32 $0x7;
	[dreg:$0xa] =	wrdreg s4  }
0x16: {  	s10 =	simm.s32 $0x8;
	[dreg:$0x7] =	wrdreg s0;
	s0 =	sadd.s32 $0x12480, s26  }
0x17: {  	s25 =	simm.s32 $0x0;
	[dreg:$0x8] =	wrdreg s0;
	s0 =	sshll.u32 @!p0 s12, $0x6  }
0x18: {  	s26 =	simm.s32 $0x2;
	s5 =	sor.u32 @!p0 $0x1C0B, s0;
	s0 =	sshrl.u32 @!p0 s9, $0x3  }
0x19: {  	s12 =	simm.s32 $0x4E20;
	[dreg:$0xb] =	wrdreg s0;
	s0 =	sshrl.u32 @!p0 s2, $0x3  }
0x1a: {  	s9 =	simm.s32 $0x9;
	[dreg:$0xc] =	wrdreg s0;
	s0 =	simm.s32 $0x3  }
.LBB2_1:
0x1b: {  	s2 =	simm.s32 @p0 $0x1FCB;
	s3 =	rddreg [dreg:$0x4]  }
0x1c: {  	[spmem:s4], [sflag:s2] =	dma.local @p0 [hbm:s3], $0x1400  }
0x1d: {  	s2 =	simm.s32 @p0 $0xB  }
0x1e: {  	_ =	swait.ge @p0 [sflag:s2], $0x1400  }
0x1f: {  	[sflag:s2] =	ssyncset.done @p0 $0x0  }
0x20: {  	[sflag:s2] =	ssyncadd.s32 @p0 $0xFFFFEC00;
	s2 =	rddreg [dreg:$0xb]  }
0x21: {  	[spmem:s2], [sflag:s5] =	dma.local @!p0 [hbm:s3], $0x1380  }
0x22: {  	s2 =	simm.s32 @!p0 $0xB  }
0x23: {  	_ =	swait.ge @!p0 [sflag:s2], $0x1380  }
0x24: {  	s15 =	simm.s32 $0xB;
	[sflag:s2] =	ssyncset.done @!p0 $0x0  }
0x25: {  	s4 =	rddreg [dreg:$0x5];
	[sflag:s2] =	ssyncadd.s32 @!p0 $0xFFFFEC80;
	s2 =	simm.s32 $0x0  }
0x26: {  	[tilespmem:s2], [sflag:$0xB] =	stream.linear.gather [hbm4b:s4+s2], $0x4E20, $0x38;
	[tilespmem:$0x1B080] =	vst v63  }
0x27: {  	_ =	swait.ge [sflag:s15], $0x4E20  }
0x28: {  	[sflag:s15] =	ssyncset.done $0x0  }
0x29: {  	s28 =	rddreg [dreg:$0x6];
	[sflag:s15] =	ssyncadd.s32 $0xFFFFB1E0  }
0x2a: {  	[tilespmem:s12], [sflag:$0xB] =	stream.linear.gather [hbm4b:s28+s2], $0x4E20, $0x38;
	[tilespmem:$0x1B080] =	vst v63  }
0x2b: {  	_ =	swait.ge [sflag:s15], $0x4E20  }
0x2c: {  	[sflag:s15] =	ssyncset.done $0x0  }
0x2d: {  	[sflag:s15] =	ssyncadd.s32 $0xFFFFB1E0  }
0x2e: {  	[bflag:$0x0] =	sbarrier.arrive $0xFFFF  }
0x2f: {  	[tilespmem:s18], [sflag:$0x1] =	stream.indirect.gather [hbm4b:s7+s17], $0x40, s2, s17, $0xb8;
	[tilespmem:$0x1B080] =	vst v63  }
0x30: {  	_ = 	snop  }
0x31: {  	[tilespmem:s19], [sflag:$0x2] =	stream.indirect.gather [hbm4b:s7+s17], $0x40, s17, s17, $0xb8;
	[tilespmem:$0x1B080] =	vst v63  }
0x32: {  	s15 =	simm.s32 $0xA0  }
0x33: {  	[tilespmem:s21], [sflag:$0x3] =	stream.indirect.gather [hbm4b:s7+s17], $0x40, s15, s17, $0xb8;
	[tilespmem:$0x1B080] =	vst v63  }
0x34: {  	s28 =	simm.s32 $0xF0  }
0x35: {  	[tilespmem:s23], [sflag:$0x4] =	stream.indirect.gather [hbm4b:s7+s17], $0x40, s28, s17, $0xb8;
	[tilespmem:$0x1B080] =	vst v63  }
0x36: {  	_ =	swait.ge [sflag:s24], $0x1400  }
0x37: {  	[sflag:s24] =	ssyncset.done $0x0  }
0x38: {  	[sflag:s24] =	ssyncadd.s32 $0xFFFFEC00  }
0x39: {  	[tilespmem:s18], [sflag:$0x5] =	stream.indirect.gather.add.f32 [hbm:s8], $0x40, s12, s17, $0xb8;
	[tilespmem:$0x1B080] =	vst v63  }
0x3a: {  	_ =	swait.ge [sflag:s26], $0x1400  }
0x3b: {  	[sflag:s26] =	ssyncset.done $0x0  }
0x3c: {  	[sflag:s26] =	ssyncadd.s32 $0xFFFFEC00  }
0x3d: {  	[tilespmem:s19], [sflag:$0x6] =	stream.indirect.gather.add.f32 [hbm:s8], $0x40, s13, s17, $0xb8;
	[tilespmem:$0x1B080] =	vst v63  }
0x3e: {  	_ =	swait.ge [sflag:s29], $0x1400  }
0x3f: {  	[sflag:s29] =	ssyncset.done $0x0  }
0x40: {  	s2 =	simm.s32 $0x0;
	[sflag:s29] =	ssyncadd.s32 $0xFFFFEC00  }
0x41: {  	v2 =	vld [tilespmem:s2+$0x9C70]  }
0x42: {  	v3 =	vld [tilespmem:s2+$0x9C40]  }
0x43: {  	v0 =	vld [tilespmem:s2+$0x9C50]  }
0x44: {  	s3 =	simm.s32 $0x100;
	v1 =	vld [tilespmem:s2+$0x9C60]  }
.LBB2_2:
0x45: {  	p1 =	sne.s32 s3, $0x4F00  }
.Ltmp0:
0x46: {  	s4 =	sshra.s32 s3, $0x2;
	s3 =	sadd.s32 $0x100, s3;
	v4 =	vmax.f32 v2, $0.0e+00;
	(pc) =	sbr.rel @p1 .LBB2_2-.Ltmp0, $4  }
0x47: {  	v2 =	vld [tilespmem:s4+$0x9C70];
	v5 =	vmax.f32 v3, $0.0e+00;
	[tilespmem:s2+$0xEC70] =	vst v4  }
0x48: {  	v3 =	vld [tilespmem:s4+$0x9C40];
	[tilespmem:s2+$0xEC40] =	vst v5;
	v4 =	vmax.f32 v0, $0.0e+00  }
0x49: {  	v0 =	vld [tilespmem:s4+$0x9C50];
	[tilespmem:s2+$0xEC50] =	vst v4;
	v4 =	vmax.f32 v1, $0.0e+00  }
0x4a: {  	v1 =	vld [tilespmem:s4+$0x9C60];
	[tilespmem:s2+$0xEC60] =	vst v4;
	s2 =	smov.u32 s4  }
0x4b: {  	_ = 	snop  }
0x4c: {  	v2 =	vmax.f32 v2, $0.0e+00  }
0x4d: {  	v3 =	vmax.f32 v3, $0.0e+00;
	[tilespmem:s2+$0xEC70] =	vst v2  }
0x4e: {  	[tilespmem:s2+$0xEC40] =	vst v3;
	v0 =	vmax.f32 v0, $0.0e+00  }
0x4f: {  	[tilespmem:s2+$0xEC50] =	vst v0;
	v0 =	vmax.f32 v1, $0.0e+00  }
0x50: {  	s28 =	simm.s32 $0x140;
	[tilespmem:s2+$0xEC60] =	vst v0  }
0x51: {  	[tilespmem:s18], [sflag:$0x1] =	stream.indirect.gather [hbm4b:s7+s17], $0x40, s28, s17, $0xb8;
	[tilespmem:$0x1B080] =	vst v63  }
0x52: {  	_ = 	snop  }
0x53: {  	[spmem:s1] =	stream.indirect.scatter.add.f32 [tilespmem:s31], [sflag:$0x9], $0x40, s12, s17, $0xb8;
	[tilespmem:$0x1B080] =	vst v63  }
0x54: {  	_ =	swait.ge [sflag:s0], $0x1400  }
0x55: {  	[sflag:s0] =	ssyncset.done $0x0  }
0x56: {  	[sflag:s0] =	ssyncadd.s32 $0xFFFFEC00  }
0x57: {  	[tilespmem:s21], [sflag:$0x7] =	stream.indirect.gather.add.f32 [hbm:s8], $0x40, s14, s17, $0xb8;
	[tilespmem:$0x1B080] =	vst v63  }
0x58: {  	_ =	swait.ge [sflag:s20], $0x1400  }
0x59: {  	[sflag:s20] =	ssyncset.done $0x0  }
0x5a: {  	s2 =	simm.s32 $0x0;
	[sflag:s20] =	ssyncadd.s32 $0xFFFFEC00  }
0x5b: {  	v2 =	vld [tilespmem:s2+$0xB070]  }
0x5c: {  	v3 =	vld [tilespmem:s2+$0xB040]  }
0x5d: {  	v0 =	vld [tilespmem:s2+$0xB050]  }
0x5e: {  	s3 =	simm.s32 $0x100;
	v1 =	vld [tilespmem:s2+$0xB060]  }
.LBB2_4:
0x5f: {  	p1 =	sne.s32 s3, $0x4F00  }
.Ltmp1:
0x60: {  	s4 =	sshra.s32 s3, $0x2;
	s3 =	sadd.s32 $0x100, s3;
	v4 =	vmax.f32 v2, $0.0e+00;
	(pc) =	sbr.rel @p1 .LBB2_4-.Ltmp1, $4  }
0x61: {  	v2 =	vld [tilespmem:s4+$0xB070];
	v5 =	vmax.f32 v3, $0.0e+00;
	[tilespmem:s2+$0x10070] =	vst v4  }
0x62: {  	v3 =	vld [tilespmem:s4+$0xB040];
	[tilespmem:s2+$0x10040] =	vst v5;
	v4 =	vmax.f32 v0, $0.0e+00  }
0x63: {  	v0 =	vld [tilespmem:s4+$0xB050];
	[tilespmem:s2+$0x10050] =	vst v4;
	v4 =	vmax.f32 v1, $0.0e+00  }
0x64: {  	v1 =	vld [tilespmem:s4+$0xB060];
	[tilespmem:s2+$0x10060] =	vst v4;
	s2 =	smov.u32 s4  }
0x65: {  	_ = 	snop  }
0x66: {  	v2 =	vmax.f32 v2, $0.0e+00  }
0x67: {  	v3 =	vmax.f32 v3, $0.0e+00;
	[tilespmem:s2+$0x10070] =	vst v2  }
0x68: {  	[tilespmem:s2+$0x10040] =	vst v3;
	v0 =	vmax.f32 v0, $0.0e+00  }
0x69: {  	[tilespmem:s2+$0x10050] =	vst v0;
	v0 =	vmax.f32 v1, $0.0e+00  }
0x6a: {  	s28 =	simm.s32 $0x190;
	[tilespmem:s2+$0x10060] =	vst v0  }
0x6b: {  	[tilespmem:s19], [sflag:$0x2] =	stream.indirect.gather [hbm4b:s7+s17], $0x40, s28, s17, $0xb8;
	[tilespmem:$0x1B080] =	vst v63  }
0x6c: {  	_ = 	snop  }
0x6d: {  	[spmem:s1] =	stream.indirect.scatter.add.f32 [tilespmem:s30], [sflag:$0xA], $0x40, s13, s17, $0xb8;
	[tilespmem:$0x1B080] =	vst v63  }
0x6e: {  	_ =	swait.ge [sflag:s22], $0x1400  }
0x6f: {  	[sflag:s22] =	ssyncset.done $0x0  }
0x70: {  	[sflag:s22] =	ssyncadd.s32 $0xFFFFEC00  }
0x71: {  	[tilespmem:s23], [sflag:$0x8] =	stream.indirect.gather.add.f32 [hbm:s8], $0x40, s16, s17, $0xb8;
	[tilespmem:$0x1B080] =	vst v63  }
0x72: {  	_ =	swait.ge [sflag:s6], $0x1400  }
0x73: {  	[sflag:s6] =	ssyncset.done $0x0  }
0x74: {  	[sflag:s6] =	ssyncadd.s32 $0xFFFFEC00  }
0x75: {  	_ =	swait.ge [sflag:s9], $0x1400  }
0x76: {  	[sflag:s9] =	ssyncset.done $0x0  }
0x77: {  	s2 =	simm.s32 $0x0;
	[sflag:s9] =	ssyncadd.s32 $0xFFFFEC00  }
0x78: {  	v2 =	vld [tilespmem:s2+$0xC470]  }
0x79: {  	v3 =	vld [tilespmem:s2+$0xC440]  }
0x7a: {  	v0 =	vld [tilespmem:s2+$0xC450]  }
0x7b: {  	s3 =	simm.s32 $0x100;
	v1 =	vld [tilespmem:s2+$0xC460]  }
.LBB2_6:
0x7c: {  	p1 =	sne.s32 s3, $0x4F00  }
.Ltmp2:
0x7d: {  	s4 =	sshra.s32 s3, $0x2;
	s3 =	sadd.s32 $0x100, s3;
	v4 =	vmax.f32 v2, $0.0e+00;
	(pc) =	sbr.rel @p1 .LBB2_6-.Ltmp2, $4  }
0x7e: {  	v2 =	vld [tilespmem:s4+$0xC470];
	v5 =	vmax.f32 v3, $0.0e+00;
	[tilespmem:s2+$0xEC70] =	vst v4  }
0x7f: {  	v3 =	vld [tilespmem:s4+$0xC440];
	[tilespmem:s2+$0xEC40] =	vst v5;
	v4 =	vmax.f32 v0, $0.0e+00  }
0x80: {  	v0 =	vld [tilespmem:s4+$0xC450];
	[tilespmem:s2+$0xEC50] =	vst v4;
	v4 =	vmax.f32 v1, $0.0e+00  }
0x81: {  	v1 =	vld [tilespmem:s4+$0xC460];
	[tilespmem:s2+$0xEC60] =	vst v4;
	s2 =	smov.u32 s4  }
0x82: {  	_ = 	snop  }
0x83: {  	v2 =	vmax.f32 v2, $0.0e+00  }
0x84: {  	v3 =	vmax.f32 v3, $0.0e+00;
	[tilespmem:s2+$0xEC70] =	vst v2  }
0x85: {  	[tilespmem:s2+$0xEC40] =	vst v3;
	v0 =	vmax.f32 v0, $0.0e+00  }
0x86: {  	[tilespmem:s2+$0xEC50] =	vst v0;
	v0 =	vmax.f32 v1, $0.0e+00  }
0x87: {  	s13 =	simm.s32 $0x1E0;
	[tilespmem:s2+$0xEC60] =	vst v0  }
0x88: {  	[tilespmem:s21], [sflag:$0x3] =	stream.indirect.gather [hbm4b:s7+s17], $0x40, s13, s17, $0xb8;
	[tilespmem:$0x1B080] =	vst v63  }
0x89: {  	_ = 	snop  }
0x8a: {  	[spmem:s1] =	stream.indirect.scatter.add.f32 [tilespmem:s31], [sflag:$0x9], $0x40, s14, s17, $0xb8;
	[tilespmem:$0x1B080] =	vst v63  }
0x8b: {  	_ =	swait.ge [sflag:s24], $0x1400  }
0x8c: {  	[sflag:s24] =	ssyncset.done $0x0  }
0x8d: {  	s28 =	simm.s32 $0x4F60;
	[sflag:s24] =	ssyncadd.s32 $0xFFFFEC00  }
0x8e: {  	[tilespmem:s18], [sflag:$0x5] =	stream.indirect.gather.add.f32 [hbm:s8], $0x40, s28, s17, $0xb8;
	[tilespmem:$0x1B080] =	vst v63  }
0x8f: {  	_ =	swait.ge [sflag:s10], $0x1400  }
0x90: {  	[sflag:s10] =	ssyncset.done $0x0  }
0x91: {  	[sflag:s10] =	ssyncadd.s32 $0xFFFFEC00  }
0x92: {  	_ =	swait.ge [sflag:s11], $0x1400  }
0x93: {  	[sflag:s11] =	ssyncset.done $0x0  }
0x94: {  	s2 =	simm.s32 $0x0;
	[sflag:s11] =	ssyncadd.s32 $0xFFFFEC00  }
0x95: {  	v2 =	vld [tilespmem:s2+$0xD870]  }
0x96: {  	v3 =	vld [tilespmem:s2+$0xD840]  }
0x97: {  	v0 =	vld [tilespmem:s2+$0xD850]  }
0x98: {  	s15 =	smov.u32 s5;
	s3 =	simm.s32 $0x100;
	v1 =	vld [tilespmem:s2+$0xD860]  }
.LBB2_8:
0x99: {  	p1 =	sne.s32 s3, $0x4F00  }
.Ltmp3:
0x9a: {  	s4 =	sshra.s32 s3, $0x2;
	s3 =	sadd.s32 $0x100, s3;
	v4 =	vmax.f32 v2, $0.0e+00;
	(pc) =	sbr.rel @p1 .LBB2_8-.Ltmp3, $4  }
0x9b: {  	v2 =	vld [tilespmem:s4+$0xD870];
	v5 =	vmax.f32 v3, $0.0e+00;
	[tilespmem:s2+$0x10070] =	vst v4  }
0x9c: {  	v3 =	vld [tilespmem:s4+$0xD840];
	[tilespmem:s2+$0x10040] =	vst v5;
	v4 =	vmax.f32 v0, $0.0e+00  }
0x9d: {  	v0 =	vld [tilespmem:s4+$0xD850];
	[tilespmem:s2+$0x10050] =	vst v4;
	v4 =	vmax.f32 v1, $0.0e+00  }
0x9e: {  	v1 =	vld [tilespmem:s4+$0xD860];
	[tilespmem:s2+$0x10060] =	vst v4;
	s2 =	smov.u32 s4  }
0x9f: {  	_ = 	snop  }
0xa0: {  	v2 =	vmax.f32 v2, $0.0e+00  }
0xa1: {  	v3 =	vmax.f32 v3, $0.0e+00;
	[tilespmem:s2+$0x10070] =	vst v2  }
0xa2: {  	[tilespmem:s2+$0x10040] =	vst v3;
	v0 =	vmax.f32 v0, $0.0e+00  }
0xa3: {  	[tilespmem:s2+$0x10050] =	vst v0;
	v63 =	vmax.f32 v1, $0.0e+00  }
0xa4: {  	s14 =	simm.s32 $0x230;
	[tilespmem:s2+$0x10060] =	vst v63  }
0xa5: {  	[tilespmem:s23], [sflag:$0x4] =	stream.indirect.gather [hbm4b:s7+s17], $0x40, s14, s17, $0xb8;
	[tilespmem:$0x1B080] =	vst v63  }
0xa6: {  	_ = 	snop  }
0xa7: {  	[spmem:s1] =	stream.indirect.scatter.add.f32 [tilespmem:s30], [sflag:$0xA], $0x40, s16, s17, $0xb8;
	[tilespmem:$0x1B080] =	vst v63  }
0xa8: {  	_ =	swait.ge [sflag:s26], $0x1400  }
0xa9: {  	[sflag:s26] =	ssyncset.done $0x0  }
0xaa: {  	s28 =	simm.s32 $0x4FB0;
	s14 =	simm.s32 $0x0;
	[sflag:s26] =	ssyncadd.s32 $0xFFFFEC00  }
0xab: {  	[tilespmem:s19], [sflag:$0x6] =	stream.indirect.gather.add.f32 [hbm:s8], $0x40, s28, s17, $0xb8;
	[tilespmem:$0x1B080] =	vst v63  }
.LBB2_10:
0xac: {  	_ =	swait.ge [sflag:s29], $0x1400  }
0xad: {  	[sflag:s29] =	ssyncset.done $0x0  }
0xae: {  	[sflag:s29] =	ssyncadd.s32 $0xFFFFEC00  }
0xaf: {  	_ =	swait.ge [sflag:s9], $0x1400  }
0xb0: {  	[sflag:s9] =	ssyncset.done $0x0  }
0xb1: {  	s2 =	simm.s32 $0x0;
	[sflag:s9] =	ssyncadd.s32 $0xFFFFEC00  }
0xb2: {  	v2 =	vld [tilespmem:s2+$0x9C70]  }
0xb3: {  	v3 =	vld [tilespmem:s2+$0x9C40]  }
0xb4: {  	v1 =	vld [tilespmem:s2+$0x9C50]  }
0xb5: {  	s3 =	simm.s32 $0x100;
	v0 =	vld [tilespmem:s2+$0x9C60]  }
.LBB2_11:
0xb6: {  	p1 =	sne.s32 s3, $0x4F00  }
.Ltmp4:
0xb7: {  	s4 =	sshra.s32 s3, $0x2;
	s3 =	sadd.s32 $0x100, s3;
	v4 =	vmax.f32 v2, $0.0e+00;
	(pc) =	sbr.rel @p1 .LBB2_11-.Ltmp4, $4  }
0xb8: {  	v2 =	vld [tilespmem:s4+$0x9C70];
	v5 =	vmax.f32 v3, $0.0e+00;
	[tilespmem:s2+$0xEC70] =	vst v4  }
0xb9: {  	v3 =	vld [tilespmem:s4+$0x9C40];
	[tilespmem:s2+$0xEC40] =	vst v5;
	v4 =	vmax.f32 v1, $0.0e+00  }
0xba: {  	v1 =	vld [tilespmem:s4+$0x9C50];
	[tilespmem:s2+$0xEC50] =	vst v4;
	v4 =	vmax.f32 v0, $0.0e+00  }
0xbb: {  	v0 =	vld [tilespmem:s4+$0x9C60];
	[tilespmem:s2+$0xEC60] =	vst v4;
	s2 =	smov.u32 s4  }
0xbc: {  	_ = 	snop  }
0xbd: {  	s14 =	sadd.s32 $0x1, s14;
	v2 =	vmax.f32 v2, $0.0e+00  }
0xbe: {  	s5 =	smul.u32 $0x140, s14;
	v3 =	vmax.f32 v3, $0.0e+00;
	[tilespmem:s2+$0xEC70] =	vst v2  }
0xbf: {  	s3 =	smul.u32 $0x500, s14;
	[tilespmem:s2+$0xEC40] =	vst v3;
	v1 =	vmax.f32 v1, $0.0e+00  }
0xc0: {  	[tilespmem:s2+$0xEC50] =	vst v1;
	v0 =	vmax.f32 v0, $0.0e+00  }
0xc1: {  	s28 =	sshra.s32 s3, $0x2;
	[tilespmem:s2+$0xEC60] =	vst v0;
	s2 =	sadd.s32 $0x140, s5  }
0xc2: {  	[tilespmem:s18], [sflag:$0x1] =	stream.indirect.gather [hbm4b:s7+s17], $0x40, s2, s17, $0xb8;
	[tilespmem:$0x1B080] =	vst v63  }
0xc3: {  	s3 =	sadd.s32 $0x4E20, s28  }
0xc4: {  	[spmem:s1] =	stream.indirect.scatter.add.f32 [tilespmem:s31], [sflag:$0x9], $0x40, s3, s17, $0xb8;
	[tilespmem:$0x1B080] =	vst v63  }
0xc5: {  	_ =	swait.ge [sflag:s0], $0x1400  }
0xc6: {  	[sflag:s0] =	ssyncset.done $0x0  }
0xc7: {  	s3 =	sadd.s32 $0x4EC0, s28;
	[sflag:s0] =	ssyncadd.s32 $0xFFFFEC00  }
0xc8: {  	[tilespmem:s21], [sflag:$0x7] =	stream.indirect.gather.add.f32 [hbm:s8], $0x40, s3, s17, $0xb8;
	[tilespmem:$0x1B080] =	vst v63  }
0xc9: {  	_ =	swait.ge [sflag:s20], $0x1400  }
0xca: {  	[sflag:s20] =	ssyncset.done $0x0  }
0xcb: {  	[sflag:s20] =	ssyncadd.s32 $0xFFFFEC00  }
0xcc: {  	_ =	swait.ge [sflag:s11], $0x1400  }
0xcd: {  	[sflag:s11] =	ssyncset.done $0x0  }
0xce: {  	s16 =	simm.s32 $0x0;
	[sflag:s11] =	ssyncadd.s32 $0xFFFFEC00  }
0xcf: {  	v2 =	vld [tilespmem:s16+$0xB070]  }
0xd0: {  	v3 =	vld [tilespmem:s16+$0xB040]  }
0xd1: {  	v0 =	vld [tilespmem:s16+$0xB050]  }
0xd2: {  	s4 =	simm.s32 $0x100;
	v1 =	vld [tilespmem:s16+$0xB060]  }
.LBB2_13:
0xd3: {  	p1 =	sne.s32 s4, $0x4F00  }
.Ltmp5:
0xd4: {  	s12 =	sshra.s32 s4, $0x2;
	s4 =	sadd.s32 $0x100, s4;
	v4 =	vmax.f32 v2, $0.0e+00;
	(pc) =	sbr.rel @p1 .LBB2_13-.Ltmp5, $4  }
0xd5: {  	v2 =	vld [tilespmem:s12+$0xB070];
	v5 =	vmax.f32 v3, $0.0e+00;
	[tilespmem:s16+$0x10070] =	vst v4  }
0xd6: {  	v3 =	vld [tilespmem:s12+$0xB040];
	[tilespmem:s16+$0x10040] =	vst v5;
	v4 =	vmax.f32 v0, $0.0e+00  }
0xd7: {  	v0 =	vld [tilespmem:s12+$0xB050];
	[tilespmem:s16+$0x10050] =	vst v4;
	v4 =	vmax.f32 v1, $0.0e+00  }
0xd8: {  	v1 =	vld [tilespmem:s12+$0xB060];
	[tilespmem:s16+$0x10060] =	vst v4;
	s16 =	smov.u32 s12  }
0xd9: {  	_ = 	snop  }
0xda: {  	v2 =	vmax.f32 v2, $0.0e+00  }
0xdb: {  	v3 =	vmax.f32 v3, $0.0e+00;
	[tilespmem:s16+$0x10070] =	vst v2  }
0xdc: {  	[tilespmem:s16+$0x10040] =	vst v3;
	v0 =	vmax.f32 v0, $0.0e+00  }
0xdd: {  	[tilespmem:s16+$0x10050] =	vst v0;
	v0 =	vmax.f32 v1, $0.0e+00  }
0xde: {  	s5 =	sadd.s32 $0x190, s5;
	[tilespmem:s16+$0x10060] =	vst v0  }
0xdf: {  	[tilespmem:s19], [sflag:$0x2] =	stream.indirect.gather [hbm4b:s7+s17], $0x40, s5, s17, $0xb8;
	[tilespmem:$0x1B080] =	vst v63  }
0xe0: {  	s4 =	sadd.s32 $0x4E70, s28  }
0xe1: {  	[spmem:s1] =	stream.indirect.scatter.add.f32 [tilespmem:s30], [sflag:$0xA], $0x40, s4, s17, $0xb8;
	[tilespmem:$0x1B080] =	vst v63  }
0xe2: {  	_ =	swait.ge [sflag:s22], $0x1400  }
0xe3: {  	[sflag:s22] =	ssyncset.done $0x0  }
0xe4: {  	s16 =	sadd.s32 $0x4F10, s28;
	[sflag:s22] =	ssyncadd.s32 $0xFFFFEC00  }
0xe5: {  	[tilespmem:s23], [sflag:$0x8] =	stream.indirect.gather.add.f32 [hbm:s8], $0x40, s16, s17, $0xb8;
	[tilespmem:$0x1B080] =	vst v63  }
0xe6: {  	_ =	swait.ge [sflag:s6], $0x1400  }
0xe7: {  	[sflag:s6] =	ssyncset.done $0x0  }
0xe8: {  	[sflag:s6] =	ssyncadd.s32 $0xFFFFEC00  }
0xe9: {  	_ =	swait.ge [sflag:s9], $0x1400  }
0xea: {  	[sflag:s9] =	ssyncset.done $0x0  }
0xeb: {  	s4 =	simm.s32 $0x0;
	[sflag:s9] =	ssyncadd.s32 $0xFFFFEC00  }
0xec: {  	v2 =	vld [tilespmem:s4+$0xC470]  }
0xed: {  	v3 =	vld [tilespmem:s4+$0xC440]  }
0xee: {  	v0 =	vld [tilespmem:s4+$0xC450]  }
0xef: {  	s12 =	simm.s32 $0x100;
	v1 =	vld [tilespmem:s4+$0xC460]  }
.LBB2_15:
0xf0: {  	p1 =	sne.s32 s12, $0x4F00  }
.Ltmp6:
0xf1: {  	s13 =	sshra.s32 s12, $0x2;
	s12 =	sadd.s32 $0x100, s12;
	v4 =	vmax.f32 v2, $0.0e+00;
	(pc) =	sbr.rel @p1 .LBB2_15-.Ltmp6, $4  }
0xf2: {  	v2 =	vld [tilespmem:s13+$0xC470];
	v5 =	vmax.f32 v3, $0.0e+00;
	[tilespmem:s4+$0xEC70] =	vst v4  }
0xf3: {  	v3 =	vld [tilespmem:s13+$0xC440];
	[tilespmem:s4+$0xEC40] =	vst v5;
	v4 =	vmax.f32 v0, $0.0e+00  }
0xf4: {  	v0 =	vld [tilespmem:s13+$0xC450];
	[tilespmem:s4+$0xEC50] =	vst v4;
	v4 =	vmax.f32 v1, $0.0e+00  }
0xf5: {  	v1 =	vld [tilespmem:s13+$0xC460];
	[tilespmem:s4+$0xEC60] =	vst v4;
	s4 =	smov.u32 s13  }
0xf6: {  	_ = 	snop  }
0xf7: {  	v2 =	vmax.f32 v2, $0.0e+00  }
0xf8: {  	v3 =	vmax.f32 v3, $0.0e+00;
	[tilespmem:s4+$0xEC70] =	vst v2  }
0xf9: {  	[tilespmem:s4+$0xEC40] =	vst v3;
	v0 =	vmax.f32 v0, $0.0e+00  }
0xfa: {  	[tilespmem:s4+$0xEC50] =	vst v0;
	v0 =	vmax.f32 v1, $0.0e+00  }
0xfb: {  	s13 =	sadd.s32 $0x1E0, s28;
	[tilespmem:s4+$0xEC60] =	vst v0  }
0xfc: {  	[tilespmem:s21], [sflag:$0x3] =	stream.indirect.gather [hbm4b:s7+s17], $0x40, s13, s17, $0xb8;
	[tilespmem:$0x1B080] =	vst v63  }
0xfd: {  	_ = 	snop  }
0xfe: {  	[spmem:s1] =	stream.indirect.scatter.add.f32 [tilespmem:s31], [sflag:$0x9], $0x40, s3, s17, $0xb8;
	[tilespmem:$0x1B080] =	vst v63  }
0xff: {  	_ =	swait.ge [sflag:s24], $0x1400  }
0x100: {  	[sflag:s24] =	ssyncset.done $0x0  }
0x101: {  	s2 =	sadd.s32 $0x4E20, s2;
	[sflag:s24] =	ssyncadd.s32 $0xFFFFEC00  }
0x102: {  	[tilespmem:s18], [sflag:$0x5] =	stream.indirect.gather.add.f32 [hbm:s8], $0x40, s2, s17, $0xb8;
	[tilespmem:$0x1B080] =	vst v63  }
0x103: {  	_ =	swait.ge [sflag:s10], $0x1400  }
0x104: {  	[sflag:s10] =	ssyncset.done $0x0  }
0x105: {  	[sflag:s10] =	ssyncadd.s32 $0xFFFFEC00  }
0x106: {  	_ =	swait.ge [sflag:s11], $0x1400  }
0x107: {  	[sflag:s11] =	ssyncset.done $0x0  }
0x108: {  	s2 =	simm.s32 $0x0;
	[sflag:s11] =	ssyncadd.s32 $0xFFFFEC00  }
0x109: {  	v2 =	vld [tilespmem:s2+$0xD870]  }
0x10a: {  	v3 =	vld [tilespmem:s2+$0xD840]  }
0x10b: {  	v0 =	vld [tilespmem:s2+$0xD850]  }
0x10c: {  	s3 =	simm.s32 $0x100;
	v1 =	vld [tilespmem:s2+$0xD860]  }
.LBB2_17:
0x10d: {  	p1 =	sne.s32 s3, $0x4F00  }
.Ltmp7:
0x10e: {  	s4 =	sshra.s32 s3, $0x2;
	s3 =	sadd.s32 $0x100, s3;
	v4 =	vmax.f32 v2, $0.0e+00;
	(pc) =	sbr.rel @p1 .LBB2_17-.Ltmp7, $4  }
0x10f: {  	v2 =	vld [tilespmem:s4+$0xD870];
	v5 =	vmax.f32 v3, $0.0e+00;
	[tilespmem:s2+$0x10070] =	vst v4  }
0x110: {  	v3 =	vld [tilespmem:s4+$0xD840];
	[tilespmem:s2+$0x10040] =	vst v5;
	v4 =	vmax.f32 v0, $0.0e+00  }
0x111: {  	v0 =	vld [tilespmem:s4+$0xD850];
	[tilespmem:s2+$0x10050] =	vst v4;
	v4 =	vmax.f32 v1, $0.0e+00  }
0x112: {  	v1 =	vld [tilespmem:s4+$0xD860];
	[tilespmem:s2+$0x10060] =	vst v4;
	s2 =	smov.u32 s4  }
0x113: {  	_ = 	snop  }
0x114: {  	v2 =	vmax.f32 v2, $0.0e+00  }
0x115: {  	v3 =	vmax.f32 v3, $0.0e+00;
	[tilespmem:s2+$0x10070] =	vst v2  }
0x116: {  	[tilespmem:s2+$0x10040] =	vst v3;
	v0 =	vmax.f32 v0, $0.0e+00  }
0x117: {  	[tilespmem:s2+$0x10050] =	vst v0;
	v63 =	vmax.f32 v1, $0.0e+00  }
0x118: {  	s13 =	sadd.s32 $0x230, s28;
	[tilespmem:s2+$0x10060] =	vst v63  }
0x119: {  	[tilespmem:s23], [sflag:$0x4] =	stream.indirect.gather [hbm4b:s7+s17], $0x40, s13, s17, $0xb8;
	[tilespmem:$0x1B080] =	vst v63  }
0x11a: {  	p1 =	sne.s32 s14, $0x3C  }
0x11b: {  	[spmem:s1] =	stream.indirect.scatter.add.f32 [tilespmem:s30], [sflag:$0xA], $0x40, s16, s17, $0xb8;
	[tilespmem:$0x1B080] =	vst v63  }
.Ltmp8:
0x11c: {  	_ = 	snop;
	(pc) =	sbr.rel @p1 .LBB2_10-.Ltmp8, $4  }
0x11d: {  	_ =	swait.ge [sflag:s26], $0x1400  }
0x11e: {  	[sflag:s26] =	ssyncset.done $0x0  }
0x11f: {  	s28 =	sadd.s32 $0x4E20, s5;
	[sflag:s26] =	ssyncadd.s32 $0xFFFFEC00  }
0x120: {  	[tilespmem:s19], [sflag:$0x6] =	stream.indirect.gather.add.f32 [hbm:s8], $0x40, s28, s17, $0xb8;
	[tilespmem:$0x1B080] =	vst v63  }
0x121: {  	_ =	swait.ge [sflag:s29], $0x1400  }
0x122: {  	[sflag:s29] =	ssyncset.done $0x0  }
0x123: {  	[sflag:s29] =	ssyncadd.s32 $0xFFFFEC00  }
0x124: {  	_ =	swait.ge [sflag:s9], $0x1400  }
0x125: {  	[sflag:s9] =	ssyncset.done $0x0  }
0x126: {  	s2 =	simm.s32 $0x0;
	[sflag:s9] =	ssyncadd.s32 $0xFFFFEC00  }
0x127: {  	v2 =	vld [tilespmem:s2+$0x9C70]  }
0x128: {  	v3 =	vld [tilespmem:s2+$0x9C40]  }
0x129: {  	v0 =	vld [tilespmem:s2+$0x9C50]  }
0x12a: {  	s3 =	simm.s32 $0x100;
	v1 =	vld [tilespmem:s2+$0x9C60]  }
.LBB2_20:
0x12b: {  	p1 =	sne.s32 s3, $0x4F00  }
.Ltmp9:
0x12c: {  	s4 =	sshra.s32 s3, $0x2;
	s3 =	sadd.s32 $0x100, s3;
	v4 =	vmax.f32 v2, $0.0e+00;
	(pc) =	sbr.rel @p1 .LBB2_20-.Ltmp9, $4  }
0x12d: {  	v2 =	vld [tilespmem:s4+$0x9C70];
	v5 =	vmax.f32 v3, $0.0e+00;
	[tilespmem:s2+$0xEC70] =	vst v4  }
0x12e: {  	v3 =	vld [tilespmem:s4+$0x9C40];
	[tilespmem:s2+$0xEC40] =	vst v5;
	v4 =	vmax.f32 v0, $0.0e+00  }
0x12f: {  	v0 =	vld [tilespmem:s4+$0x9C50];
	[tilespmem:s2+$0xEC50] =	vst v4;
	v4 =	vmax.f32 v1, $0.0e+00  }
0x130: {  	v1 =	vld [tilespmem:s4+$0x9C60];
	[tilespmem:s2+$0xEC60] =	vst v4;
	s2 =	smov.u32 s4  }
0x131: {  	_ = 	snop  }
0x132: {  	v2 =	vmax.f32 v2, $0.0e+00  }
0x133: {  	v3 =	vmax.f32 v3, $0.0e+00;
	[tilespmem:s2+$0xEC70] =	vst v2  }
0x134: {  	[tilespmem:s2+$0xEC40] =	vst v3;
	v0 =	vmax.f32 v0, $0.0e+00  }
0x135: {  	[tilespmem:s2+$0xEC50] =	vst v0;
	v0 =	vmax.f32 v1, $0.0e+00  }
0x136: {  	s14 =	simm.s32 $0x4D80;
	[tilespmem:s2+$0xEC60] =	vst v0  }
0x137: {  	[tilespmem:s18], [sflag:$0x1] =	stream.indirect.gather [hbm4b:s7+s17], $0x40, s14, s17, $0xb8;
	[tilespmem:$0x1B080] =	vst v63  }
0x138: {  	s16 =	simm.s32 $0x9A60  }
0x139: {  	[spmem:s1] =	stream.indirect.scatter.add.f32 [tilespmem:s31], [sflag:$0x9], $0x40, s16, s17, $0xb8;
	[tilespmem:$0x1B080] =	vst v63  }
0x13a: {  	_ =	swait.ge [sflag:s0], $0x1400  }
0x13b: {  	[sflag:s0] =	ssyncset.done $0x0  }
0x13c: {  	s28 =	simm.s32 $0x9B00;
	[sflag:s0] =	ssyncadd.s32 $0xFFFFEC00  }
0x13d: {  	[tilespmem:s21], [sflag:$0x7] =	stream.indirect.gather.add.f32 [hbm:s8], $0x40, s28, s17, $0xb8;
	[tilespmem:$0x1B080] =	vst v63  }
0x13e: {  	_ =	swait.ge [sflag:s20], $0x1400  }
0x13f: {  	[sflag:s20] =	ssyncset.done $0x0  }
0x140: {  	[sflag:s20] =	ssyncadd.s32 $0xFFFFEC00  }
0x141: {  	_ =	swait.ge [sflag:s11], $0x1400  }
0x142: {  	[sflag:s11] =	ssyncset.done $0x0  }
0x143: {  	s2 =	simm.s32 $0x0;
	[sflag:s11] =	ssyncadd.s32 $0xFFFFEC00  }
0x144: {  	v2 =	vld [tilespmem:s2+$0xB070]  }
0x145: {  	v3 =	vld [tilespmem:s2+$0xB040]  }
0x146: {  	s3 =	simm.s32 $0x100;
	s5 =	smov.u32 s15;
	s12 =	simm.s32 $0x4E20;
	v0 =	vld [tilespmem:s2+$0xB050]  }
0x147: {  	s13 =	simm.s32 $0x4E70;
	s14 =	simm.s32 $0x4EC0;
	s16 =	simm.s32 $0x4F10;
	v1 =	vld [tilespmem:s2+$0xB060]  }
.LBB2_22:
0x148: {  	p1 =	sne.s32 s3, $0x4F00  }
.Ltmp10:
0x149: {  	s4 =	sshra.s32 s3, $0x2;
	s3 =	sadd.s32 $0x100, s3;
	v4 =	vmax.f32 v2, $0.0e+00;
	(pc) =	sbr.rel @p1 .LBB2_22-.Ltmp10, $4  }
0x14a: {  	v2 =	vld [tilespmem:s4+$0xB070];
	v5 =	vmax.f32 v3, $0.0e+00;
	[tilespmem:s2+$0x10070] =	vst v4  }
0x14b: {  	v3 =	vld [tilespmem:s4+$0xB040];
	[tilespmem:s2+$0x10040] =	vst v5;
	v4 =	vmax.f32 v0, $0.0e+00  }
0x14c: {  	v0 =	vld [tilespmem:s4+$0xB050];
	[tilespmem:s2+$0x10050] =	vst v4;
	v4 =	vmax.f32 v1, $0.0e+00  }
0x14d: {  	v1 =	vld [tilespmem:s4+$0xB060];
	[tilespmem:s2+$0x10060] =	vst v4;
	s2 =	smov.u32 s4  }
0x14e: {  	_ = 	snop  }
0x14f: {  	v2 =	vmax.f32 v2, $0.0e+00  }
0x150: {  	v3 =	vmax.f32 v3, $0.0e+00;
	[tilespmem:s2+$0x10070] =	vst v2  }
0x151: {  	[tilespmem:s2+$0x10040] =	vst v3;
	v0 =	vmax.f32 v0, $0.0e+00  }
0x152: {  	[tilespmem:s2+$0x10050] =	vst v0;
	v0 =	vmax.f32 v1, $0.0e+00  }
0x153: {  	s4 =	simm.s32 $0x4DD0;
	[tilespmem:s2+$0x10060] =	vst v0  }
0x154: {  	[tilespmem:s19], [sflag:$0x2] =	stream.indirect.gather [hbm4b:s7+s17], $0x40, s4, s17, $0xb8;
	[tilespmem:$0x1B080] =	vst v63  }
0x155: {  	s15 =	simm.s32 $0x9AB0  }
0x156: {  	[spmem:s1] =	stream.indirect.scatter.add.f32 [tilespmem:s30], [sflag:$0xA], $0x40, s15, s17, $0xb8;
	[tilespmem:$0x1B080] =	vst v63  }
0x157: {  	_ =	swait.ge [sflag:s22], $0x1400  }
0x158: {  	[sflag:s22] =	ssyncset.done $0x0  }
0x159: {  	s15 =	simm.s32 $0x9B50;
	[sflag:s22] =	ssyncadd.s32 $0xFFFFEC00  }
0x15a: {  	[tilespmem:s23], [sflag:$0x8] =	stream.indirect.gather.add.f32 [hbm:s8], $0x40, s15, s17, $0xb8;
	[tilespmem:$0x1B080] =	vst v63  }
0x15b: {  	_ =	swait.ge [sflag:s6], $0x1400  }
0x15c: {  	[sflag:s6] =	ssyncset.done $0x0  }
0x15d: {  	[sflag:s6] =	ssyncadd.s32 $0xFFFFEC00  }
0x15e: {  	_ =	swait.ge [sflag:s9], $0x1400  }
0x15f: {  	[sflag:s9] =	ssyncset.done $0x0  }
0x160: {  	s2 =	simm.s32 $0x0;
	[sflag:s9] =	ssyncadd.s32 $0xFFFFEC00  }
0x161: {  	v2 =	vld [tilespmem:s2+$0xC470]  }
0x162: {  	v3 =	vld [tilespmem:s2+$0xC440]  }
0x163: {  	v0 =	vld [tilespmem:s2+$0xC450]  }
0x164: {  	s3 =	simm.s32 $0x100;
	v1 =	vld [tilespmem:s2+$0xC460]  }
.LBB2_24:
0x165: {  	p1 =	sne.s32 s3, $0x4F00  }
.Ltmp11:
0x166: {  	s4 =	sshra.s32 s3, $0x2;
	s3 =	sadd.s32 $0x100, s3;
	v4 =	vmax.f32 v2, $0.0e+00;
	(pc) =	sbr.rel @p1 .LBB2_24-.Ltmp11, $4  }
0x167: {  	v2 =	vld [tilespmem:s4+$0xC470];
	v5 =	vmax.f32 v3, $0.0e+00;
	[tilespmem:s2+$0xEC70] =	vst v4  }
0x168: {  	v3 =	vld [tilespmem:s4+$0xC440];
	[tilespmem:s2+$0xEC40] =	vst v5;
	v4 =	vmax.f32 v0, $0.0e+00  }
0x169: {  	v0 =	vld [tilespmem:s4+$0xC450];
	[tilespmem:s2+$0xEC50] =	vst v4;
	v4 =	vmax.f32 v1, $0.0e+00  }
0x16a: {  	v1 =	vld [tilespmem:s4+$0xC460];
	[tilespmem:s2+$0xEC60] =	vst v4;
	s2 =	smov.u32 s4  }
0x16b: {  	_ = 	snop  }
0x16c: {  	v2 =	vmax.f32 v2, $0.0e+00  }
0x16d: {  	v3 =	vmax.f32 v3, $0.0e+00;
	[tilespmem:s2+$0xEC70] =	vst v2  }
0x16e: {  	[tilespmem:s2+$0xEC40] =	vst v3;
	v0 =	vmax.f32 v0, $0.0e+00  }
0x16f: {  	[tilespmem:s2+$0xEC50] =	vst v0;
	v0 =	vmax.f32 v1, $0.0e+00  }
0x170: {  	[tilespmem:s2+$0xEC60] =	vst v0  }
0x171: {  	[spmem:s1] =	stream.indirect.scatter.add.f32 [tilespmem:s31], [sflag:$0x9], $0x40, s28, s17, $0xb8;
	[tilespmem:$0x1B080] =	vst v63  }
0x172: {  	_ =	swait.ge [sflag:s24], $0x1400  }
0x173: {  	[sflag:s24] =	ssyncset.done $0x0  }
0x174: {  	s28 =	simm.s32 $0x9BA0;
	[sflag:s24] =	ssyncadd.s32 $0xFFFFEC00  }
0x175: {  	[tilespmem:s18], [sflag:$0x5] =	stream.indirect.gather.add.f32 [hbm:s8], $0x40, s28, s17, $0xb8;
	[tilespmem:$0x1B080] =	vst v63  }
0x176: {  	_ =	swait.ge [sflag:s10], $0x1400  }
0x177: {  	[sflag:s10] =	ssyncset.done $0x0  }
0x178: {  	[sflag:s10] =	ssyncadd.s32 $0xFFFFEC00  }
0x179: {  	_ =	swait.ge [sflag:s11], $0x1400  }
0x17a: {  	[sflag:s11] =	ssyncset.done $0x0  }
0x17b: {  	s2 =	simm.s32 $0x0;
	[sflag:s11] =	ssyncadd.s32 $0xFFFFEC00  }
0x17c: {  	v2 =	vld [tilespmem:s2+$0xD870]  }
0x17d: {  	v3 =	vld [tilespmem:s2+$0xD840]  }
0x17e: {  	v0 =	vld [tilespmem:s2+$0xD850]  }
0x17f: {  	s3 =	simm.s32 $0x100;
	v1 =	vld [tilespmem:s2+$0xD860]  }
.LBB2_26:
0x180: {  	p1 =	sne.s32 s3, $0x4F00  }
.Ltmp12:
0x181: {  	s4 =	sshra.s32 s3, $0x2;
	s3 =	sadd.s32 $0x100, s3;
	v4 =	vmax.f32 v2, $0.0e+00;
	(pc) =	sbr.rel @p1 .LBB2_26-.Ltmp12, $4  }
0x182: {  	v2 =	vld [tilespmem:s4+$0xD870];
	v5 =	vmax.f32 v3, $0.0e+00;
	[tilespmem:s2+$0x10070] =	vst v4  }
0x183: {  	v3 =	vld [tilespmem:s4+$0xD840];
	[tilespmem:s2+$0x10040] =	vst v5;
	v4 =	vmax.f32 v0, $0.0e+00  }
0x184: {  	v0 =	vld [tilespmem:s4+$0xD850];
	[tilespmem:s2+$0x10050] =	vst v4;
	v4 =	vmax.f32 v1, $0.0e+00  }
0x185: {  	v1 =	vld [tilespmem:s4+$0xD860];
	[tilespmem:s2+$0x10060] =	vst v4;
	s2 =	smov.u32 s4  }
0x186: {  	_ = 	snop  }
0x187: {  	v2 =	vmax.f32 v2, $0.0e+00  }
0x188: {  	v3 =	vmax.f32 v3, $0.0e+00;
	[tilespmem:s2+$0x10070] =	vst v2  }
0x189: {  	[tilespmem:s2+$0x10040] =	vst v3;
	v0 =	vmax.f32 v0, $0.0e+00  }
0x18a: {  	[tilespmem:s2+$0x10050] =	vst v0;
	v0 =	vmax.f32 v1, $0.0e+00  }
0x18b: {  	[tilespmem:s2+$0x10060] =	vst v0  }
0x18c: {  	[spmem:s1] =	stream.indirect.scatter.add.f32 [tilespmem:s30], [sflag:$0xA], $0x40, s15, s17, $0xb8;
	[tilespmem:$0x1B080] =	vst v63  }
0x18d: {  	_ =	swait.ge [sflag:s26], $0x1400  }
0x18e: {  	[sflag:s26] =	ssyncset.done $0x0  }
0x18f: {  	s15 =	simm.s32 $0x9BF0;
	[sflag:s26] =	ssyncadd.s32 $0xFFFFEC00  }
0x190: {  	[tilespmem:s19], [sflag:$0x6] =	stream.indirect.gather.add.f32 [hbm:s8], $0x40, s15, s17, $0xb8;
	[tilespmem:$0x1B080] =	vst v63  }
0x191: {  	_ =	swait.ge [sflag:s29], $0x1400  }
0x192: {  	[sflag:s29] =	ssyncset.done $0x0  }
0x193: {  	[sflag:s29] =	ssyncadd.s32 $0xFFFFEC00  }
0x194: {  	_ =	swait.ge [sflag:s9], $0x1400  }
0x195: {  	[sflag:s9] =	ssyncset.done $0x0  }
0x196: {  	s2 =	simm.s32 $0x0;
	[sflag:s9] =	ssyncadd.s32 $0xFFFFEC00  }
0x197: {  	v2 =	vld [tilespmem:s2+$0x9C70]  }
0x198: {  	v3 =	vld [tilespmem:s2+$0x9C40]  }
0x199: {  	v0 =	vld [tilespmem:s2+$0x9C50]  }
0x19a: {  	s3 =	simm.s32 $0x100;
	v1 =	vld [tilespmem:s2+$0x9C60]  }
.LBB2_28:
0x19b: {  	p1 =	sne.s32 s3, $0x4F00  }
.Ltmp13:
0x19c: {  	s4 =	sshra.s32 s3, $0x2;
	s3 =	sadd.s32 $0x100, s3;
	v4 =	vmax.f32 v2, $0.0e+00;
	(pc) =	sbr.rel @p1 .LBB2_28-.Ltmp13, $4  }
0x19d: {  	v2 =	vld [tilespmem:s4+$0x9C70];
	v5 =	vmax.f32 v3, $0.0e+00;
	[tilespmem:s2+$0xEC70] =	vst v4  }
0x19e: {  	v3 =	vld [tilespmem:s4+$0x9C40];
	[tilespmem:s2+$0xEC40] =	vst v5;
	v4 =	vmax.f32 v0, $0.0e+00  }
0x19f: {  	v0 =	vld [tilespmem:s4+$0x9C50];
	[tilespmem:s2+$0xEC50] =	vst v4;
	v4 =	vmax.f32 v1, $0.0e+00  }
0x1a0: {  	v1 =	vld [tilespmem:s4+$0x9C60];
	[tilespmem:s2+$0xEC60] =	vst v4;
	s2 =	smov.u32 s4  }
0x1a1: {  	_ = 	snop  }
0x1a2: {  	v2 =	vmax.f32 v2, $0.0e+00  }
0x1a3: {  	v3 =	vmax.f32 v3, $0.0e+00;
	[tilespmem:s2+$0xEC70] =	vst v2  }
0x1a4: {  	[tilespmem:s2+$0xEC40] =	vst v3;
	v0 =	vmax.f32 v0, $0.0e+00  }
0x1a5: {  	[tilespmem:s2+$0xEC50] =	vst v0;
	v0 =	vmax.f32 v1, $0.0e+00  }
0x1a6: {  	[tilespmem:s2+$0xEC60] =	vst v0  }
0x1a7: {  	[spmem:s1] =	stream.indirect.scatter.add.f32 [tilespmem:s31], [sflag:$0x9], $0x40, s28, s17, $0xb8;
	[tilespmem:$0x1B080] =	vst v63  }
0x1a8: {  	_ =	swait.ge [sflag:s20], $0x1400  }
0x1a9: {  	[sflag:s20] =	ssyncset.done $0x0  }
0x1aa: {  	[sflag:s20] =	ssyncadd.s32 $0xFFFFEC00  }
0x1ab: {  	_ =	swait.ge [sflag:s11], $0x1400  }
0x1ac: {  	[sflag:s11] =	ssyncset.done $0x0  }
0x1ad: {  	s2 =	simm.s32 $0x0;
	[sflag:s11] =	ssyncadd.s32 $0xFFFFEC00  }
0x1ae: {  	v2 =	vld [tilespmem:s2+$0xB070]  }
0x1af: {  	v3 =	vld [tilespmem:s2+$0xB040]  }
0x1b0: {  	v0 =	vld [tilespmem:s2+$0xB050]  }
0x1b1: {  	s3 =	simm.s32 $0x100;
	v1 =	vld [tilespmem:s2+$0xB060]  }
.LBB2_30:
0x1b2: {  	p1 =	sne.s32 s3, $0x4F00  }
.Ltmp14:
0x1b3: {  	s4 =	sshra.s32 s3, $0x2;
	s3 =	sadd.s32 $0x100, s3;
	v4 =	vmax.f32 v2, $0.0e+00;
	(pc) =	sbr.rel @p1 .LBB2_30-.Ltmp14, $4  }
0x1b4: {  	v2 =	vld [tilespmem:s4+$0xB070];
	v5 =	vmax.f32 v3, $0.0e+00;
	[tilespmem:s2+$0x10070] =	vst v4  }
0x1b5: {  	v3 =	vld [tilespmem:s4+$0xB040];
	[tilespmem:s2+$0x10040] =	vst v5;
	v4 =	vmax.f32 v0, $0.0e+00  }
0x1b6: {  	v0 =	vld [tilespmem:s4+$0xB050];
	[tilespmem:s2+$0x10050] =	vst v4;
	v4 =	vmax.f32 v1, $0.0e+00  }
0x1b7: {  	v1 =	vld [tilespmem:s4+$0xB060];
	[tilespmem:s2+$0x10060] =	vst v4;
	s2 =	smov.u32 s4  }
0x1b8: {  	_ = 	snop  }
0x1b9: {  	v2 =	vmax.f32 v2, $0.0e+00  }
0x1ba: {  	v3 =	vmax.f32 v3, $0.0e+00;
	[tilespmem:s2+$0x10070] =	vst v2  }
0x1bb: {  	[tilespmem:s2+$0x10040] =	vst v3;
	v0 =	vmax.f32 v0, $0.0e+00  }
0x1bc: {  	[tilespmem:s2+$0x10050] =	vst v0;
	v63 =	vmax.f32 v1, $0.0e+00  }
0x1bd: {  	[tilespmem:s2+$0x10060] =	vst v63  }
0x1be: {  	[spmem:s1] =	stream.indirect.scatter.add.f32 [tilespmem:s30], [sflag:$0xA], $0x40, s15, s17, $0xb8;
	[tilespmem:$0x1B080] =	vst v63  }
0x1bf: {  	_ =	swait.ge [sflag:s9], $0x1400  }
0x1c0: {  	[sflag:s9] =	ssyncset.done $0x0  }
0x1c1: {  	[sflag:s9] =	ssyncadd.s32 $0xFFFFEC00  }
0x1c2: {  	_ =	swait.ge [sflag:s11], $0x1400  }
0x1c3: {  	[sflag:s11] =	ssyncset.done $0x0  }
0x1c4: {  	[sflag:s11] =	ssyncadd.s32 $0xFFFFEC00  }
0x1c5: {  	[bflag:$0x0] =	sbarrier.arrive $0xFFFF  }
0x1c6: {  	s3 =	rddreg [dreg:$0x8]  }
0x1c7: {  	s2 =	simm.s32 @p0 $0x1FCB;
	s4 =	rddreg [dreg:$0xa]  }
0x1c8: {  	[hbm:s3], [sflag:s2] =	dma.local @p0 [spmem:s4], $0x1400  }
0x1c9: {  	s2 =	simm.s32 @p0 $0xB  }
0x1ca: {  	_ =	swait.ge @p0 [sflag:s2], $0x1400  }
0x1cb: {  	[sflag:s2] =	ssyncset.done @p0 $0x0;
	s3 =	rddreg [dreg:$0xc]  }
0x1cc: {  	[sflag:s2] =	ssyncadd.s32 @p0 $0xFFFFEC00;
	s2 =	rddreg [dreg:$0x7]  }
0x1cd: {  	[hbm:s2], [sflag:s5] =	dma.local @!p0 [spmem:s3], $0x1380  }
0x1ce: {  	s2 =	simm.s32 @!p0 $0xB  }
0x1cf: {  	_ =	swait.ge @!p0 [sflag:s2], $0x1380  }
0x1d0: {  	s25 =	sadd.s32 $0x1, s25;
	s28 =	rddreg [dreg:$0x9]  }
0x1d1: {  	p1 =	sne.s32 s25, s28  }
.Ltmp15:
0x1d2: {  	_ = 	snop;
	(pc) =	sbr.rel @p1 .LBB2_1-.Ltmp15, $3  }
0x1d3: {  	_ =	sdelay $0x1  }
0x1d4: {  	[sflag:s2] =	ssyncset.done @!p0 $0x0  }
0x1d5: {  	[sflag:s2] =	ssyncadd.s32 @!p0 $0xFFFFEC80  }
0x1d6: {  	_ =	sfence.sel $0x180000  }
0x1d7: {  	[bflag:$0x0] =	sbarrier.arrive $0xFFFF  }
0x1d8: {  	_ =	strace $0x9000004A  }
0x1d9: {  	s0 =	stileid.u32;
	[bflag:$0x2] =	sbarrier.arrive $0xFFFF  }
0x1da: {  	p0 =	sne.s32 s0, $0x0;
	s0 =	rddreg [dreg:$0x3]  }
0x1db: {  	s0 =	sadd.s32 @!p0 $0x100000, s0  }
0x1dc: {  	[sflag:s0] =	ssyncadd.tile.s32 @!p0 $0x1;
	_ =	shalt  }
.Lfunc_end2:
_tile_overlayer_lowered:
.L_overlay_start_2:
0x1dd: {  	(tag) =	ssettag $0x2  }
0x1de: {  	s0 =	rddreg [dreg:$0x0];
	s2 =	stileid.u32  }
0x1df: {  	s1 =	rddreg [dreg:$0x1];
	p0 =	sne.s32 s2, $0x0  }
0x1e0: {  	s3 =	rddreg [dreg:$0x2];
	[bflag:$0x3] =	sbarrier.arrive $0xFFFF;
	s2 =	simm.s32 @!p0 $0x1C0B  }
0x1e1: {  	[timem:s3], [sflag:s2] =	dma.local @!p0 [hbm:s0], s1  }
0x1e2: {  	s0 =	simm.s32 @!p0 $0xB  }
0x1e3: {  	_ =	swait.ge @!p0 [sflag:s0], s1  }
0x1e4: {  	s1 =	ssub.s32 @!p0 $0x0, s1;
	[sflag:s0] =	ssyncset.done @!p0 $0x0  }
0x1e5: {  	[sflag:s0] =	ssyncadd.s32 @!p0 s1  }
0x1e6: {  	[bflag:$0x3] =	sbarrier.arrive $0xFFFF  }
0x1e7: {  	_ =	shalt  }

// kernel: kernel.7.cloned.1.call-start
scs
__scs_entry_jumppad:
0x0: {  	(pc) =	sbr.rel $0x88, $3  }
0x1: {  	(tag) =	ssettag $0x0;
	lr =	simm.s32 $0x1  }
0x2: {  	[smem:$0x3F96] =	sst lr;
	_ =	strace $0xD0000000  }
0x3: {  	_ = 	snop  }
0x4: {  	_ = 	snop  }
0x5: {  	_ = 	snop  }
0x6: {  	_ = 	snop  }
0x7: {  	_ = 	snop  }
__scs_overlays_trampoline_lowered:
0x8: {  	[smem:$0x3FA5] =	sst s0  }
0x9: {  	[smem:$0x3FA6] =	sst s1  }
0xa: {  	[smem:$0x3FA7] =	sst s2  }
0xb: {  	[smem:$0x3FA8] =	sst s3  }
0xc: {  	[smem:$0x3FA9] =	sst s4  }
0xd: {  	[smem:$0x3FAA] =	sst s5  }
0xe: {  	[smem:$0x3FAB] =	sst s6  }
0xf: {  	[smem:$0x3FAC] =	sst s7  }
0x10: {  	[smem:$0x3FAD] =	sst s8  }
0x11: {  	[smem:$0x3FAE] =	sst s9;
	s0 =	simm.s32 @!p0 $0x0  }
0x12: {  	s1 =	sld [smem:$0x3F94];
	s0 =	simm.s32 @p0 $0x1  }
0x13: {  	[smem:$0x3FAF] =	sst s0;
	s0 =	simm.s32 @!p1 $0x0  }
0x14: {  	s2 =	sld [smem:$0x3F93];
	s0 =	simm.s32 @p1 $0x1  }
0x15: {  	[smem:$0x3FB0] =	sst s0;
	s0 =	simm.s32 @!p2 $0x0  }
0x16: {  	s3 =	sld [smem:$0x3FDB];
	s0 =	simm.s32 @p2 $0x1  }
0x17: {  	s4 =	simm.s32 $0x1BF5;
	[smem:$0x3FB2] =	sst s0  }
0x18: {  	s0 =	sld [smem:$0x3F95];
	_ =	swait.ge [sflag:s4], $0x0  }
0x19: {  	s7 =	sld [smem:$0x3F96]  }
0x1a: {  	s8 =	sadd.s32 $0xFFFFE003, lr  }
0x1b: {  	s9 =	sadd.s32 $0xFFFFFEF7, lr;
	s5 =	simm.s32 $0xFFFFFFFF;
	p2 =	slt.u32 s8, $0xFFFFF086  }
0x1c: {  	p1 =	slt.u32 s9, $0xF7A;
	s5 =	simm.s32 @!p2 $0x0  }
0x1d: {  	s5 =	simm.s32 @p1 $0x1;
	p0 =	seq.s32 s7, s2  }
0x1e: {  	s7 =	smul.u32 @!p0 $0xF7A, s2;
	p2 =	seq.s32 @!p0 s5, $0x0  }
0x1f: {  	s9 =	smul.u32 $0xF7A, s1;
	s8 =	simm.s32 @!p0 $0x1BF5;
	p2 =	por !p2, p0  }
0x20: {  	[sflag:s8] =	ssyncset.s32 @!p0 $0xFFFFF086;
	s6 =	sadd.s32 @!p0 s3, s7;
	s7 =	simm.s32 @!p0 $0x108  }
0x21: {  	s3 =	sadd.s32 s3, s9;
	s6 =	sadd.s32 @!p0 $0x88, s6;
	s7 =	simm.s32 @p2 $0x1082  }
0x22: {  	[simem:s7], [sflag:s8] =	dma.local @!p0 [hbm:s6], $0xF7A  }
0x23: {  	s9 =	sor.u32 $0xD0000000, s2;
	s6 =	simm.s32 $0x108;
	_ =	swait.ge @!p0 [sflag:s8], $0x0  }
0x24: {  	s3 =	sadd.s32 $0x88, s3;
	s6 =	simm.s32 @!p1 $0x1082;
	[sflag:s4] =	ssyncset.s32 $0xFFFFF086  }
0x25: {  	[simem:s6], [sflag:s4] =	dma.local [hbm:s3], $0xF7A  }
0x26: {  	[smem:$0x3F96] =	sst s1;
	(tag) =	ssettag s2;
	_ =	strace s9  }
0x27: {  	s1 =	sld [smem:$0x3FA6]  }
0x28: {  	s2 =	sld [smem:$0x3FA7]  }
0x29: {  	s4 =	sld [smem:$0x3FA9]  }
0x2a: {  	p0 =	seq.s32 s5, $0x0;
	s5 =	sld [smem:$0x3FAA]  }
0x2b: {  	s6 =	sld [smem:$0x3FAB]  }
0x2c: {  	s7 =	sld [smem:$0x3FAC]  }
0x2d: {  	s3 =	simm.s32 $0x108;
	s8 =	sld [smem:$0x3FAD]  }
0x2e: {  	s3 =	simm.s32 @!p0 $0x1082;
	s9 =	sld [smem:$0x3FAE]  }
0x2f: {  	lr =	sadd.s32 s0, s3;
	s0 =	sld [smem:$0x3FA5]  }
0x30: {  	s3 =	sld [smem:$0x3FA8]  }
0x31: {  	[smem:$0x3FB1] =	sst s10  }
0x32: {  	s10 =	sld [smem:$0x3FAF];
	_ =	sdelay $0x3  }
0x33: {  	p0 =	seq.s32 s10, $0x1;
	s10 =	sld [smem:$0x3FB1];
	_ =	sdelay $0x3  }
0x34: {  	[smem:$0x3FB1] =	sst s10  }
0x35: {  	s10 =	sld [smem:$0x3FB0];
	_ =	sdelay $0x3  }
0x36: {  	p1 =	seq.s32 s10, $0x1;
	s10 =	sld [smem:$0x3FB1];
	_ =	sdelay $0x3  }
0x37: {  	[smem:$0x3FB1] =	sst s10  }
0x38: {  	s10 =	sld [smem:$0x3FB2]  }
0x39: {  	_ = 	snop;
	(pc) =	sbr.ind lr, $3  }
0x3a: {  	_ = 	snop  }
0x3b: {  	_ = 	snop  }
0x3c: {  	p2 =	seq.s32 s10, $0x1;
	s10 =	sld [smem:$0x3FB1]  }
0x3d: {  	_ =	shalt  }
0x3e: {  	_ =	shalt  }
0x3f: {  	_ =	shalt  }
0x40: {  	_ =	shalt  }
0x41: {  	_ =	shalt  }
0x42: {  	_ =	shalt  }
0x43: {  	_ =	shalt  }
0x44: {  	_ =	shalt  }
0x45: {  	_ =	shalt  }
0x46: {  	_ =	shalt  }
0x47: {  	_ =	shalt  }
0x48: {  	_ =	shalt  }
0x49: {  	_ =	shalt  }
0x4a: {  	_ =	shalt  }
0x4b: {  	_ =	shalt  }
0x4c: {  	_ =	shalt  }
0x4d: {  	_ =	shalt  }
0x4e: {  	_ =	shalt  }
0x4f: {  	_ =	shalt  }
0x50: {  	_ =	shalt  }
0x51: {  	_ =	shalt  }
0x52: {  	_ =	shalt  }
0x53: {  	_ =	shalt  }
0x54: {  	_ =	shalt  }
0x55: {  	_ =	shalt  }
0x56: {  	_ =	shalt  }
0x57: {  	_ =	shalt  }
0x58: {  	_ =	shalt  }
0x59: {  	_ =	shalt  }
0x5a: {  	_ =	shalt  }
0x5b: {  	_ =	shalt  }
0x5c: {  	_ =	shalt  }
0x5d: {  	_ =	shalt  }
0x5e: {  	_ =	shalt  }
0x5f: {  	_ =	shalt  }
0x60: {  	_ =	shalt  }
0x61: {  	_ =	shalt  }
0x62: {  	_ =	shalt  }
0x63: {  	_ =	shalt  }
0x64: {  	_ =	shalt  }
0x65: {  	_ =	shalt  }
0x66: {  	_ =	shalt  }
0x67: {  	_ =	shalt  }
0x68: {  	_ =	shalt  }
0x69: {  	_ =	shalt  }
0x6a: {  	_ =	shalt  }
0x6b: {  	_ =	shalt  }
0x6c: {  	_ =	shalt  }
0x6d: {  	_ =	shalt  }
0x6e: {  	_ =	shalt  }
0x6f: {  	_ =	shalt  }
0x70: {  	_ =	shalt  }
0x71: {  	_ =	shalt  }
0x72: {  	_ =	shalt  }
0x73: {  	_ =	shalt  }
0x74: {  	_ =	shalt  }
0x75: {  	_ =	shalt  }
0x76: {  	_ =	shalt  }
0x77: {  	_ =	shalt  }
0x78: {  	_ =	shalt  }
0x79: {  	_ =	shalt  }
0x7a: {  	_ =	shalt  }
0x7b: {  	_ =	shalt  }
0x7c: {  	_ =	shalt  }
0x7d: {  	_ =	shalt  }
0x7e: {  	_ =	shalt  }
0x7f: {  	_ =	shalt  }
0x80: {  	_ =	shalt  }
0x81: {  	_ =	shalt  }
0x82: {  	_ =	shalt  }
0x83: {  	_ =	shalt  }
0x84: {  	_ =	shalt  }
0x85: {  	_ =	shalt  }
0x86: {  	_ =	shalt  }
0x87: {  	_ =	shalt  }
.Lfunc_end0:
.L_simem_size_0:
called_computation_lowered:
.L_overlay_start_0:
0x88: {  	s2 =	sld [smem:$0x3FD9]  }
0x89: {  	s3 =	sld [smem:$0x3FFE];
	_ =	sdelay $0x1  }
0x8a: {  	s1 =	srdreg.scid  }
0x8b: {  	s0 =	sand.u32 $0x1, s1  }
0x8c: {  	s14 =	sshll.u32 s0, $0xA;
	s2 =	sadd.s32 s3, s2  }
0x8d: {  	s2 =	sadd.s32 s2, s14  }
0x8e: {  	[smem:$0x3FBD] =	sst s2  }
0x8f: {  	_ = 	snop  }
0x90: {  	s2 =	sld [smem:$0x3FD0];
	_ =	sdelay $0x2  }
0x91: {  	s15 =	simm.s32 $0xA;
	s4 =	simm.s32 $0x10  }
0x92: {  	[smem:s4], [sflag:s15] =	dma.local [hbm:s2], $0x1  }
0x93: {  	_ =	swait.eq [sflag:s15], $0x1  }
0x94: {  	[sflag:s15] =	ssyncset.done $0x0  }
0x95: {  	s16 =	sld [smem:$0x10];
	[sflag:s15] =	ssyncadd.s32 $0xFFFFFFFF  }
0x96: {  	s17 =	sld [smem:$0x11];
	(tm) =	ssettm $0x1  }
0x97: {  	s18 =	sld [smem:$0x3FFB];
	_ =	sdelay $0x3  }
0x98: {  	_ =	strace s18  }
0x99: {  	s4 =	sld [smem:$0x3FFC];
	_ =	sdelay $0x3  }
0x9a: {  	_ =	strace s4  }
0x9b: {  	s4 =	sld [smem:$0x3FFD];
	_ =	sdelay $0x3  }
0x9c: {  	_ =	strace s4  }
0x9d: {  	_ =	strace $0x8FFFFFFF  }
0x9e: {  	s19 =	sld [smem:$0x3FDB];
	_ =	sdelay $0x1  }
0x9f: {  	s5 =	simm.s32 $_scs_section_size  }
0xa0: {  	s6 =	simm.s32 $_size__tile_overlayer_lowered;
	s7 =	simm.s32 $_tile_overlayer_lowered  }
0xa1: {  	s22 =	simm.s32 $0x1BFF;
	s21 =	sshll.u32 s7, $0x1;
	s4 =	sadd.s32 s5, s19  }
0xa2: {  	s8 =	simm.s32 $0x0;
	s20 =	sshll.u32 s6, $0x1;
	s6 =	sadd.s32 s21, s4  }
0xa3: {  	[timem:s8], [sflag:s22] =	dma.local [hbm:s6], s20  }
0xa4: {  	_ =	swait.ge [sflag:s22], s20  }
0xa5: {  	s5 =	ssub.s32 $0x0, s20;
	[sflag:s22] =	ssyncset.done $0x0  }
0xa6: {  	[sflag:s22] =	ssyncadd.s32 s5;
	_ =	sdelay $0x1  }
0xa7: {  	s23 =	simm.s32 $0x1B8B  }
0xa8: {  	_ =	swait.ge [sflag:s23], $0x1  }
0xa9: {  	[sflag:s23] =	ssyncset.done $0x0  }
0xaa: {  	s25 =	simm.s32 $0x1B8E;
	s24 =	sld [smem:$0x3FFE];
	[sflag:s23] =	ssyncadd.s32 $0xFFFFFFFF  }
0xab: {  	s26 =	simm.s32 $execute0_lowered;
	[smem:$0x3FD2] =	sst s25  }
0xac: {  	s6 =	sshll.u32 s26, $0x1;
	_ =	strace $0x80000046;
	[dreg:$0x1] =	wrdreg $0xFFFFFFFF  }
0xad: {  	s28 =	simm.s32 $_size_execute0_lowered;
	s4 =	sadd.s32 s4, s6;
	[dreg:$0x0] =	wrdreg $0x0  }
0xae: {  	s6 =	sshll.u32 s28, $0x1;
	[dreg:$0x2] =	wrdreg s4  }
0xaf: {  	[dreg:$0x3] =	wrdreg s6  }
0xb0: {  	[dreg:$0x4] =	wrdreg $0xC0  }
0xb1: {  	_ =	task [dreg:s8], $0x5FFFF  }
0xb2: {  	[dreg:$0x1] =	wrdreg $0xFFFFFFFF  }
0xb3: {  	[dreg:$0x0] =	wrdreg $0x60  }
0xb4: {  	[dreg:$0x2] =	wrdreg s16  }
0xb5: {  	[dreg:$0x3] =	wrdreg s17  }
0xb6: {  	[dreg:$0x4] =	wrdreg s24  }
0xb7: {  	[dreg:$0x5] =	wrdreg $0x114400  }
0xb8: {  	[dreg:$0x6] =	wrdreg $0x9  }
0xb9: {  	_ =	task.clear_ibuf [dreg:s8], $0x7FFFF;
	_ =	strace $0x90000046  }
0xba: {  	s29 =	simm.s32 $0x9;
	_ =	strace $0x80000048  }
0xbb: {  	_ =	swait.ge [sflag:s29], $0x1  }
0xbc: {  	[sflag:s29] =	ssyncadd.s32 $0xFFFFFFFF  }
0xbd: {  	_ =	strace $0x90000048  }
0xbe: {  	_ =	sfence  }
0xbf: {  	s30 =	sld [smem:$0x0];
	_ =	sdelay $0x2  }
0xc0: {  	s31 =	sshll.u32 s1, $0xD;
	s1 =	sshrl.u32 s1, $0x2  }
0xc1: {  	s3 =	sand.u32 $0x4000, s31;
	s1 =	sadd.s32 s1, s30  }
0xc2: {  	s0 =	sor.u32 s3, s0;
	s1 =	sshll.u32 s1, $0x11  }
0xc3: {  	s0 =	sor.u32 s1, s0  }
0xc4: {  	s0 =	sadd.s32 $0x8F2B, s0  }
0xc5: {  	[sflag:s0] =	ssyncadd.remote.s32 $0x1  }
0xc6: {  	_ =	sfence.sel $0xFFFF  }
0xc7: {  	[dreg:$0x0] =	wrdreg $0xFFFFFFFF;
	(pc) =	sbr.abs _section_cstart, $3  }
0xc8: {  	[dreg:$0x1] =	wrdreg $0xFFFFFFFF  }
0xc9: {  	_ =	task.clear_ibuf [dreg:s8], $0x2FFFF;
	_ =	strace $0x9FFFFFFF  }
0xca: {  	(tm) =	ssettm $0x7FFFFFFF  }
0xcb: {  	_ =	shalt  }
tec
execute0_lowered:
.L_overlay_start_1:
0x0: {  	(tag) =	ssettag $0x1  }
0x1: {  	s0 =	rddreg [dreg:$0x0]  }
0x2: {  	s1 =	rddreg [dreg:$0x1]  }
0x3: {  	s3 =	rddreg [dreg:$0x2];
	s13 =	stileid.u32  }
0x4: {  	s2 =	rddreg [dreg:$0x3];
	s5 =	simm.s32 $0x0;
	s22 =	srdreg.scid  }
0x5: {  	s17 =	simm.s32 $0x50;
	s18 =	simm.s32 $0x9C40;
	s19 =	simm.s32 $0xB040  }
0x6: {  	s21 =	simm.s32 $0xC440;
	s29 =	simm.s32 $0x5;
	s31 =	simm.s32 $0xEC40  }
0x7: {  	s14 =	simm.s32 $0x4EC0;
	s20 =	simm.s32 $0x6;
	s30 =	simm.s32 $0x10040  }
0x8: {  	s16 =	simm.s32 $0x4F10;
	s4 =	smul.u32 $0x4E20, s13;
	[smem:$0x7FF] =	sst s5  }
0x9: {  	s6 =	sadd.s32 $0x16C00, s3;
	s5 =	sand.u32 $0x1, s22;
	s23 =	smul.u32 $0x27000, s13  }
0xa: {  	s9 =	smul.u32 $0x9C00, s13;
	s11 =	sadd.s32 $0x92400, s2;
	p0 =	seq.s32 s13, $0xF  }
0xb: {  	s22 =	simm.s32 $0x4;
	_ =	strace $0x80000047;
	[dreg:$0x5] =	wrdreg s6  }
0xc: {  	s7 =	ssub.s32 $0x2, s5;
	s5 =	smul.u32 $0x9C400, s5;
	s4 =	sshrl.u32 s4, $0x3  }
0xd: {  	s8 =	sshrl.u32 s7, $0x1;
	s6 =	sshrl.u32 s23, $0x2;
	s23 =	simm.s32 $0xD840  }
0xe: {  	s4 =	sadd.s32 s4, s3;
	s3 =	sadd.s32 $0x18000, s3;
	s10 =	ssub.s32 s7, s8  }
0xf: {  	s6 =	sadd.s32 s6, s2;
	s12 =	sshrl.u32 s5, $0x3;
	s5 =	sadd.s32 s9, s5  }
0x10: {  	s24 =	sadd.s32 $0x3200, s4;
	s4 =	sadd.s32 $0xCE40, s4;
	s7 =	sadd.s32 s0, s12  }
0x11: {  	s25 =	sshrl.u32 s5, $0x3;
	s8 =	sadd.s32 s1, s12;
	s26 =	sadd.s32 s3, s12  }
0x12: {  	s1 =	sadd.s32 s9, s2;
	s28 =	smax.u32 s10, $0x1;
	[dreg:$0x6] =	wrdreg s24  }
0x13: {  	s12 =	simm.s32 $0x4E20;
	s9 =	simm.s32 $0x9;
	[dreg:$0x7] =	wrdreg s4  }
0x14: {  	s10 =	simm.s32 $0x8;
	s0 =	sadd.s32 s3, s25;
	[dreg:$0xa] =	wrdreg s28  }
0x15: {  	s4 =	sshrl.u32 @p0 s11, $0x3;
	s24 =	simm.s32 $0x1;
	s11 =	simm.s32 $0xA  }
0x16: {  	s25 =	simm.s32 $0x0;
	[dreg:$0x8] =	wrdreg s0;
	s0 =	sadd.s32 $0x12480, s26  }
0x17: {  	s26 =	simm.s32 $0x2;
	[dreg:$0x9] =	wrdreg s0;
	s0 =	sshll.u32 @!p0 s13, $0x6  }
0x18: {  	[dreg:$0xb] =	wrdreg s4;
	s5 =	sor.u32 @!p0 $0x1C0B, s0;
	s0 =	sshrl.u32 @!p0 s6, $0x3  }
0x19: {  	s13 =	simm.s32 $0x4E70;
	[dreg:$0xc] =	wrdreg s0;
	s0 =	sshrl.u32 @!p0 s1, $0x3  }
0x1a: {  	s6 =	simm.s32 $0x7;
	s1 =	simm.s32 $0x3;
	[dreg:$0xd] =	wrdreg s0  }
.LBB2_1:
0x1b: {  	s0 =	simm.s32 @p0 $0x1FCB;
	s3 =	rddreg [dreg:$0x5]  }
0x1c: {  	[spmem:s4], [sflag:s0] =	dma.local @p0 [hbm:s3], $0x1400  }
0x1d: {  	s0 =	simm.s32 @p0 $0xB  }
0x1e: {  	_ =	swait.ge @p0 [sflag:s0], $0x1400  }
0x1f: {  	[sflag:s0] =	ssyncset.done @p0 $0x0  }
0x20: {  	[sflag:s0] =	ssyncadd.s32 @p0 $0xFFFFEC00;
	s0 =	rddreg [dreg:$0xc]  }
0x21: {  	[spmem:s0], [sflag:s5] =	dma.local @!p0 [hbm:s3], $0x1380  }
0x22: {  	s0 =	simm.s32 @!p0 $0xB  }
0x23: {  	_ =	swait.ge @!p0 [sflag:s0], $0x1380  }
0x24: {  	s15 =	simm.s32 $0xB;
	[sflag:s0] =	ssyncset.done @!p0 $0x0  }
0x25: {  	s4 =	rddreg [dreg:$0x6];
	[sflag:s0] =	ssyncadd.s32 @!p0 $0xFFFFEC80;
	s0 =	simm.s32 $0x0  }
0x26: {  	[tilespmem:s0], [sflag:$0xB] =	stream.linear.gather [hbm4b:s4+s0], $0x4E20, $0x38;
	[tilespmem:$0x1B080] =	vst v63  }
0x27: {  	_ =	swait.ge [sflag:s15], $0x4E20  }
0x28: {  	[sflag:s15] =	ssyncset.done $0x0  }
0x29: {  	s28 =	rddreg [dreg:$0x7];
	[sflag:s15] =	ssyncadd.s32 $0xFFFFB1E0  }
0x2a: {  	[tilespmem:s12], [sflag:$0xB] =	stream.linear.gather [hbm4b:s28+s0], $0x4E20, $0x38;
	[tilespmem:$0x1B080] =	vst v63  }
0x2b: {  	_ =	swait.ge [sflag:s15], $0x4E20  }
0x2c: {  	[sflag:s15] =	ssyncset.done $0x0  }
0x2d: {  	[sflag:s15] =	ssyncadd.s32 $0xFFFFB1E0  }
0x2e: {  	[bflag:$0x0] =	sbarrier.arrive $0xFFFF  }
0x2f: {  	[tilespmem:s18], [sflag:$0x1] =	stream.indirect.gather [hbm4b:s7+s17], $0x40, s0, s17, $0xb8;
	[tilespmem:$0x1B080] =	vst v63  }
0x30: {  	_ = 	snop  }
0x31: {  	[tilespmem:s19], [sflag:$0x2] =	stream.indirect.gather [hbm4b:s7+s17], $0x40, s17, s17, $0xb8;
	[tilespmem:$0x1B080] =	vst v63  }
0x32: {  	s15 =	simm.s32 $0xA0  }
0x33: {  	[tilespmem:s21], [sflag:$0x3] =	stream.indirect.gather [hbm4b:s7+s17], $0x40, s15, s17, $0xb8;
	[tilespmem:$0x1B080] =	vst v63  }
0x34: {  	s28 =	simm.s32 $0xF0  }
0x35: {  	[tilespmem:s23], [sflag:$0x4] =	stream.indirect.gather [hbm4b:s7+s17], $0x40, s28, s17, $0xb8;
	[tilespmem:$0x1B080] =	vst v63  }
0x36: {  	_ =	swait.ge [sflag:s24], $0x1400  }
0x37: {  	[sflag:s24] =	ssyncset.done $0x0  }
0x38: {  	[sflag:s24] =	ssyncadd.s32 $0xFFFFEC00  }
0x39: {  	[tilespmem:s18], [sflag:$0x5] =	stream.indirect.gather.add.f32 [hbm:s8], $0x40, s12, s17, $0xb8;
	[tilespmem:$0x1B080] =	vst v63  }
0x3a: {  	_ =	swait.ge [sflag:s26], $0x1400  }
0x3b: {  	[sflag:s26] =	ssyncset.done $0x0  }
0x3c: {  	[sflag:s26] =	ssyncadd.s32 $0xFFFFEC00  }
0x3d: {  	[tilespmem:s19], [sflag:$0x6] =	stream.indirect.gather.add.f32 [hbm:s8], $0x40, s13, s17, $0xb8;
	[tilespmem:$0x1B080] =	vst v63  }
0x3e: {  	_ =	swait.ge [sflag:s29], $0x1400  }
0x3f: {  	[sflag:s29] =	ssyncset.done $0x0  }
0x40: {  	s0 =	simm.s32 $0x0;
	[sflag:s29] =	ssyncadd.s32 $0xFFFFEC00  }
0x41: {  	v2 =	vld [tilespmem:s0+$0x9C70]  }
0x42: {  	v3 =	vld [tilespmem:s0+$0x9C40]  }
0x43: {  	v0 =	vld [tilespmem:s0+$0x9C50]  }
0x44: {  	s3 =	simm.s32 $0x100;
	v1 =	vld [tilespmem:s0+$0x9C60]  }
.LBB2_2:
0x45: {  	p1 =	sne.s32 s3, $0x4F00  }
.Ltmp0:
0x46: {  	s4 =	sshra.s32 s3, $0x2;
	s3 =	sadd.s32 $0x100, s3;
	v4 =	vmax.f32 v2, $0.0e+00;
	(pc) =	sbr.rel @p1 .LBB2_2-.Ltmp0, $4  }
0x47: {  	v2 =	vld [tilespmem:s4+$0x9C70];
	v5 =	vmax.f32 v3, $0.0e+00;
	[tilespmem:s0+$0xEC70] =	vst v4  }
0x48: {  	v3 =	vld [tilespmem:s4+$0x9C40];
	[tilespmem:s0+$0xEC40] =	vst v5;
	v4 =	vmax.f32 v0, $0.0e+00  }
0x49: {  	v0 =	vld [tilespmem:s4+$0x9C50];
	[tilespmem:s0+$0xEC50] =	vst v4;
	v4 =	vmax.f32 v1, $0.0e+00  }
0x4a: {  	v1 =	vld [tilespmem:s4+$0x9C60];
	[tilespmem:s0+$0xEC60] =	vst v4;
	s0 =	smov.u32 s4  }
0x4b: {  	_ = 	snop  }
0x4c: {  	v2 =	vmax.f32 v2, $0.0e+00  }
0x4d: {  	v3 =	vmax.f32 v3, $0.0e+00;
	[tilespmem:s0+$0xEC70] =	vst v2  }
0x4e: {  	[tilespmem:s0+$0xEC40] =	vst v3;
	v0 =	vmax.f32 v0, $0.0e+00  }
0x4f: {  	[tilespmem:s0+$0xEC50] =	vst v0;
	v0 =	vmax.f32 v1, $0.0e+00  }
0x50: {  	s28 =	simm.s32 $0x140;
	[tilespmem:s0+$0xEC60] =	vst v0  }
0x51: {  	[tilespmem:s18], [sflag:$0x1] =	stream.indirect.gather [hbm4b:s7+s17], $0x40, s28, s17, $0xb8;
	[tilespmem:$0x1B080] =	vst v63  }
0x52: {  	_ = 	snop  }
0x53: {  	[spmem:s2] =	stream.indirect.scatter.add.f32 [tilespmem:s31], [sflag:$0x9], $0x40, s12, s17, $0xb8;
	[tilespmem:$0x1B080] =	vst v63  }
0x54: {  	_ =	swait.ge [sflag:s1], $0x1400  }
0x55: {  	[sflag:s1] =	ssyncset.done $0x0  }
0x56: {  	[sflag:s1] =	ssyncadd.s32 $0xFFFFEC00  }
0x57: {  	[tilespmem:s21], [sflag:$0x7] =	stream.indirect.gather.add.f32 [hbm:s8], $0x40, s14, s17, $0xb8;
	[tilespmem:$0x1B080] =	vst v63  }
0x58: {  	_ =	swait.ge [sflag:s20], $0x1400  }
0x59: {  	[sflag:s20] =	ssyncset.done $0x0  }
0x5a: {  	s0 =	simm.s32 $0x0;
	[sflag:s20] =	ssyncadd.s32 $0xFFFFEC00  }
0x5b: {  	v2 =	vld [tilespmem:s0+$0xB070]  }
0x5c: {  	v3 =	vld [tilespmem:s0+$0xB040]  }
0x5d: {  	v0 =	vld [tilespmem:s0+$0xB050]  }
0x5e: {  	s3 =	simm.s32 $0x100;
	v1 =	vld [tilespmem:s0+$0xB060]  }
.LBB2_4:
0x5f: {  	p1 =	sne.s32 s3, $0x4F00  }
.Ltmp1:
0x60: {  	s4 =	sshra.s32 s3, $0x2;
	s3 =	sadd.s32 $0x100, s3;
	v4 =	vmax.f32 v2, $0.0e+00;
	(pc) =	sbr.rel @p1 .LBB2_4-.Ltmp1, $4  }
0x61: {  	v2 =	vld [tilespmem:s4+$0xB070];
	v5 =	vmax.f32 v3, $0.0e+00;
	[tilespmem:s0+$0x10070] =	vst v4  }
0x62: {  	v3 =	vld [tilespmem:s4+$0xB040];
	[tilespmem:s0+$0x10040] =	vst v5;
	v4 =	vmax.f32 v0, $0.0e+00  }
0x63: {  	v0 =	vld [tilespmem:s4+$0xB050];
	[tilespmem:s0+$0x10050] =	vst v4;
	v4 =	vmax.f32 v1, $0.0e+00  }
0x64: {  	v1 =	vld [tilespmem:s4+$0xB060];
	[tilespmem:s0+$0x10060] =	vst v4;
	s0 =	smov.u32 s4  }
0x65: {  	_ = 	snop  }
0x66: {  	v2 =	vmax.f32 v2, $0.0e+00  }
0x67: {  	v3 =	vmax.f32 v3, $0.0e+00;
	[tilespmem:s0+$0x10070] =	vst v2  }
0x68: {  	[tilespmem:s0+$0x10040] =	vst v3;
	v0 =	vmax.f32 v0, $0.0e+00  }
0x69: {  	[tilespmem:s0+$0x10050] =	vst v0;
	v0 =	vmax.f32 v1, $0.0e+00  }
0x6a: {  	s28 =	simm.s32 $0x190;
	[tilespmem:s0+$0x10060] =	vst v0  }
0x6b: {  	[tilespmem:s19], [sflag:$0x2] =	stream.indirect.gather [hbm4b:s7+s17], $0x40, s28, s17, $0xb8;
	[tilespmem:$0x1B080] =	vst v63  }
0x6c: {  	_ = 	snop  }
0x6d: {  	[spmem:s2] =	stream.indirect.scatter.add.f32 [tilespmem:s30], [sflag:$0xA], $0x40, s13, s17, $0xb8;
	[tilespmem:$0x1B080] =	vst v63  }
0x6e: {  	_ =	swait.ge [sflag:s22], $0x1400  }
0x6f: {  	[sflag:s22] =	ssyncset.done $0x0  }
0x70: {  	[sflag:s22] =	ssyncadd.s32 $0xFFFFEC00  }
0x71: {  	[tilespmem:s23], [sflag:$0x8] =	stream.indirect.gather.add.f32 [hbm:s8], $0x40, s16, s17, $0xb8;
	[tilespmem:$0x1B080] =	vst v63  }
0x72: {  	_ =	swait.ge [sflag:s6], $0x1400  }
0x73: {  	[sflag:s6] =	ssyncset.done $0x0  }
0x74: {  	[sflag:s6] =	ssyncadd.s32 $0xFFFFEC00  }
0x75: {  	_ =	swait.ge [sflag:s9], $0x1400  }
0x76: {  	[sflag:s9] =	ssyncset.done $0x0  }
0x77: {  	s0 =	simm.s32 $0x0;
	[sflag:s9] =	ssyncadd.s32 $0xFFFFEC00  }
0x78: {  	v2 =	vld [tilespmem:s0+$0xC470]  }
0x79: {  	v3 =	vld [tilespmem:s0+$0xC440]  }
0x7a: {  	v0 =	vld [tilespmem:s0+$0xC450]  }
0x7b: {  	s3 =	simm.s32 $0x100;
	v1 =	vld [tilespmem:s0+$0xC460]  }
.LBB2_6:
0x7c: {  	p1 =	sne.s32 s3, $0x4F00  }
.Ltmp2:
0x7d: {  	s4 =	sshra.s32 s3, $0x2;
	s3 =	sadd.s32 $0x100, s3;
	v4 =	vmax.f32 v2, $0.0e+00;
	(pc) =	sbr.rel @p1 .LBB2_6-.Ltmp2, $4  }
0x7e: {  	v2 =	vld [tilespmem:s4+$0xC470];
	v5 =	vmax.f32 v3, $0.0e+00;
	[tilespmem:s0+$0xEC70] =	vst v4  }
0x7f: {  	v3 =	vld [tilespmem:s4+$0xC440];
	[tilespmem:s0+$0xEC40] =	vst v5;
	v4 =	vmax.f32 v0, $0.0e+00  }
0x80: {  	v0 =	vld [tilespmem:s4+$0xC450];
	[tilespmem:s0+$0xEC50] =	vst v4;
	v4 =	vmax.f32 v1, $0.0e+00  }
0x81: {  	v1 =	vld [tilespmem:s4+$0xC460];
	[tilespmem:s0+$0xEC60] =	vst v4;
	s0 =	smov.u32 s4  }
0x82: {  	_ = 	snop  }
0x83: {  	v2 =	vmax.f32 v2, $0.0e+00  }
0x84: {  	v3 =	vmax.f32 v3, $0.0e+00;
	[tilespmem:s0+$0xEC70] =	vst v2  }
0x85: {  	[tilespmem:s0+$0xEC40] =	vst v3;
	v0 =	vmax.f32 v0, $0.0e+00  }
0x86: {  	[tilespmem:s0+$0xEC50] =	vst v0;
	v0 =	vmax.f32 v1, $0.0e+00  }
0x87: {  	s13 =	simm.s32 $0x1E0;
	[tilespmem:s0+$0xEC60] =	vst v0  }
0x88: {  	[tilespmem:s21], [sflag:$0x3] =	stream.indirect.gather [hbm4b:s7+s17], $0x40, s13, s17, $0xb8;
	[tilespmem:$0x1B080] =	vst v63  }
0x89: {  	_ = 	snop  }
0x8a: {  	[spmem:s2] =	stream.indirect.scatter.add.f32 [tilespmem:s31], [sflag:$0x9], $0x40, s14, s17, $0xb8;
	[tilespmem:$0x1B080] =	vst v63  }
0x8b: {  	_ =	swait.ge [sflag:s24], $0x1400  }
0x8c: {  	[sflag:s24] =	ssyncset.done $0x0  }
0x8d: {  	s28 =	simm.s32 $0x4F60;
	[sflag:s24] =	ssyncadd.s32 $0xFFFFEC00  }
0x8e: {  	[tilespmem:s18], [sflag:$0x5] =	stream.indirect.gather.add.f32 [hbm:s8], $0x40, s28, s17, $0xb8;
	[tilespmem:$0x1B080] =	vst v63  }
0x8f: {  	_ =	swait.ge [sflag:s10], $0x1400  }
0x90: {  	[sflag:s10] =	ssyncset.done $0x0  }
0x91: {  	[sflag:s10] =	ssyncadd.s32 $0xFFFFEC00  }
0x92: {  	_ =	swait.ge [sflag:s11], $0x1400  }
0x93: {  	[sflag:s11] =	ssyncset.done $0x0  }
0x94: {  	s0 =	simm.s32 $0x0;
	[sflag:s11] =	ssyncadd.s32 $0xFFFFEC00  }
0x95: {  	v2 =	vld [tilespmem:s0+$0xD870]  }
0x96: {  	v3 =	vld [tilespmem:s0+$0xD840]  }
0x97: {  	v0 =	vld [tilespmem:s0+$0xD850]  }
0x98: {  	s15 =	smov.u32 s5;
	s3 =	simm.s32 $0x100;
	v1 =	vld [tilespmem:s0+$0xD860]  }
.LBB2_8:
0x99: {  	p1 =	sne.s32 s3, $0x4F00  }
.Ltmp3:
0x9a: {  	s4 =	sshra.s32 s3, $0x2;
	s3 =	sadd.s32 $0x100, s3;
	v4 =	vmax.f32 v2, $0.0e+00;
	(pc) =	sbr.rel @p1 .LBB2_8-.Ltmp3, $4  }
0x9b: {  	v2 =	vld [tilespmem:s4+$0xD870];
	v5 =	vmax.f32 v3, $0.0e+00;
	[tilespmem:s0+$0x10070] =	vst v4  }
0x9c: {  	v3 =	vld [tilespmem:s4+$0xD840];
	[tilespmem:s0+$0x10040] =	vst v5;
	v4 =	vmax.f32 v0, $0.0e+00  }
0x9d: {  	v0 =	vld [tilespmem:s4+$0xD850];
	[tilespmem:s0+$0x10050] =	vst v4;
	v4 =	vmax.f32 v1, $0.0e+00  }
0x9e: {  	v1 =	vld [tilespmem:s4+$0xD860];
	[tilespmem:s0+$0x10060] =	vst v4;
	s0 =	smov.u32 s4  }
0x9f: {  	_ = 	snop  }
0xa0: {  	v2 =	vmax.f32 v2, $0.0e+00  }
0xa1: {  	v3 =	vmax.f32 v3, $0.0e+00;
	[tilespmem:s0+$0x10070] =	vst v2  }
0xa2: {  	[tilespmem:s0+$0x10040] =	vst v3;
	v0 =	vmax.f32 v0, $0.0e+00  }
0xa3: {  	[tilespmem:s0+$0x10050] =	vst v0;
	v63 =	vmax.f32 v1, $0.0e+00  }
0xa4: {  	s14 =	simm.s32 $0x230;
	[tilespmem:s0+$0x10060] =	vst v63  }
0xa5: {  	[tilespmem:s23], [sflag:$0x4] =	stream.indirect.gather [hbm4b:s7+s17], $0x40, s14, s17, $0xb8;
	[tilespmem:$0x1B080] =	vst v63  }
0xa6: {  	_ = 	snop  }
0xa7: {  	[spmem:s2] =	stream.indirect.scatter.add.f32 [tilespmem:s30], [sflag:$0xA], $0x40, s16, s17, $0xb8;
	[tilespmem:$0x1B080] =	vst v63  }
0xa8: {  	_ =	swait.ge [sflag:s26], $0x1400  }
0xa9: {  	[sflag:s26] =	ssyncset.done $0x0  }
0xaa: {  	s28 =	simm.s32 $0x4FB0;
	s14 =	simm.s32 $0x0;
	[sflag:s26] =	ssyncadd.s32 $0xFFFFEC00  }
0xab: {  	[tilespmem:s19], [sflag:$0x6] =	stream.indirect.gather.add.f32 [hbm:s8], $0x40, s28, s17, $0xb8;
	[tilespmem:$0x1B080] =	vst v63  }
.LBB2_10:
0xac: {  	_ =	swait.ge [sflag:s29], $0x1400  }
0xad: {  	[sflag:s29] =	ssyncset.done $0x0  }
0xae: {  	[sflag:s29] =	ssyncadd.s32 $0xFFFFEC00  }
0xaf: {  	_ =	swait.ge [sflag:s9], $0x1400  }
0xb0: {  	[sflag:s9] =	ssyncset.done $0x0  }
0xb1: {  	s0 =	simm.s32 $0x0;
	[sflag:s9] =	ssyncadd.s32 $0xFFFFEC00  }
0xb2: {  	v2 =	vld [tilespmem:s0+$0x9C70]  }
0xb3: {  	v3 =	vld [tilespmem:s0+$0x9C40]  }
0xb4: {  	v1 =	vld [tilespmem:s0+$0x9C50]  }
0xb5: {  	s3 =	simm.s32 $0x100;
	v0 =	vld [tilespmem:s0+$0x9C60]  }
.LBB2_11:
0xb6: {  	p1 =	sne.s32 s3, $0x4F00  }
.Ltmp4:
0xb7: {  	s4 =	sshra.s32 s3, $0x2;
	s3 =	sadd.s32 $0x100, s3;
	v4 =	vmax.f32 v2, $0.0e+00;
	(pc) =	sbr.rel @p1 .LBB2_11-.Ltmp4, $4  }
0xb8: {  	v2 =	vld [tilespmem:s4+$0x9C70];
	v5 =	vmax.f32 v3, $0.0e+00;
	[tilespmem:s0+$0xEC70] =	vst v4  }
0xb9: {  	v3 =	vld [tilespmem:s4+$0x9C40];
	[tilespmem:s0+$0xEC40] =	vst v5;
	v4 =	vmax.f32 v1, $0.0e+00  }
0xba: {  	v1 =	vld [tilespmem:s4+$0x9C50];
	[tilespmem:s0+$0xEC50] =	vst v4;
	v4 =	vmax.f32 v0, $0.0e+00  }
0xbb: {  	v0 =	vld [tilespmem:s4+$0x9C60];
	[tilespmem:s0+$0xEC60] =	vst v4;
	s0 =	smov.u32 s4  }
0xbc: {  	_ = 	snop  }
0xbd: {  	s14 =	sadd.s32 $0x1, s14;
	v2 =	vmax.f32 v2, $0.0e+00  }
0xbe: {  	s5 =	smul.u32 $0x140, s14;
	v3 =	vmax.f32 v3, $0.0e+00;
	[tilespmem:s0+$0xEC70] =	vst v2  }
0xbf: {  	s3 =	smul.u32 $0x500, s14;
	[tilespmem:s0+$0xEC40] =	vst v3;
	v1 =	vmax.f32 v1, $0.0e+00  }
0xc0: {  	[tilespmem:s0+$0xEC50] =	vst v1;
	v0 =	vmax.f32 v0, $0.0e+00  }
0xc1: {  	s28 =	sshra.s32 s3, $0x2;
	[tilespmem:s0+$0xEC60] =	vst v0;
	s0 =	sadd.s32 $0x140, s5  }
0xc2: {  	[tilespmem:s18], [sflag:$0x1] =	stream.indirect.gather [hbm4b:s7+s17], $0x40, s0, s17, $0xb8;
	[tilespmem:$0x1B080] =	vst v63  }
0xc3: {  	s3 =	sadd.s32 $0x4E20, s28  }
0xc4: {  	[spmem:s2] =	stream.indirect.scatter.add.f32 [tilespmem:s31], [sflag:$0x9], $0x40, s3, s17, $0xb8;
	[tilespmem:$0x1B080] =	vst v63  }
0xc5: {  	_ =	swait.ge [sflag:s1], $0x1400  }
0xc6: {  	[sflag:s1] =	ssyncset.done $0x0  }
0xc7: {  	s3 =	sadd.s32 $0x4EC0, s28;
	[sflag:s1] =	ssyncadd.s32 $0xFFFFEC00  }
0xc8: {  	[tilespmem:s21], [sflag:$0x7] =	stream.indirect.gather.add.f32 [hbm:s8], $0x40, s3, s17, $0xb8;
	[tilespmem:$0x1B080] =	vst v63  }
0xc9: {  	_ =	swait.ge [sflag:s20], $0x1400  }
0xca: {  	[sflag:s20] =	ssyncset.done $0x0  }
0xcb: {  	[sflag:s20] =	ssyncadd.s32 $0xFFFFEC00  }
0xcc: {  	_ =	swait.ge [sflag:s11], $0x1400  }
0xcd: {  	[sflag:s11] =	ssyncset.done $0x0  }
0xce: {  	s16 =	simm.s32 $0x0;
	[sflag:s11] =	ssyncadd.s32 $0xFFFFEC00  }
0xcf: {  	v2 =	vld [tilespmem:s16+$0xB070]  }
0xd0: {  	v3 =	vld [tilespmem:s16+$0xB040]  }
0xd1: {  	v0 =	vld [tilespmem:s16+$0xB050]  }
0xd2: {  	s4 =	simm.s32 $0x100;
	v1 =	vld [tilespmem:s16+$0xB060]  }
.LBB2_13:
0xd3: {  	p1 =	sne.s32 s4, $0x4F00  }
.Ltmp5:
0xd4: {  	s12 =	sshra.s32 s4, $0x2;
	s4 =	sadd.s32 $0x100, s4;
	v4 =	vmax.f32 v2, $0.0e+00;
	(pc) =	sbr.rel @p1 .LBB2_13-.Ltmp5, $4  }
0xd5: {  	v2 =	vld [tilespmem:s12+$0xB070];
	v5 =	vmax.f32 v3, $0.0e+00;
	[tilespmem:s16+$0x10070] =	vst v4  }
0xd6: {  	v3 =	vld [tilespmem:s12+$0xB040];
	[tilespmem:s16+$0x10040] =	vst v5;
	v4 =	vmax.f32 v0, $0.0e+00  }
0xd7: {  	v0 =	vld [tilespmem:s12+$0xB050];
	[tilespmem:s16+$0x10050] =	vst v4;
	v4 =	vmax.f32 v1, $0.0e+00  }
0xd8: {  	v1 =	vld [tilespmem:s12+$0xB060];
	[tilespmem:s16+$0x10060] =	vst v4;
	s16 =	smov.u32 s12  }
0xd9: {  	_ = 	snop  }
0xda: {  	v2 =	vmax.f32 v2, $0.0e+00  }
0xdb: {  	v3 =	vmax.f32 v3, $0.0e+00;
	[tilespmem:s16+$0x10070] =	vst v2  }
0xdc: {  	[tilespmem:s16+$0x10040] =	vst v3;
	v0 =	vmax.f32 v0, $0.0e+00  }
0xdd: {  	[tilespmem:s16+$0x10050] =	vst v0;
	v0 =	vmax.f32 v1, $0.0e+00  }
0xde: {  	s5 =	sadd.s32 $0x190, s5;
	[tilespmem:s16+$0x10060] =	vst v0  }
0xdf: {  	[tilespmem:s19], [sflag:$0x2] =	stream.indirect.gather [hbm4b:s7+s17], $0x40, s5, s17, $0xb8;
	[tilespmem:$0x1B080] =	vst v63  }
0xe0: {  	s4 =	sadd.s32 $0x4E70, s28  }
0xe1: {  	[spmem:s2] =	stream.indirect.scatter.add.f32 [tilespmem:s30], [sflag:$0xA], $0x40, s4, s17, $0xb8;
	[tilespmem:$0x1B080] =	vst v63  }
0xe2: {  	_ =	swait.ge [sflag:s22], $0x1400  }
0xe3: {  	[sflag:s22] =	ssyncset.done $0x0  }
0xe4: {  	s16 =	sadd.s32 $0x4F10, s28;
	[sflag:s22] =	ssyncadd.s32 $0xFFFFEC00  }
0xe5: {  	[tilespmem:s23], [sflag:$0x8] =	stream.indirect.gather.add.f32 [hbm:s8], $0x40, s16, s17, $0xb8;
	[tilespmem:$0x1B080] =	vst v63  }
0xe6: {  	_ =	swait.ge [sflag:s6], $0x1400  }
0xe7: {  	[sflag:s6] =	ssyncset.done $0x0  }
0xe8: {  	[sflag:s6] =	ssyncadd.s32 $0xFFFFEC00  }
0xe9: {  	_ =	swait.ge [sflag:s9], $0x1400  }
0xea: {  	[sflag:s9] =	ssyncset.done $0x0  }
0xeb: {  	s4 =	simm.s32 $0x0;
	[sflag:s9] =	ssyncadd.s32 $0xFFFFEC00  }
0xec: {  	v2 =	vld [tilespmem:s4+$0xC470]  }
0xed: {  	v3 =	vld [tilespmem:s4+$0xC440]  }
0xee: {  	v0 =	vld [tilespmem:s4+$0xC450]  }
0xef: {  	s12 =	simm.s32 $0x100;
	v1 =	vld [tilespmem:s4+$0xC460]  }
.LBB2_15:
0xf0: {  	p1 =	sne.s32 s12, $0x4F00  }
.Ltmp6:
0xf1: {  	s13 =	sshra.s32 s12, $0x2;
	s12 =	sadd.s32 $0x100, s12;
	v4 =	vmax.f32 v2, $0.0e+00;
	(pc) =	sbr.rel @p1 .LBB2_15-.Ltmp6, $4  }
0xf2: {  	v2 =	vld [tilespmem:s13+$0xC470];
	v5 =	vmax.f32 v3, $0.0e+00;
	[tilespmem:s4+$0xEC70] =	vst v4  }
0xf3: {  	v3 =	vld [tilespmem:s13+$0xC440];
	[tilespmem:s4+$0xEC40] =	vst v5;
	v4 =	vmax.f32 v0, $0.0e+00  }
0xf4: {  	v0 =	vld [tilespmem:s13+$0xC450];
	[tilespmem:s4+$0xEC50] =	vst v4;
	v4 =	vmax.f32 v1, $0.0e+00  }
0xf5: {  	v1 =	vld [tilespmem:s13+$0xC460];
	[tilespmem:s4+$0xEC60] =	vst v4;
	s4 =	smov.u32 s13  }
0xf6: {  	_ = 	snop  }
0xf7: {  	v2 =	vmax.f32 v2, $0.0e+00  }
0xf8: {  	v3 =	vmax.f32 v3, $0.0e+00;
	[tilespmem:s4+$0xEC70] =	vst v2  }
0xf9: {  	[tilespmem:s4+$0xEC40] =	vst v3;
	v0 =	vmax.f32 v0, $0.0e+00  }
0xfa: {  	[tilespmem:s4+$0xEC50] =	vst v0;
	v0 =	vmax.f32 v1, $0.0e+00  }
0xfb: {  	s13 =	sadd.s32 $0x1E0, s28;
	[tilespmem:s4+$0xEC60] =	vst v0  }
0xfc: {  	[tilespmem:s21], [sflag:$0x3] =	stream.indirect.gather [hbm4b:s7+s17], $0x40, s13, s17, $0xb8;
	[tilespmem:$0x1B080] =	vst v63  }
0xfd: {  	_ = 	snop  }
0xfe: {  	[spmem:s2] =	stream.indirect.scatter.add.f32 [tilespmem:s31], [sflag:$0x9], $0x40, s3, s17, $0xb8;
	[tilespmem:$0x1B080] =	vst v63  }
0xff: {  	_ =	swait.ge [sflag:s24], $0x1400  }
0x100: {  	[sflag:s24] =	ssyncset.done $0x0  }
0x101: {  	s0 =	sadd.s32 $0x4E20, s0;
	[sflag:s24] =	ssyncadd.s32 $0xFFFFEC00  }
0x102: {  	[tilespmem:s18], [sflag:$0x5] =	stream.indirect.gather.add.f32 [hbm:s8], $0x40, s0, s17, $0xb8;
	[tilespmem:$0x1B080] =	vst v63  }
0x103: {  	_ =	swait.ge [sflag:s10], $0x1400  }
0x104: {  	[sflag:s10] =	ssyncset.done $0x0  }
0x105: {  	[sflag:s10] =	ssyncadd.s32 $0xFFFFEC00  }
0x106: {  	_ =	swait.ge [sflag:s11], $0x1400  }
0x107: {  	[sflag:s11] =	ssyncset.done $0x0  }
0x108: {  	s0 =	simm.s32 $0x0;
	[sflag:s11] =	ssyncadd.s32 $0xFFFFEC00  }
0x109: {  	v2 =	vld [tilespmem:s0+$0xD870]  }
0x10a: {  	v3 =	vld [tilespmem:s0+$0xD840]  }
0x10b: {  	v0 =	vld [tilespmem:s0+$0xD850]  }
0x10c: {  	s3 =	simm.s32 $0x100;
	v1 =	vld [tilespmem:s0+$0xD860]  }
.LBB2_17:
0x10d: {  	p1 =	sne.s32 s3, $0x4F00  }
.Ltmp7:
0x10e: {  	s4 =	sshra.s32 s3, $0x2;
	s3 =	sadd.s32 $0x100, s3;
	v4 =	vmax.f32 v2, $0.0e+00;
	(pc) =	sbr.rel @p1 .LBB2_17-.Ltmp7, $4  }
0x10f: {  	v2 =	vld [tilespmem:s4+$0xD870];
	v5 =	vmax.f32 v3, $0.0e+00;
	[tilespmem:s0+$0x10070] =	vst v4  }
0x110: {  	v3 =	vld [tilespmem:s4+$0xD840];
	[tilespmem:s0+$0x10040] =	vst v5;
	v4 =	vmax.f32 v0, $0.0e+00  }
0x111: {  	v0 =	vld [tilespmem:s4+$0xD850];
	[tilespmem:s0+$0x10050] =	vst v4;
	v4 =	vmax.f32 v1, $0.0e+00  }
0x112: {  	v1 =	vld [tilespmem:s4+$0xD860];
	[tilespmem:s0+$0x10060] =	vst v4;
	s0 =	smov.u32 s4  }
0x113: {  	_ = 	snop  }
0x114: {  	v2 =	vmax.f32 v2, $0.0e+00  }
0x115: {  	v3 =	vmax.f32 v3, $0.0e+00;
	[tilespmem:s0+$0x10070] =	vst v2  }
0x116: {  	[tilespmem:s0+$0x10040] =	vst v3;
	v0 =	vmax.f32 v0, $0.0e+00  }
0x117: {  	[tilespmem:s0+$0x10050] =	vst v0;
	v63 =	vmax.f32 v1, $0.0e+00  }
0x118: {  	s13 =	sadd.s32 $0x230, s28;
	[tilespmem:s0+$0x10060] =	vst v63  }
0x119: {  	[tilespmem:s23], [sflag:$0x4] =	stream.indirect.gather [hbm4b:s7+s17], $0x40, s13, s17, $0xb8;
	[tilespmem:$0x1B080] =	vst v63  }
0x11a: {  	p1 =	sne.s32 s14, $0x3C  }
0x11b: {  	[spmem:s2] =	stream.indirect.scatter.add.f32 [tilespmem:s30], [sflag:$0xA], $0x40, s16, s17, $0xb8;
	[tilespmem:$0x1B080] =	vst v63  }
.Ltmp8:
0x11c: {  	_ = 	snop;
	(pc) =	sbr.rel @p1 .LBB2_10-.Ltmp8, $4  }
0x11d: {  	_ =	swait.ge [sflag:s26], $0x1400  }
0x11e: {  	[sflag:s26] =	ssyncset.done $0x0  }
0x11f: {  	s28 =	sadd.s32 $0x4E20, s5;
	[sflag:s26] =	ssyncadd.s32 $0xFFFFEC00  }
0x120: {  	[tilespmem:s19], [sflag:$0x6] =	stream.indirect.gather.add.f32 [hbm:s8], $0x40, s28, s17, $0xb8;
	[tilespmem:$0x1B080] =	vst v63  }
0x121: {  	_ =	swait.ge [sflag:s29], $0x1400  }
0x122: {  	[sflag:s29] =	ssyncset.done $0x0  }
0x123: {  	[sflag:s29] =	ssyncadd.s32 $0xFFFFEC00  }
0x124: {  	_ =	swait.ge [sflag:s9], $0x1400  }
0x125: {  	[sflag:s9] =	ssyncset.done $0x0  }
0x126: {  	s0 =	simm.s32 $0x0;
	[sflag:s9] =	ssyncadd.s32 $0xFFFFEC00  }
0x127: {  	v2 =	vld [tilespmem:s0+$0x9C70]  }
0x128: {  	v3 =	vld [tilespmem:s0+$0x9C40]  }
0x129: {  	v0 =	vld [tilespmem:s0+$0x9C50]  }
0x12a: {  	s3 =	simm.s32 $0x100;
	v1 =	vld [tilespmem:s0+$0x9C60]  }
.LBB2_20:
0x12b: {  	p1 =	sne.s32 s3, $0x4F00  }
.Ltmp9:
0x12c: {  	s4 =	sshra.s32 s3, $0x2;
	s3 =	sadd.s32 $0x100, s3;
	v4 =	vmax.f32 v2, $0.0e+00;
	(pc) =	sbr.rel @p1 .LBB2_20-.Ltmp9, $4  }
0x12d: {  	v2 =	vld [tilespmem:s4+$0x9C70];
	v5 =	vmax.f32 v3, $0.0e+00;
	[tilespmem:s0+$0xEC70] =	vst v4  }
0x12e: {  	v3 =	vld [tilespmem:s4+$0x9C40];
	[tilespmem:s0+$0xEC40] =	vst v5;
	v4 =	vmax.f32 v0, $0.0e+00  }
0x12f: {  	v0 =	vld [tilespmem:s4+$0x9C50];
	[tilespmem:s0+$0xEC50] =	vst v4;
	v4 =	vmax.f32 v1, $0.0e+00  }
0x130: {  	v1 =	vld [tilespmem:s4+$0x9C60];
	[tilespmem:s0+$0xEC60] =	vst v4;
	s0 =	smov.u32 s4  }
0x131: {  	_ = 	snop  }
0x132: {  	v2 =	vmax.f32 v2, $0.0e+00  }
0x133: {  	v3 =	vmax.f32 v3, $0.0e+00;
	[tilespmem:s0+$0xEC70] =	vst v2  }
0x134: {  	[tilespmem:s0+$0xEC40] =	vst v3;
	v0 =	vmax.f32 v0, $0.0e+00  }
0x135: {  	[tilespmem:s0+$0xEC50] =	vst v0;
	v0 =	vmax.f32 v1, $0.0e+00  }
0x136: {  	s14 =	simm.s32 $0x4D80;
	[tilespmem:s0+$0xEC60] =	vst v0  }
0x137: {  	[tilespmem:s18], [sflag:$0x1] =	stream.indirect.gather [hbm4b:s7+s17], $0x40, s14, s17, $0xb8;
	[tilespmem:$0x1B080] =	vst v63  }
0x138: {  	s16 =	simm.s32 $0x9A60  }
0x139: {  	[spmem:s2] =	stream.indirect.scatter.add.f32 [tilespmem:s31], [sflag:$0x9], $0x40, s16, s17, $0xb8;
	[tilespmem:$0x1B080] =	vst v63  }
0x13a: {  	_ =	swait.ge [sflag:s1], $0x1400  }
0x13b: {  	[sflag:s1] =	ssyncset.done $0x0  }
0x13c: {  	s28 =	simm.s32 $0x9B00;
	[sflag:s1] =	ssyncadd.s32 $0xFFFFEC00  }
0x13d: {  	[tilespmem:s21], [sflag:$0x7] =	stream.indirect.gather.add.f32 [hbm:s8], $0x40, s28, s17, $0xb8;
	[tilespmem:$0x1B080] =	vst v63  }
0x13e: {  	_ =	swait.ge [sflag:s20], $0x1400  }
0x13f: {  	[sflag:s20] =	ssyncset.done $0x0  }
0x140: {  	[sflag:s20] =	ssyncadd.s32 $0xFFFFEC00  }
0x141: {  	_ =	swait.ge [sflag:s11], $0x1400  }
0x142: {  	[sflag:s11] =	ssyncset.done $0x0  }
0x143: {  	s0 =	simm.s32 $0x0;
	[sflag:s11] =	ssyncadd.s32 $0xFFFFEC00  }
0x144: {  	v2 =	vld [tilespmem:s0+$0xB070]  }
0x145: {  	v3 =	vld [tilespmem:s0+$0xB040]  }
0x146: {  	s3 =	simm.s32 $0x100;
	s5 =	smov.u32 s15;
	s12 =	simm.s32 $0x4E20;
	v0 =	vld [tilespmem:s0+$0xB050]  }
0x147: {  	s13 =	simm.s32 $0x4E70;
	s14 =	simm.s32 $0x4EC0;
	s16 =	simm.s32 $0x4F10;
	v1 =	vld [tilespmem:s0+$0xB060]  }
.LBB2_22:
0x148: {  	p1 =	sne.s32 s3, $0x4F00  }
.Ltmp10:
0x149: {  	s4 =	sshra.s32 s3, $0x2;
	s3 =	sadd.s32 $0x100, s3;
	v4 =	vmax.f32 v2, $0.0e+00;
	(pc) =	sbr.rel @p1 .LBB2_22-.Ltmp10, $4  }
0x14a: {  	v2 =	vld [tilespmem:s4+$0xB070];
	v5 =	vmax.f32 v3, $0.0e+00;
	[tilespmem:s0+$0x10070] =	vst v4  }
0x14b: {  	v3 =	vld [tilespmem:s4+$0xB040];
	[tilespmem:s0+$0x10040] =	vst v5;
	v4 =	vmax.f32 v0, $0.0e+00  }
0x14c: {  	v0 =	vld [tilespmem:s4+$0xB050];
	[tilespmem:s0+$0x10050] =	vst v4;
	v4 =	vmax.f32 v1, $0.0e+00  }
0x14d: {  	v1 =	vld [tilespmem:s4+$0xB060];
	[tilespmem:s0+$0x10060] =	vst v4;
	s0 =	smov.u32 s4  }
0x14e: {  	_ = 	snop  }
0x14f: {  	v2 =	vmax.f32 v2, $0.0e+00  }
0x150: {  	v3 =	vmax.f32 v3, $0.0e+00;
	[tilespmem:s0+$0x10070] =	vst v2  }
0x151: {  	[tilespmem:s0+$0x10040] =	vst v3;
	v0 =	vmax.f32 v0, $0.0e+00  }
0x152: {  	[tilespmem:s0+$0x10050] =	vst v0;
	v0 =	vmax.f32 v1, $0.0e+00  }
0x153: {  	s4 =	simm.s32 $0x4DD0;
	[tilespmem:s0+$0x10060] =	vst v0  }
0x154: {  	[tilespmem:s19], [sflag:$0x2] =	stream.indirect.gather [hbm4b:s7+s17], $0x40, s4, s17, $0xb8;
	[tilespmem:$0x1B080] =	vst v63  }
0x155: {  	s15 =	simm.s32 $0x9AB0  }
0x156: {  	[spmem:s2] =	stream.indirect.scatter.add.f32 [tilespmem:s30], [sflag:$0xA], $0x40, s15, s17, $0xb8;
	[tilespmem:$0x1B080] =	vst v63  }
0x157: {  	_ =	swait.ge [sflag:s22], $0x1400  }
0x158: {  	[sflag:s22] =	ssyncset.done $0x0  }
0x159: {  	s15 =	simm.s32 $0x9B50;
	[sflag:s22] =	ssyncadd.s32 $0xFFFFEC00  }
0x15a: {  	[tilespmem:s23], [sflag:$0x8] =	stream.indirect.gather.add.f32 [hbm:s8], $0x40, s15, s17, $0xb8;
	[tilespmem:$0x1B080] =	vst v63  }
0x15b: {  	_ =	swait.ge [sflag:s6], $0x1400  }
0x15c: {  	[sflag:s6] =	ssyncset.done $0x0  }
0x15d: {  	[sflag:s6] =	ssyncadd.s32 $0xFFFFEC00  }
0x15e: {  	_ =	swait.ge [sflag:s9], $0x1400  }
0x15f: {  	[sflag:s9] =	ssyncset.done $0x0  }
0x160: {  	s0 =	simm.s32 $0x0;
	[sflag:s9] =	ssyncadd.s32 $0xFFFFEC00  }
0x161: {  	v2 =	vld [tilespmem:s0+$0xC470]  }
0x162: {  	v3 =	vld [tilespmem:s0+$0xC440]  }
0x163: {  	v0 =	vld [tilespmem:s0+$0xC450]  }
0x164: {  	s3 =	simm.s32 $0x100;
	v1 =	vld [tilespmem:s0+$0xC460]  }
.LBB2_24:
0x165: {  	p1 =	sne.s32 s3, $0x4F00  }
.Ltmp11:
0x166: {  	s4 =	sshra.s32 s3, $0x2;
	s3 =	sadd.s32 $0x100, s3;
	v4 =	vmax.f32 v2, $0.0e+00;
	(pc) =	sbr.rel @p1 .LBB2_24-.Ltmp11, $4  }
0x167: {  	v2 =	vld [tilespmem:s4+$0xC470];
	v5 =	vmax.f32 v3, $0.0e+00;
	[tilespmem:s0+$0xEC70] =	vst v4  }
0x168: {  	v3 =	vld [tilespmem:s4+$0xC440];
	[tilespmem:s0+$0xEC40] =	vst v5;
	v4 =	vmax.f32 v0, $0.0e+00  }
0x169: {  	v0 =	vld [tilespmem:s4+$0xC450];
	[tilespmem:s0+$0xEC50] =	vst v4;
	v4 =	vmax.f32 v1, $0.0e+00  }
0x16a: {  	v1 =	vld [tilespmem:s4+$0xC460];
	[tilespmem:s0+$0xEC60] =	vst v4;
	s0 =	smov.u32 s4  }
0x16b: {  	_ = 	snop  }
0x16c: {  	v2 =	vmax.f32 v2, $0.0e+00  }
0x16d: {  	v3 =	vmax.f32 v3, $0.0e+00;
	[tilespmem:s0+$0xEC70] =	vst v2  }
0x16e: {  	[tilespmem:s0+$0xEC40] =	vst v3;
	v0 =	vmax.f32 v0, $0.0e+00  }
0x16f: {  	[tilespmem:s0+$0xEC50] =	vst v0;
	v0 =	vmax.f32 v1, $0.0e+00  }
0x170: {  	[tilespmem:s0+$0xEC60] =	vst v0  }
0x171: {  	[spmem:s2] =	stream.indirect.scatter.add.f32 [tilespmem:s31], [sflag:$0x9], $0x40, s28, s17, $0xb8;
	[tilespmem:$0x1B080] =	vst v63  }
0x172: {  	_ =	swait.ge [sflag:s24], $0x1400  }
0x173: {  	[sflag:s24] =	ssyncset.done $0x0  }
0x174: {  	s28 =	simm.s32 $0x9BA0;
	[sflag:s24] =	ssyncadd.s32 $0xFFFFEC00  }
0x175: {  	[tilespmem:s18], [sflag:$0x5] =	stream.indirect.gather.add.f32 [hbm:s8], $0x40, s28, s17, $0xb8;
	[tilespmem:$0x1B080] =	vst v63  }
0x176: {  	_ =	swait.ge [sflag:s10], $0x1400  }
0x177: {  	[sflag:s10] =	ssyncset.done $0x0  }
0x178: {  	[sflag:s10] =	ssyncadd.s32 $0xFFFFEC00  }
0x179: {  	_ =	swait.ge [sflag:s11], $0x1400  }
0x17a: {  	[sflag:s11] =	ssyncset.done $0x0  }
0x17b: {  	s0 =	simm.s32 $0x0;
	[sflag:s11] =	ssyncadd.s32 $0xFFFFEC00  }
0x17c: {  	v2 =	vld [tilespmem:s0+$0xD870]  }
0x17d: {  	v3 =	vld [tilespmem:s0+$0xD840]  }
0x17e: {  	v0 =	vld [tilespmem:s0+$0xD850]  }
0x17f: {  	s3 =	simm.s32 $0x100;
	v1 =	vld [tilespmem:s0+$0xD860]  }
.LBB2_26:
0x180: {  	p1 =	sne.s32 s3, $0x4F00  }
.Ltmp12:
0x181: {  	s4 =	sshra.s32 s3, $0x2;
	s3 =	sadd.s32 $0x100, s3;
	v4 =	vmax.f32 v2, $0.0e+00;
	(pc) =	sbr.rel @p1 .LBB2_26-.Ltmp12, $4  }
0x182: {  	v2 =	vld [tilespmem:s4+$0xD870];
	v5 =	vmax.f32 v3, $0.0e+00;
	[tilespmem:s0+$0x10070] =	vst v4  }
0x183: {  	v3 =	vld [tilespmem:s4+$0xD840];
	[tilespmem:s0+$0x10040] =	vst v5;
	v4 =	vmax.f32 v0, $0.0e+00  }
0x184: {  	v0 =	vld [tilespmem:s4+$0xD850];
	[tilespmem:s0+$0x10050] =	vst v4;
	v4 =	vmax.f32 v1, $0.0e+00  }
0x185: {  	v1 =	vld [tilespmem:s4+$0xD860];
	[tilespmem:s0+$0x10060] =	vst v4;
	s0 =	smov.u32 s4  }
0x186: {  	_ = 	snop  }
0x187: {  	v2 =	vmax.f32 v2, $0.0e+00  }
0x188: {  	v3 =	vmax.f32 v3, $0.0e+00;
	[tilespmem:s0+$0x10070] =	vst v2  }
0x189: {  	[tilespmem:s0+$0x10040] =	vst v3;
	v0 =	vmax.f32 v0, $0.0e+00  }
0x18a: {  	[tilespmem:s0+$0x10050] =	vst v0;
	v0 =	vmax.f32 v1, $0.0e+00  }
0x18b: {  	[tilespmem:s0+$0x10060] =	vst v0  }
0x18c: {  	[spmem:s2] =	stream.indirect.scatter.add.f32 [tilespmem:s30], [sflag:$0xA], $0x40, s15, s17, $0xb8;
	[tilespmem:$0x1B080] =	vst v63  }
0x18d: {  	_ =	swait.ge [sflag:s26], $0x1400  }
0x18e: {  	[sflag:s26] =	ssyncset.done $0x0  }
0x18f: {  	s15 =	simm.s32 $0x9BF0;
	[sflag:s26] =	ssyncadd.s32 $0xFFFFEC00  }
0x190: {  	[tilespmem:s19], [sflag:$0x6] =	stream.indirect.gather.add.f32 [hbm:s8], $0x40, s15, s17, $0xb8;
	[tilespmem:$0x1B080] =	vst v63  }
0x191: {  	_ =	swait.ge [sflag:s29], $0x1400  }
0x192: {  	[sflag:s29] =	ssyncset.done $0x0  }
0x193: {  	[sflag:s29] =	ssyncadd.s32 $0xFFFFEC00  }
0x194: {  	_ =	swait.ge [sflag:s9], $0x1400  }
0x195: {  	[sflag:s9] =	ssyncset.done $0x0  }
0x196: {  	s0 =	simm.s32 $0x0;
	[sflag:s9] =	ssyncadd.s32 $0xFFFFEC00  }
0x197: {  	v2 =	vld [tilespmem:s0+$0x9C70]  }
0x198: {  	v3 =	vld [tilespmem:s0+$0x9C40]  }
0x199: {  	v0 =	vld [tilespmem:s0+$0x9C50]  }
0x19a: {  	s3 =	simm.s32 $0x100;
	v1 =	vld [tilespmem:s0+$0x9C60]  }
.LBB2_28:
0x19b: {  	p1 =	sne.s32 s3, $0x4F00  }
.Ltmp13:
0x19c: {  	s4 =	sshra.s32 s3, $0x2;
	s3 =	sadd.s32 $0x100, s3;
	v4 =	vmax.f32 v2, $0.0e+00;
	(pc) =	sbr.rel @p1 .LBB2_28-.Ltmp13, $4  }
0x19d: {  	v2 =	vld [tilespmem:s4+$0x9C70];
	v5 =	vmax.f32 v3, $0.0e+00;
	[tilespmem:s0+$0xEC70] =	vst v4  }
0x19e: {  	v3 =	vld [tilespmem:s4+$0x9C40];
	[tilespmem:s0+$0xEC40] =	vst v5;
	v4 =	vmax.f32 v0, $0.0e+00  }
0x19f: {  	v0 =	vld [tilespmem:s4+$0x9C50];
	[tilespmem:s0+$0xEC50] =	vst v4;
	v4 =	vmax.f32 v1, $0.0e+00  }
0x1a0: {  	v1 =	vld [tilespmem:s4+$0x9C60];
	[tilespmem:s0+$0xEC60] =	vst v4;
	s0 =	smov.u32 s4  }
0x1a1: {  	_ = 	snop  }
0x1a2: {  	v2 =	vmax.f32 v2, $0.0e+00  }
0x1a3: {  	v3 =	vmax.f32 v3, $0.0e+00;
	[tilespmem:s0+$0xEC70] =	vst v2  }
0x1a4: {  	[tilespmem:s0+$0xEC40] =	vst v3;
	v0 =	vmax.f32 v0, $0.0e+00  }
0x1a5: {  	[tilespmem:s0+$0xEC50] =	vst v0;
	v0 =	vmax.f32 v1, $0.0e+00  }
0x1a6: {  	[tilespmem:s0+$0xEC60] =	vst v0  }
0x1a7: {  	[spmem:s2] =	stream.indirect.scatter.add.f32 [tilespmem:s31], [sflag:$0x9], $0x40, s28, s17, $0xb8;
	[tilespmem:$0x1B080] =	vst v63  }
0x1a8: {  	_ =	swait.ge [sflag:s20], $0x1400  }
0x1a9: {  	[sflag:s20] =	ssyncset.done $0x0  }
0x1aa: {  	[sflag:s20] =	ssyncadd.s32 $0xFFFFEC00  }
0x1ab: {  	_ =	swait.ge [sflag:s11], $0x1400  }
0x1ac: {  	[sflag:s11] =	ssyncset.done $0x0  }
0x1ad: {  	s0 =	simm.s32 $0x0;
	[sflag:s11] =	ssyncadd.s32 $0xFFFFEC00  }
0x1ae: {  	v2 =	vld [tilespmem:s0+$0xB070]  }
0x1af: {  	v3 =	vld [tilespmem:s0+$0xB040]  }
0x1b0: {  	v0 =	vld [tilespmem:s0+$0xB050]  }
0x1b1: {  	s3 =	simm.s32 $0x100;
	v1 =	vld [tilespmem:s0+$0xB060]  }
.LBB2_30:
0x1b2: {  	p1 =	sne.s32 s3, $0x4F00  }
.Ltmp14:
0x1b3: {  	s4 =	sshra.s32 s3, $0x2;
	s3 =	sadd.s32 $0x100, s3;
	v4 =	vmax.f32 v2, $0.0e+00;
	(pc) =	sbr.rel @p1 .LBB2_30-.Ltmp14, $4  }
0x1b4: {  	v2 =	vld [tilespmem:s4+$0xB070];
	v5 =	vmax.f32 v3, $0.0e+00;
	[tilespmem:s0+$0x10070] =	vst v4  }
0x1b5: {  	v3 =	vld [tilespmem:s4+$0xB040];
	[tilespmem:s0+$0x10040] =	vst v5;
	v4 =	vmax.f32 v0, $0.0e+00  }
0x1b6: {  	v0 =	vld [tilespmem:s4+$0xB050];
	[tilespmem:s0+$0x10050] =	vst v4;
	v4 =	vmax.f32 v1, $0.0e+00  }
0x1b7: {  	v1 =	vld [tilespmem:s4+$0xB060];
	[tilespmem:s0+$0x10060] =	vst v4;
	s0 =	smov.u32 s4  }
0x1b8: {  	_ = 	snop  }
0x1b9: {  	v2 =	vmax.f32 v2, $0.0e+00  }
0x1ba: {  	v3 =	vmax.f32 v3, $0.0e+00;
	[tilespmem:s0+$0x10070] =	vst v2  }
0x1bb: {  	[tilespmem:s0+$0x10040] =	vst v3;
	v0 =	vmax.f32 v0, $0.0e+00  }
0x1bc: {  	[tilespmem:s0+$0x10050] =	vst v0;
	v63 =	vmax.f32 v1, $0.0e+00  }
0x1bd: {  	[tilespmem:s0+$0x10060] =	vst v63  }
0x1be: {  	[spmem:s2] =	stream.indirect.scatter.add.f32 [tilespmem:s30], [sflag:$0xA], $0x40, s15, s17, $0xb8;
	[tilespmem:$0x1B080] =	vst v63  }
0x1bf: {  	_ =	swait.ge [sflag:s9], $0x1400  }
0x1c0: {  	[sflag:s9] =	ssyncset.done $0x0  }
0x1c1: {  	[sflag:s9] =	ssyncadd.s32 $0xFFFFEC00  }
0x1c2: {  	_ =	swait.ge [sflag:s11], $0x1400  }
0x1c3: {  	[sflag:s11] =	ssyncset.done $0x0  }
0x1c4: {  	[sflag:s11] =	ssyncadd.s32 $0xFFFFEC00  }
0x1c5: {  	[bflag:$0x0] =	sbarrier.arrive $0xFFFF  }
0x1c6: {  	s3 =	rddreg [dreg:$0x9]  }
0x1c7: {  	s0 =	simm.s32 @p0 $0x1FCB;
	s4 =	rddreg [dreg:$0xb]  }
0x1c8: {  	[hbm:s3], [sflag:s0] =	dma.local @p0 [spmem:s4], $0x1400  }
0x1c9: {  	s0 =	simm.s32 @p0 $0xB  }
0x1ca: {  	_ =	swait.ge @p0 [sflag:s0], $0x1400  }
0x1cb: {  	[sflag:s0] =	ssyncset.done @p0 $0x0;
	s3 =	rddreg [dreg:$0xd]  }
0x1cc: {  	[sflag:s0] =	ssyncadd.s32 @p0 $0xFFFFEC00;
	s0 =	rddreg [dreg:$0x8]  }
0x1cd: {  	[hbm:s0], [sflag:s5] =	dma.local @!p0 [spmem:s3], $0x1380  }
0x1ce: {  	s0 =	simm.s32 @!p0 $0xB  }
0x1cf: {  	_ =	swait.ge @!p0 [sflag:s0], $0x1380  }
0x1d0: {  	s25 =	sadd.s32 $0x1, s25;
	s28 =	rddreg [dreg:$0xa]  }
0x1d1: {  	p1 =	sne.s32 s25, s28  }
.Ltmp15:
0x1d2: {  	_ = 	snop;
	(pc) =	sbr.rel @p1 .LBB2_1-.Ltmp15, $3  }
0x1d3: {  	_ =	sdelay $0x1  }
0x1d4: {  	[sflag:s0] =	ssyncset.done @!p0 $0x0  }
0x1d5: {  	[sflag:s0] =	ssyncadd.s32 @!p0 $0xFFFFEC80  }
0x1d6: {  	_ =	sfence.sel $0x180000  }
0x1d7: {  	[bflag:$0x0] =	sbarrier.arrive $0xFFFF  }
0x1d8: {  	_ =	strace $0x90000047  }
0x1d9: {  	s0 =	stileid.u32;
	[bflag:$0x2] =	sbarrier.arrive $0xFFFF  }
0x1da: {  	p0 =	sne.s32 s0, $0x0;
	s0 =	rddreg [dreg:$0x4]  }
0x1db: {  	s0 =	sadd.s32 @!p0 $0x100000, s0  }
0x1dc: {  	[sflag:s0] =	ssyncadd.tile.s32 @!p0 $0x1;
	_ =	shalt  }
.Lfunc_end2:
_tile_overlayer_lowered:
.L_overlay_start_2:
0x1dd: {  	(tag) =	ssettag $0x2  }
0x1de: {  	s0 =	rddreg [dreg:$0x0];
	s2 =	stileid.u32  }
0x1df: {  	s1 =	rddreg [dreg:$0x1];
	p0 =	sne.s32 s2, $0x0  }
0x1e0: {  	s3 =	rddreg [dreg:$0x2];
	[bflag:$0x3] =	sbarrier.arrive $0xFFFF;
	s2 =	simm.s32 @!p0 $0x1C0B  }
0x1e1: {  	[timem:s3], [sflag:s2] =	dma.local @!p0 [hbm:s0], s1  }
0x1e2: {  	s0 =	simm.s32 @!p0 $0xB  }
0x1e3: {  	_ =	swait.ge @!p0 [sflag:s0], s1  }
0x1e4: {  	s1 =	ssub.s32 @!p0 $0x0, s1;
	[sflag:s0] =	ssyncset.done @!p0 $0x0  }
0x1e5: {  	[sflag:s0] =	ssyncadd.s32 @!p0 s1  }
0x1e6: {  	[bflag:$0x3] =	sbarrier.arrive $0xFFFF  }
0x1e7: {  	_ =	shalt  }

</sc_bundles>
